<compile_context>
chip_gen: v7x
topology: tpu7x:2x2x1
jax: 0.10.2.dev20260603
libtpu: 0.0.44.dev20260713+nightly
codegen_flags: <defaults>
</compile_context>

<pallas_src>
import functools

import jax
import jax.numpy as jnp
from jax import lax
from jax.experimental import pallas as pl
from jax.experimental.pallas import tpu as pltpu
from jax.experimental.pallas import tpu_sc as plsc

NC = 2
NS = 16
NW = NC * NS
L = 16

R, C = 2048, 2048
ROWS_W = R // NW
ROWS_CH = 8
NCH = ROWS_W // ROWS_CH
CVEC = C // L

NBUCKET = 2048
BVEC = NBUCKET // L

_f32 = jnp.float32
_i32 = jnp.int32


def _worker_id():
    return lax.axis_index("c") * NS + lax.axis_index("s")


@functools.lru_cache(maxsize=None)
def _make_minmax_kernel():
    @functools.partial(
        pl.kernel,
        out_type=(
            jax.ShapeDtypeStruct((NW, L), _f32),
            jax.ShapeDtypeStruct((NW, L), _f32),
        ),
        mesh=plsc.VectorSubcoreMesh(core_axis_name="c", subcore_axis_name="s",
                                    num_cores=NC, num_subcores=NS),
        compiler_params=pltpu.CompilerParams(needs_layout_passes=False),
        scratch_types=[
            pltpu.VMEM((ROWS_CH, C), _f32),
            pltpu.VMEM((ROWS_CH, C), _f32),
            pltpu.VMEM((L,), _f32),
            pltpu.VMEM((L,), _f32),
            pltpu.SemaphoreType.DMA,
            pltpu.SemaphoreType.DMA,
        ],
    )
    def minmax(x_hbm, mn_hbm, mx_hbm, xb0, xb1, mnv, mxv, si0, si1):
        wid = _worker_id()
        row0 = wid * ROWS_W
        xb = (xb0, xb1)
        si = (si0, si1)

        def start_in(ch, b):
            return pltpu.async_copy(
                x_hbm.at[pl.ds(row0 + ch * ROWS_CH, ROWS_CH), :], xb[b],
                si[b])

        start_in(0, 0)
        start_in(1, 1)

        def pair(k, carry):
            for b in range(2):
                ch = 2 * k + b
                pltpu.make_async_copy(
                    x_hbm.at[pl.ds(row0, ROWS_CH), :], xb[b], si[b]).wait()

                def vbody(i, c2):
                    mn, mx = c2
                    for r in range(ROWS_CH):
                        xv = xb[b][r, pl.ds(i * L, L)]
                        mn = jnp.minimum(mn, xv)
                        mx = jnp.maximum(mx, xv)
                    return mn, mx

                carry = lax.fori_loop(0, CVEC, vbody, carry)

                @pl.when(ch + 2 < NCH)
                def _():
                    start_in(ch + 2, b)

            return carry

        init = (jnp.full((L,), jnp.inf, _f32), jnp.full((L,), -jnp.inf, _f32))
        mn, mx = lax.fori_loop(0, NCH // 2, pair, init)
        mnv[...] = mn
        mxv[...] = mx
        pltpu.sync_copy(mnv, mn_hbm.at[wid])
        pltpu.sync_copy(mxv, mx_hbm.at[wid])

    return minmax


@functools.lru_cache(maxsize=None)
def _make_quant_kernel():

    @functools.partial(
        pl.kernel,
        out_type=jax.ShapeDtypeStruct((R, C), _f32),
        mesh=plsc.VectorSubcoreMesh(core_axis_name="c", subcore_axis_name="s",
                                    num_cores=NC, num_subcores=NS),
        compiler_params=pltpu.CompilerParams(needs_layout_passes=False),
        scratch_types=[
            pltpu.VMEM((ROWS_CH, C), _f32),
            pltpu.VMEM((ROWS_CH, C), _f32),
            pltpu.VMEM((ROWS_CH, C), _f32),
            pltpu.VMEM((ROWS_CH, C), _f32),
            pltpu.VMEM((NBUCKET,), _f32),
            pltpu.VMEM((L,), _f32),
            pltpu.VMEM((L,), _f32),
            pltpu.VMEM((NW, L), _f32),
            pltpu.VMEM((NW, L), _f32),
            pltpu.SemaphoreType.DMA,
            pltpu.SemaphoreType.DMA,
            pltpu.SemaphoreType.DMA,
            pltpu.SemaphoreType.DMA,
        ],
    )
    def quant(x_hbm, params_hbm, slv_hbm, mn_hbm, mx_hbm, out_hbm,
              xb0, xb1, ob0, ob1, lutv, pv, slvv, pmn, pmx,
              si0, si1, so0, so1):
        row0 = _worker_id() * ROWS_W
        xb = (xb0, xb1)
        ob = (ob0, ob1)
        si = (si0, si1)
        so = (so0, so1)

        pltpu.sync_copy(params_hbm, pv)
        pltpu.sync_copy(slv_hbm, slvv)
        pvec = pv[...]
        aligned = pvec[0] > 0.5
        mids = [pvec[1 + k] for k in range(8)]

        def bounds():
            pltpu.sync_copy(mn_hbm, pmn)
            pltpu.sync_copy(mx_hbm, pmx)
            mnvec = pmn[0, pl.ds(0, L)]
            mxvec = pmx[0, pl.ds(0, L)]
            for w in range(1, NW):
                mnvec = jnp.minimum(mnvec, pmn[w, pl.ds(0, L)])
                mxvec = jnp.maximum(mxvec, pmx[w, pl.ds(0, L)])
            return jnp.min(mnvec), jnp.max(mxvec)

        def classify(xv, xmin, xmax):
            t = jnp.zeros((L,), _i32)
            for m in mids:
                t = t + jnp.where(xv > m, 1, 0)
            q = plsc.load_gather(slvv, [t])
            return jnp.minimum(jnp.maximum(q, xmin), xmax)

        def stream(compute_chunk, prelude):
            def start_in(ch, b):
                return pltpu.async_copy(
                    x_hbm.at[pl.ds(row0 + ch * ROWS_CH, ROWS_CH), :], xb[b],
                    si[b])

            start_in(0, 0)
            prelude()
            start_in(1, 1)

            def pair(k, _):
                for b in range(2):
                    ch = 2 * k + b
                    pltpu.make_async_copy(
                        x_hbm.at[pl.ds(row0, ROWS_CH), :], xb[b],
                        si[b]).wait()

                    @pl.when(ch >= 2)
                    def _():
                        pltpu.make_async_copy(
                            ob[b], out_hbm.at[pl.ds(row0, ROWS_CH), :],
                            so[b]).wait()

                    compute_chunk(xb[b], ob[b])

                    @pl.when(ch + 2 < NCH)
                    def _():
                        start_in(ch + 2, b)

                    pltpu.async_copy(
                        ob[b],
                        out_hbm.at[pl.ds(row0 + ch * ROWS_CH, ROWS_CH), :],
                        so[b])
                return 0

            lax.fori_loop(0, NCH // 2, pair, 0)
            for b in range(2):
                pltpu.make_async_copy(
                    ob[b], out_hbm.at[pl.ds(row0, ROWS_CH), :], so[b]).wait()

        def prep_bucket():
            xmin, xmax = bounds()
            base = lax.iota(_i32, L)

            @plsc.parallel_loop(0, BVEC)
            def _(i):
                bits = ((i * L + base) << 21) | 0x100000
                rep = plsc.bitcast(bits, _f32)
                lutv[pl.ds(i * L, L)] = classify(rep, xmin, xmax)

        def bucket_chunk(cxb, cob):
            @plsc.parallel_loop(0, CVEC, unroll=2)
            def _(i):
                for r in range(ROWS_CH):
                    xv = cxb[r, pl.ds(i * L, L)]
                    t = jnp.right_shift(plsc.bitcast(xv, _i32), 21) & 0x7FF
                    cob[r, pl.ds(i * L, L)] = plsc.load_gather(lutv, [t])

        gen_state = {}

        def prep_gen():
            gen_state["b"] = bounds()

        def gen_chunk(cxb, cob):
            xmin, xmax = gen_state["b"]

            def vbody(i, _):
                for r in range(ROWS_CH):
                    xv = cxb[r, pl.ds(i * L, L)]
                    cob[r, pl.ds(i * L, L)] = classify(xv, xmin, xmax)
                return 0

            lax.fori_loop(0, CVEC, vbody, 0)

        @pl.when(aligned)
        def _():
            stream(bucket_chunk, prep_bucket)

        @pl.when(jnp.logical_not(aligned))
        def _():
            stream(gen_chunk, prep_gen)

    return quant


def kernel(x, scales):
    s0 = scales[0, 0]
    s1 = scales[1, 0]
    vals = jnp.array([-1.0, 0.0, 1.0], _f32)
    levels = (vals[:, None] * s0 + vals[None, :] * s1).ravel()
    slv = jnp.sort(levels)
    mids = 0.5 * (slv[1:] + slv[:-1])
    mbits = jax.lax.bitcast_convert_type(mids, _i32)
    aligned = jnp.all((mbits & 0x1FFFFF) == 0)
    flag = jnp.where(aligned, 1.0, 0.0).astype(_f32)

    mn, mx = _make_minmax_kernel()(x)
    params = jnp.concatenate([flag[None], mids, jnp.zeros((7,), _f32)])
    slv16 = jnp.concatenate([slv, jnp.full((L - 9,), slv[8], _f32)])

    out = _make_quant_kernel()(x, params, slv16, mn, mx)
    return out

# --- scband reference (transcript-rebuilt; emitter-appended) ---
"""Pipeline reference for scband-lsq-weight-v3-65180423684783 (READ-ONLY COPY).

The authoritative reference and input builder live on the scoring server;
editing this copy changes nothing except your own understanding.
"""

import jax, jax.numpy as jnp
import numpy as np

BIT = 2
NUM_SCALES = BIT
THD_POS = 2 ** BIT - 1
ALPHA = 10 + BIT * 2


def setup_inputs(seed: int = 0) -> dict:
    key = jax.random.key(seed)
    k1, k2 = jax.random.split(key)
    x = jax.random.normal(k1, (2048, 2048), dtype=jnp.float32)
    scales = jnp.ones((NUM_SCALES, 1), dtype=jnp.float32)
    return {"x": x, "scales": scales}


def _coefficients():
    vals = jnp.array([-1.0, 0.0, 1.0], dtype=jnp.float32)
    grids = jnp.meshgrid(*([vals] * NUM_SCALES), indexing='ij')
    return jnp.stack([g.ravel() for g in grids], axis=1)  # [3**NUM_SCALES, NUM_SCALES]


def _grad_scale(x, scale):
    y_grad = x * scale
    return jax.lax.stop_gradient(x - y_grad) + y_grad


def reference(x, scales):
    # s_grad_scale per forward(): 1/(thd_pos * numel)**0.5 / 2**(bit-2)
    s_grad_scale = 1.0 / (THD_POS * x.size) ** 0.5 / (2 ** (BIT - 2))
    scaled_params = [_grad_scale(scales[i], s_grad_scale) for i in range(NUM_SCALES)]

    coeff = _coefficients()
    num_levels = coeff.shape[0]
    quant_levels = jnp.zeros((num_levels,), dtype=jnp.float32)
    for i in range(NUM_SCALES):
        quant_levels = quant_levels + scaled_params[i] * coeff[:, i]

    distances = jnp.abs(x[..., None] - quant_levels)        # [*, num_levels]
    indices = jnp.argmin(distances, axis=-1)                 # [*]
    quantized = jnp.take(quant_levels, indices, axis=0)      # gather
    xd = jax.lax.stop_gradient(x)
    quantized = jnp.clip(quantized, xd.min(), xd.max())

    weights = jax.nn.softmax(-ALPHA * distances, axis=-1)
    quantized_soft = jnp.sum(weights * quant_levels, axis=-1)

    # straight-through: hard value forward, soft value gradient
    return jax.lax.stop_gradient(quantized - quantized_soft) + quantized_soft

if __name__ == "__main__":
    import jax
    _d = setup_inputs()
    print(jax.jit(kernel)(*tuple(_d.values())))

</pallas_src>

<mosaic_0001>
#map = affine_map<(d0, d1) -> (0, 0)>
module attributes {stable_mosaic.version = 14 : i64} {
  func.func @minmax(%arg0: i32, %arg1: i32, %arg2: memref<2048x2048xf32, #tpu.memory_space<hbm>>, %arg3: memref<32x16xf32, #tpu.memory_space<hbm>>, %arg4: memref<32x16xf32, #tpu.memory_space<hbm>>, %arg5: memref<8x2048xf32, #tpu.memory_space<vmem>>, %arg6: memref<8x2048xf32, #tpu.memory_space<vmem>>, %arg7: memref<16xf32, #tpu.memory_space<vmem>>, %arg8: memref<16xf32, #tpu.memory_space<vmem>>, %arg9: memref<!tpu.dma_semaphore, #tpu.memory_space<semaphore_mem>>, %arg10: memref<!tpu.dma_semaphore, #tpu.memory_space<semaphore_mem>>) attributes {dimension_semantics = [#tpu.dimension_semantics<core_parallel>, #tpu.dimension_semantics<subcore_parallel>], iteration_bounds = array<i64: 2, 16>, scalar_prefetch = 0 : i64, scratch_operands = 6 : i64, tpu.core_type = #tpu.core_type<sc_vector_subcore>, window_params = [{transform_indices = #map}, {transform_indices = #map}, {transform_indices = #map}]} {
    %mul3A = arith.constant 16 : i32
    %mul3A_0 = arith.muli %arg0, %mul3A : i32
    %add3A = arith.addi %mul3A_0, %arg1 : i32
    %mul3A_1 = arith.constant 64 : i32
    %mul3A_2 = arith.muli %add3A, %mul3A_1 : i32
    %add3A_3 = arith.constant 0 : i32
    %add3A_4 = arith.addi %mul3A_2, %add3A_3 : i32
    %dma_start3A = arith.constant 0 : i32
    %dma_start3A_5 = tpu.memref_slice %arg2[%add3A_4, %dma_start3A] : memref<2048x2048xf32, #tpu.memory_space<hbm>> -> memref<8x2048xf32, #tpu.memory_space<hbm>>
    %dma_start3A_6 = arith.constant 0 : i32
    %dma_start3A_7 = tpu.memref_slice %arg2[%add3A_4, %dma_start3A_6] : memref<2048x2048xf32, #tpu.memory_space<hbm>> -> memref<8x2048xf32, #tpu.memory_space<hbm>>
    tpu.enqueue_dma source(%dma_start3A_7 : memref<8x2048xf32, #tpu.memory_space<hbm>>) target(%arg5 : memref<8x2048xf32, #tpu.memory_space<vmem>>) target_semaphore(%arg9 : memref<!tpu.dma_semaphore, #tpu.memory_space<semaphore_mem>>)
    %add3A_8 = arith.constant 8 : i32
    %add3A_9 = arith.addi %mul3A_2, %add3A_8 : i32
    %dma_start3A_10 = arith.constant 0 : i32
    %dma_start3A_11 = tpu.memref_slice %arg2[%add3A_9, %dma_start3A_10] : memref<2048x2048xf32, #tpu.memory_space<hbm>> -> memref<8x2048xf32, #tpu.memory_space<hbm>>
    %dma_start3A_12 = arith.constant 0 : i32
    %dma_start3A_13 = tpu.memref_slice %arg2[%add3A_9, %dma_start3A_12] : memref<2048x2048xf32, #tpu.memory_space<hbm>> -> memref<8x2048xf32, #tpu.memory_space<hbm>>
    tpu.enqueue_dma source(%dma_start3A_13 : memref<8x2048xf32, #tpu.memory_space<hbm>>) target(%arg6 : memref<8x2048xf32, #tpu.memory_space<vmem>>) target_semaphore(%arg10 : memref<!tpu.dma_semaphore, #tpu.memory_space<semaphore_mem>>)
    %broadcast_in_dim3A = arith.constant 0x7F800000 : f32
    %broadcast_in_dim3A_14 = vector.broadcast %broadcast_in_dim3A : f32 to vector<16xf32>
    %broadcast_in_dim3A_15 = arith.constant 0xFF800000 : f32
    %broadcast_in_dim3A_16 = vector.broadcast %broadcast_in_dim3A_15 : f32 to vector<16xf32>
    %scan3A = arith.constant 0 : i32
    %scan3A_17 = arith.constant 4 : i32
    %scan3A_18 = arith.addi %scan3A, %scan3A_17 : i32
    %scan3A_19 = arith.constant 1 : i32
    %scan3A_20:2 = scf.for %scan3A_25 = %scan3A to %scan3A_18 step %scan3A_19 iter_args(%scan3A_26 = %broadcast_in_dim3A_14, %scan3A_27 = %broadcast_in_dim3A_16) -> (vector<16xf32>, vector<16xf32>)  : i32 {
      %mul3A_28 = arith.constant 2 : i32
      %mul3A_29 = arith.muli %mul3A_28, %scan3A_25 : i32
      %add3A_30 = arith.constant 0 : i32
      %add3A_31 = arith.addi %mul3A_29, %add3A_30 : i32
      %dma_wait3A = arith.constant 0 : i32
      %dma_wait3A_32 = tpu.memref_slice %arg2[%mul3A_2, %dma_wait3A] : memref<2048x2048xf32, #tpu.memory_space<hbm>> -> memref<8x2048xf32, #tpu.memory_space<hbm>>
      %dma_wait3A_33 = arith.constant 0 : i32
      %dma_wait3A_34 = tpu.memref_slice %arg2[%mul3A_2, %dma_wait3A_33] : memref<2048x2048xf32, #tpu.memory_space<hbm>> -> memref<8x2048xf32, #tpu.memory_space<hbm>>
      tpu.wait_dma2 semaphore(%arg9 : memref<!tpu.dma_semaphore, #tpu.memory_space<semaphore_mem>>) src(%dma_wait3A_34 : memref<8x2048xf32, #tpu.memory_space<hbm>>) dst(%arg5 : memref<8x2048xf32, #tpu.memory_space<vmem>>)
      %scan3A_35 = arith.constant 0 : i32
      %scan3A_36 = arith.constant 128 : i32
      %scan3A_37 = arith.addi %scan3A_35, %scan3A_36 : i32
      %scan3A_38 = arith.constant 1 : i32
      %scan3A_39:2 = scf.for %scan3A_66 = %scan3A_35 to %scan3A_37 step %scan3A_38 iter_args(%scan3A_67 = %scan3A_26, %scan3A_68 = %scan3A_27) -> (vector<16xf32>, vector<16xf32>)  : i32 {
        %mul3A_69 = arith.constant 16 : i32
        %mul3A_70 = arith.muli %scan3A_66, %mul3A_69 : i32
        %get3A = arith.constant 0 : i32
        %get3A_71 = arith.index_cast %get3A : i32 to index
        %get3A_72 = arith.index_cast %mul3A_70 : i32 to index
        %get3A_73 = tpu.vector_load %arg5[%get3A_71, %get3A_72] {strides = array<i32>} : memref<8x2048xf32, #tpu.memory_space<vmem>>, vector<16xf32>,
        %min3A = arith.minimumf %scan3A_67, %get3A_73 : vector<16xf32>
        %max3A = arith.maximumf %scan3A_68, %get3A_73 : vector<16xf32>
        %mul3A_74 = arith.constant 16 : i32
        %mul3A_75 = arith.muli %scan3A_66, %mul3A_74 : i32
        %get3A_76 = arith.constant 1 : i32
        %get3A_77 = arith.index_cast %get3A_76 : i32 to index
        %get3A_78 = arith.index_cast %mul3A_75 : i32 to index
        %get3A_79 = tpu.vector_load %arg5[%get3A_77, %get3A_78] {strides = array<i32>} : memref<8x2048xf32, #tpu.memory_space<vmem>>, vector<16xf32>,
        %min3A_80 = arith.minimumf %min3A, %get3A_79 : vector<16xf32>
        %max3A_81 = arith.maximumf %max3A, %get3A_79 : vector<16xf32>
        %mul3A_82 = arith.constant 16 : i32
        %mul3A_83 = arith.muli %scan3A_66, %mul3A_82 : i32
        %get3A_84 = arith.constant 2 : i32
        %get3A_85 = arith.index_cast %get3A_84 : i32 to index
        %get3A_86 = arith.index_cast %mul3A_83 : i32 to index
        %get3A_87 = tpu.vector_load %arg5[%get3A_85, %get3A_86] {strides = array<i32>} : memref<8x2048xf32, #tpu.memory_space<vmem>>, vector<16xf32>,
        %min3A_88 = arith.minimumf %min3A_80, %get3A_87 : vector<16xf32>
        %max3A_89 = arith.maximumf %max3A_81, %get3A_87 : vector<16xf32>
        %mul3A_90 = arith.constant 16 : i32
        %mul3A_91 = arith.muli %scan3A_66, %mul3A_90 : i32
        %get3A_92 = arith.constant 3 : i32
        %get3A_93 = arith.index_cast %get3A_92 : i32 to index
        %get3A_94 = arith.index_cast %mul3A_91 : i32 to index
        %get3A_95 = tpu.vector_load %arg5[%get3A_93, %get3A_94] {strides = array<i32>} : memref<8x2048xf32, #tpu.memory_space<vmem>>, vector<16xf32>,
        %min3A_96 = arith.minimumf %min3A_88, %get3A_95 : vector<16xf32>
        %max3A_97 = arith.maximumf %max3A_89, %get3A_95 : vector<16xf32>
        %mul3A_98 = arith.constant 16 : i32
        %mul3A_99 = arith.muli %scan3A_66, %mul3A_98 : i32
        %get3A_100 = arith.constant 4 : i32
        %get3A_101 = arith.index_cast %get3A_100 : i32 to index
        %get3A_102 = arith.index_cast %mul3A_99 : i32 to index
        %get3A_103 = tpu.vector_load %arg5[%get3A_101, %get3A_102] {strides = array<i32>} : memref<8x2048xf32, #tpu.memory_space<vmem>>, vector<16xf32>,
        %min3A_104 = arith.minimumf %min3A_96, %get3A_103 : vector<16xf32>
        %max3A_105 = arith.maximumf %max3A_97, %get3A_103 : vector<16xf32>
        %mul3A_106 = arith.constant 16 : i32
        %mul3A_107 = arith.muli %scan3A_66, %mul3A_106 : i32
        %get3A_108 = arith.constant 5 : i32
        %get3A_109 = arith.index_cast %get3A_108 : i32 to index
        %get3A_110 = arith.index_cast %mul3A_107 : i32 to index
        %get3A_111 = tpu.vector_load %arg5[%get3A_109, %get3A_110] {strides = array<i32>} : memref<8x2048xf32, #tpu.memory_space<vmem>>, vector<16xf32>,
        %min3A_112 = arith.minimumf %min3A_104, %get3A_111 : vector<16xf32>
        %max3A_113 = arith.maximumf %max3A_105, %get3A_111 : vector<16xf32>
        %mul3A_114 = arith.constant 16 : i32
        %mul3A_115 = arith.muli %scan3A_66, %mul3A_114 : i32
        %get3A_116 = arith.constant 6 : i32
        %get3A_117 = arith.index_cast %get3A_116 : i32 to index
        %get3A_118 = arith.index_cast %mul3A_115 : i32 to index
        %get3A_119 = tpu.vector_load %arg5[%get3A_117, %get3A_118] {strides = array<i32>} : memref<8x2048xf32, #tpu.memory_space<vmem>>, vector<16xf32>,
        %min3A_120 = arith.minimumf %min3A_112, %get3A_119 : vector<16xf32>
        %max3A_121 = arith.maximumf %max3A_113, %get3A_119 : vector<16xf32>
        %mul3A_122 = arith.constant 16 : i32
        %mul3A_123 = arith.muli %scan3A_66, %mul3A_122 : i32
        %get3A_124 = arith.constant 7 : i32
        %get3A_125 = arith.index_cast %get3A_124 : i32 to index
        %get3A_126 = arith.index_cast %mul3A_123 : i32 to index
        %get3A_127 = tpu.vector_load %arg5[%get3A_125, %get3A_126] {strides = array<i32>} : memref<8x2048xf32, #tpu.memory_space<vmem>>, vector<16xf32>,
        %min3A_128 = arith.minimumf %min3A_120, %get3A_127 : vector<16xf32>
        %max3A_129 = arith.maximumf %max3A_121, %get3A_127 : vector<16xf32>
        scf.yield %min3A_128, %max3A_129 : vector<16xf32>, vector<16xf32>
      }
      %scan3A_40 = arith.constant 128 : i32
      %add3A_41 = arith.constant 2 : i32
      %add3A_42 = arith.addi %add3A_31, %add3A_41 : i32
      %lt3A = arith.constant 8 : i32
      %lt3A_43 = arith.cmpi slt, %add3A_42, %lt3A : i32
      %convert_element_type3A = arith.extui %lt3A_43 : i1 to i32
      %cond3A = arith.constant 0 : i32
      %cond3A_44 = arith.cmpi ne, %convert_element_type3A, %cond3A : i32
      scf.if %cond3A_44 {
        %add3A_66 = arith.constant 2 : i32
        %add3A_67 = arith.addi %add3A_31, %add3A_66 : i32
        %mul3A_68 = arith.constant 8 : i32
        %mul3A_69 = arith.muli %add3A_67, %mul3A_68 : i32
        %add3A_70 = arith.addi %mul3A_2, %mul3A_69 : i32
        %dma_start3A_71 = arith.constant 0 : i32
        %dma_start3A_72 = tpu.memref_slice %arg2[%add3A_70, %dma_start3A_71] : memref<2048x2048xf32, #tpu.memory_space<hbm>> -> memref<8x2048xf32, #tpu.memory_space<hbm>>
        %dma_start3A_73 = arith.constant 0 : i32
        %dma_start3A_74 = tpu.memref_slice %arg2[%add3A_70, %dma_start3A_73] : memref<2048x2048xf32, #tpu.memory_space<hbm>> -> memref<8x2048xf32, #tpu.memory_space<hbm>>
        tpu.enqueue_dma source(%dma_start3A_74 : memref<8x2048xf32, #tpu.memory_space<hbm>>) target(%arg5 : memref<8x2048xf32, #tpu.memory_space<vmem>>) target_semaphore(%arg9 : memref<!tpu.dma_semaphore, #tpu.memory_space<semaphore_mem>>)
      } else {
      }
      %mul3A_45 = arith.constant 2 : i32
      %mul3A_46 = arith.muli %mul3A_45, %scan3A_25 : i32
      %add3A_47 = arith.constant 1 : i32
      %add3A_48 = arith.addi %mul3A_46, %add3A_47 : i32
      %dma_wait3A_49 = arith.constant 0 : i32
      %dma_wait3A_50 = tpu.memref_slice %arg2[%mul3A_2, %dma_wait3A_49] : memref<2048x2048xf32, #tpu.memory_space<hbm>> -> memref<8x2048xf32, #tpu.memory_space<hbm>>
      %dma_wait3A_51 = arith.constant 0 : i32
      %dma_wait3A_52 = tpu.memref_slice %arg2[%mul3A_2, %dma_wait3A_51] : memref<2048x2048xf32, #tpu.memory_space<hbm>> -> memref<8x2048xf32, #tpu.memory_space<hbm>>
      tpu.wait_dma2 semaphore(%arg10 : memref<!tpu.dma_semaphore, #tpu.memory_space<semaphore_mem>>) src(%dma_wait3A_52 : memref<8x2048xf32, #tpu.memory_space<hbm>>) dst(%arg6 : memref<8x2048xf32, #tpu.memory_space<vmem>>)
      %scan3A_53 = arith.constant 0 : i32
      %scan3A_54 = arith.constant 128 : i32
      %scan3A_55 = arith.addi %scan3A_53, %scan3A_54 : i32
      %scan3A_56 = arith.constant 1 : i32
      %scan3A_57:2 = scf.for %scan3A_66 = %scan3A_53 to %scan3A_55 step %scan3A_56 iter_args(%scan3A_67 = %scan3A_39#0, %scan3A_68 = %scan3A_39#1) -> (vector<16xf32>, vector<16xf32>)  : i32 {
        %mul3A_69 = arith.constant 16 : i32
        %mul3A_70 = arith.muli %scan3A_66, %mul3A_69 : i32
        %get3A = arith.constant 0 : i32
        %get3A_71 = arith.index_cast %get3A : i32 to index
        %get3A_72 = arith.index_cast %mul3A_70 : i32 to index
        %get3A_73 = tpu.vector_load %arg6[%get3A_71, %get3A_72] {strides = array<i32>} : memref<8x2048xf32, #tpu.memory_space<vmem>>, vector<16xf32>,
        %min3A = arith.minimumf %scan3A_67, %get3A_73 : vector<16xf32>
        %max3A = arith.maximumf %scan3A_68, %get3A_73 : vector<16xf32>
        %mul3A_74 = arith.constant 16 : i32
        %mul3A_75 = arith.muli %scan3A_66, %mul3A_74 : i32
        %get3A_76 = arith.constant 1 : i32
        %get3A_77 = arith.index_cast %get3A_76 : i32 to index
        %get3A_78 = arith.index_cast %mul3A_75 : i32 to index
        %get3A_79 = tpu.vector_load %arg6[%get3A_77, %get3A_78] {strides = array<i32>} : memref<8x2048xf32, #tpu.memory_space<vmem>>, vector<16xf32>,
        %min3A_80 = arith.minimumf %min3A, %get3A_79 : vector<16xf32>
        %max3A_81 = arith.maximumf %max3A, %get3A_79 : vector<16xf32>
        %mul3A_82 = arith.constant 16 : i32
        %mul3A_83 = arith.muli %scan3A_66, %mul3A_82 : i32
        %get3A_84 = arith.constant 2 : i32
        %get3A_85 = arith.index_cast %get3A_84 : i32 to index
        %get3A_86 = arith.index_cast %mul3A_83 : i32 to index
        %get3A_87 = tpu.vector_load %arg6[%get3A_85, %get3A_86] {strides = array<i32>} : memref<8x2048xf32, #tpu.memory_space<vmem>>, vector<16xf32>,
        %min3A_88 = arith.minimumf %min3A_80, %get3A_87 : vector<16xf32>
        %max3A_89 = arith.maximumf %max3A_81, %get3A_87 : vector<16xf32>
        %mul3A_90 = arith.constant 16 : i32
        %mul3A_91 = arith.muli %scan3A_66, %mul3A_90 : i32
        %get3A_92 = arith.constant 3 : i32
        %get3A_93 = arith.index_cast %get3A_92 : i32 to index
        %get3A_94 = arith.index_cast %mul3A_91 : i32 to index
        %get3A_95 = tpu.vector_load %arg6[%get3A_93, %get3A_94] {strides = array<i32>} : memref<8x2048xf32, #tpu.memory_space<vmem>>, vector<16xf32>,
        %min3A_96 = arith.minimumf %min3A_88, %get3A_95 : vector<16xf32>
        %max3A_97 = arith.maximumf %max3A_89, %get3A_95 : vector<16xf32>
        %mul3A_98 = arith.constant 16 : i32
        %mul3A_99 = arith.muli %scan3A_66, %mul3A_98 : i32
        %get3A_100 = arith.constant 4 : i32
        %get3A_101 = arith.index_cast %get3A_100 : i32 to index
        %get3A_102 = arith.index_cast %mul3A_99 : i32 to index
        %get3A_103 = tpu.vector_load %arg6[%get3A_101, %get3A_102] {strides = array<i32>} : memref<8x2048xf32, #tpu.memory_space<vmem>>, vector<16xf32>,
        %min3A_104 = arith.minimumf %min3A_96, %get3A_103 : vector<16xf32>
        %max3A_105 = arith.maximumf %max3A_97, %get3A_103 : vector<16xf32>
        %mul3A_106 = arith.constant 16 : i32
        %mul3A_107 = arith.muli %scan3A_66, %mul3A_106 : i32
        %get3A_108 = arith.constant 5 : i32
        %get3A_109 = arith.index_cast %get3A_108 : i32 to index
        %get3A_110 = arith.index_cast %mul3A_107 : i32 to index
        %get3A_111 = tpu.vector_load %arg6[%get3A_109, %get3A_110] {strides = array<i32>} : memref<8x2048xf32, #tpu.memory_space<vmem>>, vector<16xf32>,
        %min3A_112 = arith.minimumf %min3A_104, %get3A_111 : vector<16xf32>
        %max3A_113 = arith.maximumf %max3A_105, %get3A_111 : vector<16xf32>
        %mul3A_114 = arith.constant 16 : i32
        %mul3A_115 = arith.muli %scan3A_66, %mul3A_114 : i32
        %get3A_116 = arith.constant 6 : i32
        %get3A_117 = arith.index_cast %get3A_116 : i32 to index
        %get3A_118 = arith.index_cast %mul3A_115 : i32 to index
        %get3A_119 = tpu.vector_load %arg6[%get3A_117, %get3A_118] {strides = array<i32>} : memref<8x2048xf32, #tpu.memory_space<vmem>>, vector<16xf32>,
        %min3A_120 = arith.minimumf %min3A_112, %get3A_119 : vector<16xf32>
        %max3A_121 = arith.maximumf %max3A_113, %get3A_119 : vector<16xf32>
        %mul3A_122 = arith.constant 16 : i32
        %mul3A_123 = arith.muli %scan3A_66, %mul3A_122 : i32
        %get3A_124 = arith.constant 7 : i32
        %get3A_125 = arith.index_cast %get3A_124 : i32 to index
        %get3A_126 = arith.index_cast %mul3A_123 : i32 to index
        %get3A_127 = tpu.vector_load %arg6[%get3A_125, %get3A_126] {strides = array<i32>} : memref<8x2048xf32, #tpu.memory_space<vmem>>, vector<16xf32>,
        %min3A_128 = arith.minimumf %min3A_120, %get3A_127 : vector<16xf32>
        %max3A_129 = arith.maximumf %max3A_121, %get3A_127 : vector<16xf32>
        scf.yield %min3A_128, %max3A_129 : vector<16xf32>, vector<16xf32>
      }
      %scan3A_58 = arith.constant 128 : i32
      %add3A_59 = arith.constant 2 : i32
      %add3A_60 = arith.addi %add3A_48, %add3A_59 : i32
      %lt3A_61 = arith.constant 8 : i32
      %lt3A_62 = arith.cmpi slt, %add3A_60, %lt3A_61 : i32
      %convert_element_type3A_63 = arith.extui %lt3A_62 : i1 to i32
      %cond3A_64 = arith.constant 0 : i32
      %cond3A_65 = arith.cmpi ne, %convert_element_type3A_63, %cond3A_64 : i32
      scf.if %cond3A_65 {
        %add3A_66 = arith.constant 2 : i32
        %add3A_67 = arith.addi %add3A_48, %add3A_66 : i32
        %mul3A_68 = arith.constant 8 : i32
        %mul3A_69 = arith.muli %add3A_67, %mul3A_68 : i32
        %add3A_70 = arith.addi %mul3A_2, %mul3A_69 : i32
        %dma_start3A_71 = arith.constant 0 : i32
        %dma_start3A_72 = tpu.memref_slice %arg2[%add3A_70, %dma_start3A_71] : memref<2048x2048xf32, #tpu.memory_space<hbm>> -> memref<8x2048xf32, #tpu.memory_space<hbm>>
        %dma_start3A_73 = arith.constant 0 : i32
        %dma_start3A_74 = tpu.memref_slice %arg2[%add3A_70, %dma_start3A_73] : memref<2048x2048xf32, #tpu.memory_space<hbm>> -> memref<8x2048xf32, #tpu.memory_space<hbm>>
        tpu.enqueue_dma source(%dma_start3A_74 : memref<8x2048xf32, #tpu.memory_space<hbm>>) target(%arg6 : memref<8x2048xf32, #tpu.memory_space<vmem>>) target_semaphore(%arg10 : memref<!tpu.dma_semaphore, #tpu.memory_space<semaphore_mem>>)
      } else {
      }
      scf.yield %scan3A_57#0, %scan3A_57#1 : vector<16xf32>, vector<16xf32>
    }
    %scan3A_21 = arith.constant 4 : i32
    %swap3A = arith.constant 0 : index
    %swap3A_22 = tpu.vector_load %arg7[%swap3A] {strides = array<i32>} : memref<16xf32, #tpu.memory_space<vmem>>, vector<16xf32>,
    tpu.vector_store %arg7[%swap3A], %scan3A_20#0 {strides = array<i32>} : memref<16xf32, #tpu.memory_space<vmem>>, vector<16xf32>,
    %swap3A_23 = arith.constant 0 : index
    %swap3A_24 = tpu.vector_load %arg8[%swap3A_23] {strides = array<i32>} : memref<16xf32, #tpu.memory_space<vmem>>, vector<16xf32>,
    tpu.vector_store %arg8[%swap3A_23], %scan3A_20#1 {strides = array<i32>} : memref<16xf32, #tpu.memory_space<vmem>>, vector<16xf32>,
    "tpu.region"() ({
      %run_scoped3A = tpu.sem_alloc : memref<!tpu.dma_semaphore, #tpu.memory_space<semaphore_mem>>
      %dma_start3A_25 = arith.constant 0 : i32
      %dma_start3A_26 = tpu.memref_slice %arg3[%add3A, %dma_start3A_25] : memref<32x16xf32, #tpu.memory_space<hbm>> -> memref<1x16xf32, #tpu.memory_space<hbm>>
      %dma_start3A_27 = tpu.memref_squeeze %dma_start3A_26 : memref<1x16xf32, #tpu.memory_space<hbm>> -> memref<16xf32, #tpu.memory_space<hbm>>
      %dma_start3A_28 = arith.constant 0 : i32
      %dma_start3A_29 = tpu.memref_slice %arg3[%add3A, %dma_start3A_28] : memref<32x16xf32, #tpu.memory_space<hbm>> -> memref<1x16xf32, #tpu.memory_space<hbm>>
      %dma_start3A_30 = tpu.memref_squeeze %dma_start3A_29 : memref<1x16xf32, #tpu.memory_space<hbm>> -> memref<16xf32, #tpu.memory_space<hbm>>
      tpu.enqueue_dma source(%arg7 : memref<16xf32, #tpu.memory_space<vmem>>) target(%dma_start3A_30 : memref<16xf32, #tpu.memory_space<hbm>>) target_semaphore(%run_scoped3A : memref<!tpu.dma_semaphore, #tpu.memory_space<semaphore_mem>>)
      %dma_wait3A = arith.constant 0 : i32
      %dma_wait3A_31 = tpu.memref_slice %arg3[%add3A, %dma_wait3A] : memref<32x16xf32, #tpu.memory_space<hbm>> -> memref<1x16xf32, #tpu.memory_space<hbm>>
      %dma_wait3A_32 = tpu.memref_squeeze %dma_wait3A_31 : memref<1x16xf32, #tpu.memory_space<hbm>> -> memref<16xf32, #tpu.memory_space<hbm>>
      %dma_wait3A_33 = arith.constant 0 : i32
      %dma_wait3A_34 = tpu.memref_slice %arg3[%add3A, %dma_wait3A_33] : memref<32x16xf32, #tpu.memory_space<hbm>> -> memref<1x16xf32, #tpu.memory_space<hbm>>
      %dma_wait3A_35 = tpu.memref_squeeze %dma_wait3A_34 : memref<1x16xf32, #tpu.memory_space<hbm>> -> memref<16xf32, #tpu.memory_space<hbm>>
      tpu.wait_dma2 semaphore(%run_scoped3A : memref<!tpu.dma_semaphore, #tpu.memory_space<semaphore_mem>>) src(%arg7 : memref<16xf32, #tpu.memory_space<vmem>>) dst(%dma_wait3A_35 : memref<16xf32, #tpu.memory_space<hbm>>)
      tpu.yield
    }) : () -> ()
    "tpu.region"() ({
      %run_scoped3A = tpu.sem_alloc : memref<!tpu.dma_semaphore, #tpu.memory_space<semaphore_mem>>
      %dma_start3A_25 = arith.constant 0 : i32
      %dma_start3A_26 = tpu.memref_slice %arg4[%add3A, %dma_start3A_25] : memref<32x16xf32, #tpu.memory_space<hbm>> -> memref<1x16xf32, #tpu.memory_space<hbm>>
      %dma_start3A_27 = tpu.memref_squeeze %dma_start3A_26 : memref<1x16xf32, #tpu.memory_space<hbm>> -> memref<16xf32, #tpu.memory_space<hbm>>
      %dma_start3A_28 = arith.constant 0 : i32
      %dma_start3A_29 = tpu.memref_slice %arg4[%add3A, %dma_start3A_28] : memref<32x16xf32, #tpu.memory_space<hbm>> -> memref<1x16xf32, #tpu.memory_space<hbm>>
      %dma_start3A_30 = tpu.memref_squeeze %dma_start3A_29 : memref<1x16xf32, #tpu.memory_space<hbm>> -> memref<16xf32, #tpu.memory_space<hbm>>
      tpu.enqueue_dma source(%arg8 : memref<16xf32, #tpu.memory_space<vmem>>) target(%dma_start3A_30 : memref<16xf32, #tpu.memory_space<hbm>>) target_semaphore(%run_scoped3A : memref<!tpu.dma_semaphore, #tpu.memory_space<semaphore_mem>>)
      %dma_wait3A = arith.constant 0 : i32
      %dma_wait3A_31 = tpu.memref_slice %arg4[%add3A, %dma_wait3A] : memref<32x16xf32, #tpu.memory_space<hbm>> -> memref<1x16xf32, #tpu.memory_space<hbm>>
      %dma_wait3A_32 = tpu.memref_squeeze %dma_wait3A_31 : memref<1x16xf32, #tpu.memory_space<hbm>> -> memref<16xf32, #tpu.memory_space<hbm>>
      %dma_wait3A_33 = arith.constant 0 : i32
      %dma_wait3A_34 = tpu.memref_slice %arg4[%add3A, %dma_wait3A_33] : memref<32x16xf32, #tpu.memory_space<hbm>> -> memref<1x16xf32, #tpu.memory_space<hbm>>
      %dma_wait3A_35 = tpu.memref_squeeze %dma_wait3A_34 : memref<1x16xf32, #tpu.memory_space<hbm>> -> memref<16xf32, #tpu.memory_space<hbm>>
      tpu.wait_dma2 semaphore(%run_scoped3A : memref<!tpu.dma_semaphore, #tpu.memory_space<semaphore_mem>>) src(%arg8 : memref<16xf32, #tpu.memory_space<vmem>>) dst(%dma_wait3A_35 : memref<16xf32, #tpu.memory_space<hbm>>)
      tpu.yield
    }) : () -> ()
    return
  }
}

#map = affine_map<(d0, d1) -> (0, 0)>
#map1 = affine_map<(d0, d1) -> (0)>
module attributes {stable_mosaic.version = 14 : i64} {
  func.func @quant(%arg0: i32, %arg1: i32, %arg2: memref<2048x2048xf32, #tpu.memory_space<hbm>>, %arg3: memref<16xf32, #tpu.memory_space<hbm>>, %arg4: memref<16xf32, #tpu.memory_space<hbm>>, %arg5: memref<32x16xf32, #tpu.memory_space<hbm>>, %arg6: memref<32x16xf32, #tpu.memory_space<hbm>>, %arg7: memref<2048x2048xf32, #tpu.memory_space<hbm>>, %arg8: memref<8x2048xf32, #tpu.memory_space<vmem>>, %arg9: memref<8x2048xf32, #tpu.memory_space<vmem>>, %arg10: memref<8x2048xf32, #tpu.memory_space<vmem>>, %arg11: memref<8x2048xf32, #tpu.memory_space<vmem>>, %arg12: memref<2048xf32, #tpu.memory_space<vmem>>, %arg13: memref<16xf32, #tpu.memory_space<vmem>>, %arg14: memref<16xf32, #tpu.memory_space<vmem>>, %arg15: memref<32x16xf32, #tpu.memory_space<vmem>>, %arg16: memref<32x16xf32, #tpu.memory_space<vmem>>, %arg17: memref<!tpu.dma_semaphore, #tpu.memory_space<semaphore_mem>>, %arg18: memref<!tpu.dma_semaphore, #tpu.memory_space<semaphore_mem>>, %arg19: memref<!tpu.dma_semaphore, #tpu.memory_space<semaphore_mem>>, %arg20: memref<!tpu.dma_semaphore, #tpu.memory_space<semaphore_mem>>) attributes {dimension_semantics = [#tpu.dimension_semantics<core_parallel>, #tpu.dimension_semantics<subcore_parallel>], iteration_bounds = array<i64: 2, 16>, scalar_prefetch = 0 : i64, scratch_operands = 13 : i64, tpu.core_type = #tpu.core_type<sc_vector_subcore>, window_params = [{transform_indices = #map}, {transform_indices = #map1}, {transform_indices = #map1}, {transform_indices = #map}, {transform_indices = #map}, {transform_indices = #map}]} {
    %mul3A = arith.constant 16 : i32
    %mul3A_0 = arith.muli %arg0, %mul3A : i32
    %add3A = arith.addi %mul3A_0, %arg1 : i32
    %mul3A_1 = arith.constant 64 : i32
    %mul3A_2 = arith.muli %add3A, %mul3A_1 : i32
    "tpu.region"() ({
      %run_scoped3A = tpu.sem_alloc : memref<!tpu.dma_semaphore, #tpu.memory_space<semaphore_mem>>
      tpu.enqueue_dma source(%arg3 : memref<16xf32, #tpu.memory_space<hbm>>) target(%arg13 : memref<16xf32, #tpu.memory_space<vmem>>) target_semaphore(%run_scoped3A : memref<!tpu.dma_semaphore, #tpu.memory_space<semaphore_mem>>)
      tpu.wait_dma2 semaphore(%run_scoped3A : memref<!tpu.dma_semaphore, #tpu.memory_space<semaphore_mem>>) src(%arg3 : memref<16xf32, #tpu.memory_space<hbm>>) dst(%arg13 : memref<16xf32, #tpu.memory_space<vmem>>)
      tpu.yield
    }) : () -> ()
    "tpu.region"() ({
      %run_scoped3A = tpu.sem_alloc : memref<!tpu.dma_semaphore, #tpu.memory_space<semaphore_mem>>
      tpu.enqueue_dma source(%arg4 : memref<16xf32, #tpu.memory_space<hbm>>) target(%arg14 : memref<16xf32, #tpu.memory_space<vmem>>) target_semaphore(%run_scoped3A : memref<!tpu.dma_semaphore, #tpu.memory_space<semaphore_mem>>)
      tpu.wait_dma2 semaphore(%run_scoped3A : memref<!tpu.dma_semaphore, #tpu.memory_space<semaphore_mem>>) src(%arg4 : memref<16xf32, #tpu.memory_space<hbm>>) dst(%arg14 : memref<16xf32, #tpu.memory_space<vmem>>)
      tpu.yield
    }) : () -> ()
    %get3A = arith.constant 0 : index
    %get3A_3 = tpu.vector_load %arg13[%get3A] {strides = array<i32>} : memref<16xf32, #tpu.memory_space<vmem>>, vector<16xf32>,
    %slice3A = vector.extract_strided_slice %get3A_3 {offsets = [0], sizes = [1], strides = [1]} : vector<16xf32> to vector<1xf32>
    %squeeze3A = vector.extract %slice3A[0] : f32 from vector<1xf32>
    %gt3A = arith.constant 5.000000e-01 : f32
    %gt3A_4 = arith.cmpf ogt, %squeeze3A, %gt3A : f32
    %slice3A_5 = vector.extract_strided_slice %get3A_3 {offsets = [1], sizes = [1], strides = [1]} : vector<16xf32> to vector<1xf32>
    %squeeze3A_6 = vector.extract %slice3A_5[0] : f32 from vector<1xf32>
    %slice3A_7 = vector.extract_strided_slice %get3A_3 {offsets = [2], sizes = [1], strides = [1]} : vector<16xf32> to vector<1xf32>
    %squeeze3A_8 = vector.extract %slice3A_7[0] : f32 from vector<1xf32>
    %slice3A_9 = vector.extract_strided_slice %get3A_3 {offsets = [3], sizes = [1], strides = [1]} : vector<16xf32> to vector<1xf32>
    %squeeze3A_10 = vector.extract %slice3A_9[0] : f32 from vector<1xf32>
    %slice3A_11 = vector.extract_strided_slice %get3A_3 {offsets = [4], sizes = [1], strides = [1]} : vector<16xf32> to vector<1xf32>
    %squeeze3A_12 = vector.extract %slice3A_11[0] : f32 from vector<1xf32>
    %slice3A_13 = vector.extract_strided_slice %get3A_3 {offsets = [5], sizes = [1], strides = [1]} : vector<16xf32> to vector<1xf32>
    %squeeze3A_14 = vector.extract %slice3A_13[0] : f32 from vector<1xf32>
    %slice3A_15 = vector.extract_strided_slice %get3A_3 {offsets = [6], sizes = [1], strides = [1]} : vector<16xf32> to vector<1xf32>
    %squeeze3A_16 = vector.extract %slice3A_15[0] : f32 from vector<1xf32>
    %slice3A_17 = vector.extract_strided_slice %get3A_3 {offsets = [7], sizes = [1], strides = [1]} : vector<16xf32> to vector<1xf32>
    %squeeze3A_18 = vector.extract %slice3A_17[0] : f32 from vector<1xf32>
    %slice3A_19 = vector.extract_strided_slice %get3A_3 {offsets = [8], sizes = [1], strides = [1]} : vector<16xf32> to vector<1xf32>
    %squeeze3A_20 = vector.extract %slice3A_19[0] : f32 from vector<1xf32>
    %convert_element_type3A = arith.extui %gt3A_4 : i1 to i32
    %cond3A = arith.constant 0 : i32
    %cond3A_21 = arith.cmpi ne, %convert_element_type3A, %cond3A : i32
    scf.if %cond3A_21 {
      %add3A_26 = arith.constant 0 : i32
      %add3A_27 = arith.addi %mul3A_2, %add3A_26 : i32
      %dma_start3A = arith.constant 0 : i32
      %dma_start3A_28 = tpu.memref_slice %arg2[%add3A_27, %dma_start3A] : memref<2048x2048xf32, #tpu.memory_space<hbm>> -> memref<8x2048xf32, #tpu.memory_space<hbm>>
      %dma_start3A_29 = arith.constant 0 : i32
      %dma_start3A_30 = tpu.memref_slice %arg2[%add3A_27, %dma_start3A_29] : memref<2048x2048xf32, #tpu.memory_space<hbm>> -> memref<8x2048xf32, #tpu.memory_space<hbm>>
      tpu.enqueue_dma source(%dma_start3A_30 : memref<8x2048xf32, #tpu.memory_space<hbm>>) target(%arg8 : memref<8x2048xf32, #tpu.memory_space<vmem>>) target_semaphore(%arg17 : memref<!tpu.dma_semaphore, #tpu.memory_space<semaphore_mem>>)
      "tpu.region"() ({
        %run_scoped3A = tpu.sem_alloc : memref<!tpu.dma_semaphore, #tpu.memory_space<semaphore_mem>>
        tpu.enqueue_dma source(%arg5 : memref<32x16xf32, #tpu.memory_space<hbm>>) target(%arg15 : memref<32x16xf32, #tpu.memory_space<vmem>>) target_semaphore(%run_scoped3A : memref<!tpu.dma_semaphore, #tpu.memory_space<semaphore_mem>>)
        tpu.wait_dma2 semaphore(%run_scoped3A : memref<!tpu.dma_semaphore, #tpu.memory_space<semaphore_mem>>) src(%arg5 : memref<32x16xf32, #tpu.memory_space<hbm>>) dst(%arg15 : memref<32x16xf32, #tpu.memory_space<vmem>>)
        tpu.yield
      }) : () -> ()
      "tpu.region"() ({
        %run_scoped3A = tpu.sem_alloc : memref<!tpu.dma_semaphore, #tpu.memory_space<semaphore_mem>>
        tpu.enqueue_dma source(%arg6 : memref<32x16xf32, #tpu.memory_space<hbm>>) target(%arg16 : memref<32x16xf32, #tpu.memory_space<vmem>>) target_semaphore(%run_scoped3A : memref<!tpu.dma_semaphore, #tpu.memory_space<semaphore_mem>>)
        tpu.wait_dma2 semaphore(%run_scoped3A : memref<!tpu.dma_semaphore, #tpu.memory_space<semaphore_mem>>) src(%arg6 : memref<32x16xf32, #tpu.memory_space<hbm>>) dst(%arg16 : memref<32x16xf32, #tpu.memory_space<vmem>>)
        tpu.yield
      }) : () -> ()
      %get3A_31 = arith.constant 0 : i32
      %get3A_32 = arith.index_cast %get3A_31 : i32 to index
      %get3A_33 = arith.constant 0 : index
      %get3A_34 = tpu.vector_load %arg15[%get3A_32, %get3A_33] {strides = array<i32>} : memref<32x16xf32, #tpu.memory_space<vmem>>, vector<16xf32>,
      %get3A_35 = arith.constant 0 : i32
      %get3A_36 = arith.index_cast %get3A_35 : i32 to index
      %get3A_37 = arith.constant 0 : index
      %get3A_38 = tpu.vector_load %arg16[%get3A_36, %get3A_37] {strides = array<i32>} : memref<32x16xf32, #tpu.memory_space<vmem>>, vector<16xf32>,
      %get3A_39 = arith.constant 1 : i32
      %get3A_40 = arith.index_cast %get3A_39 : i32 to index
      %get3A_41 = arith.constant 0 : index
      %get3A_42 = tpu.vector_load %arg15[%get3A_40, %get3A_41] {strides = array<i32>} : memref<32x16xf32, #tpu.memory_space<vmem>>, vector<16xf32>,
      %min3A = arith.minimumf %get3A_34, %get3A_42 : vector<16xf32>
      %get3A_43 = arith.constant 1 : i32
      %get3A_44 = arith.index_cast %get3A_43 : i32 to index
      %get3A_45 = arith.constant 0 : index
      %get3A_46 = tpu.vector_load %arg16[%get3A_44, %get3A_45] {strides = array<i32>} : memref<32x16xf32, #tpu.memory_space<vmem>>, vector<16xf32>,
      %max3A = arith.maximumf %get3A_38, %get3A_46 : vector<16xf32>
      %get3A_47 = arith.constant 2 : i32
      %get3A_48 = arith.index_cast %get3A_47 : i32 to index
      %get3A_49 = arith.constant 0 : index
      %get3A_50 = tpu.vector_load %arg15[%get3A_48, %get3A_49] {strides = array<i32>} : memref<32x16xf32, #tpu.memory_space<vmem>>, vector<16xf32>,
      %min3A_51 = arith.minimumf %min3A, %get3A_50 : vector<16xf32>
      %get3A_52 = arith.constant 2 : i32
      %get3A_53 = arith.index_cast %get3A_52 : i32 to index
      %get3A_54 = arith.constant 0 : index
      %get3A_55 = tpu.vector_load %arg16[%get3A_53, %get3A_54] {strides = array<i32>} : memref<32x16xf32, #tpu.memory_space<vmem>>, vector<16xf32>,
      %max3A_56 = arith.maximumf %max3A, %get3A_55 : vector<16xf32>
      %get3A_57 = arith.constant 3 : i32
      %get3A_58 = arith.index_cast %get3A_57 : i32 to index
      %get3A_59 = arith.constant 0 : index
      %get3A_60 = tpu.vector_load %arg15[%get3A_58, %get3A_59] {strides = array<i32>} : memref<32x16xf32, #tpu.memory_space<vmem>>, vector<16xf32>,
      %min3A_61 = arith.minimumf %min3A_51, %get3A_60 : vector<16xf32>
      %get3A_62 = arith.constant 3 : i32
      %get3A_63 = arith.index_cast %get3A_62 : i32 to index
      %get3A_64 = arith.constant 0 : index
      %get3A_65 = tpu.vector_load %arg16[%get3A_63, %get3A_64] {strides = array<i32>} : memref<32x16xf32, #tpu.memory_space<vmem>>, vector<16xf32>,
      %max3A_66 = arith.maximumf %max3A_56, %get3A_65 : vector<16xf32>
      %get3A_67 = arith.constant 4 : i32
      %get3A_68 = arith.index_cast %get3A_67 : i32 to index
      %get3A_69 = arith.constant 0 : index
      %get3A_70 = tpu.vector_load %arg15[%get3A_68, %get3A_69] {strides = array<i32>} : memref<32x16xf32, #tpu.memory_space<vmem>>, vector<16xf32>,
      %min3A_71 = arith.minimumf %min3A_61, %get3A_70 : vector<16xf32>
      %get3A_72 = arith.constant 4 : i32
      %get3A_73 = arith.index_cast %get3A_72 : i32 to index
      %get3A_74 = arith.constant 0 : index
      %get3A_75 = tpu.vector_load %arg16[%get3A_73, %get3A_74] {strides = array<i32>} : memref<32x16xf32, #tpu.memory_space<vmem>>, vector<16xf32>,
      %max3A_76 = arith.maximumf %max3A_66, %get3A_75 : vector<16xf32>
      %get3A_77 = arith.constant 5 : i32
      %get3A_78 = arith.index_cast %get3A_77 : i32 to index
      %get3A_79 = arith.constant 0 : index
      %get3A_80 = tpu.vector_load %arg15[%get3A_78, %get3A_79] {strides = array<i32>} : memref<32x16xf32, #tpu.memory_space<vmem>>, vector<16xf32>,
      %min3A_81 = arith.minimumf %min3A_71, %get3A_80 : vector<16xf32>
      %get3A_82 = arith.constant 5 : i32
      %get3A_83 = arith.index_cast %get3A_82 : i32 to index
      %get3A_84 = arith.constant 0 : index
      %get3A_85 = tpu.vector_load %arg16[%get3A_83, %get3A_84] {strides = array<i32>} : memref<32x16xf32, #tpu.memory_space<vmem>>, vector<16xf32>,
      %max3A_86 = arith.maximumf %max3A_76, %get3A_85 : vector<16xf32>
      %get3A_87 = arith.constant 6 : i32
      %get3A_88 = arith.index_cast %get3A_87 : i32 to index
      %get3A_89 = arith.constant 0 : index
      %get3A_90 = tpu.vector_load %arg15[%get3A_88, %get3A_89] {strides = array<i32>} : memref<32x16xf32, #tpu.memory_space<vmem>>, vector<16xf32>,
      %min3A_91 = arith.minimumf %min3A_81, %get3A_90 : vector<16xf32>
      %get3A_92 = arith.constant 6 : i32
      %get3A_93 = arith.index_cast %get3A_92 : i32 to index
      %get3A_94 = arith.constant 0 : index
      %get3A_95 = tpu.vector_load %arg16[%get3A_93, %get3A_94] {strides = array<i32>} : memref<32x16xf32, #tpu.memory_space<vmem>>, vector<16xf32>,
      %max3A_96 = arith.maximumf %max3A_86, %get3A_95 : vector<16xf32>
      %get3A_97 = arith.constant 7 : i32
      %get3A_98 = arith.index_cast %get3A_97 : i32 to index
      %get3A_99 = arith.constant 0 : index
      %get3A_100 = tpu.vector_load %arg15[%get3A_98, %get3A_99] {strides = array<i32>} : memref<32x16xf32, #tpu.memory_space<vmem>>, vector<16xf32>,
      %min3A_101 = arith.minimumf %min3A_91, %get3A_100 : vector<16xf32>
      %get3A_102 = arith.constant 7 : i32
      %get3A_103 = arith.index_cast %get3A_102 : i32 to index
      %get3A_104 = arith.constant 0 : index
      %get3A_105 = tpu.vector_load %arg16[%get3A_103, %get3A_104] {strides = array<i32>} : memref<32x16xf32, #tpu.memory_space<vmem>>, vector<16xf32>,
      %max3A_106 = arith.maximumf %max3A_96, %get3A_105 : vector<16xf32>
      %get3A_107 = arith.constant 8 : i32
      %get3A_108 = arith.index_cast %get3A_107 : i32 to index
      %get3A_109 = arith.constant 0 : index
      %get3A_110 = tpu.vector_load %arg15[%get3A_108, %get3A_109] {strides = array<i32>} : memref<32x16xf32, #tpu.memory_space<vmem>>, vector<16xf32>,
      %min3A_111 = arith.minimumf %min3A_101, %get3A_110 : vector<16xf32>
      %get3A_112 = arith.constant 8 : i32
      %get3A_113 = arith.index_cast %get3A_112 : i32 to index
      %get3A_114 = arith.constant 0 : index
      %get3A_115 = tpu.vector_load %arg16[%get3A_113, %get3A_114] {strides = array<i32>} : memref<32x16xf32, #tpu.memory_space<vmem>>, vector<16xf32>,
      %max3A_116 = arith.maximumf %max3A_106, %get3A_115 : vector<16xf32>
      %get3A_117 = arith.constant 9 : i32
      %get3A_118 = arith.index_cast %get3A_117 : i32 to index
      %get3A_119 = arith.constant 0 : index
      %get3A_120 = tpu.vector_load %arg15[%get3A_118, %get3A_119] {strides = array<i32>} : memref<32x16xf32, #tpu.memory_space<vmem>>, vector<16xf32>,
      %min3A_121 = arith.minimumf %min3A_111, %get3A_120 : vector<16xf32>
      %get3A_122 = arith.constant 9 : i32
      %get3A_123 = arith.index_cast %get3A_122 : i32 to index
      %get3A_124 = arith.constant 0 : index
      %get3A_125 = tpu.vector_load %arg16[%get3A_123, %get3A_124] {strides = array<i32>} : memref<32x16xf32, #tpu.memory_space<vmem>>, vector<16xf32>,
      %max3A_126 = arith.maximumf %max3A_116, %get3A_125 : vector<16xf32>
      %get3A_127 = arith.constant 10 : i32
      %get3A_128 = arith.index_cast %get3A_127 : i32 to index
      %get3A_129 = arith.constant 0 : index
      %get3A_130 = tpu.vector_load %arg15[%get3A_128, %get3A_129] {strides = array<i32>} : memref<32x16xf32, #tpu.memory_space<vmem>>, vector<16xf32>,
      %min3A_131 = arith.minimumf %min3A_121, %get3A_130 : vector<16xf32>
      %get3A_132 = arith.constant 10 : i32
      %get3A_133 = arith.index_cast %get3A_132 : i32 to index
      %get3A_134 = arith.constant 0 : index
      %get3A_135 = tpu.vector_load %arg16[%get3A_133, %get3A_134] {strides = array<i32>} : memref<32x16xf32, #tpu.memory_space<vmem>>, vector<16xf32>,
      %max3A_136 = arith.maximumf %max3A_126, %get3A_135 : vector<16xf32>
      %get3A_137 = arith.constant 11 : i32
      %get3A_138 = arith.index_cast %get3A_137 : i32 to index
      %get3A_139 = arith.constant 0 : index
      %get3A_140 = tpu.vector_load %arg15[%get3A_138, %get3A_139] {strides = array<i32>} : memref<32x16xf32, #tpu.memory_space<vmem>>, vector<16xf32>,
      %min3A_141 = arith.minimumf %min3A_131, %get3A_140 : vector<16xf32>
      %get3A_142 = arith.constant 11 : i32
      %get3A_143 = arith.index_cast %get3A_142 : i32 to index
      %get3A_144 = arith.constant 0 : index
      %get3A_145 = tpu.vector_load %arg16[%get3A_143, %get3A_144] {strides = array<i32>} : memref<32x16xf32, #tpu.memory_space<vmem>>, vector<16xf32>,
      %max3A_146 = arith.maximumf %max3A_136, %get3A_145 : vector<16xf32>
      %get3A_147 = arith.constant 12 : i32
      %get3A_148 = arith.index_cast %get3A_147 : i32 to index
      %get3A_149 = arith.constant 0 : index
      %get3A_150 = tpu.vector_load %arg15[%get3A_148, %get3A_149] {strides = array<i32>} : memref<32x16xf32, #tpu.memory_space<vmem>>, vector<16xf32>,
      %min3A_151 = arith.minimumf %min3A_141, %get3A_150 : vector<16xf32>
      %get3A_152 = arith.constant 12 : i32
      %get3A_153 = arith.index_cast %get3A_152 : i32 to index
      %get3A_154 = arith.constant 0 : index
      %get3A_155 = tpu.vector_load %arg16[%get3A_153, %get3A_154] {strides = array<i32>} : memref<32x16xf32, #tpu.memory_space<vmem>>, vector<16xf32>,
      %max3A_156 = arith.maximumf %max3A_146, %get3A_155 : vector<16xf32>
      %get3A_157 = arith.constant 13 : i32
      %get3A_158 = arith.index_cast %get3A_157 : i32 to index
      %get3A_159 = arith.constant 0 : index
      %get3A_160 = tpu.vector_load %arg15[%get3A_158, %get3A_159] {strides = array<i32>} : memref<32x16xf32, #tpu.memory_space<vmem>>, vector<16xf32>,
      %min3A_161 = arith.minimumf %min3A_151, %get3A_160 : vector<16xf32>
      %get3A_162 = arith.constant 13 : i32
      %get3A_163 = arith.index_cast %get3A_162 : i32 to index
      %get3A_164 = arith.constant 0 : index
      %get3A_165 = tpu.vector_load %arg16[%get3A_163, %get3A_164] {strides = array<i32>} : memref<32x16xf32, #tpu.memory_space<vmem>>, vector<16xf32>,
      %max3A_166 = arith.maximumf %max3A_156, %get3A_165 : vector<16xf32>
      %get3A_167 = arith.constant 14 : i32
      %get3A_168 = arith.index_cast %get3A_167 : i32 to index
      %get3A_169 = arith.constant 0 : index
      %get3A_170 = tpu.vector_load %arg15[%get3A_168, %get3A_169] {strides = array<i32>} : memref<32x16xf32, #tpu.memory_space<vmem>>, vector<16xf32>,
      %min3A_171 = arith.minimumf %min3A_161, %get3A_170 : vector<16xf32>
      %get3A_172 = arith.constant 14 : i32
      %get3A_173 = arith.index_cast %get3A_172 : i32 to index
      %get3A_174 = arith.constant 0 : index
      %get3A_175 = tpu.vector_load %arg16[%get3A_173, %get3A_174] {strides = array<i32>} : memref<32x16xf32, #tpu.memory_space<vmem>>, vector<16xf32>,
      %max3A_176 = arith.maximumf %max3A_166, %get3A_175 : vector<16xf32>
      %get3A_177 = arith.constant 15 : i32
      %get3A_178 = arith.index_cast %get3A_177 : i32 to index
      %get3A_179 = arith.constant 0 : index
      %get3A_180 = tpu.vector_load %arg15[%get3A_178, %get3A_179] {strides = array<i32>} : memref<32x16xf32, #tpu.memory_space<vmem>>, vector<16xf32>,
      %min3A_181 = arith.minimumf %min3A_171, %get3A_180 : vector<16xf32>
      %get3A_182 = arith.constant 15 : i32
      %get3A_183 = arith.index_cast %get3A_182 : i32 to index
      %get3A_184 = arith.constant 0 : index
      %get3A_185 = tpu.vector_load %arg16[%get3A_183, %get3A_184] {strides = array<i32>} : memref<32x16xf32, #tpu.memory_space<vmem>>, vector<16xf32>,
      %max3A_186 = arith.maximumf %max3A_176, %get3A_185 : vector<16xf32>
      %get3A_187 = arith.constant 16 : i32
      %get3A_188 = arith.index_cast %get3A_187 : i32 to index
      %get3A_189 = arith.constant 0 : index
      %get3A_190 = tpu.vector_load %arg15[%get3A_188, %get3A_189] {strides = array<i32>} : memref<32x16xf32, #tpu.memory_space<vmem>>, vector<16xf32>,
      %min3A_191 = arith.minimumf %min3A_181, %get3A_190 : vector<16xf32>
      %get3A_192 = arith.constant 16 : i32
      %get3A_193 = arith.index_cast %get3A_192 : i32 to index
      %get3A_194 = arith.constant 0 : index
      %get3A_195 = tpu.vector_load %arg16[%get3A_193, %get3A_194] {strides = array<i32>} : memref<32x16xf32, #tpu.memory_space<vmem>>, vector<16xf32>,
      %max3A_196 = arith.maximumf %max3A_186, %get3A_195 : vector<16xf32>
      %get3A_197 = arith.constant 17 : i32
      %get3A_198 = arith.index_cast %get3A_197 : i32 to index
      %get3A_199 = arith.constant 0 : index
      %get3A_200 = tpu.vector_load %arg15[%get3A_198, %get3A_199] {strides = array<i32>} : memref<32x16xf32, #tpu.memory_space<vmem>>, vector<16xf32>,
      %min3A_201 = arith.minimumf %min3A_191, %get3A_200 : vector<16xf32>
      %get3A_202 = arith.constant 17 : i32
      %get3A_203 = arith.index_cast %get3A_202 : i32 to index
      %get3A_204 = arith.constant 0 : index
      %get3A_205 = tpu.vector_load %arg16[%get3A_203, %get3A_204] {strides = array<i32>} : memref<32x16xf32, #tpu.memory_space<vmem>>, vector<16xf32>,
      %max3A_206 = arith.maximumf %max3A_196, %get3A_205 : vector<16xf32>
      %get3A_207 = arith.constant 18 : i32
      %get3A_208 = arith.index_cast %get3A_207 : i32 to index
      %get3A_209 = arith.constant 0 : index
      %get3A_210 = tpu.vector_load %arg15[%get3A_208, %get3A_209] {strides = array<i32>} : memref<32x16xf32, #tpu.memory_space<vmem>>, vector<16xf32>,
      %min3A_211 = arith.minimumf %min3A_201, %get3A_210 : vector<16xf32>
      %get3A_212 = arith.constant 18 : i32
      %get3A_213 = arith.index_cast %get3A_212 : i32 to index
      %get3A_214 = arith.constant 0 : index
      %get3A_215 = tpu.vector_load %arg16[%get3A_213, %get3A_214] {strides = array<i32>} : memref<32x16xf32, #tpu.memory_space<vmem>>, vector<16xf32>,
      %max3A_216 = arith.maximumf %max3A_206, %get3A_215 : vector<16xf32>
      %get3A_217 = arith.constant 19 : i32
      %get3A_218 = arith.index_cast %get3A_217 : i32 to index
      %get3A_219 = arith.constant 0 : index
      %get3A_220 = tpu.vector_load %arg15[%get3A_218, %get3A_219] {strides = array<i32>} : memref<32x16xf32, #tpu.memory_space<vmem>>, vector<16xf32>,
      %min3A_221 = arith.minimumf %min3A_211, %get3A_220 : vector<16xf32>
      %get3A_222 = arith.constant 19 : i32
      %get3A_223 = arith.index_cast %get3A_222 : i32 to index
      %get3A_224 = arith.constant 0 : index
      %get3A_225 = tpu.vector_load %arg16[%get3A_223, %get3A_224] {strides = array<i32>} : memref<32x16xf32, #tpu.memory_space<vmem>>, vector<16xf32>,
      %max3A_226 = arith.maximumf %max3A_216, %get3A_225 : vector<16xf32>
      %get3A_227 = arith.constant 20 : i32
      %get3A_228 = arith.index_cast %get3A_227 : i32 to index
      %get3A_229 = arith.constant 0 : index
      %get3A_230 = tpu.vector_load %arg15[%get3A_228, %get3A_229] {strides = array<i32>} : memref<32x16xf32, #tpu.memory_space<vmem>>, vector<16xf32>,
      %min3A_231 = arith.minimumf %min3A_221, %get3A_230 : vector<16xf32>
      %get3A_232 = arith.constant 20 : i32
      %get3A_233 = arith.index_cast %get3A_232 : i32 to index
      %get3A_234 = arith.constant 0 : index
      %get3A_235 = tpu.vector_load %arg16[%get3A_233, %get3A_234] {strides = array<i32>} : memref<32x16xf32, #tpu.memory_space<vmem>>, vector<16xf32>,
      %max3A_236 = arith.maximumf %max3A_226, %get3A_235 : vector<16xf32>
      %get3A_237 = arith.constant 21 : i32
      %get3A_238 = arith.index_cast %get3A_237 : i32 to index
      %get3A_239 = arith.constant 0 : index
      %get3A_240 = tpu.vector_load %arg15[%get3A_238, %get3A_239] {strides = array<i32>} : memref<32x16xf32, #tpu.memory_space<vmem>>, vector<16xf32>,
      %min3A_241 = arith.minimumf %min3A_231, %get3A_240 : vector<16xf32>
      %get3A_242 = arith.constant 21 : i32
      %get3A_243 = arith.index_cast %get3A_242 : i32 to index
      %get3A_244 = arith.constant 0 : index
      %get3A_245 = tpu.vector_load %arg16[%get3A_243, %get3A_244] {strides = array<i32>} : memref<32x16xf32, #tpu.memory_space<vmem>>, vector<16xf32>,
      %max3A_246 = arith.maximumf %max3A_236, %get3A_245 : vector<16xf32>
      %get3A_247 = arith.constant 22 : i32
      %get3A_248 = arith.index_cast %get3A_247 : i32 to index
      %get3A_249 = arith.constant 0 : index
      %get3A_250 = tpu.vector_load %arg15[%get3A_248, %get3A_249] {strides = array<i32>} : memref<32x16xf32, #tpu.memory_space<vmem>>, vector<16xf32>,
      %min3A_251 = arith.minimumf %min3A_241, %get3A_250 : vector<16xf32>
      %get3A_252 = arith.constant 22 : i32
      %get3A_253 = arith.index_cast %get3A_252 : i32 to index
      %get3A_254 = arith.constant 0 : index
      %get3A_255 = tpu.vector_load %arg16[%get3A_253, %get3A_254] {strides = array<i32>} : memref<32x16xf32, #tpu.memory_space<vmem>>, vector<16xf32>,
      %max3A_256 = arith.maximumf %max3A_246, %get3A_255 : vector<16xf32>
      %get3A_257 = arith.constant 23 : i32
      %get3A_258 = arith.index_cast %get3A_257 : i32 to index
      %get3A_259 = arith.constant 0 : index
      %get3A_260 = tpu.vector_load %arg15[%get3A_258, %get3A_259] {strides = array<i32>} : memref<32x16xf32, #tpu.memory_space<vmem>>, vector<16xf32>,
      %min3A_261 = arith.minimumf %min3A_251, %get3A_260 : vector<16xf32>
      %get3A_262 = arith.constant 23 : i32
      %get3A_263 = arith.index_cast %get3A_262 : i32 to index
      %get3A_264 = arith.constant 0 : index
      %get3A_265 = tpu.vector_load %arg16[%get3A_263, %get3A_264] {strides = array<i32>} : memref<32x16xf32, #tpu.memory_space<vmem>>, vector<16xf32>,
      %max3A_266 = arith.maximumf %max3A_256, %get3A_265 : vector<16xf32>
      %get3A_267 = arith.constant 24 : i32
      %get3A_268 = arith.index_cast %get3A_267 : i32 to index
      %get3A_269 = arith.constant 0 : index
      %get3A_270 = tpu.vector_load %arg15[%get3A_268, %get3A_269] {strides = array<i32>} : memref<32x16xf32, #tpu.memory_space<vmem>>, vector<16xf32>,
      %min3A_271 = arith.minimumf %min3A_261, %get3A_270 : vector<16xf32>
      %get3A_272 = arith.constant 24 : i32
      %get3A_273 = arith.index_cast %get3A_272 : i32 to index
      %get3A_274 = arith.constant 0 : index
      %get3A_275 = tpu.vector_load %arg16[%get3A_273, %get3A_274] {strides = array<i32>} : memref<32x16xf32, #tpu.memory_space<vmem>>, vector<16xf32>,
      %max3A_276 = arith.maximumf %max3A_266, %get3A_275 : vector<16xf32>
      %get3A_277 = arith.constant 25 : i32
      %get3A_278 = arith.index_cast %get3A_277 : i32 to index
      %get3A_279 = arith.constant 0 : index
      %get3A_280 = tpu.vector_load %arg15[%get3A_278, %get3A_279] {strides = array<i32>} : memref<32x16xf32, #tpu.memory_space<vmem>>, vector<16xf32>,
      %min3A_281 = arith.minimumf %min3A_271, %get3A_280 : vector<16xf32>
      %get3A_282 = arith.constant 25 : i32
      %get3A_283 = arith.index_cast %get3A_282 : i32 to index
      %get3A_284 = arith.constant 0 : index
      %get3A_285 = tpu.vector_load %arg16[%get3A_283, %get3A_284] {strides = array<i32>} : memref<32x16xf32, #tpu.memory_space<vmem>>, vector<16xf32>,
      %max3A_286 = arith.maximumf %max3A_276, %get3A_285 : vector<16xf32>
      %get3A_287 = arith.constant 26 : i32
      %get3A_288 = arith.index_cast %get3A_287 : i32 to index
      %get3A_289 = arith.constant 0 : index
      %get3A_290 = tpu.vector_load %arg15[%get3A_288, %get3A_289] {strides = array<i32>} : memref<32x16xf32, #tpu.memory_space<vmem>>, vector<16xf32>,
      %min3A_291 = arith.minimumf %min3A_281, %get3A_290 : vector<16xf32>
      %get3A_292 = arith.constant 26 : i32
      %get3A_293 = arith.index_cast %get3A_292 : i32 to index
      %get3A_294 = arith.constant 0 : index
      %get3A_295 = tpu.vector_load %arg16[%get3A_293, %get3A_294] {strides = array<i32>} : memref<32x16xf32, #tpu.memory_space<vmem>>, vector<16xf32>,
      %max3A_296 = arith.maximumf %max3A_286, %get3A_295 : vector<16xf32>
      %get3A_297 = arith.constant 27 : i32
      %get3A_298 = arith.index_cast %get3A_297 : i32 to index
      %get3A_299 = arith.constant 0 : index
      %get3A_300 = tpu.vector_load %arg15[%get3A_298, %get3A_299] {strides = array<i32>} : memref<32x16xf32, #tpu.memory_space<vmem>>, vector<16xf32>,
      %min3A_301 = arith.minimumf %min3A_291, %get3A_300 : vector<16xf32>
      %get3A_302 = arith.constant 27 : i32
      %get3A_303 = arith.index_cast %get3A_302 : i32 to index
      %get3A_304 = arith.constant 0 : index
      %get3A_305 = tpu.vector_load %arg16[%get3A_303, %get3A_304] {strides = array<i32>} : memref<32x16xf32, #tpu.memory_space<vmem>>, vector<16xf32>,
      %max3A_306 = arith.maximumf %max3A_296, %get3A_305 : vector<16xf32>
      %get3A_307 = arith.constant 28 : i32
      %get3A_308 = arith.index_cast %get3A_307 : i32 to index
      %get3A_309 = arith.constant 0 : index
      %get3A_310 = tpu.vector_load %arg15[%get3A_308, %get3A_309] {strides = array<i32>} : memref<32x16xf32, #tpu.memory_space<vmem>>, vector<16xf32>,
      %min3A_311 = arith.minimumf %min3A_301, %get3A_310 : vector<16xf32>
      %get3A_312 = arith.constant 28 : i32
      %get3A_313 = arith.index_cast %get3A_312 : i32 to index
      %get3A_314 = arith.constant 0 : index
      %get3A_315 = tpu.vector_load %arg16[%get3A_313, %get3A_314] {strides = array<i32>} : memref<32x16xf32, #tpu.memory_space<vmem>>, vector<16xf32>,
      %max3A_316 = arith.maximumf %max3A_306, %get3A_315 : vector<16xf32>
      %get3A_317 = arith.constant 29 : i32
      %get3A_318 = arith.index_cast %get3A_317 : i32 to index
      %get3A_319 = arith.constant 0 : index
      %get3A_320 = tpu.vector_load %arg15[%get3A_318, %get3A_319] {strides = array<i32>} : memref<32x16xf32, #tpu.memory_space<vmem>>, vector<16xf32>,
      %min3A_321 = arith.minimumf %min3A_311, %get3A_320 : vector<16xf32>
      %get3A_322 = arith.constant 29 : i32
      %get3A_323 = arith.index_cast %get3A_322 : i32 to index
      %get3A_324 = arith.constant 0 : index
      %get3A_325 = tpu.vector_load %arg16[%get3A_323, %get3A_324] {strides = array<i32>} : memref<32x16xf32, #tpu.memory_space<vmem>>, vector<16xf32>,
      %max3A_326 = arith.maximumf %max3A_316, %get3A_325 : vector<16xf32>
      %get3A_327 = arith.constant 30 : i32
      %get3A_328 = arith.index_cast %get3A_327 : i32 to index
      %get3A_329 = arith.constant 0 : index
      %get3A_330 = tpu.vector_load %arg15[%get3A_328, %get3A_329] {strides = array<i32>} : memref<32x16xf32, #tpu.memory_space<vmem>>, vector<16xf32>,
      %min3A_331 = arith.minimumf %min3A_321, %get3A_330 : vector<16xf32>
      %get3A_332 = arith.constant 30 : i32
      %get3A_333 = arith.index_cast %get3A_332 : i32 to index
      %get3A_334 = arith.constant 0 : index
      %get3A_335 = tpu.vector_load %arg16[%get3A_333, %get3A_334] {strides = array<i32>} : memref<32x16xf32, #tpu.memory_space<vmem>>, vector<16xf32>,
      %max3A_336 = arith.maximumf %max3A_326, %get3A_335 : vector<16xf32>
      %get3A_337 = arith.constant 31 : i32
      %get3A_338 = arith.index_cast %get3A_337 : i32 to index
      %get3A_339 = arith.constant 0 : index
      %get3A_340 = tpu.vector_load %arg15[%get3A_338, %get3A_339] {strides = array<i32>} : memref<32x16xf32, #tpu.memory_space<vmem>>, vector<16xf32>,
      %min3A_341 = arith.minimumf %min3A_331, %get3A_340 : vector<16xf32>
      %get3A_342 = arith.constant 31 : i32
      %get3A_343 = arith.index_cast %get3A_342 : i32 to index
      %get3A_344 = arith.constant 0 : index
      %get3A_345 = tpu.vector_load %arg16[%get3A_343, %get3A_344] {strides = array<i32>} : memref<32x16xf32, #tpu.memory_space<vmem>>, vector<16xf32>,
      %max3A_346 = arith.maximumf %max3A_336, %get3A_345 : vector<16xf32>
      %reduce_min3A = arith.constant true
      %reduce_min3A_347 = vector.broadcast %reduce_min3A : i1 to vector<16xi1>
      %reduce_min3A_348 = tpu.scan <min>, %min3A_341 masked %reduce_min3A_347 : vector<16xf32>, vector<16xi1> -> vector<16xf32>
      %reduce_min3A_349 = vector.extract %reduce_min3A_348[15] : f32 from vector<16xf32>
      %reduce_max3A = arith.constant true
      %reduce_max3A_350 = vector.broadcast %reduce_max3A : i1 to vector<16xi1>
      %reduce_max3A_351 = tpu.scan <max>, %max3A_346 masked %reduce_max3A_350 : vector<16xf32>, vector<16xi1> -> vector<16xf32>
      %reduce_max3A_352 = vector.extract %reduce_max3A_351[15] : f32 from vector<16xf32>
      %iota3A = tpu.iota {dimensions = array<i32: 0>} : vector<16xi32>
      %parallel_loop3A = arith.constant 0 : i32
      %parallel_loop3A_353 = arith.constant 128 : i32
      %parallel_loop3A_354 = arith.constant 1 : i32
      scf.for %parallel_loop3A_374 = %parallel_loop3A to %parallel_loop3A_353 step %parallel_loop3A_354  : i32 {
        %parallel_loop3A_375 = arith.constant 16 : i32
        %parallel_loop3A_376 = arith.muli %parallel_loop3A_374, %parallel_loop3A_375 : i32
        %parallel_loop3A_377 = vector.broadcast %parallel_loop3A_376 : i32 to vector<16xi32>
        %parallel_loop3A_378 = arith.addi %parallel_loop3A_377, %iota3A : vector<16xi32>
        %parallel_loop3A_379 = arith.constant 21 : i32
        %parallel_loop3A_380 = vector.broadcast %parallel_loop3A_379 : i32 to vector<16xi32>
        %parallel_loop3A_381 = arith.shli %parallel_loop3A_378, %parallel_loop3A_380 : vector<16xi32>
        %parallel_loop3A_382 = arith.constant 1048576 : i32
        %parallel_loop3A_383 = vector.broadcast %parallel_loop3A_382 : i32 to vector<16xi32>
        %parallel_loop3A_384 = arith.ori %parallel_loop3A_381, %parallel_loop3A_383 : vector<16xi32>
        %parallel_loop3A_385 = vector.bitcast %parallel_loop3A_384 : vector<16xi32> to vector<16xf32>
        %parallel_loop3A_386 = arith.constant 0 : i32
        %parallel_loop3A_387 = vector.broadcast %parallel_loop3A_386 : i32 to vector<16xi32>
        %parallel_loop3A_388 = vector.broadcast %squeeze3A_6 : f32 to vector<16xf32>
        %parallel_loop3A_389 = arith.cmpf ogt, %parallel_loop3A_385, %parallel_loop3A_388 : vector<16xf32>
        %parallel_loop3A_390 = arith.constant 1 : i32
        %parallel_loop3A_391 = arith.constant 0 : i32
        %parallel_loop3A_392 = vector.broadcast %parallel_loop3A_390 : i32 to vector<16xi32>
        %parallel_loop3A_393 = vector.broadcast %parallel_loop3A_391 : i32 to vector<16xi32>
        %parallel_loop3A_394 = arith.select %parallel_loop3A_389, %parallel_loop3A_392, %parallel_loop3A_393 : vector<16xi1>, vector<16xi32>
        %parallel_loop3A_395 = arith.addi %parallel_loop3A_387, %parallel_loop3A_394 : vector<16xi32>
        %parallel_loop3A_396 = vector.broadcast %squeeze3A_8 : f32 to vector<16xf32>
        %parallel_loop3A_397 = arith.cmpf ogt, %parallel_loop3A_385, %parallel_loop3A_396 : vector<16xf32>
        %parallel_loop3A_398 = arith.constant 1 : i32
        %parallel_loop3A_399 = arith.constant 0 : i32
        %parallel_loop3A_400 = vector.broadcast %parallel_loop3A_398 : i32 to vector<16xi32>
        %parallel_loop3A_401 = vector.broadcast %parallel_loop3A_399 : i32 to vector<16xi32>
        %parallel_loop3A_402 = arith.select %parallel_loop3A_397, %parallel_loop3A_400, %parallel_loop3A_401 : vector<16xi1>, vector<16xi32>
        %parallel_loop3A_403 = arith.addi %parallel_loop3A_395, %parallel_loop3A_402 : vector<16xi32>
        %parallel_loop3A_404 = vector.broadcast %squeeze3A_10 : f32 to vector<16xf32>
        %parallel_loop3A_405 = arith.cmpf ogt, %parallel_loop3A_385, %parallel_loop3A_404 : vector<16xf32>
        %parallel_loop3A_406 = arith.constant 1 : i32
        %parallel_loop3A_407 = arith.constant 0 : i32
        %parallel_loop3A_408 = vector.broadcast %parallel_loop3A_406 : i32 to vector<16xi32>
        %parallel_loop3A_409 = vector.broadcast %parallel_loop3A_407 : i32 to vector<16xi32>
        %parallel_loop3A_410 = arith.select %parallel_loop3A_405, %parallel_loop3A_408, %parallel_loop3A_409 : vector<16xi1>, vector<16xi32>
        %parallel_loop3A_411 = arith.addi %parallel_loop3A_403, %parallel_loop3A_410 : vector<16xi32>
        %parallel_loop3A_412 = vector.broadcast %squeeze3A_12 : f32 to vector<16xf32>
        %parallel_loop3A_413 = arith.cmpf ogt, %parallel_loop3A_385, %parallel_loop3A_412 : vector<16xf32>
        %parallel_loop3A_414 = arith.constant 1 : i32
        %parallel_loop3A_415 = arith.constant 0 : i32
        %parallel_loop3A_416 = vector.broadcast %parallel_loop3A_414 : i32 to vector<16xi32>
        %parallel_loop3A_417 = vector.broadcast %parallel_loop3A_415 : i32 to vector<16xi32>
        %parallel_loop3A_418 = arith.select %parallel_loop3A_413, %parallel_loop3A_416, %parallel_loop3A_417 : vector<16xi1>, vector<16xi32>
        %parallel_loop3A_419 = arith.addi %parallel_loop3A_411, %parallel_loop3A_418 : vector<16xi32>
        %parallel_loop3A_420 = vector.broadcast %squeeze3A_14 : f32 to vector<16xf32>
        %parallel_loop3A_421 = arith.cmpf ogt, %parallel_loop3A_385, %parallel_loop3A_420 : vector<16xf32>
        %parallel_loop3A_422 = arith.constant 1 : i32
        %parallel_loop3A_423 = arith.constant 0 : i32
        %parallel_loop3A_424 = vector.broadcast %parallel_loop3A_422 : i32 to vector<16xi32>
        %parallel_loop3A_425 = vector.broadcast %parallel_loop3A_423 : i32 to vector<16xi32>
        %parallel_loop3A_426 = arith.select %parallel_loop3A_421, %parallel_loop3A_424, %parallel_loop3A_425 : vector<16xi1>, vector<16xi32>
        %parallel_loop3A_427 = arith.addi %parallel_loop3A_419, %parallel_loop3A_426 : vector<16xi32>
        %parallel_loop3A_428 = vector.broadcast %squeeze3A_16 : f32 to vector<16xf32>
        %parallel_loop3A_429 = arith.cmpf ogt, %parallel_loop3A_385, %parallel_loop3A_428 : vector<16xf32>
        %parallel_loop3A_430 = arith.constant 1 : i32
        %parallel_loop3A_431 = arith.constant 0 : i32
        %parallel_loop3A_432 = vector.broadcast %parallel_loop3A_430 : i32 to vector<16xi32>
        %parallel_loop3A_433 = vector.broadcast %parallel_loop3A_431 : i32 to vector<16xi32>
        %parallel_loop3A_434 = arith.select %parallel_loop3A_429, %parallel_loop3A_432, %parallel_loop3A_433 : vector<16xi1>, vector<16xi32>
        %parallel_loop3A_435 = arith.addi %parallel_loop3A_427, %parallel_loop3A_434 : vector<16xi32>
        %parallel_loop3A_436 = vector.broadcast %squeeze3A_18 : f32 to vector<16xf32>
        %parallel_loop3A_437 = arith.cmpf ogt, %parallel_loop3A_385, %parallel_loop3A_436 : vector<16xf32>
        %parallel_loop3A_438 = arith.constant 1 : i32
        %parallel_loop3A_439 = arith.constant 0 : i32
        %parallel_loop3A_440 = vector.broadcast %parallel_loop3A_438 : i32 to vector<16xi32>
        %parallel_loop3A_441 = vector.broadcast %parallel_loop3A_439 : i32 to vector<16xi32>
        %parallel_loop3A_442 = arith.select %parallel_loop3A_437, %parallel_loop3A_440, %parallel_loop3A_441 : vector<16xi1>, vector<16xi32>
        %parallel_loop3A_443 = arith.addi %parallel_loop3A_435, %parallel_loop3A_442 : vector<16xi32>
        %parallel_loop3A_444 = vector.broadcast %squeeze3A_20 : f32 to vector<16xf32>
        %parallel_loop3A_445 = arith.cmpf ogt, %parallel_loop3A_385, %parallel_loop3A_444 : vector<16xf32>
        %parallel_loop3A_446 = arith.constant 1 : i32
        %parallel_loop3A_447 = arith.constant 0 : i32
        %parallel_loop3A_448 = vector.broadcast %parallel_loop3A_446 : i32 to vector<16xi32>
        %parallel_loop3A_449 = vector.broadcast %parallel_loop3A_447 : i32 to vector<16xi32>
        %parallel_loop3A_450 = arith.select %parallel_loop3A_445, %parallel_loop3A_448, %parallel_loop3A_449 : vector<16xi1>, vector<16xi32>
        %parallel_loop3A_451 = arith.addi %parallel_loop3A_443, %parallel_loop3A_450 : vector<16xi32>
        %parallel_loop3A_452 = tpu.vector_load_idx %arg14[%parallel_loop3A_451] : memref<16xf32, #tpu.memory_space<vmem>>[vector<16xi32>], vector<16xf32>,
        %parallel_loop3A_453 = vector.broadcast %reduce_min3A_349 : f32 to vector<16xf32>
        %parallel_loop3A_454 = arith.maximumf %parallel_loop3A_452, %parallel_loop3A_453 : vector<16xf32>
        %parallel_loop3A_455 = vector.broadcast %reduce_max3A_352 : f32 to vector<16xf32>
        %parallel_loop3A_456 = arith.minimumf %parallel_loop3A_454, %parallel_loop3A_455 : vector<16xf32>
        %parallel_loop3A_457 = arith.constant 16 : i32
        %parallel_loop3A_458 = arith.muli %parallel_loop3A_374, %parallel_loop3A_457 : i32
        %parallel_loop3A_459 = arith.index_cast %parallel_loop3A_458 : i32 to index
        %parallel_loop3A_460 = tpu.vector_load %arg12[%parallel_loop3A_459] {strides = array<i32>} : memref<2048xf32, #tpu.memory_space<vmem>>, vector<16xf32>,
        tpu.vector_store %arg12[%parallel_loop3A_459], %parallel_loop3A_456 {strides = array<i32>} : memref<2048xf32, #tpu.memory_space<vmem>>, vector<16xf32>,
      } {sc.loop_unroll_factor = 1 : i64, sc.parallel_access}
      %add3A_355 = arith.constant 8 : i32
      %add3A_356 = arith.addi %mul3A_2, %add3A_355 : i32
      %dma_start3A_357 = arith.constant 0 : i32
      %dma_start3A_358 = tpu.memref_slice %arg2[%add3A_356, %dma_start3A_357] : memref<2048x2048xf32, #tpu.memory_space<hbm>> -> memref<8x2048xf32, #tpu.memory_space<hbm>>
      %dma_start3A_359 = arith.constant 0 : i32
      %dma_start3A_360 = tpu.memref_slice %arg2[%add3A_356, %dma_start3A_359] : memref<2048x2048xf32, #tpu.memory_space<hbm>> -> memref<8x2048xf32, #tpu.memory_space<hbm>>
      tpu.enqueue_dma source(%dma_start3A_360 : memref<8x2048xf32, #tpu.memory_space<hbm>>) target(%arg9 : memref<8x2048xf32, #tpu.memory_space<vmem>>) target_semaphore(%arg18 : memref<!tpu.dma_semaphore, #tpu.memory_space<semaphore_mem>>)
      %scan3A = arith.constant 0 : i32
      %scan3A_361 = arith.constant 0 : i32
      %scan3A_362 = arith.constant 4 : i32
      %scan3A_363 = arith.addi %scan3A_361, %scan3A_362 : i32
      %scan3A_364 = arith.constant 1 : i32
      %scan3A_365 = scf.for %scan3A_374 = %scan3A_361 to %scan3A_363 step %scan3A_364 iter_args(%scan3A_375 = %scan3A) -> (i32)  : i32 {
        %mul3A_376 = arith.constant 2 : i32
        %mul3A_377 = arith.muli %mul3A_376, %scan3A_374 : i32
        %add3A_378 = arith.constant 0 : i32
        %add3A_379 = arith.addi %mul3A_377, %add3A_378 : i32
        %dma_wait3A_380 = arith.constant 0 : i32
        %dma_wait3A_381 = tpu.memref_slice %arg2[%mul3A_2, %dma_wait3A_380] : memref<2048x2048xf32, #tpu.memory_space<hbm>> -> memref<8x2048xf32, #tpu.memory_space<hbm>>
        %dma_wait3A_382 = arith.constant 0 : i32
        %dma_wait3A_383 = tpu.memref_slice %arg2[%mul3A_2, %dma_wait3A_382] : memref<2048x2048xf32, #tpu.memory_space<hbm>> -> memref<8x2048xf32, #tpu.memory_space<hbm>>
        tpu.wait_dma2 semaphore(%arg17 : memref<!tpu.dma_semaphore, #tpu.memory_space<semaphore_mem>>) src(%dma_wait3A_383 : memref<8x2048xf32, #tpu.memory_space<hbm>>) dst(%arg8 : memref<8x2048xf32, #tpu.memory_space<vmem>>)
        %ge3A = arith.constant 2 : i32
        %ge3A_384 = arith.cmpi sge, %add3A_379, %ge3A : i32
        %convert_element_type3A_385 = arith.extui %ge3A_384 : i1 to i32
        %cond3A_386 = arith.constant 0 : i32
        %cond3A_387 = arith.cmpi ne, %convert_element_type3A_385, %cond3A_386 : i32
        scf.if %cond3A_387 {
          %dma_wait3A_435 = arith.constant 0 : i32
          %dma_wait3A_436 = tpu.memref_slice %arg7[%mul3A_2, %dma_wait3A_435] : memref<2048x2048xf32, #tpu.memory_space<hbm>> -> memref<8x2048xf32, #tpu.memory_space<hbm>>
          %dma_wait3A_437 = arith.constant 0 : i32
          %dma_wait3A_438 = tpu.memref_slice %arg7[%mul3A_2, %dma_wait3A_437] : memref<2048x2048xf32, #tpu.memory_space<hbm>> -> memref<8x2048xf32, #tpu.memory_space<hbm>>
          tpu.wait_dma2 semaphore(%arg19 : memref<!tpu.dma_semaphore, #tpu.memory_space<semaphore_mem>>) src(%arg10 : memref<8x2048xf32, #tpu.memory_space<vmem>>) dst(%dma_wait3A_438 : memref<8x2048xf32, #tpu.memory_space<hbm>>)
        } else {
        }
        %parallel_loop3A_388 = arith.constant 0 : i32
        %parallel_loop3A_389 = arith.constant 128 : i32
        %parallel_loop3A_390 = arith.constant 1 : i32
        scf.for %parallel_loop3A_435 = %parallel_loop3A_388 to %parallel_loop3A_389 step %parallel_loop3A_390  : i32 {
          %parallel_loop3A_436 = arith.constant 16 : i32
          %parallel_loop3A_437 = arith.muli %parallel_loop3A_435, %parallel_loop3A_436 : i32
          %parallel_loop3A_438 = arith.constant 0 : i32
          %parallel_loop3A_439 = arith.index_cast %parallel_loop3A_438 : i32 to index
          %parallel_loop3A_440 = arith.index_cast %parallel_loop3A_437 : i32 to index
          %parallel_loop3A_441 = tpu.vector_load %arg8[%parallel_loop3A_439, %parallel_loop3A_440] {strides = array<i32>} : memref<8x2048xf32, #tpu.memory_space<vmem>>, vector<16xf32>,
          %parallel_loop3A_442 = vector.bitcast %parallel_loop3A_441 : vector<16xf32> to vector<16xi32>
          %parallel_loop3A_443 = arith.constant 21 : i32
          %parallel_loop3A_444 = vector.broadcast %parallel_loop3A_443 : i32 to vector<16xi32>
          %parallel_loop3A_445 = arith.shrsi %parallel_loop3A_442, %parallel_loop3A_444 : vector<16xi32>
          %parallel_loop3A_446 = arith.constant 2047 : i32
          %parallel_loop3A_447 = vector.broadcast %parallel_loop3A_446 : i32 to vector<16xi32>
          %parallel_loop3A_448 = arith.andi %parallel_loop3A_445, %parallel_loop3A_447 : vector<16xi32>
          %parallel_loop3A_449 = tpu.vector_load_idx %arg12[%parallel_loop3A_448] : memref<2048xf32, #tpu.memory_space<vmem>>[vector<16xi32>], vector<16xf32>,
          %parallel_loop3A_450 = arith.constant 16 : i32
          %parallel_loop3A_451 = arith.muli %parallel_loop3A_435, %parallel_loop3A_450 : i32
          %parallel_loop3A_452 = arith.constant 0 : i32
          %parallel_loop3A_453 = arith.index_cast %parallel_loop3A_452 : i32 to index
          %parallel_loop3A_454 = arith.index_cast %parallel_loop3A_451 : i32 to index
          %parallel_loop3A_455 = tpu.vector_load %arg10[%parallel_loop3A_453, %parallel_loop3A_454] {strides = array<i32>} : memref<8x2048xf32, #tpu.memory_space<vmem>>, vector<16xf32>,
          tpu.vector_store %arg10[%parallel_loop3A_453, %parallel_loop3A_454], %parallel_loop3A_449 {strides = array<i32>} : memref<8x2048xf32, #tpu.memory_space<vmem>>, vector<16xf32>,
          %parallel_loop3A_456 = arith.constant 16 : i32
          %parallel_loop3A_457 = arith.muli %parallel_loop3A_435, %parallel_loop3A_456 : i32
          %parallel_loop3A_458 = arith.constant 1 : i32
          %parallel_loop3A_459 = arith.index_cast %parallel_loop3A_458 : i32 to index
          %parallel_loop3A_460 = arith.index_cast %parallel_loop3A_457 : i32 to index
          %parallel_loop3A_461 = tpu.vector_load %arg8[%parallel_loop3A_459, %parallel_loop3A_460] {strides = array<i32>} : memref<8x2048xf32, #tpu.memory_space<vmem>>, vector<16xf32>,
          %parallel_loop3A_462 = vector.bitcast %parallel_loop3A_461 : vector<16xf32> to vector<16xi32>
          %parallel_loop3A_463 = arith.constant 21 : i32
          %parallel_loop3A_464 = vector.broadcast %parallel_loop3A_463 : i32 to vector<16xi32>
          %parallel_loop3A_465 = arith.shrsi %parallel_loop3A_462, %parallel_loop3A_464 : vector<16xi32>
          %parallel_loop3A_466 = arith.constant 2047 : i32
          %parallel_loop3A_467 = vector.broadcast %parallel_loop3A_466 : i32 to vector<16xi32>
          %parallel_loop3A_468 = arith.andi %parallel_loop3A_465, %parallel_loop3A_467 : vector<16xi32>
          %parallel_loop3A_469 = tpu.vector_load_idx %arg12[%parallel_loop3A_468] : memref<2048xf32, #tpu.memory_space<vmem>>[vector<16xi32>], vector<16xf32>,
          %parallel_loop3A_470 = arith.constant 16 : i32
          %parallel_loop3A_471 = arith.muli %parallel_loop3A_435, %parallel_loop3A_470 : i32
          %parallel_loop3A_472 = arith.constant 1 : i32
          %parallel_loop3A_473 = arith.index_cast %parallel_loop3A_472 : i32 to index
          %parallel_loop3A_474 = arith.index_cast %parallel_loop3A_471 : i32 to index
          %parallel_loop3A_475 = tpu.vector_load %arg10[%parallel_loop3A_473, %parallel_loop3A_474] {strides = array<i32>} : memref<8x2048xf32, #tpu.memory_space<vmem>>, vector<16xf32>,
          tpu.vector_store %arg10[%parallel_loop3A_473, %parallel_loop3A_474], %parallel_loop3A_469 {strides = array<i32>} : memref<8x2048xf32, #tpu.memory_space<vmem>>, vector<16xf32>,
          %parallel_loop3A_476 = arith.constant 16 : i32
          %parallel_loop3A_477 = arith.muli %parallel_loop3A_435, %parallel_loop3A_476 : i32
          %parallel_loop3A_478 = arith.constant 2 : i32
          %parallel_loop3A_479 = arith.index_cast %parallel_loop3A_478 : i32 to index
          %parallel_loop3A_480 = arith.index_cast %parallel_loop3A_477 : i32 to index
          %parallel_loop3A_481 = tpu.vector_load %arg8[%parallel_loop3A_479, %parallel_loop3A_480] {strides = array<i32>} : memref<8x2048xf32, #tpu.memory_space<vmem>>, vector<16xf32>,
          %parallel_loop3A_482 = vector.bitcast %parallel_loop3A_481 : vector<16xf32> to vector<16xi32>
          %parallel_loop3A_483 = arith.constant 21 : i32
          %parallel_loop3A_484 = vector.broadcast %parallel_loop3A_483 : i32 to vector<16xi32>
          %parallel_loop3A_485 = arith.shrsi %parallel_loop3A_482, %parallel_loop3A_484 : vector<16xi32>
          %parallel_loop3A_486 = arith.constant 2047 : i32
          %parallel_loop3A_487 = vector.broadcast %parallel_loop3A_486 : i32 to vector<16xi32>
          %parallel_loop3A_488 = arith.andi %parallel_loop3A_485, %parallel_loop3A_487 : vector<16xi32>
          %parallel_loop3A_489 = tpu.vector_load_idx %arg12[%parallel_loop3A_488] : memref<2048xf32, #tpu.memory_space<vmem>>[vector<16xi32>], vector<16xf32>,
          %parallel_loop3A_490 = arith.constant 16 : i32
          %parallel_loop3A_491 = arith.muli %parallel_loop3A_435, %parallel_loop3A_490 : i32
          %parallel_loop3A_492 = arith.constant 2 : i32
          %parallel_loop3A_493 = arith.index_cast %parallel_loop3A_492 : i32 to index
          %parallel_loop3A_494 = arith.index_cast %parallel_loop3A_491 : i32 to index
          %parallel_loop3A_495 = tpu.vector_load %arg10[%parallel_loop3A_493, %parallel_loop3A_494] {strides = array<i32>} : memref<8x2048xf32, #tpu.memory_space<vmem>>, vector<16xf32>,
          tpu.vector_store %arg10[%parallel_loop3A_493, %parallel_loop3A_494], %parallel_loop3A_489 {strides = array<i32>} : memref<8x2048xf32, #tpu.memory_space<vmem>>, vector<16xf32>,
          %parallel_loop3A_496 = arith.constant 16 : i32
          %parallel_loop3A_497 = arith.muli %parallel_loop3A_435, %parallel_loop3A_496 : i32
          %parallel_loop3A_498 = arith.constant 3 : i32
          %parallel_loop3A_499 = arith.index_cast %parallel_loop3A_498 : i32 to index
          %parallel_loop3A_500 = arith.index_cast %parallel_loop3A_497 : i32 to index
          %parallel_loop3A_501 = tpu.vector_load %arg8[%parallel_loop3A_499, %parallel_loop3A_500] {strides = array<i32>} : memref<8x2048xf32, #tpu.memory_space<vmem>>, vector<16xf32>,
          %parallel_loop3A_502 = vector.bitcast %parallel_loop3A_501 : vector<16xf32> to vector<16xi32>
          %parallel_loop3A_503 = arith.constant 21 : i32
          %parallel_loop3A_504 = vector.broadcast %parallel_loop3A_503 : i32 to vector<16xi32>
          %parallel_loop3A_505 = arith.shrsi %parallel_loop3A_502, %parallel_loop3A_504 : vector<16xi32>
          %parallel_loop3A_506 = arith.constant 2047 : i32
          %parallel_loop3A_507 = vector.broadcast %parallel_loop3A_506 : i32 to vector<16xi32>
          %parallel_loop3A_508 = arith.andi %parallel_loop3A_505, %parallel_loop3A_507 : vector<16xi32>
          %parallel_loop3A_509 = tpu.vector_load_idx %arg12[%parallel_loop3A_508] : memref<2048xf32, #tpu.memory_space<vmem>>[vector<16xi32>], vector<16xf32>,
          %parallel_loop3A_510 = arith.constant 16 : i32
          %parallel_loop3A_511 = arith.muli %parallel_loop3A_435, %parallel_loop3A_510 : i32
          %parallel_loop3A_512 = arith.constant 3 : i32
          %parallel_loop3A_513 = arith.index_cast %parallel_loop3A_512 : i32 to index
          %parallel_loop3A_514 = arith.index_cast %parallel_loop3A_511 : i32 to index
          %parallel_loop3A_515 = tpu.vector_load %arg10[%parallel_loop3A_513, %parallel_loop3A_514] {strides = array<i32>} : memref<8x2048xf32, #tpu.memory_space<vmem>>, vector<16xf32>,
          tpu.vector_store %arg10[%parallel_loop3A_513, %parallel_loop3A_514], %parallel_loop3A_509 {strides = array<i32>} : memref<8x2048xf32, #tpu.memory_space<vmem>>, vector<16xf32>,
          %parallel_loop3A_516 = arith.constant 16 : i32
          %parallel_loop3A_517 = arith.muli %parallel_loop3A_435, %parallel_loop3A_516 : i32
          %parallel_loop3A_518 = arith.constant 4 : i32
          %parallel_loop3A_519 = arith.index_cast %parallel_loop3A_518 : i32 to index
          %parallel_loop3A_520 = arith.index_cast %parallel_loop3A_517 : i32 to index
          %parallel_loop3A_521 = tpu.vector_load %arg8[%parallel_loop3A_519, %parallel_loop3A_520] {strides = array<i32>} : memref<8x2048xf32, #tpu.memory_space<vmem>>, vector<16xf32>,
          %parallel_loop3A_522 = vector.bitcast %parallel_loop3A_521 : vector<16xf32> to vector<16xi32>
          %parallel_loop3A_523 = arith.constant 21 : i32
          %parallel_loop3A_524 = vector.broadcast %parallel_loop3A_523 : i32 to vector<16xi32>
          %parallel_loop3A_525 = arith.shrsi %parallel_loop3A_522, %parallel_loop3A_524 : vector<16xi32>
          %parallel_loop3A_526 = arith.constant 2047 : i32
          %parallel_loop3A_527 = vector.broadcast %parallel_loop3A_526 : i32 to vector<16xi32>
          %parallel_loop3A_528 = arith.andi %parallel_loop3A_525, %parallel_loop3A_527 : vector<16xi32>
          %parallel_loop3A_529 = tpu.vector_load_idx %arg12[%parallel_loop3A_528] : memref<2048xf32, #tpu.memory_space<vmem>>[vector<16xi32>], vector<16xf32>,
          %parallel_loop3A_530 = arith.constant 16 : i32
          %parallel_loop3A_531 = arith.muli %parallel_loop3A_435, %parallel_loop3A_530 : i32
          %parallel_loop3A_532 = arith.constant 4 : i32
          %parallel_loop3A_533 = arith.index_cast %parallel_loop3A_532 : i32 to index
          %parallel_loop3A_534 = arith.index_cast %parallel_loop3A_531 : i32 to index
          %parallel_loop3A_535 = tpu.vector_load %arg10[%parallel_loop3A_533, %parallel_loop3A_534] {strides = array<i32>} : memref<8x2048xf32, #tpu.memory_space<vmem>>, vector<16xf32>,
          tpu.vector_store %arg10[%parallel_loop3A_533, %parallel_loop3A_534], %parallel_loop3A_529 {strides = array<i32>} : memref<8x2048xf32, #tpu.memory_space<vmem>>, vector<16xf32>,
          %parallel_loop3A_536 = arith.constant 16 : i32
          %parallel_loop3A_537 = arith.muli %parallel_loop3A_435, %parallel_loop3A_536 : i32
          %parallel_loop3A_538 = arith.constant 5 : i32
          %parallel_loop3A_539 = arith.index_cast %parallel_loop3A_538 : i32 to index
          %parallel_loop3A_540 = arith.index_cast %parallel_loop3A_537 : i32 to index
          %parallel_loop3A_541 = tpu.vector_load %arg8[%parallel_loop3A_539, %parallel_loop3A_540] {strides = array<i32>} : memref<8x2048xf32, #tpu.memory_space<vmem>>, vector<16xf32>,
          %parallel_loop3A_542 = vector.bitcast %parallel_loop3A_541 : vector<16xf32> to vector<16xi32>
          %parallel_loop3A_543 = arith.constant 21 : i32
          %parallel_loop3A_544 = vector.broadcast %parallel_loop3A_543 : i32 to vector<16xi32>
          %parallel_loop3A_545 = arith.shrsi %parallel_loop3A_542, %parallel_loop3A_544 : vector<16xi32>
          %parallel_loop3A_546 = arith.constant 2047 : i32
          %parallel_loop3A_547 = vector.broadcast %parallel_loop3A_546 : i32 to vector<16xi32>
          %parallel_loop3A_548 = arith.andi %parallel_loop3A_545, %parallel_loop3A_547 : vector<16xi32>
          %parallel_loop3A_549 = tpu.vector_load_idx %arg12[%parallel_loop3A_548] : memref<2048xf32, #tpu.memory_space<vmem>>[vector<16xi32>], vector<16xf32>,
          %parallel_loop3A_550 = arith.constant 16 : i32
          %parallel_loop3A_551 = arith.muli %parallel_loop3A_435, %parallel_loop3A_550 : i32
          %parallel_loop3A_552 = arith.constant 5 : i32
          %parallel_loop3A_553 = arith.index_cast %parallel_loop3A_552 : i32 to index
          %parallel_loop3A_554 = arith.index_cast %parallel_loop3A_551 : i32 to index
          %parallel_loop3A_555 = tpu.vector_load %arg10[%parallel_loop3A_553, %parallel_loop3A_554] {strides = array<i32>} : memref<8x2048xf32, #tpu.memory_space<vmem>>, vector<16xf32>,
          tpu.vector_store %arg10[%parallel_loop3A_553, %parallel_loop3A_554], %parallel_loop3A_549 {strides = array<i32>} : memref<8x2048xf32, #tpu.memory_space<vmem>>, vector<16xf32>,
          %parallel_loop3A_556 = arith.constant 16 : i32
          %parallel_loop3A_557 = arith.muli %parallel_loop3A_435, %parallel_loop3A_556 : i32
          %parallel_loop3A_558 = arith.constant 6 : i32
          %parallel_loop3A_559 = arith.index_cast %parallel_loop3A_558 : i32 to index
          %parallel_loop3A_560 = arith.index_cast %parallel_loop3A_557 : i32 to index
          %parallel_loop3A_561 = tpu.vector_load %arg8[%parallel_loop3A_559, %parallel_loop3A_560] {strides = array<i32>} : memref<8x2048xf32, #tpu.memory_space<vmem>>, vector<16xf32>,
          %parallel_loop3A_562 = vector.bitcast %parallel_loop3A_561 : vector<16xf32> to vector<16xi32>
          %parallel_loop3A_563 = arith.constant 21 : i32
          %parallel_loop3A_564 = vector.broadcast %parallel_loop3A_563 : i32 to vector<16xi32>
          %parallel_loop3A_565 = arith.shrsi %parallel_loop3A_562, %parallel_loop3A_564 : vector<16xi32>
          %parallel_loop3A_566 = arith.constant 2047 : i32
          %parallel_loop3A_567 = vector.broadcast %parallel_loop3A_566 : i32 to vector<16xi32>
          %parallel_loop3A_568 = arith.andi %parallel_loop3A_565, %parallel_loop3A_567 : vector<16xi32>
          %parallel_loop3A_569 = tpu.vector_load_idx %arg12[%parallel_loop3A_568] : memref<2048xf32, #tpu.memory_space<vmem>>[vector<16xi32>], vector<16xf32>,
          %parallel_loop3A_570 = arith.constant 16 : i32
          %parallel_loop3A_571 = arith.muli %parallel_loop3A_435, %parallel_loop3A_570 : i32
          %parallel_loop3A_572 = arith.constant 6 : i32
          %parallel_loop3A_573 = arith.index_cast %parallel_loop3A_572 : i32 to index
          %parallel_loop3A_574 = arith.index_cast %parallel_loop3A_571 : i32 to index
          %parallel_loop3A_575 = tpu.vector_load %arg10[%parallel_loop3A_573, %parallel_loop3A_574] {strides = array<i32>} : memref<8x2048xf32, #tpu.memory_space<vmem>>, vector<16xf32>,
          tpu.vector_store %arg10[%parallel_loop3A_573, %parallel_loop3A_574], %parallel_loop3A_569 {strides = array<i32>} : memref<8x2048xf32, #tpu.memory_space<vmem>>, vector<16xf32>,
          %parallel_loop3A_576 = arith.constant 16 : i32
          %parallel_loop3A_577 = arith.muli %parallel_loop3A_435, %parallel_loop3A_576 : i32
          %parallel_loop3A_578 = arith.constant 7 : i32
          %parallel_loop3A_579 = arith.index_cast %parallel_loop3A_578 : i32 to index
          %parallel_loop3A_580 = arith.index_cast %parallel_loop3A_577 : i32 to index
          %parallel_loop3A_581 = tpu.vector_load %arg8[%parallel_loop3A_579, %parallel_loop3A_580] {strides = array<i32>} : memref<8x2048xf32, #tpu.memory_space<vmem>>, vector<16xf32>,
          %parallel_loop3A_582 = vector.bitcast %parallel_loop3A_581 : vector<16xf32> to vector<16xi32>
          %parallel_loop3A_583 = arith.constant 21 : i32
          %parallel_loop3A_584 = vector.broadcast %parallel_loop3A_583 : i32 to vector<16xi32>
          %parallel_loop3A_585 = arith.shrsi %parallel_loop3A_582, %parallel_loop3A_584 : vector<16xi32>
          %parallel_loop3A_586 = arith.constant 2047 : i32
          %parallel_loop3A_587 = vector.broadcast %parallel_loop3A_586 : i32 to vector<16xi32>
          %parallel_loop3A_588 = arith.andi %parallel_loop3A_585, %parallel_loop3A_587 : vector<16xi32>
          %parallel_loop3A_589 = tpu.vector_load_idx %arg12[%parallel_loop3A_588] : memref<2048xf32, #tpu.memory_space<vmem>>[vector<16xi32>], vector<16xf32>,
          %parallel_loop3A_590 = arith.constant 16 : i32
          %parallel_loop3A_591 = arith.muli %parallel_loop3A_435, %parallel_loop3A_590 : i32
          %parallel_loop3A_592 = arith.constant 7 : i32
          %parallel_loop3A_593 = arith.index_cast %parallel_loop3A_592 : i32 to index
          %parallel_loop3A_594 = arith.index_cast %parallel_loop3A_591 : i32 to index
          %parallel_loop3A_595 = tpu.vector_load %arg10[%parallel_loop3A_593, %parallel_loop3A_594] {strides = array<i32>} : memref<8x2048xf32, #tpu.memory_space<vmem>>, vector<16xf32>,
          tpu.vector_store %arg10[%parallel_loop3A_593, %parallel_loop3A_594], %parallel_loop3A_589 {strides = array<i32>} : memref<8x2048xf32, #tpu.memory_space<vmem>>, vector<16xf32>,
        } {sc.loop_unroll_factor = 2 : i64, sc.parallel_access}
        %add3A_391 = arith.constant 2 : i32
        %add3A_392 = arith.addi %add3A_379, %add3A_391 : i32
        %lt3A = arith.constant 8 : i32
        %lt3A_393 = arith.cmpi slt, %add3A_392, %lt3A : i32
        %convert_element_type3A_394 = arith.extui %lt3A_393 : i1 to i32
        %cond3A_395 = arith.constant 0 : i32
        %cond3A_396 = arith.cmpi ne, %convert_element_type3A_394, %cond3A_395 : i32
        scf.if %cond3A_396 {
          %add3A_435 = arith.constant 2 : i32
          %add3A_436 = arith.addi %add3A_379, %add3A_435 : i32
          %mul3A_437 = arith.constant 8 : i32
          %mul3A_438 = arith.muli %add3A_436, %mul3A_437 : i32
          %add3A_439 = arith.addi %mul3A_2, %mul3A_438 : i32
          %dma_start3A_440 = arith.constant 0 : i32
          %dma_start3A_441 = tpu.memref_slice %arg2[%add3A_439, %dma_start3A_440] : memref<2048x2048xf32, #tpu.memory_space<hbm>> -> memref<8x2048xf32, #tpu.memory_space<hbm>>
          %dma_start3A_442 = arith.constant 0 : i32
          %dma_start3A_443 = tpu.memref_slice %arg2[%add3A_439, %dma_start3A_442] : memref<2048x2048xf32, #tpu.memory_space<hbm>> -> memref<8x2048xf32, #tpu.memory_space<hbm>>
          tpu.enqueue_dma source(%dma_start3A_443 : memref<8x2048xf32, #tpu.memory_space<hbm>>) target(%arg8 : memref<8x2048xf32, #tpu.memory_space<vmem>>) target_semaphore(%arg17 : memref<!tpu.dma_semaphore, #tpu.memory_space<semaphore_mem>>)
        } else {
        }
        %mul3A_397 = arith.constant 8 : i32
        %mul3A_398 = arith.muli %add3A_379, %mul3A_397 : i32
        %add3A_399 = arith.addi %mul3A_2, %mul3A_398 : i32
        %dma_start3A_400 = arith.constant 0 : i32
        %dma_start3A_401 = tpu.memref_slice %arg7[%add3A_399, %dma_start3A_400] : memref<2048x2048xf32, #tpu.memory_space<hbm>> -> memref<8x2048xf32, #tpu.memory_space<hbm>>
        %dma_start3A_402 = arith.constant 0 : i32
        %dma_start3A_403 = tpu.memref_slice %arg7[%add3A_399, %dma_start3A_402] : memref<2048x2048xf32, #tpu.memory_space<hbm>> -> memref<8x2048xf32, #tpu.memory_space<hbm>>
        tpu.enqueue_dma source(%arg10 : memref<8x2048xf32, #tpu.memory_space<vmem>>) target(%dma_start3A_403 : memref<8x2048xf32, #tpu.memory_space<hbm>>) target_semaphore(%arg19 : memref<!tpu.dma_semaphore, #tpu.memory_space<semaphore_mem>>)
        %mul3A_404 = arith.constant 2 : i32
        %mul3A_405 = arith.muli %mul3A_404, %scan3A_374 : i32
        %add3A_406 = arith.constant 1 : i32
        %add3A_407 = arith.addi %mul3A_405, %add3A_406 : i32
        %dma_wait3A_408 = arith.constant 0 : i32
        %dma_wait3A_409 = tpu.memref_slice %arg2[%mul3A_2, %dma_wait3A_408] : memref<2048x2048xf32, #tpu.memory_space<hbm>> -> memref<8x2048xf32, #tpu.memory_space<hbm>>
        %dma_wait3A_410 = arith.constant 0 : i32
        %dma_wait3A_411 = tpu.memref_slice %arg2[%mul3A_2, %dma_wait3A_410] : memref<2048x2048xf32, #tpu.memory_space<hbm>> -> memref<8x2048xf32, #tpu.memory_space<hbm>>
        tpu.wait_dma2 semaphore(%arg18 : memref<!tpu.dma_semaphore, #tpu.memory_space<semaphore_mem>>) src(%dma_wait3A_411 : memref<8x2048xf32, #tpu.memory_space<hbm>>) dst(%arg9 : memref<8x2048xf32, #tpu.memory_space<vmem>>)
        %ge3A_412 = arith.constant 2 : i32
        %ge3A_413 = arith.cmpi sge, %add3A_407, %ge3A_412 : i32
        %convert_element_type3A_414 = arith.extui %ge3A_413 : i1 to i32
        %cond3A_415 = arith.constant 0 : i32
        %cond3A_416 = arith.cmpi ne, %convert_element_type3A_414, %cond3A_415 : i32
        scf.if %cond3A_416 {
          %dma_wait3A_435 = arith.constant 0 : i32
          %dma_wait3A_436 = tpu.memref_slice %arg7[%mul3A_2, %dma_wait3A_435] : memref<2048x2048xf32, #tpu.memory_space<hbm>> -> memref<8x2048xf32, #tpu.memory_space<hbm>>
          %dma_wait3A_437 = arith.constant 0 : i32
          %dma_wait3A_438 = tpu.memref_slice %arg7[%mul3A_2, %dma_wait3A_437] : memref<2048x2048xf32, #tpu.memory_space<hbm>> -> memref<8x2048xf32, #tpu.memory_space<hbm>>
          tpu.wait_dma2 semaphore(%arg20 : memref<!tpu.dma_semaphore, #tpu.memory_space<semaphore_mem>>) src(%arg11 : memref<8x2048xf32, #tpu.memory_space<vmem>>) dst(%dma_wait3A_438 : memref<8x2048xf32, #tpu.memory_space<hbm>>)
        } else {
        }
        %parallel_loop3A_417 = arith.constant 0 : i32
        %parallel_loop3A_418 = arith.constant 128 : i32
        %parallel_loop3A_419 = arith.constant 1 : i32
        scf.for %parallel_loop3A_435 = %parallel_loop3A_417 to %parallel_loop3A_418 step %parallel_loop3A_419  : i32 {
          %parallel_loop3A_436 = arith.constant 16 : i32
          %parallel_loop3A_437 = arith.muli %parallel_loop3A_435, %parallel_loop3A_436 : i32
          %parallel_loop3A_438 = arith.constant 0 : i32
          %parallel_loop3A_439 = arith.index_cast %parallel_loop3A_438 : i32 to index
          %parallel_loop3A_440 = arith.index_cast %parallel_loop3A_437 : i32 to index
          %parallel_loop3A_441 = tpu.vector_load %arg9[%parallel_loop3A_439, %parallel_loop3A_440] {strides = array<i32>} : memref<8x2048xf32, #tpu.memory_space<vmem>>, vector<16xf32>,
          %parallel_loop3A_442 = vector.bitcast %parallel_loop3A_441 : vector<16xf32> to vector<16xi32>
          %parallel_loop3A_443 = arith.constant 21 : i32
          %parallel_loop3A_444 = vector.broadcast %parallel_loop3A_443 : i32 to vector<16xi32>
          %parallel_loop3A_445 = arith.shrsi %parallel_loop3A_442, %parallel_loop3A_444 : vector<16xi32>
          %parallel_loop3A_446 = arith.constant 2047 : i32
          %parallel_loop3A_447 = vector.broadcast %parallel_loop3A_446 : i32 to vector<16xi32>
          %parallel_loop3A_448 = arith.andi %parallel_loop3A_445, %parallel_loop3A_447 : vector<16xi32>
          %parallel_loop3A_449 = tpu.vector_load_idx %arg12[%parallel_loop3A_448] : memref<2048xf32, #tpu.memory_space<vmem>>[vector<16xi32>], vector<16xf32>,
          %parallel_loop3A_450 = arith.constant 16 : i32
          %parallel_loop3A_451 = arith.muli %parallel_loop3A_435, %parallel_loop3A_450 : i32
          %parallel_loop3A_452 = arith.constant 0 : i32
          %parallel_loop3A_453 = arith.index_cast %parallel_loop3A_452 : i32 to index
          %parallel_loop3A_454 = arith.index_cast %parallel_loop3A_451 : i32 to index
          %parallel_loop3A_455 = tpu.vector_load %arg11[%parallel_loop3A_453, %parallel_loop3A_454] {strides = array<i32>} : memref<8x2048xf32, #tpu.memory_space<vmem>>, vector<16xf32>,
          tpu.vector_store %arg11[%parallel_loop3A_453, %parallel_loop3A_454], %parallel_loop3A_449 {strides = array<i32>} : memref<8x2048xf32, #tpu.memory_space<vmem>>, vector<16xf32>,
          %parallel_loop3A_456 = arith.constant 16 : i32
          %parallel_loop3A_457 = arith.muli %parallel_loop3A_435, %parallel_loop3A_456 : i32
          %parallel_loop3A_458 = arith.constant 1 : i32
          %parallel_loop3A_459 = arith.index_cast %parallel_loop3A_458 : i32 to index
          %parallel_loop3A_460 = arith.index_cast %parallel_loop3A_457 : i32 to index
          %parallel_loop3A_461 = tpu.vector_load %arg9[%parallel_loop3A_459, %parallel_loop3A_460] {strides = array<i32>} : memref<8x2048xf32, #tpu.memory_space<vmem>>, vector<16xf32>,
          %parallel_loop3A_462 = vector.bitcast %parallel_loop3A_461 : vector<16xf32> to vector<16xi32>
          %parallel_loop3A_463 = arith.constant 21 : i32
          %parallel_loop3A_464 = vector.broadcast %parallel_loop3A_463 : i32 to vector<16xi32>
          %parallel_loop3A_465 = arith.shrsi %parallel_loop3A_462, %parallel_loop3A_464 : vector<16xi32>
          %parallel_loop3A_466 = arith.constant 2047 : i32
          %parallel_loop3A_467 = vector.broadcast %parallel_loop3A_466 : i32 to vector<16xi32>
          %parallel_loop3A_468 = arith.andi %parallel_loop3A_465, %parallel_loop3A_467 : vector<16xi32>
          %parallel_loop3A_469 = tpu.vector_load_idx %arg12[%parallel_loop3A_468] : memref<2048xf32, #tpu.memory_space<vmem>>[vector<16xi32>], vector<16xf32>,
          %parallel_loop3A_470 = arith.constant 16 : i32
          %parallel_loop3A_471 = arith.muli %parallel_loop3A_435, %parallel_loop3A_470 : i32
          %parallel_loop3A_472 = arith.constant 1 : i32
          %parallel_loop3A_473 = arith.index_cast %parallel_loop3A_472 : i32 to index
          %parallel_loop3A_474 = arith.index_cast %parallel_loop3A_471 : i32 to index
          %parallel_loop3A_475 = tpu.vector_load %arg11[%parallel_loop3A_473, %parallel_loop3A_474] {strides = array<i32>} : memref<8x2048xf32, #tpu.memory_space<vmem>>, vector<16xf32>,
          tpu.vector_store %arg11[%parallel_loop3A_473, %parallel_loop3A_474], %parallel_loop3A_469 {strides = array<i32>} : memref<8x2048xf32, #tpu.memory_space<vmem>>, vector<16xf32>,
          %parallel_loop3A_476 = arith.constant 16 : i32
          %parallel_loop3A_477 = arith.muli %parallel_loop3A_435, %parallel_loop3A_476 : i32
          %parallel_loop3A_478 = arith.constant 2 : i32
          %parallel_loop3A_479 = arith.index_cast %parallel_loop3A_478 : i32 to index
          %parallel_loop3A_480 = arith.index_cast %parallel_loop3A_477 : i32 to index
          %parallel_loop3A_481 = tpu.vector_load %arg9[%parallel_loop3A_479, %parallel_loop3A_480] {strides = array<i32>} : memref<8x2048xf32, #tpu.memory_space<vmem>>, vector<16xf32>,
          %parallel_loop3A_482 = vector.bitcast %parallel_loop3A_481 : vector<16xf32> to vector<16xi32>
          %parallel_loop3A_483 = arith.constant 21 : i32
          %parallel_loop3A_484 = vector.broadcast %parallel_loop3A_483 : i32 to vector<16xi32>
          %parallel_loop3A_485 = arith.shrsi %parallel_loop3A_482, %parallel_loop3A_484 : vector<16xi32>
          %parallel_loop3A_486 = arith.constant 2047 : i32
          %parallel_loop3A_487 = vector.broadcast %parallel_loop3A_486 : i32 to vector<16xi32>
          %parallel_loop3A_488 = arith.andi %parallel_loop3A_485, %parallel_loop3A_487 : vector<16xi32>
          %parallel_loop3A_489 = tpu.vector_load_idx %arg12[%parallel_loop3A_488] : memref<2048xf32, #tpu.memory_space<vmem>>[vector<16xi32>], vector<16xf32>,
          %parallel_loop3A_490 = arith.constant 16 : i32
          %parallel_loop3A_491 = arith.muli %parallel_loop3A_435, %parallel_loop3A_490 : i32
          %parallel_loop3A_492 = arith.constant 2 : i32
          %parallel_loop3A_493 = arith.index_cast %parallel_loop3A_492 : i32 to index
          %parallel_loop3A_494 = arith.index_cast %parallel_loop3A_491 : i32 to index
          %parallel_loop3A_495 = tpu.vector_load %arg11[%parallel_loop3A_493, %parallel_loop3A_494] {strides = array<i32>} : memref<8x2048xf32, #tpu.memory_space<vmem>>, vector<16xf32>,
          tpu.vector_store %arg11[%parallel_loop3A_493, %parallel_loop3A_494], %parallel_loop3A_489 {strides = array<i32>} : memref<8x2048xf32, #tpu.memory_space<vmem>>, vector<16xf32>,
          %parallel_loop3A_496 = arith.constant 16 : i32
          %parallel_loop3A_497 = arith.muli %parallel_loop3A_435, %parallel_loop3A_496 : i32
          %parallel_loop3A_498 = arith.constant 3 : i32
          %parallel_loop3A_499 = arith.index_cast %parallel_loop3A_498 : i32 to index
          %parallel_loop3A_500 = arith.index_cast %parallel_loop3A_497 : i32 to index
          %parallel_loop3A_501 = tpu.vector_load %arg9[%parallel_loop3A_499, %parallel_loop3A_500] {strides = array<i32>} : memref<8x2048xf32, #tpu.memory_space<vmem>>, vector<16xf32>,
          %parallel_loop3A_502 = vector.bitcast %parallel_loop3A_501 : vector<16xf32> to vector<16xi32>
          %parallel_loop3A_503 = arith.constant 21 : i32
          %parallel_loop3A_504 = vector.broadcast %parallel_loop3A_503 : i32 to vector<16xi32>
          %parallel_loop3A_505 = arith.shrsi %parallel_loop3A_502, %parallel_loop3A_504 : vector<16xi32>
          %parallel_loop3A_506 = arith.constant 2047 : i32
          %parallel_loop3A_507 = vector.broadcast %parallel_loop3A_506 : i32 to vector<16xi32>
          %parallel_loop3A_508 = arith.andi %parallel_loop3A_505, %parallel_loop3A_507 : vector<16xi32>
          %parallel_loop3A_509 = tpu.vector_load_idx %arg12[%parallel_loop3A_508] : memref<2048xf32, #tpu.memory_space<vmem>>[vector<16xi32>], vector<16xf32>,
          %parallel_loop3A_510 = arith.constant 16 : i32
          %parallel_loop3A_511 = arith.muli %parallel_loop3A_435, %parallel_loop3A_510 : i32
          %parallel_loop3A_512 = arith.constant 3 : i32
          %parallel_loop3A_513 = arith.index_cast %parallel_loop3A_512 : i32 to index
          %parallel_loop3A_514 = arith.index_cast %parallel_loop3A_511 : i32 to index
          %parallel_loop3A_515 = tpu.vector_load %arg11[%parallel_loop3A_513, %parallel_loop3A_514] {strides = array<i32>} : memref<8x2048xf32, #tpu.memory_space<vmem>>, vector<16xf32>,
          tpu.vector_store %arg11[%parallel_loop3A_513, %parallel_loop3A_514], %parallel_loop3A_509 {strides = array<i32>} : memref<8x2048xf32, #tpu.memory_space<vmem>>, vector<16xf32>,
          %parallel_loop3A_516 = arith.constant 16 : i32
          %parallel_loop3A_517 = arith.muli %parallel_loop3A_435, %parallel_loop3A_516 : i32
          %parallel_loop3A_518 = arith.constant 4 : i32
          %parallel_loop3A_519 = arith.index_cast %parallel_loop3A_518 : i32 to index
          %parallel_loop3A_520 = arith.index_cast %parallel_loop3A_517 : i32 to index
          %parallel_loop3A_521 = tpu.vector_load %arg9[%parallel_loop3A_519, %parallel_loop3A_520] {strides = array<i32>} : memref<8x2048xf32, #tpu.memory_space<vmem>>, vector<16xf32>,
          %parallel_loop3A_522 = vector.bitcast %parallel_loop3A_521 : vector<16xf32> to vector<16xi32>
          %parallel_loop3A_523 = arith.constant 21 : i32
          %parallel_loop3A_524 = vector.broadcast %parallel_loop3A_523 : i32 to vector<16xi32>
          %parallel_loop3A_525 = arith.shrsi %parallel_loop3A_522, %parallel_loop3A_524 : vector<16xi32>
          %parallel_loop3A_526 = arith.constant 2047 : i32
          %parallel_loop3A_527 = vector.broadcast %parallel_loop3A_526 : i32 to vector<16xi32>
          %parallel_loop3A_528 = arith.andi %parallel_loop3A_525, %parallel_loop3A_527 : vector<16xi32>
          %parallel_loop3A_529 = tpu.vector_load_idx %arg12[%parallel_loop3A_528] : memref<2048xf32, #tpu.memory_space<vmem>>[vector<16xi32>], vector<16xf32>,
          %parallel_loop3A_530 = arith.constant 16 : i32
          %parallel_loop3A_531 = arith.muli %parallel_loop3A_435, %parallel_loop3A_530 : i32
          %parallel_loop3A_532 = arith.constant 4 : i32
          %parallel_loop3A_533 = arith.index_cast %parallel_loop3A_532 : i32 to index
          %parallel_loop3A_534 = arith.index_cast %parallel_loop3A_531 : i32 to index
          %parallel_loop3A_535 = tpu.vector_load %arg11[%parallel_loop3A_533, %parallel_loop3A_534] {strides = array<i32>} : memref<8x2048xf32, #tpu.memory_space<vmem>>, vector<16xf32>,
          tpu.vector_store %arg11[%parallel_loop3A_533, %parallel_loop3A_534], %parallel_loop3A_529 {strides = array<i32>} : memref<8x2048xf32, #tpu.memory_space<vmem>>, vector<16xf32>,
          %parallel_loop3A_536 = arith.constant 16 : i32
          %parallel_loop3A_537 = arith.muli %parallel_loop3A_435, %parallel_loop3A_536 : i32
          %parallel_loop3A_538 = arith.constant 5 : i32
          %parallel_loop3A_539 = arith.index_cast %parallel_loop3A_538 : i32 to index
          %parallel_loop3A_540 = arith.index_cast %parallel_loop3A_537 : i32 to index
          %parallel_loop3A_541 = tpu.vector_load %arg9[%parallel_loop3A_539, %parallel_loop3A_540] {strides = array<i32>} : memref<8x2048xf32, #tpu.memory_space<vmem>>, vector<16xf32>,
          %parallel_loop3A_542 = vector.bitcast %parallel_loop3A_541 : vector<16xf32> to vector<16xi32>
          %parallel_loop3A_543 = arith.constant 21 : i32
          %parallel_loop3A_544 = vector.broadcast %parallel_loop3A_543 : i32 to vector<16xi32>
          %parallel_loop3A_545 = arith.shrsi %parallel_loop3A_542, %parallel_loop3A_544 : vector<16xi32>
          %parallel_loop3A_546 = arith.constant 2047 : i32
          %parallel_loop3A_547 = vector.broadcast %parallel_loop3A_546 : i32 to vector<16xi32>
          %parallel_loop3A_548 = arith.andi %parallel_loop3A_545, %parallel_loop3A_547 : vector<16xi32>
          %parallel_loop3A_549 = tpu.vector_load_idx %arg12[%parallel_loop3A_548] : memref<2048xf32, #tpu.memory_space<vmem>>[vector<16xi32>], vector<16xf32>,
          %parallel_loop3A_550 = arith.constant 16 : i32
          %parallel_loop3A_551 = arith.muli %parallel_loop3A_435, %parallel_loop3A_550 : i32
          %parallel_loop3A_552 = arith.constant 5 : i32
          %parallel_loop3A_553 = arith.index_cast %parallel_loop3A_552 : i32 to index
          %parallel_loop3A_554 = arith.index_cast %parallel_loop3A_551 : i32 to index
          %parallel_loop3A_555 = tpu.vector_load %arg11[%parallel_loop3A_553, %parallel_loop3A_554] {strides = array<i32>} : memref<8x2048xf32, #tpu.memory_space<vmem>>, vector<16xf32>,
          tpu.vector_store %arg11[%parallel_loop3A_553, %parallel_loop3A_554], %parallel_loop3A_549 {strides = array<i32>} : memref<8x2048xf32, #tpu.memory_space<vmem>>, vector<16xf32>,
          %parallel_loop3A_556 = arith.constant 16 : i32
          %parallel_loop3A_557 = arith.muli %parallel_loop3A_435, %parallel_loop3A_556 : i32
          %parallel_loop3A_558 = arith.constant 6 : i32
          %parallel_loop3A_559 = arith.index_cast %parallel_loop3A_558 : i32 to index
          %parallel_loop3A_560 = arith.index_cast %parallel_loop3A_557 : i32 to index
          %parallel_loop3A_561 = tpu.vector_load %arg9[%parallel_loop3A_559, %parallel_loop3A_560] {strides = array<i32>} : memref<8x2048xf32, #tpu.memory_space<vmem>>, vector<16xf32>,
          %parallel_loop3A_562 = vector.bitcast %parallel_loop3A_561 : vector<16xf32> to vector<16xi32>
          %parallel_loop3A_563 = arith.constant 21 : i32
          %parallel_loop3A_564 = vector.broadcast %parallel_loop3A_563 : i32 to vector<16xi32>
          %parallel_loop3A_565 = arith.shrsi %parallel_loop3A_562, %parallel_loop3A_564 : vector<16xi32>
          %parallel_loop3A_566 = arith.constant 2047 : i32
          %parallel_loop3A_567 = vector.broadcast %parallel_loop3A_566 : i32 to vector<16xi32>
          %parallel_loop3A_568 = arith.andi %parallel_loop3A_565, %parallel_loop3A_567 : vector<16xi32>
          %parallel_loop3A_569 = tpu.vector_load_idx %arg12[%parallel_loop3A_568] : memref<2048xf32, #tpu.memory_space<vmem>>[vector<16xi32>], vector<16xf32>,
          %parallel_loop3A_570 = arith.constant 16 : i32
          %parallel_loop3A_571 = arith.muli %parallel_loop3A_435, %parallel_loop3A_570 : i32
          %parallel_loop3A_572 = arith.constant 6 : i32
          %parallel_loop3A_573 = arith.index_cast %parallel_loop3A_572 : i32 to index
          %parallel_loop3A_574 = arith.index_cast %parallel_loop3A_571 : i32 to index
          %parallel_loop3A_575 = tpu.vector_load %arg11[%parallel_loop3A_573, %parallel_loop3A_574] {strides = array<i32>} : memref<8x2048xf32, #tpu.memory_space<vmem>>, vector<16xf32>,
          tpu.vector_store %arg11[%parallel_loop3A_573, %parallel_loop3A_574], %parallel_loop3A_569 {strides = array<i32>} : memref<8x2048xf32, #tpu.memory_space<vmem>>, vector<16xf32>,
          %parallel_loop3A_576 = arith.constant 16 : i32
          %parallel_loop3A_577 = arith.muli %parallel_loop3A_435, %parallel_loop3A_576 : i32
          %parallel_loop3A_578 = arith.constant 7 : i32
          %parallel_loop3A_579 = arith.index_cast %parallel_loop3A_578 : i32 to index
          %parallel_loop3A_580 = arith.index_cast %parallel_loop3A_577 : i32 to index
          %parallel_loop3A_581 = tpu.vector_load %arg9[%parallel_loop3A_579, %parallel_loop3A_580] {strides = array<i32>} : memref<8x2048xf32, #tpu.memory_space<vmem>>, vector<16xf32>,
          %parallel_loop3A_582 = vector.bitcast %parallel_loop3A_581 : vector<16xf32> to vector<16xi32>
          %parallel_loop3A_583 = arith.constant 21 : i32
          %parallel_loop3A_584 = vector.broadcast %parallel_loop3A_583 : i32 to vector<16xi32>
          %parallel_loop3A_585 = arith.shrsi %parallel_loop3A_582, %parallel_loop3A_584 : vector<16xi32>
          %parallel_loop3A_586 = arith.constant 2047 : i32
          %parallel_loop3A_587 = vector.broadcast %parallel_loop3A_586 : i32 to vector<16xi32>
          %parallel_loop3A_588 = arith.andi %parallel_loop3A_585, %parallel_loop3A_587 : vector<16xi32>
          %parallel_loop3A_589 = tpu.vector_load_idx %arg12[%parallel_loop3A_588] : memref<2048xf32, #tpu.memory_space<vmem>>[vector<16xi32>], vector<16xf32>,
          %parallel_loop3A_590 = arith.constant 16 : i32
          %parallel_loop3A_591 = arith.muli %parallel_loop3A_435, %parallel_loop3A_590 : i32
          %parallel_loop3A_592 = arith.constant 7 : i32
          %parallel_loop3A_593 = arith.index_cast %parallel_loop3A_592 : i32 to index
          %parallel_loop3A_594 = arith.index_cast %parallel_loop3A_591 : i32 to index
          %parallel_loop3A_595 = tpu.vector_load %arg11[%parallel_loop3A_593, %parallel_loop3A_594] {strides = array<i32>} : memref<8x2048xf32, #tpu.memory_space<vmem>>, vector<16xf32>,
          tpu.vector_store %arg11[%parallel_loop3A_593, %parallel_loop3A_594], %parallel_loop3A_589 {strides = array<i32>} : memref<8x2048xf32, #tpu.memory_space<vmem>>, vector<16xf32>,
        } {sc.loop_unroll_factor = 2 : i64, sc.parallel_access}
        %add3A_420 = arith.constant 2 : i32
        %add3A_421 = arith.addi %add3A_407, %add3A_420 : i32
        %lt3A_422 = arith.constant 8 : i32
        %lt3A_423 = arith.cmpi slt, %add3A_421, %lt3A_422 : i32
        %convert_element_type3A_424 = arith.extui %lt3A_423 : i1 to i32
        %cond3A_425 = arith.constant 0 : i32
        %cond3A_426 = arith.cmpi ne, %convert_element_type3A_424, %cond3A_425 : i32
        scf.if %cond3A_426 {
          %add3A_435 = arith.constant 2 : i32
          %add3A_436 = arith.addi %add3A_407, %add3A_435 : i32
          %mul3A_437 = arith.constant 8 : i32
          %mul3A_438 = arith.muli %add3A_436, %mul3A_437 : i32
          %add3A_439 = arith.addi %mul3A_2, %mul3A_438 : i32
          %dma_start3A_440 = arith.constant 0 : i32
          %dma_start3A_441 = tpu.memref_slice %arg2[%add3A_439, %dma_start3A_440] : memref<2048x2048xf32, #tpu.memory_space<hbm>> -> memref<8x2048xf32, #tpu.memory_space<hbm>>
          %dma_start3A_442 = arith.constant 0 : i32
          %dma_start3A_443 = tpu.memref_slice %arg2[%add3A_439, %dma_start3A_442] : memref<2048x2048xf32, #tpu.memory_space<hbm>> -> memref<8x2048xf32, #tpu.memory_space<hbm>>
          tpu.enqueue_dma source(%dma_start3A_443 : memref<8x2048xf32, #tpu.memory_space<hbm>>) target(%arg9 : memref<8x2048xf32, #tpu.memory_space<vmem>>) target_semaphore(%arg18 : memref<!tpu.dma_semaphore, #tpu.memory_space<semaphore_mem>>)
        } else {
        }
        %mul3A_427 = arith.constant 8 : i32
        %mul3A_428 = arith.muli %add3A_407, %mul3A_427 : i32
        %add3A_429 = arith.addi %mul3A_2, %mul3A_428 : i32
        %dma_start3A_430 = arith.constant 0 : i32
        %dma_start3A_431 = tpu.memref_slice %arg7[%add3A_429, %dma_start3A_430] : memref<2048x2048xf32, #tpu.memory_space<hbm>> -> memref<8x2048xf32, #tpu.memory_space<hbm>>
        %dma_start3A_432 = arith.constant 0 : i32
        %dma_start3A_433 = tpu.memref_slice %arg7[%add3A_429, %dma_start3A_432] : memref<2048x2048xf32, #tpu.memory_space<hbm>> -> memref<8x2048xf32, #tpu.memory_space<hbm>>
        tpu.enqueue_dma source(%arg11 : memref<8x2048xf32, #tpu.memory_space<vmem>>) target(%dma_start3A_433 : memref<8x2048xf32, #tpu.memory_space<hbm>>) target_semaphore(%arg20 : memref<!tpu.dma_semaphore, #tpu.memory_space<semaphore_mem>>)
        %scan3A_434 = arith.constant 0 : i32
        scf.yield %scan3A_434 : i32
      }
      %scan3A_366 = arith.constant 4 : i32
      %dma_wait3A = arith.constant 0 : i32
      %dma_wait3A_367 = tpu.memref_slice %arg7[%mul3A_2, %dma_wait3A] : memref<2048x2048xf32, #tpu.memory_space<hbm>> -> memref<8x2048xf32, #tpu.memory_space<hbm>>
      %dma_wait3A_368 = arith.constant 0 : i32
      %dma_wait3A_369 = tpu.memref_slice %arg7[%mul3A_2, %dma_wait3A_368] : memref<2048x2048xf32, #tpu.memory_space<hbm>> -> memref<8x2048xf32, #tpu.memory_space<hbm>>
      tpu.wait_dma2 semaphore(%arg19 : memref<!tpu.dma_semaphore, #tpu.memory_space<semaphore_mem>>) src(%arg10 : memref<8x2048xf32, #tpu.memory_space<vmem>>) dst(%dma_wait3A_369 : memref<8x2048xf32, #tpu.memory_space<hbm>>)
      %dma_wait3A_370 = arith.constant 0 : i32
      %dma_wait3A_371 = tpu.memref_slice %arg7[%mul3A_2, %dma_wait3A_370] : memref<2048x2048xf32, #tpu.memory_space<hbm>> -> memref<8x2048xf32, #tpu.memory_space<hbm>>
      %dma_wait3A_372 = arith.constant 0 : i32
      %dma_wait3A_373 = tpu.memref_slice %arg7[%mul3A_2, %dma_wait3A_372] : memref<2048x2048xf32, #tpu.memory_space<hbm>> -> memref<8x2048xf32, #tpu.memory_space<hbm>>
      tpu.wait_dma2 semaphore(%arg20 : memref<!tpu.dma_semaphore, #tpu.memory_space<semaphore_mem>>) src(%arg11 : memref<8x2048xf32, #tpu.memory_space<vmem>>) dst(%dma_wait3A_373 : memref<8x2048xf32, #tpu.memory_space<hbm>>)
    } else {
    }
    %not3A = arith.constant true
    %not3A_22 = arith.xori %gt3A_4, %not3A : i1
    %convert_element_type3A_23 = arith.extui %not3A_22 : i1 to i32
    %cond3A_24 = arith.constant 0 : i32
    %cond3A_25 = arith.cmpi ne, %convert_element_type3A_23, %cond3A_24 : i32
    scf.if %cond3A_25 {
      %add3A_26 = arith.constant 0 : i32
      %add3A_27 = arith.addi %mul3A_2, %add3A_26 : i32
      %dma_start3A = arith.constant 0 : i32
      %dma_start3A_28 = tpu.memref_slice %arg2[%add3A_27, %dma_start3A] : memref<2048x2048xf32, #tpu.memory_space<hbm>> -> memref<8x2048xf32, #tpu.memory_space<hbm>>
      %dma_start3A_29 = arith.constant 0 : i32
      %dma_start3A_30 = tpu.memref_slice %arg2[%add3A_27, %dma_start3A_29] : memref<2048x2048xf32, #tpu.memory_space<hbm>> -> memref<8x2048xf32, #tpu.memory_space<hbm>>
      tpu.enqueue_dma source(%dma_start3A_30 : memref<8x2048xf32, #tpu.memory_space<hbm>>) target(%arg8 : memref<8x2048xf32, #tpu.memory_space<vmem>>) target_semaphore(%arg17 : memref<!tpu.dma_semaphore, #tpu.memory_space<semaphore_mem>>)
      "tpu.region"() ({
        %run_scoped3A = tpu.sem_alloc : memref<!tpu.dma_semaphore, #tpu.memory_space<semaphore_mem>>
        tpu.enqueue_dma source(%arg5 : memref<32x16xf32, #tpu.memory_space<hbm>>) target(%arg15 : memref<32x16xf32, #tpu.memory_space<vmem>>) target_semaphore(%run_scoped3A : memref<!tpu.dma_semaphore, #tpu.memory_space<semaphore_mem>>)
        tpu.wait_dma2 semaphore(%run_scoped3A : memref<!tpu.dma_semaphore, #tpu.memory_space<semaphore_mem>>) src(%arg5 : memref<32x16xf32, #tpu.memory_space<hbm>>) dst(%arg15 : memref<32x16xf32, #tpu.memory_space<vmem>>)
        tpu.yield
      }) : () -> ()
      "tpu.region"() ({
        %run_scoped3A = tpu.sem_alloc : memref<!tpu.dma_semaphore, #tpu.memory_space<semaphore_mem>>
        tpu.enqueue_dma source(%arg6 : memref<32x16xf32, #tpu.memory_space<hbm>>) target(%arg16 : memref<32x16xf32, #tpu.memory_space<vmem>>) target_semaphore(%run_scoped3A : memref<!tpu.dma_semaphore, #tpu.memory_space<semaphore_mem>>)
        tpu.wait_dma2 semaphore(%run_scoped3A : memref<!tpu.dma_semaphore, #tpu.memory_space<semaphore_mem>>) src(%arg6 : memref<32x16xf32, #tpu.memory_space<hbm>>) dst(%arg16 : memref<32x16xf32, #tpu.memory_space<vmem>>)
        tpu.yield
      }) : () -> ()
      %get3A_31 = arith.constant 0 : i32
      %get3A_32 = arith.index_cast %get3A_31 : i32 to index
      %get3A_33 = arith.constant 0 : index
      %get3A_34 = tpu.vector_load %arg15[%get3A_32, %get3A_33] {strides = array<i32>} : memref<32x16xf32, #tpu.memory_space<vmem>>, vector<16xf32>,
      %get3A_35 = arith.constant 0 : i32
      %get3A_36 = arith.index_cast %get3A_35 : i32 to index
      %get3A_37 = arith.constant 0 : index
      %get3A_38 = tpu.vector_load %arg16[%get3A_36, %get3A_37] {strides = array<i32>} : memref<32x16xf32, #tpu.memory_space<vmem>>, vector<16xf32>,
      %get3A_39 = arith.constant 1 : i32
      %get3A_40 = arith.index_cast %get3A_39 : i32 to index
      %get3A_41 = arith.constant 0 : index
      %get3A_42 = tpu.vector_load %arg15[%get3A_40, %get3A_41] {strides = array<i32>} : memref<32x16xf32, #tpu.memory_space<vmem>>, vector<16xf32>,
      %min3A = arith.minimumf %get3A_34, %get3A_42 : vector<16xf32>
      %get3A_43 = arith.constant 1 : i32
      %get3A_44 = arith.index_cast %get3A_43 : i32 to index
      %get3A_45 = arith.constant 0 : index
      %get3A_46 = tpu.vector_load %arg16[%get3A_44, %get3A_45] {strides = array<i32>} : memref<32x16xf32, #tpu.memory_space<vmem>>, vector<16xf32>,
      %max3A = arith.maximumf %get3A_38, %get3A_46 : vector<16xf32>
      %get3A_47 = arith.constant 2 : i32
      %get3A_48 = arith.index_cast %get3A_47 : i32 to index
      %get3A_49 = arith.constant 0 : index
      %get3A_50 = tpu.vector_load %arg15[%get3A_48, %get3A_49] {strides = array<i32>} : memref<32x16xf32, #tpu.memory_space<vmem>>, vector<16xf32>,
      %min3A_51 = arith.minimumf %min3A, %get3A_50 : vector<16xf32>
      %get3A_52 = arith.constant 2 : i32
      %get3A_53 = arith.index_cast %get3A_52 : i32 to index
      %get3A_54 = arith.constant 0 : index
      %get3A_55 = tpu.vector_load %arg16[%get3A_53, %get3A_54] {strides = array<i32>} : memref<32x16xf32, #tpu.memory_space<vmem>>, vector<16xf32>,
      %max3A_56 = arith.maximumf %max3A, %get3A_55 : vector<16xf32>
      %get3A_57 = arith.constant 3 : i32
      %get3A_58 = arith.index_cast %get3A_57 : i32 to index
      %get3A_59 = arith.constant 0 : index
      %get3A_60 = tpu.vector_load %arg15[%get3A_58, %get3A_59] {strides = array<i32>} : memref<32x16xf32, #tpu.memory_space<vmem>>, vector<16xf32>,
      %min3A_61 = arith.minimumf %min3A_51, %get3A_60 : vector<16xf32>
      %get3A_62 = arith.constant 3 : i32
      %get3A_63 = arith.index_cast %get3A_62 : i32 to index
      %get3A_64 = arith.constant 0 : index
      %get3A_65 = tpu.vector_load %arg16[%get3A_63, %get3A_64] {strides = array<i32>} : memref<32x16xf32, #tpu.memory_space<vmem>>, vector<16xf32>,
      %max3A_66 = arith.maximumf %max3A_56, %get3A_65 : vector<16xf32>
      %get3A_67 = arith.constant 4 : i32
      %get3A_68 = arith.index_cast %get3A_67 : i32 to index
      %get3A_69 = arith.constant 0 : index
      %get3A_70 = tpu.vector_load %arg15[%get3A_68, %get3A_69] {strides = array<i32>} : memref<32x16xf32, #tpu.memory_space<vmem>>, vector<16xf32>,
      %min3A_71 = arith.minimumf %min3A_61, %get3A_70 : vector<16xf32>
      %get3A_72 = arith.constant 4 : i32
      %get3A_73 = arith.index_cast %get3A_72 : i32 to index
      %get3A_74 = arith.constant 0 : index
      %get3A_75 = tpu.vector_load %arg16[%get3A_73, %get3A_74] {strides = array<i32>} : memref<32x16xf32, #tpu.memory_space<vmem>>, vector<16xf32>,
      %max3A_76 = arith.maximumf %max3A_66, %get3A_75 : vector<16xf32>
      %get3A_77 = arith.constant 5 : i32
      %get3A_78 = arith.index_cast %get3A_77 : i32 to index
      %get3A_79 = arith.constant 0 : index
      %get3A_80 = tpu.vector_load %arg15[%get3A_78, %get3A_79] {strides = array<i32>} : memref<32x16xf32, #tpu.memory_space<vmem>>, vector<16xf32>,
      %min3A_81 = arith.minimumf %min3A_71, %get3A_80 : vector<16xf32>
      %get3A_82 = arith.constant 5 : i32
      %get3A_83 = arith.index_cast %get3A_82 : i32 to index
      %get3A_84 = arith.constant 0 : index
      %get3A_85 = tpu.vector_load %arg16[%get3A_83, %get3A_84] {strides = array<i32>} : memref<32x16xf32, #tpu.memory_space<vmem>>, vector<16xf32>,
      %max3A_86 = arith.maximumf %max3A_76, %get3A_85 : vector<16xf32>
      %get3A_87 = arith.constant 6 : i32
      %get3A_88 = arith.index_cast %get3A_87 : i32 to index
      %get3A_89 = arith.constant 0 : index
      %get3A_90 = tpu.vector_load %arg15[%get3A_88, %get3A_89] {strides = array<i32>} : memref<32x16xf32, #tpu.memory_space<vmem>>, vector<16xf32>,
      %min3A_91 = arith.minimumf %min3A_81, %get3A_90 : vector<16xf32>
      %get3A_92 = arith.constant 6 : i32
      %get3A_93 = arith.index_cast %get3A_92 : i32 to index
      %get3A_94 = arith.constant 0 : index
      %get3A_95 = tpu.vector_load %arg16[%get3A_93, %get3A_94] {strides = array<i32>} : memref<32x16xf32, #tpu.memory_space<vmem>>, vector<16xf32>,
      %max3A_96 = arith.maximumf %max3A_86, %get3A_95 : vector<16xf32>
      %get3A_97 = arith.constant 7 : i32
      %get3A_98 = arith.index_cast %get3A_97 : i32 to index
      %get3A_99 = arith.constant 0 : index
      %get3A_100 = tpu.vector_load %arg15[%get3A_98, %get3A_99] {strides = array<i32>} : memref<32x16xf32, #tpu.memory_space<vmem>>, vector<16xf32>,
      %min3A_101 = arith.minimumf %min3A_91, %get3A_100 : vector<16xf32>
      %get3A_102 = arith.constant 7 : i32
      %get3A_103 = arith.index_cast %get3A_102 : i32 to index
      %get3A_104 = arith.constant 0 : index
      %get3A_105 = tpu.vector_load %arg16[%get3A_103, %get3A_104] {strides = array<i32>} : memref<32x16xf32, #tpu.memory_space<vmem>>, vector<16xf32>,
      %max3A_106 = arith.maximumf %max3A_96, %get3A_105 : vector<16xf32>
      %get3A_107 = arith.constant 8 : i32
      %get3A_108 = arith.index_cast %get3A_107 : i32 to index
      %get3A_109 = arith.constant 0 : index
      %get3A_110 = tpu.vector_load %arg15[%get3A_108, %get3A_109] {strides = array<i32>} : memref<32x16xf32, #tpu.memory_space<vmem>>, vector<16xf32>,
      %min3A_111 = arith.minimumf %min3A_101, %get3A_110 : vector<16xf32>
      %get3A_112 = arith.constant 8 : i32
      %get3A_113 = arith.index_cast %get3A_112 : i32 to index
      %get3A_114 = arith.constant 0 : index
      %get3A_115 = tpu.vector_load %arg16[%get3A_113, %get3A_114] {strides = array<i32>} : memref<32x16xf32, #tpu.memory_space<vmem>>, vector<16xf32>,
      %max3A_116 = arith.maximumf %max3A_106, %get3A_115 : vector<16xf32>
      %get3A_117 = arith.constant 9 : i32
      %get3A_118 = arith.index_cast %get3A_117 : i32 to index
      %get3A_119 = arith.constant 0 : index
      %get3A_120 = tpu.vector_load %arg15[%get3A_118, %get3A_119] {strides = array<i32>} : memref<32x16xf32, #tpu.memory_space<vmem>>, vector<16xf32>,
      %min3A_121 = arith.minimumf %min3A_111, %get3A_120 : vector<16xf32>
      %get3A_122 = arith.constant 9 : i32
      %get3A_123 = arith.index_cast %get3A_122 : i32 to index
      %get3A_124 = arith.constant 0 : index
      %get3A_125 = tpu.vector_load %arg16[%get3A_123, %get3A_124] {strides = array<i32>} : memref<32x16xf32, #tpu.memory_space<vmem>>, vector<16xf32>,
      %max3A_126 = arith.maximumf %max3A_116, %get3A_125 : vector<16xf32>
      %get3A_127 = arith.constant 10 : i32
      %get3A_128 = arith.index_cast %get3A_127 : i32 to index
      %get3A_129 = arith.constant 0 : index
      %get3A_130 = tpu.vector_load %arg15[%get3A_128, %get3A_129] {strides = array<i32>} : memref<32x16xf32, #tpu.memory_space<vmem>>, vector<16xf32>,
      %min3A_131 = arith.minimumf %min3A_121, %get3A_130 : vector<16xf32>
      %get3A_132 = arith.constant 10 : i32
      %get3A_133 = arith.index_cast %get3A_132 : i32 to index
      %get3A_134 = arith.constant 0 : index
      %get3A_135 = tpu.vector_load %arg16[%get3A_133, %get3A_134] {strides = array<i32>} : memref<32x16xf32, #tpu.memory_space<vmem>>, vector<16xf32>,
      %max3A_136 = arith.maximumf %max3A_126, %get3A_135 : vector<16xf32>
      %get3A_137 = arith.constant 11 : i32
      %get3A_138 = arith.index_cast %get3A_137 : i32 to index
      %get3A_139 = arith.constant 0 : index
      %get3A_140 = tpu.vector_load %arg15[%get3A_138, %get3A_139] {strides = array<i32>} : memref<32x16xf32, #tpu.memory_space<vmem>>, vector<16xf32>,
      %min3A_141 = arith.minimumf %min3A_131, %get3A_140 : vector<16xf32>
      %get3A_142 = arith.constant 11 : i32
      %get3A_143 = arith.index_cast %get3A_142 : i32 to index
      %get3A_144 = arith.constant 0 : index
      %get3A_145 = tpu.vector_load %arg16[%get3A_143, %get3A_144] {strides = array<i32>} : memref<32x16xf32, #tpu.memory_space<vmem>>, vector<16xf32>,
      %max3A_146 = arith.maximumf %max3A_136, %get3A_145 : vector<16xf32>
      %get3A_147 = arith.constant 12 : i32
      %get3A_148 = arith.index_cast %get3A_147 : i32 to index
      %get3A_149 = arith.constant 0 : index
      %get3A_150 = tpu.vector_load %arg15[%get3A_148, %get3A_149] {strides = array<i32>} : memref<32x16xf32, #tpu.memory_space<vmem>>, vector<16xf32>,
      %min3A_151 = arith.minimumf %min3A_141, %get3A_150 : vector<16xf32>
      %get3A_152 = arith.constant 12 : i32
      %get3A_153 = arith.index_cast %get3A_152 : i32 to index
      %get3A_154 = arith.constant 0 : index
      %get3A_155 = tpu.vector_load %arg16[%get3A_153, %get3A_154] {strides = array<i32>} : memref<32x16xf32, #tpu.memory_space<vmem>>, vector<16xf32>,
      %max3A_156 = arith.maximumf %max3A_146, %get3A_155 : vector<16xf32>
      %get3A_157 = arith.constant 13 : i32
      %get3A_158 = arith.index_cast %get3A_157 : i32 to index
      %get3A_159 = arith.constant 0 : index
      %get3A_160 = tpu.vector_load %arg15[%get3A_158, %get3A_159] {strides = array<i32>} : memref<32x16xf32, #tpu.memory_space<vmem>>, vector<16xf32>,
      %min3A_161 = arith.minimumf %min3A_151, %get3A_160 : vector<16xf32>
      %get3A_162 = arith.constant 13 : i32
      %get3A_163 = arith.index_cast %get3A_162 : i32 to index
      %get3A_164 = arith.constant 0 : index
      %get3A_165 = tpu.vector_load %arg16[%get3A_163, %get3A_164] {strides = array<i32>} : memref<32x16xf32, #tpu.memory_space<vmem>>, vector<16xf32>,
      %max3A_166 = arith.maximumf %max3A_156, %get3A_165 : vector<16xf32>
      %get3A_167 = arith.constant 14 : i32
      %get3A_168 = arith.index_cast %get3A_167 : i32 to index
      %get3A_169 = arith.constant 0 : index
      %get3A_170 = tpu.vector_load %arg15[%get3A_168, %get3A_169] {strides = array<i32>} : memref<32x16xf32, #tpu.memory_space<vmem>>, vector<16xf32>,
      %min3A_171 = arith.minimumf %min3A_161, %get3A_170 : vector<16xf32>
      %get3A_172 = arith.constant 14 : i32
      %get3A_173 = arith.index_cast %get3A_172 : i32 to index
      %get3A_174 = arith.constant 0 : index
      %get3A_175 = tpu.vector_load %arg16[%get3A_173, %get3A_174] {strides = array<i32>} : memref<32x16xf32, #tpu.memory_space<vmem>>, vector<16xf32>,
      %max3A_176 = arith.maximumf %max3A_166, %get3A_175 : vector<16xf32>
      %get3A_177 = arith.constant 15 : i32
      %get3A_178 = arith.index_cast %get3A_177 : i32 to index
      %get3A_179 = arith.constant 0 : index
      %get3A_180 = tpu.vector_load %arg15[%get3A_178, %get3A_179] {strides = array<i32>} : memref<32x16xf32, #tpu.memory_space<vmem>>, vector<16xf32>,
      %min3A_181 = arith.minimumf %min3A_171, %get3A_180 : vector<16xf32>
      %get3A_182 = arith.constant 15 : i32
      %get3A_183 = arith.index_cast %get3A_182 : i32 to index
      %get3A_184 = arith.constant 0 : index
      %get3A_185 = tpu.vector_load %arg16[%get3A_183, %get3A_184] {strides = array<i32>} : memref<32x16xf32, #tpu.memory_space<vmem>>, vector<16xf32>,
      %max3A_186 = arith.maximumf %max3A_176, %get3A_185 : vector<16xf32>
      %get3A_187 = arith.constant 16 : i32
      %get3A_188 = arith.index_cast %get3A_187 : i32 to index
      %get3A_189 = arith.constant 0 : index
      %get3A_190 = tpu.vector_load %arg15[%get3A_188, %get3A_189] {strides = array<i32>} : memref<32x16xf32, #tpu.memory_space<vmem>>, vector<16xf32>,
      %min3A_191 = arith.minimumf %min3A_181, %get3A_190 : vector<16xf32>
      %get3A_192 = arith.constant 16 : i32
      %get3A_193 = arith.index_cast %get3A_192 : i32 to index
      %get3A_194 = arith.constant 0 : index
      %get3A_195 = tpu.vector_load %arg16[%get3A_193, %get3A_194] {strides = array<i32>} : memref<32x16xf32, #tpu.memory_space<vmem>>, vector<16xf32>,
      %max3A_196 = arith.maximumf %max3A_186, %get3A_195 : vector<16xf32>
      %get3A_197 = arith.constant 17 : i32
      %get3A_198 = arith.index_cast %get3A_197 : i32 to index
      %get3A_199 = arith.constant 0 : index
      %get3A_200 = tpu.vector_load %arg15[%get3A_198, %get3A_199] {strides = array<i32>} : memref<32x16xf32, #tpu.memory_space<vmem>>, vector<16xf32>,
      %min3A_201 = arith.minimumf %min3A_191, %get3A_200 : vector<16xf32>
      %get3A_202 = arith.constant 17 : i32
      %get3A_203 = arith.index_cast %get3A_202 : i32 to index
      %get3A_204 = arith.constant 0 : index
      %get3A_205 = tpu.vector_load %arg16[%get3A_203, %get3A_204] {strides = array<i32>} : memref<32x16xf32, #tpu.memory_space<vmem>>, vector<16xf32>,
      %max3A_206 = arith.maximumf %max3A_196, %get3A_205 : vector<16xf32>
      %get3A_207 = arith.constant 18 : i32
      %get3A_208 = arith.index_cast %get3A_207 : i32 to index
      %get3A_209 = arith.constant 0 : index
      %get3A_210 = tpu.vector_load %arg15[%get3A_208, %get3A_209] {strides = array<i32>} : memref<32x16xf32, #tpu.memory_space<vmem>>, vector<16xf32>,
      %min3A_211 = arith.minimumf %min3A_201, %get3A_210 : vector<16xf32>
      %get3A_212 = arith.constant 18 : i32
      %get3A_213 = arith.index_cast %get3A_212 : i32 to index
      %get3A_214 = arith.constant 0 : index
      %get3A_215 = tpu.vector_load %arg16[%get3A_213, %get3A_214] {strides = array<i32>} : memref<32x16xf32, #tpu.memory_space<vmem>>, vector<16xf32>,
      %max3A_216 = arith.maximumf %max3A_206, %get3A_215 : vector<16xf32>
      %get3A_217 = arith.constant 19 : i32
      %get3A_218 = arith.index_cast %get3A_217 : i32 to index
      %get3A_219 = arith.constant 0 : index
      %get3A_220 = tpu.vector_load %arg15[%get3A_218, %get3A_219] {strides = array<i32>} : memref<32x16xf32, #tpu.memory_space<vmem>>, vector<16xf32>,
      %min3A_221 = arith.minimumf %min3A_211, %get3A_220 : vector<16xf32>
      %get3A_222 = arith.constant 19 : i32
      %get3A_223 = arith.index_cast %get3A_222 : i32 to index
      %get3A_224 = arith.constant 0 : index
      %get3A_225 = tpu.vector_load %arg16[%get3A_223, %get3A_224] {strides = array<i32>} : memref<32x16xf32, #tpu.memory_space<vmem>>, vector<16xf32>,
      %max3A_226 = arith.maximumf %max3A_216, %get3A_225 : vector<16xf32>
      %get3A_227 = arith.constant 20 : i32
      %get3A_228 = arith.index_cast %get3A_227 : i32 to index
      %get3A_229 = arith.constant 0 : index
      %get3A_230 = tpu.vector_load %arg15[%get3A_228, %get3A_229] {strides = array<i32>} : memref<32x16xf32, #tpu.memory_space<vmem>>, vector<16xf32>,
      %min3A_231 = arith.minimumf %min3A_221, %get3A_230 : vector<16xf32>
      %get3A_232 = arith.constant 20 : i32
      %get3A_233 = arith.index_cast %get3A_232 : i32 to index
      %get3A_234 = arith.constant 0 : index
      %get3A_235 = tpu.vector_load %arg16[%get3A_233, %get3A_234] {strides = array<i32>} : memref<32x16xf32, #tpu.memory_space<vmem>>, vector<16xf32>,
      %max3A_236 = arith.maximumf %max3A_226, %get3A_235 : vector<16xf32>
      %get3A_237 = arith.constant 21 : i32
      %get3A_238 = arith.index_cast %get3A_237 : i32 to index
      %get3A_239 = arith.constant 0 : index
      %get3A_240 = tpu.vector_load %arg15[%get3A_238, %get3A_239] {strides = array<i32>} : memref<32x16xf32, #tpu.memory_space<vmem>>, vector<16xf32>,
      %min3A_241 = arith.minimumf %min3A_231, %get3A_240 : vector<16xf32>
      %get3A_242 = arith.constant 21 : i32
      %get3A_243 = arith.index_cast %get3A_242 : i32 to index
      %get3A_244 = arith.constant 0 : index
      %get3A_245 = tpu.vector_load %arg16[%get3A_243, %get3A_244] {strides = array<i32>} : memref<32x16xf32, #tpu.memory_space<vmem>>, vector<16xf32>,
      %max3A_246 = arith.maximumf %max3A_236, %get3A_245 : vector<16xf32>
      %get3A_247 = arith.constant 22 : i32
      %get3A_248 = arith.index_cast %get3A_247 : i32 to index
      %get3A_249 = arith.constant 0 : index
      %get3A_250 = tpu.vector_load %arg15[%get3A_248, %get3A_249] {strides = array<i32>} : memref<32x16xf32, #tpu.memory_space<vmem>>, vector<16xf32>,
      %min3A_251 = arith.minimumf %min3A_241, %get3A_250 : vector<16xf32>
      %get3A_252 = arith.constant 22 : i32
      %get3A_253 = arith.index_cast %get3A_252 : i32 to index
      %get3A_254 = arith.constant 0 : index
      %get3A_255 = tpu.vector_load %arg16[%get3A_253, %get3A_254] {strides = array<i32>} : memref<32x16xf32, #tpu.memory_space<vmem>>, vector<16xf32>,
      %max3A_256 = arith.maximumf %max3A_246, %get3A_255 : vector<16xf32>
      %get3A_257 = arith.constant 23 : i32
      %get3A_258 = arith.index_cast %get3A_257 : i32 to index
      %get3A_259 = arith.constant 0 : index
      %get3A_260 = tpu.vector_load %arg15[%get3A_258, %get3A_259] {strides = array<i32>} : memref<32x16xf32, #tpu.memory_space<vmem>>, vector<16xf32>,
      %min3A_261 = arith.minimumf %min3A_251, %get3A_260 : vector<16xf32>
      %get3A_262 = arith.constant 23 : i32
      %get3A_263 = arith.index_cast %get3A_262 : i32 to index
      %get3A_264 = arith.constant 0 : index
      %get3A_265 = tpu.vector_load %arg16[%get3A_263, %get3A_264] {strides = array<i32>} : memref<32x16xf32, #tpu.memory_space<vmem>>, vector<16xf32>,
      %max3A_266 = arith.maximumf %max3A_256, %get3A_265 : vector<16xf32>
      %get3A_267 = arith.constant 24 : i32
      %get3A_268 = arith.index_cast %get3A_267 : i32 to index
      %get3A_269 = arith.constant 0 : index
      %get3A_270 = tpu.vector_load %arg15[%get3A_268, %get3A_269] {strides = array<i32>} : memref<32x16xf32, #tpu.memory_space<vmem>>, vector<16xf32>,
      %min3A_271 = arith.minimumf %min3A_261, %get3A_270 : vector<16xf32>
      %get3A_272 = arith.constant 24 : i32
      %get3A_273 = arith.index_cast %get3A_272 : i32 to index
      %get3A_274 = arith.constant 0 : index
      %get3A_275 = tpu.vector_load %arg16[%get3A_273, %get3A_274] {strides = array<i32>} : memref<32x16xf32, #tpu.memory_space<vmem>>, vector<16xf32>,
      %max3A_276 = arith.maximumf %max3A_266, %get3A_275 : vector<16xf32>
      %get3A_277 = arith.constant 25 : i32
      %get3A_278 = arith.index_cast %get3A_277 : i32 to index
      %get3A_279 = arith.constant 0 : index
      %get3A_280 = tpu.vector_load %arg15[%get3A_278, %get3A_279] {strides = array<i32>} : memref<32x16xf32, #tpu.memory_space<vmem>>, vector<16xf32>,
      %min3A_281 = arith.minimumf %min3A_271, %get3A_280 : vector<16xf32>
      %get3A_282 = arith.constant 25 : i32
      %get3A_283 = arith.index_cast %get3A_282 : i32 to index
      %get3A_284 = arith.constant 0 : index
      %get3A_285 = tpu.vector_load %arg16[%get3A_283, %get3A_284] {strides = array<i32>} : memref<32x16xf32, #tpu.memory_space<vmem>>, vector<16xf32>,
      %max3A_286 = arith.maximumf %max3A_276, %get3A_285 : vector<16xf32>
      %get3A_287 = arith.constant 26 : i32
      %get3A_288 = arith.index_cast %get3A_287 : i32 to index
      %get3A_289 = arith.constant 0 : index
      %get3A_290 = tpu.vector_load %arg15[%get3A_288, %get3A_289] {strides = array<i32>} : memref<32x16xf32, #tpu.memory_space<vmem>>, vector<16xf32>,
      %min3A_291 = arith.minimumf %min3A_281, %get3A_290 : vector<16xf32>
      %get3A_292 = arith.constant 26 : i32
      %get3A_293 = arith.index_cast %get3A_292 : i32 to index
      %get3A_294 = arith.constant 0 : index
      %get3A_295 = tpu.vector_load %arg16[%get3A_293, %get3A_294] {strides = array<i32>} : memref<32x16xf32, #tpu.memory_space<vmem>>, vector<16xf32>,
      %max3A_296 = arith.maximumf %max3A_286, %get3A_295 : vector<16xf32>
      %get3A_297 = arith.constant 27 : i32
      %get3A_298 = arith.index_cast %get3A_297 : i32 to index
      %get3A_299 = arith.constant 0 : index
      %get3A_300 = tpu.vector_load %arg15[%get3A_298, %get3A_299] {strides = array<i32>} : memref<32x16xf32, #tpu.memory_space<vmem>>, vector<16xf32>,
      %min3A_301 = arith.minimumf %min3A_291, %get3A_300 : vector<16xf32>
      %get3A_302 = arith.constant 27 : i32
      %get3A_303 = arith.index_cast %get3A_302 : i32 to index
      %get3A_304 = arith.constant 0 : index
      %get3A_305 = tpu.vector_load %arg16[%get3A_303, %get3A_304] {strides = array<i32>} : memref<32x16xf32, #tpu.memory_space<vmem>>, vector<16xf32>,
      %max3A_306 = arith.maximumf %max3A_296, %get3A_305 : vector<16xf32>
      %get3A_307 = arith.constant 28 : i32
      %get3A_308 = arith.index_cast %get3A_307 : i32 to index
      %get3A_309 = arith.constant 0 : index
      %get3A_310 = tpu.vector_load %arg15[%get3A_308, %get3A_309] {strides = array<i32>} : memref<32x16xf32, #tpu.memory_space<vmem>>, vector<16xf32>,
      %min3A_311 = arith.minimumf %min3A_301, %get3A_310 : vector<16xf32>
      %get3A_312 = arith.constant 28 : i32
      %get3A_313 = arith.index_cast %get3A_312 : i32 to index
      %get3A_314 = arith.constant 0 : index
      %get3A_315 = tpu.vector_load %arg16[%get3A_313, %get3A_314] {strides = array<i32>} : memref<32x16xf32, #tpu.memory_space<vmem>>, vector<16xf32>,
      %max3A_316 = arith.maximumf %max3A_306, %get3A_315 : vector<16xf32>
      %get3A_317 = arith.constant 29 : i32
      %get3A_318 = arith.index_cast %get3A_317 : i32 to index
      %get3A_319 = arith.constant 0 : index
      %get3A_320 = tpu.vector_load %arg15[%get3A_318, %get3A_319] {strides = array<i32>} : memref<32x16xf32, #tpu.memory_space<vmem>>, vector<16xf32>,
      %min3A_321 = arith.minimumf %min3A_311, %get3A_320 : vector<16xf32>
      %get3A_322 = arith.constant 29 : i32
      %get3A_323 = arith.index_cast %get3A_322 : i32 to index
      %get3A_324 = arith.constant 0 : index
      %get3A_325 = tpu.vector_load %arg16[%get3A_323, %get3A_324] {strides = array<i32>} : memref<32x16xf32, #tpu.memory_space<vmem>>, vector<16xf32>,
      %max3A_326 = arith.maximumf %max3A_316, %get3A_325 : vector<16xf32>
      %get3A_327 = arith.constant 30 : i32
      %get3A_328 = arith.index_cast %get3A_327 : i32 to index
      %get3A_329 = arith.constant 0 : index
      %get3A_330 = tpu.vector_load %arg15[%get3A_328, %get3A_329] {strides = array<i32>} : memref<32x16xf32, #tpu.memory_space<vmem>>, vector<16xf32>,
      %min3A_331 = arith.minimumf %min3A_321, %get3A_330 : vector<16xf32>
      %get3A_332 = arith.constant 30 : i32
      %get3A_333 = arith.index_cast %get3A_332 : i32 to index
      %get3A_334 = arith.constant 0 : index
      %get3A_335 = tpu.vector_load %arg16[%get3A_333, %get3A_334] {strides = array<i32>} : memref<32x16xf32, #tpu.memory_space<vmem>>, vector<16xf32>,
      %max3A_336 = arith.maximumf %max3A_326, %get3A_335 : vector<16xf32>
      %get3A_337 = arith.constant 31 : i32
      %get3A_338 = arith.index_cast %get3A_337 : i32 to index
      %get3A_339 = arith.constant 0 : index
      %get3A_340 = tpu.vector_load %arg15[%get3A_338, %get3A_339] {strides = array<i32>} : memref<32x16xf32, #tpu.memory_space<vmem>>, vector<16xf32>,
      %min3A_341 = arith.minimumf %min3A_331, %get3A_340 : vector<16xf32>
      %get3A_342 = arith.constant 31 : i32
      %get3A_343 = arith.index_cast %get3A_342 : i32 to index
      %get3A_344 = arith.constant 0 : index
      %get3A_345 = tpu.vector_load %arg16[%get3A_343, %get3A_344] {strides = array<i32>} : memref<32x16xf32, #tpu.memory_space<vmem>>, vector<16xf32>,
      %max3A_346 = arith.maximumf %max3A_336, %get3A_345 : vector<16xf32>
      %reduce_min3A = arith.constant true
      %reduce_min3A_347 = vector.broadcast %reduce_min3A : i1 to vector<16xi1>
      %reduce_min3A_348 = tpu.scan <min>, %min3A_341 masked %reduce_min3A_347 : vector<16xf32>, vector<16xi1> -> vector<16xf32>
      %reduce_min3A_349 = vector.extract %reduce_min3A_348[15] : f32 from vector<16xf32>
      %reduce_max3A = arith.constant true
      %reduce_max3A_350 = vector.broadcast %reduce_max3A : i1 to vector<16xi1>
      %reduce_max3A_351 = tpu.scan <max>, %max3A_346 masked %reduce_max3A_350 : vector<16xf32>, vector<16xi1> -> vector<16xf32>
      %reduce_max3A_352 = vector.extract %reduce_max3A_351[15] : f32 from vector<16xf32>
      %add3A_353 = arith.constant 8 : i32
      %add3A_354 = arith.addi %mul3A_2, %add3A_353 : i32
      %dma_start3A_355 = arith.constant 0 : i32
      %dma_start3A_356 = tpu.memref_slice %arg2[%add3A_354, %dma_start3A_355] : memref<2048x2048xf32, #tpu.memory_space<hbm>> -> memref<8x2048xf32, #tpu.memory_space<hbm>>
      %dma_start3A_357 = arith.constant 0 : i32
      %dma_start3A_358 = tpu.memref_slice %arg2[%add3A_354, %dma_start3A_357] : memref<2048x2048xf32, #tpu.memory_space<hbm>> -> memref<8x2048xf32, #tpu.memory_space<hbm>>
      tpu.enqueue_dma source(%dma_start3A_358 : memref<8x2048xf32, #tpu.memory_space<hbm>>) target(%arg9 : memref<8x2048xf32, #tpu.memory_space<vmem>>) target_semaphore(%arg18 : memref<!tpu.dma_semaphore, #tpu.memory_space<semaphore_mem>>)
      %scan3A = arith.constant 0 : i32
      %scan3A_359 = arith.constant 0 : i32
      %scan3A_360 = arith.constant 4 : i32
      %scan3A_361 = arith.addi %scan3A_359, %scan3A_360 : i32
      %scan3A_362 = arith.constant 1 : i32
      %scan3A_363 = scf.for %scan3A_372 = %scan3A_359 to %scan3A_361 step %scan3A_362 iter_args(%scan3A_373 = %scan3A) -> (i32)  : i32 {
        %mul3A_374 = arith.constant 2 : i32
        %mul3A_375 = arith.muli %mul3A_374, %scan3A_372 : i32
        %add3A_376 = arith.constant 0 : i32
        %add3A_377 = arith.addi %mul3A_375, %add3A_376 : i32
        %dma_wait3A_378 = arith.constant 0 : i32
        %dma_wait3A_379 = tpu.memref_slice %arg2[%mul3A_2, %dma_wait3A_378] : memref<2048x2048xf32, #tpu.memory_space<hbm>> -> memref<8x2048xf32, #tpu.memory_space<hbm>>
        %dma_wait3A_380 = arith.constant 0 : i32
        %dma_wait3A_381 = tpu.memref_slice %arg2[%mul3A_2, %dma_wait3A_380] : memref<2048x2048xf32, #tpu.memory_space<hbm>> -> memref<8x2048xf32, #tpu.memory_space<hbm>>
        tpu.wait_dma2 semaphore(%arg17 : memref<!tpu.dma_semaphore, #tpu.memory_space<semaphore_mem>>) src(%dma_wait3A_381 : memref<8x2048xf32, #tpu.memory_space<hbm>>) dst(%arg8 : memref<8x2048xf32, #tpu.memory_space<vmem>>)
        %ge3A = arith.constant 2 : i32
        %ge3A_382 = arith.cmpi sge, %add3A_377, %ge3A : i32
        %convert_element_type3A_383 = arith.extui %ge3A_382 : i1 to i32
        %cond3A_384 = arith.constant 0 : i32
        %cond3A_385 = arith.cmpi ne, %convert_element_type3A_383, %cond3A_384 : i32
        scf.if %cond3A_385 {
          %dma_wait3A_441 = arith.constant 0 : i32
          %dma_wait3A_442 = tpu.memref_slice %arg7[%mul3A_2, %dma_wait3A_441] : memref<2048x2048xf32, #tpu.memory_space<hbm>> -> memref<8x2048xf32, #tpu.memory_space<hbm>>
          %dma_wait3A_443 = arith.constant 0 : i32
          %dma_wait3A_444 = tpu.memref_slice %arg7[%mul3A_2, %dma_wait3A_443] : memref<2048x2048xf32, #tpu.memory_space<hbm>> -> memref<8x2048xf32, #tpu.memory_space<hbm>>
          tpu.wait_dma2 semaphore(%arg19 : memref<!tpu.dma_semaphore, #tpu.memory_space<semaphore_mem>>) src(%arg10 : memref<8x2048xf32, #tpu.memory_space<vmem>>) dst(%dma_wait3A_444 : memref<8x2048xf32, #tpu.memory_space<hbm>>)
        } else {
        }
        %scan3A_386 = arith.constant 0 : i32
        %scan3A_387 = arith.constant 0 : i32
        %scan3A_388 = arith.constant 128 : i32
        %scan3A_389 = arith.addi %scan3A_387, %scan3A_388 : i32
        %scan3A_390 = arith.constant 1 : i32
        %scan3A_391 = scf.for %scan3A_441 = %scan3A_387 to %scan3A_389 step %scan3A_390 iter_args(%scan3A_442 = %scan3A_386) -> (i32)  : i32 {
          %mul3A_443 = arith.constant 16 : i32
          %mul3A_444 = arith.muli %scan3A_441, %mul3A_443 : i32
          %get3A_445 = arith.constant 0 : i32
          %get3A_446 = arith.index_cast %get3A_445 : i32 to index
          %get3A_447 = arith.index_cast %mul3A_444 : i32 to index
          %get3A_448 = tpu.vector_load %arg8[%get3A_446, %get3A_447] {strides = array<i32>} : memref<8x2048xf32, #tpu.memory_space<vmem>>, vector<16xf32>,
          %broadcast_in_dim3A = arith.constant 0 : i32
          %broadcast_in_dim3A_449 = vector.broadcast %broadcast_in_dim3A : i32 to vector<16xi32>
          %gt3A_450 = vector.broadcast %squeeze3A_6 : f32 to vector<16xf32>
          %gt3A_451 = arith.cmpf ogt, %get3A_448, %gt3A_450 : vector<16xf32>
          %jit3A = arith.constant 1 : i32
          %jit3A_452 = arith.constant 0 : i32
          %broadcast_in_dim3A_453 = vector.broadcast %jit3A : i32 to vector<16xi32>
          %broadcast_in_dim3A_454 = vector.broadcast %jit3A_452 : i32 to vector<16xi32>
          %select_n3A = arith.select %gt3A_451, %broadcast_in_dim3A_453, %broadcast_in_dim3A_454 : vector<16xi1>, vector<16xi32>
          %add3A_455 = arith.addi %broadcast_in_dim3A_449, %select_n3A : vector<16xi32>
          %gt3A_456 = vector.broadcast %squeeze3A_8 : f32 to vector<16xf32>
          %gt3A_457 = arith.cmpf ogt, %get3A_448, %gt3A_456 : vector<16xf32>
          %jit3A_458 = arith.constant 1 : i32
          %jit3A_459 = arith.constant 0 : i32
          %broadcast_in_dim3A_460 = vector.broadcast %jit3A_458 : i32 to vector<16xi32>
          %broadcast_in_dim3A_461 = vector.broadcast %jit3A_459 : i32 to vector<16xi32>
          %select_n3A_462 = arith.select %gt3A_457, %broadcast_in_dim3A_460, %broadcast_in_dim3A_461 : vector<16xi1>, vector<16xi32>
          %add3A_463 = arith.addi %add3A_455, %select_n3A_462 : vector<16xi32>
          %gt3A_464 = vector.broadcast %squeeze3A_10 : f32 to vector<16xf32>
          %gt3A_465 = arith.cmpf ogt, %get3A_448, %gt3A_464 : vector<16xf32>
          %jit3A_466 = arith.constant 1 : i32
          %jit3A_467 = arith.constant 0 : i32
          %broadcast_in_dim3A_468 = vector.broadcast %jit3A_466 : i32 to vector<16xi32>
          %broadcast_in_dim3A_469 = vector.broadcast %jit3A_467 : i32 to vector<16xi32>
          %select_n3A_470 = arith.select %gt3A_465, %broadcast_in_dim3A_468, %broadcast_in_dim3A_469 : vector<16xi1>, vector<16xi32>
          %add3A_471 = arith.addi %add3A_463, %select_n3A_470 : vector<16xi32>
          %gt3A_472 = vector.broadcast %squeeze3A_12 : f32 to vector<16xf32>
          %gt3A_473 = arith.cmpf ogt, %get3A_448, %gt3A_472 : vector<16xf32>
          %jit3A_474 = arith.constant 1 : i32
          %jit3A_475 = arith.constant 0 : i32
          %broadcast_in_dim3A_476 = vector.broadcast %jit3A_474 : i32 to vector<16xi32>
          %broadcast_in_dim3A_477 = vector.broadcast %jit3A_475 : i32 to vector<16xi32>
          %select_n3A_478 = arith.select %gt3A_473, %broadcast_in_dim3A_476, %broadcast_in_dim3A_477 : vector<16xi1>, vector<16xi32>
          %add3A_479 = arith.addi %add3A_471, %select_n3A_478 : vector<16xi32>
          %gt3A_480 = vector.broadcast %squeeze3A_14 : f32 to vector<16xf32>
          %gt3A_481 = arith.cmpf ogt, %get3A_448, %gt3A_480 : vector<16xf32>
          %jit3A_482 = arith.constant 1 : i32
          %jit3A_483 = arith.constant 0 : i32
          %broadcast_in_dim3A_484 = vector.broadcast %jit3A_482 : i32 to vector<16xi32>
          %broadcast_in_dim3A_485 = vector.broadcast %jit3A_483 : i32 to vector<16xi32>
          %select_n3A_486 = arith.select %gt3A_481, %broadcast_in_dim3A_484, %broadcast_in_dim3A_485 : vector<16xi1>, vector<16xi32>
          %add3A_487 = arith.addi %add3A_479, %select_n3A_486 : vector<16xi32>
          %gt3A_488 = vector.broadcast %squeeze3A_16 : f32 to vector<16xf32>
          %gt3A_489 = arith.cmpf ogt, %get3A_448, %gt3A_488 : vector<16xf32>
          %jit3A_490 = arith.constant 1 : i32
          %jit3A_491 = arith.constant 0 : i32
          %broadcast_in_dim3A_492 = vector.broadcast %jit3A_490 : i32 to vector<16xi32>
          %broadcast_in_dim3A_493 = vector.broadcast %jit3A_491 : i32 to vector<16xi32>
          %select_n3A_494 = arith.select %gt3A_489, %broadcast_in_dim3A_492, %broadcast_in_dim3A_493 : vector<16xi1>, vector<16xi32>
          %add3A_495 = arith.addi %add3A_487, %select_n3A_494 : vector<16xi32>
          %gt3A_496 = vector.broadcast %squeeze3A_18 : f32 to vector<16xf32>
          %gt3A_497 = arith.cmpf ogt, %get3A_448, %gt3A_496 : vector<16xf32>
          %jit3A_498 = arith.constant 1 : i32
          %jit3A_499 = arith.constant 0 : i32
          %broadcast_in_dim3A_500 = vector.broadcast %jit3A_498 : i32 to vector<16xi32>
          %broadcast_in_dim3A_501 = vector.broadcast %jit3A_499 : i32 to vector<16xi32>
          %select_n3A_502 = arith.select %gt3A_497, %broadcast_in_dim3A_500, %broadcast_in_dim3A_501 : vector<16xi1>, vector<16xi32>
          %add3A_503 = arith.addi %add3A_495, %select_n3A_502 : vector<16xi32>
          %gt3A_504 = vector.broadcast %squeeze3A_20 : f32 to vector<16xf32>
          %gt3A_505 = arith.cmpf ogt, %get3A_448, %gt3A_504 : vector<16xf32>
          %jit3A_506 = arith.constant 1 : i32
          %jit3A_507 = arith.constant 0 : i32
          %broadcast_in_dim3A_508 = vector.broadcast %jit3A_506 : i32 to vector<16xi32>
          %broadcast_in_dim3A_509 = vector.broadcast %jit3A_507 : i32 to vector<16xi32>
          %select_n3A_510 = arith.select %gt3A_505, %broadcast_in_dim3A_508, %broadcast_in_dim3A_509 : vector<16xi1>, vector<16xi32>
          %add3A_511 = arith.addi %add3A_503, %select_n3A_510 : vector<16xi32>
          %gather3A = tpu.vector_load_idx %arg14[%add3A_511] : memref<16xf32, #tpu.memory_space<vmem>>[vector<16xi32>], vector<16xf32>,
          %max3A_512 = vector.broadcast %reduce_min3A_349 : f32 to vector<16xf32>
          %max3A_513 = arith.maximumf %gather3A, %max3A_512 : vector<16xf32>
          %min3A_514 = vector.broadcast %reduce_max3A_352 : f32 to vector<16xf32>
          %min3A_515 = arith.minimumf %max3A_513, %min3A_514 : vector<16xf32>
          %mul3A_516 = arith.constant 16 : i32
          %mul3A_517 = arith.muli %scan3A_441, %mul3A_516 : i32
          %swap3A = arith.constant 0 : i32
          %swap3A_518 = arith.index_cast %swap3A : i32 to index
          %swap3A_519 = arith.index_cast %mul3A_517 : i32 to index
          %swap3A_520 = tpu.vector_load %arg10[%swap3A_518, %swap3A_519] {strides = array<i32>} : memref<8x2048xf32, #tpu.memory_space<vmem>>, vector<16xf32>,
          tpu.vector_store %arg10[%swap3A_518, %swap3A_519], %min3A_515 {strides = array<i32>} : memref<8x2048xf32, #tpu.memory_space<vmem>>, vector<16xf32>,
          %mul3A_521 = arith.constant 16 : i32
          %mul3A_522 = arith.muli %scan3A_441, %mul3A_521 : i32
          %get3A_523 = arith.constant 1 : i32
          %get3A_524 = arith.index_cast %get3A_523 : i32 to index
          %get3A_525 = arith.index_cast %mul3A_522 : i32 to index
          %get3A_526 = tpu.vector_load %arg8[%get3A_524, %get3A_525] {strides = array<i32>} : memref<8x2048xf32, #tpu.memory_space<vmem>>, vector<16xf32>,
          %broadcast_in_dim3A_527 = arith.constant 0 : i32
          %broadcast_in_dim3A_528 = vector.broadcast %broadcast_in_dim3A_527 : i32 to vector<16xi32>
          %gt3A_529 = vector.broadcast %squeeze3A_6 : f32 to vector<16xf32>
          %gt3A_530 = arith.cmpf ogt, %get3A_526, %gt3A_529 : vector<16xf32>
          %jit3A_531 = arith.constant 1 : i32
          %jit3A_532 = arith.constant 0 : i32
          %broadcast_in_dim3A_533 = vector.broadcast %jit3A_531 : i32 to vector<16xi32>
          %broadcast_in_dim3A_534 = vector.broadcast %jit3A_532 : i32 to vector<16xi32>
          %select_n3A_535 = arith.select %gt3A_530, %broadcast_in_dim3A_533, %broadcast_in_dim3A_534 : vector<16xi1>, vector<16xi32>
          %add3A_536 = arith.addi %broadcast_in_dim3A_528, %select_n3A_535 : vector<16xi32>
          %gt3A_537 = vector.broadcast %squeeze3A_8 : f32 to vector<16xf32>
          %gt3A_538 = arith.cmpf ogt, %get3A_526, %gt3A_537 : vector<16xf32>
          %jit3A_539 = arith.constant 1 : i32
          %jit3A_540 = arith.constant 0 : i32
          %broadcast_in_dim3A_541 = vector.broadcast %jit3A_539 : i32 to vector<16xi32>
          %broadcast_in_dim3A_542 = vector.broadcast %jit3A_540 : i32 to vector<16xi32>
          %select_n3A_543 = arith.select %gt3A_538, %broadcast_in_dim3A_541, %broadcast_in_dim3A_542 : vector<16xi1>, vector<16xi32>
          %add3A_544 = arith.addi %add3A_536, %select_n3A_543 : vector<16xi32>
          %gt3A_545 = vector.broadcast %squeeze3A_10 : f32 to vector<16xf32>
          %gt3A_546 = arith.cmpf ogt, %get3A_526, %gt3A_545 : vector<16xf32>
          %jit3A_547 = arith.constant 1 : i32
          %jit3A_548 = arith.constant 0 : i32
          %broadcast_in_dim3A_549 = vector.broadcast %jit3A_547 : i32 to vector<16xi32>
          %broadcast_in_dim3A_550 = vector.broadcast %jit3A_548 : i32 to vector<16xi32>
          %select_n3A_551 = arith.select %gt3A_546, %broadcast_in_dim3A_549, %broadcast_in_dim3A_550 : vector<16xi1>, vector<16xi32>
          %add3A_552 = arith.addi %add3A_544, %select_n3A_551 : vector<16xi32>
          %gt3A_553 = vector.broadcast %squeeze3A_12 : f32 to vector<16xf32>
          %gt3A_554 = arith.cmpf ogt, %get3A_526, %gt3A_553 : vector<16xf32>
          %jit3A_555 = arith.constant 1 : i32
          %jit3A_556 = arith.constant 0 : i32
          %broadcast_in_dim3A_557 = vector.broadcast %jit3A_555 : i32 to vector<16xi32>
          %broadcast_in_dim3A_558 = vector.broadcast %jit3A_556 : i32 to vector<16xi32>
          %select_n3A_559 = arith.select %gt3A_554, %broadcast_in_dim3A_557, %broadcast_in_dim3A_558 : vector<16xi1>, vector<16xi32>
          %add3A_560 = arith.addi %add3A_552, %select_n3A_559 : vector<16xi32>
          %gt3A_561 = vector.broadcast %squeeze3A_14 : f32 to vector<16xf32>
          %gt3A_562 = arith.cmpf ogt, %get3A_526, %gt3A_561 : vector<16xf32>
          %jit3A_563 = arith.constant 1 : i32
          %jit3A_564 = arith.constant 0 : i32
          %broadcast_in_dim3A_565 = vector.broadcast %jit3A_563 : i32 to vector<16xi32>
          %broadcast_in_dim3A_566 = vector.broadcast %jit3A_564 : i32 to vector<16xi32>
          %select_n3A_567 = arith.select %gt3A_562, %broadcast_in_dim3A_565, %broadcast_in_dim3A_566 : vector<16xi1>, vector<16xi32>
          %add3A_568 = arith.addi %add3A_560, %select_n3A_567 : vector<16xi32>
          %gt3A_569 = vector.broadcast %squeeze3A_16 : f32 to vector<16xf32>
          %gt3A_570 = arith.cmpf ogt, %get3A_526, %gt3A_569 : vector<16xf32>
          %jit3A_571 = arith.constant 1 : i32
          %jit3A_572 = arith.constant 0 : i32
          %broadcast_in_dim3A_573 = vector.broadcast %jit3A_571 : i32 to vector<16xi32>
          %broadcast_in_dim3A_574 = vector.broadcast %jit3A_572 : i32 to vector<16xi32>
          %select_n3A_575 = arith.select %gt3A_570, %broadcast_in_dim3A_573, %broadcast_in_dim3A_574 : vector<16xi1>, vector<16xi32>
          %add3A_576 = arith.addi %add3A_568, %select_n3A_575 : vector<16xi32>
          %gt3A_577 = vector.broadcast %squeeze3A_18 : f32 to vector<16xf32>
          %gt3A_578 = arith.cmpf ogt, %get3A_526, %gt3A_577 : vector<16xf32>
          %jit3A_579 = arith.constant 1 : i32
          %jit3A_580 = arith.constant 0 : i32
          %broadcast_in_dim3A_581 = vector.broadcast %jit3A_579 : i32 to vector<16xi32>
          %broadcast_in_dim3A_582 = vector.broadcast %jit3A_580 : i32 to vector<16xi32>
          %select_n3A_583 = arith.select %gt3A_578, %broadcast_in_dim3A_581, %broadcast_in_dim3A_582 : vector<16xi1>, vector<16xi32>
          %add3A_584 = arith.addi %add3A_576, %select_n3A_583 : vector<16xi32>
          %gt3A_585 = vector.broadcast %squeeze3A_20 : f32 to vector<16xf32>
          %gt3A_586 = arith.cmpf ogt, %get3A_526, %gt3A_585 : vector<16xf32>
          %jit3A_587 = arith.constant 1 : i32
          %jit3A_588 = arith.constant 0 : i32
          %broadcast_in_dim3A_589 = vector.broadcast %jit3A_587 : i32 to vector<16xi32>
          %broadcast_in_dim3A_590 = vector.broadcast %jit3A_588 : i32 to vector<16xi32>
          %select_n3A_591 = arith.select %gt3A_586, %broadcast_in_dim3A_589, %broadcast_in_dim3A_590 : vector<16xi1>, vector<16xi32>
          %add3A_592 = arith.addi %add3A_584, %select_n3A_591 : vector<16xi32>
          %gather3A_593 = tpu.vector_load_idx %arg14[%add3A_592] : memref<16xf32, #tpu.memory_space<vmem>>[vector<16xi32>], vector<16xf32>,
          %max3A_594 = vector.broadcast %reduce_min3A_349 : f32 to vector<16xf32>
          %max3A_595 = arith.maximumf %gather3A_593, %max3A_594 : vector<16xf32>
          %min3A_596 = vector.broadcast %reduce_max3A_352 : f32 to vector<16xf32>
          %min3A_597 = arith.minimumf %max3A_595, %min3A_596 : vector<16xf32>
          %mul3A_598 = arith.constant 16 : i32
          %mul3A_599 = arith.muli %scan3A_441, %mul3A_598 : i32
          %swap3A_600 = arith.constant 1 : i32
          %swap3A_601 = arith.index_cast %swap3A_600 : i32 to index
          %swap3A_602 = arith.index_cast %mul3A_599 : i32 to index
          %swap3A_603 = tpu.vector_load %arg10[%swap3A_601, %swap3A_602] {strides = array<i32>} : memref<8x2048xf32, #tpu.memory_space<vmem>>, vector<16xf32>,
          tpu.vector_store %arg10[%swap3A_601, %swap3A_602], %min3A_597 {strides = array<i32>} : memref<8x2048xf32, #tpu.memory_space<vmem>>, vector<16xf32>,
          %mul3A_604 = arith.constant 16 : i32
          %mul3A_605 = arith.muli %scan3A_441, %mul3A_604 : i32
          %get3A_606 = arith.constant 2 : i32
          %get3A_607 = arith.index_cast %get3A_606 : i32 to index
          %get3A_608 = arith.index_cast %mul3A_605 : i32 to index
          %get3A_609 = tpu.vector_load %arg8[%get3A_607, %get3A_608] {strides = array<i32>} : memref<8x2048xf32, #tpu.memory_space<vmem>>, vector<16xf32>,
          %broadcast_in_dim3A_610 = arith.constant 0 : i32
          %broadcast_in_dim3A_611 = vector.broadcast %broadcast_in_dim3A_610 : i32 to vector<16xi32>
          %gt3A_612 = vector.broadcast %squeeze3A_6 : f32 to vector<16xf32>
          %gt3A_613 = arith.cmpf ogt, %get3A_609, %gt3A_612 : vector<16xf32>
          %jit3A_614 = arith.constant 1 : i32
          %jit3A_615 = arith.constant 0 : i32
          %broadcast_in_dim3A_616 = vector.broadcast %jit3A_614 : i32 to vector<16xi32>
          %broadcast_in_dim3A_617 = vector.broadcast %jit3A_615 : i32 to vector<16xi32>
          %select_n3A_618 = arith.select %gt3A_613, %broadcast_in_dim3A_616, %broadcast_in_dim3A_617 : vector<16xi1>, vector<16xi32>
          %add3A_619 = arith.addi %broadcast_in_dim3A_611, %select_n3A_618 : vector<16xi32>
          %gt3A_620 = vector.broadcast %squeeze3A_8 : f32 to vector<16xf32>
          %gt3A_621 = arith.cmpf ogt, %get3A_609, %gt3A_620 : vector<16xf32>
          %jit3A_622 = arith.constant 1 : i32
          %jit3A_623 = arith.constant 0 : i32
          %broadcast_in_dim3A_624 = vector.broadcast %jit3A_622 : i32 to vector<16xi32>
          %broadcast_in_dim3A_625 = vector.broadcast %jit3A_623 : i32 to vector<16xi32>
          %select_n3A_626 = arith.select %gt3A_621, %broadcast_in_dim3A_624, %broadcast_in_dim3A_625 : vector<16xi1>, vector<16xi32>
          %add3A_627 = arith.addi %add3A_619, %select_n3A_626 : vector<16xi32>
          %gt3A_628 = vector.broadcast %squeeze3A_10 : f32 to vector<16xf32>
          %gt3A_629 = arith.cmpf ogt, %get3A_609, %gt3A_628 : vector<16xf32>
          %jit3A_630 = arith.constant 1 : i32
          %jit3A_631 = arith.constant 0 : i32
          %broadcast_in_dim3A_632 = vector.broadcast %jit3A_630 : i32 to vector<16xi32>
          %broadcast_in_dim3A_633 = vector.broadcast %jit3A_631 : i32 to vector<16xi32>
          %select_n3A_634 = arith.select %gt3A_629, %broadcast_in_dim3A_632, %broadcast_in_dim3A_633 : vector<16xi1>, vector<16xi32>
          %add3A_635 = arith.addi %add3A_627, %select_n3A_634 : vector<16xi32>
          %gt3A_636 = vector.broadcast %squeeze3A_12 : f32 to vector<16xf32>
          %gt3A_637 = arith.cmpf ogt, %get3A_609, %gt3A_636 : vector<16xf32>
          %jit3A_638 = arith.constant 1 : i32
          %jit3A_639 = arith.constant 0 : i32
          %broadcast_in_dim3A_640 = vector.broadcast %jit3A_638 : i32 to vector<16xi32>
          %broadcast_in_dim3A_641 = vector.broadcast %jit3A_639 : i32 to vector<16xi32>
          %select_n3A_642 = arith.select %gt3A_637, %broadcast_in_dim3A_640, %broadcast_in_dim3A_641 : vector<16xi1>, vector<16xi32>
          %add3A_643 = arith.addi %add3A_635, %select_n3A_642 : vector<16xi32>
          %gt3A_644 = vector.broadcast %squeeze3A_14 : f32 to vector<16xf32>
          %gt3A_645 = arith.cmpf ogt, %get3A_609, %gt3A_644 : vector<16xf32>
          %jit3A_646 = arith.constant 1 : i32
          %jit3A_647 = arith.constant 0 : i32
          %broadcast_in_dim3A_648 = vector.broadcast %jit3A_646 : i32 to vector<16xi32>
          %broadcast_in_dim3A_649 = vector.broadcast %jit3A_647 : i32 to vector<16xi32>
          %select_n3A_650 = arith.select %gt3A_645, %broadcast_in_dim3A_648, %broadcast_in_dim3A_649 : vector<16xi1>, vector<16xi32>
          %add3A_651 = arith.addi %add3A_643, %select_n3A_650 : vector<16xi32>
          %gt3A_652 = vector.broadcast %squeeze3A_16 : f32 to vector<16xf32>
          %gt3A_653 = arith.cmpf ogt, %get3A_609, %gt3A_652 : vector<16xf32>
          %jit3A_654 = arith.constant 1 : i32
          %jit3A_655 = arith.constant 0 : i32
          %broadcast_in_dim3A_656 = vector.broadcast %jit3A_654 : i32 to vector<16xi32>
          %broadcast_in_dim3A_657 = vector.broadcast %jit3A_655 : i32 to vector<16xi32>
          %select_n3A_658 = arith.select %gt3A_653, %broadcast_in_dim3A_656, %broadcast_in_dim3A_657 : vector<16xi1>, vector<16xi32>
          %add3A_659 = arith.addi %add3A_651, %select_n3A_658 : vector<16xi32>
          %gt3A_660 = vector.broadcast %squeeze3A_18 : f32 to vector<16xf32>
          %gt3A_661 = arith.cmpf ogt, %get3A_609, %gt3A_660 : vector<16xf32>
          %jit3A_662 = arith.constant 1 : i32
          %jit3A_663 = arith.constant 0 : i32
          %broadcast_in_dim3A_664 = vector.broadcast %jit3A_662 : i32 to vector<16xi32>
          %broadcast_in_dim3A_665 = vector.broadcast %jit3A_663 : i32 to vector<16xi32>
          %select_n3A_666 = arith.select %gt3A_661, %broadcast_in_dim3A_664, %broadcast_in_dim3A_665 : vector<16xi1>, vector<16xi32>
          %add3A_667 = arith.addi %add3A_659, %select_n3A_666 : vector<16xi32>
          %gt3A_668 = vector.broadcast %squeeze3A_20 : f32 to vector<16xf32>
          %gt3A_669 = arith.cmpf ogt, %get3A_609, %gt3A_668 : vector<16xf32>
          %jit3A_670 = arith.constant 1 : i32
          %jit3A_671 = arith.constant 0 : i32
          %broadcast_in_dim3A_672 = vector.broadcast %jit3A_670 : i32 to vector<16xi32>
          %broadcast_in_dim3A_673 = vector.broadcast %jit3A_671 : i32 to vector<16xi32>
          %select_n3A_674 = arith.select %gt3A_669, %broadcast_in_dim3A_672, %broadcast_in_dim3A_673 : vector<16xi1>, vector<16xi32>
          %add3A_675 = arith.addi %add3A_667, %select_n3A_674 : vector<16xi32>
          %gather3A_676 = tpu.vector_load_idx %arg14[%add3A_675] : memref<16xf32, #tpu.memory_space<vmem>>[vector<16xi32>], vector<16xf32>,
          %max3A_677 = vector.broadcast %reduce_min3A_349 : f32 to vector<16xf32>
          %max3A_678 = arith.maximumf %gather3A_676, %max3A_677 : vector<16xf32>
          %min3A_679 = vector.broadcast %reduce_max3A_352 : f32 to vector<16xf32>
          %min3A_680 = arith.minimumf %max3A_678, %min3A_679 : vector<16xf32>
          %mul3A_681 = arith.constant 16 : i32
          %mul3A_682 = arith.muli %scan3A_441, %mul3A_681 : i32
          %swap3A_683 = arith.constant 2 : i32
          %swap3A_684 = arith.index_cast %swap3A_683 : i32 to index
          %swap3A_685 = arith.index_cast %mul3A_682 : i32 to index
          %swap3A_686 = tpu.vector_load %arg10[%swap3A_684, %swap3A_685] {strides = array<i32>} : memref<8x2048xf32, #tpu.memory_space<vmem>>, vector<16xf32>,
          tpu.vector_store %arg10[%swap3A_684, %swap3A_685], %min3A_680 {strides = array<i32>} : memref<8x2048xf32, #tpu.memory_space<vmem>>, vector<16xf32>,
          %mul3A_687 = arith.constant 16 : i32
          %mul3A_688 = arith.muli %scan3A_441, %mul3A_687 : i32
          %get3A_689 = arith.constant 3 : i32
          %get3A_690 = arith.index_cast %get3A_689 : i32 to index
          %get3A_691 = arith.index_cast %mul3A_688 : i32 to index
          %get3A_692 = tpu.vector_load %arg8[%get3A_690, %get3A_691] {strides = array<i32>} : memref<8x2048xf32, #tpu.memory_space<vmem>>, vector<16xf32>,
          %broadcast_in_dim3A_693 = arith.constant 0 : i32
          %broadcast_in_dim3A_694 = vector.broadcast %broadcast_in_dim3A_693 : i32 to vector<16xi32>
          %gt3A_695 = vector.broadcast %squeeze3A_6 : f32 to vector<16xf32>
          %gt3A_696 = arith.cmpf ogt, %get3A_692, %gt3A_695 : vector<16xf32>
          %jit3A_697 = arith.constant 1 : i32
          %jit3A_698 = arith.constant 0 : i32
          %broadcast_in_dim3A_699 = vector.broadcast %jit3A_697 : i32 to vector<16xi32>
          %broadcast_in_dim3A_700 = vector.broadcast %jit3A_698 : i32 to vector<16xi32>
          %select_n3A_701 = arith.select %gt3A_696, %broadcast_in_dim3A_699, %broadcast_in_dim3A_700 : vector<16xi1>, vector<16xi32>
          %add3A_702 = arith.addi %broadcast_in_dim3A_694, %select_n3A_701 : vector<16xi32>
          %gt3A_703 = vector.broadcast %squeeze3A_8 : f32 to vector<16xf32>
          %gt3A_704 = arith.cmpf ogt, %get3A_692, %gt3A_703 : vector<16xf32>
          %jit3A_705 = arith.constant 1 : i32
          %jit3A_706 = arith.constant 0 : i32
          %broadcast_in_dim3A_707 = vector.broadcast %jit3A_705 : i32 to vector<16xi32>
          %broadcast_in_dim3A_708 = vector.broadcast %jit3A_706 : i32 to vector<16xi32>
          %select_n3A_709 = arith.select %gt3A_704, %broadcast_in_dim3A_707, %broadcast_in_dim3A_708 : vector<16xi1>, vector<16xi32>
          %add3A_710 = arith.addi %add3A_702, %select_n3A_709 : vector<16xi32>
          %gt3A_711 = vector.broadcast %squeeze3A_10 : f32 to vector<16xf32>
          %gt3A_712 = arith.cmpf ogt, %get3A_692, %gt3A_711 : vector<16xf32>
          %jit3A_713 = arith.constant 1 : i32
          %jit3A_714 = arith.constant 0 : i32
          %broadcast_in_dim3A_715 = vector.broadcast %jit3A_713 : i32 to vector<16xi32>
          %broadcast_in_dim3A_716 = vector.broadcast %jit3A_714 : i32 to vector<16xi32>
          %select_n3A_717 = arith.select %gt3A_712, %broadcast_in_dim3A_715, %broadcast_in_dim3A_716 : vector<16xi1>, vector<16xi32>
          %add3A_718 = arith.addi %add3A_710, %select_n3A_717 : vector<16xi32>
          %gt3A_719 = vector.broadcast %squeeze3A_12 : f32 to vector<16xf32>
          %gt3A_720 = arith.cmpf ogt, %get3A_692, %gt3A_719 : vector<16xf32>
          %jit3A_721 = arith.constant 1 : i32
          %jit3A_722 = arith.constant 0 : i32
          %broadcast_in_dim3A_723 = vector.broadcast %jit3A_721 : i32 to vector<16xi32>
          %broadcast_in_dim3A_724 = vector.broadcast %jit3A_722 : i32 to vector<16xi32>
          %select_n3A_725 = arith.select %gt3A_720, %broadcast_in_dim3A_723, %broadcast_in_dim3A_724 : vector<16xi1>, vector<16xi32>
          %add3A_726 = arith.addi %add3A_718, %select_n3A_725 : vector<16xi32>
          %gt3A_727 = vector.broadcast %squeeze3A_14 : f32 to vector<16xf32>
          %gt3A_728 = arith.cmpf ogt, %get3A_692, %gt3A_727 : vector<16xf32>
          %jit3A_729 = arith.constant 1 : i32
          %jit3A_730 = arith.constant 0 : i32
          %broadcast_in_dim3A_731 = vector.broadcast %jit3A_729 : i32 to vector<16xi32>
          %broadcast_in_dim3A_732 = vector.broadcast %jit3A_730 : i32 to vector<16xi32>
          %select_n3A_733 = arith.select %gt3A_728, %broadcast_in_dim3A_731, %broadcast_in_dim3A_732 : vector<16xi1>, vector<16xi32>
          %add3A_734 = arith.addi %add3A_726, %select_n3A_733 : vector<16xi32>
          %gt3A_735 = vector.broadcast %squeeze3A_16 : f32 to vector<16xf32>
          %gt3A_736 = arith.cmpf ogt, %get3A_692, %gt3A_735 : vector<16xf32>
          %jit3A_737 = arith.constant 1 : i32
          %jit3A_738 = arith.constant 0 : i32
          %broadcast_in_dim3A_739 = vector.broadcast %jit3A_737 : i32 to vector<16xi32>
          %broadcast_in_dim3A_740 = vector.broadcast %jit3A_738 : i32 to vector<16xi32>
          %select_n3A_741 = arith.select %gt3A_736, %broadcast_in_dim3A_739, %broadcast_in_dim3A_740 : vector<16xi1>, vector<16xi32>
          %add3A_742 = arith.addi %add3A_734, %select_n3A_741 : vector<16xi32>
          %gt3A_743 = vector.broadcast %squeeze3A_18 : f32 to vector<16xf32>
          %gt3A_744 = arith.cmpf ogt, %get3A_692, %gt3A_743 : vector<16xf32>
          %jit3A_745 = arith.constant 1 : i32
          %jit3A_746 = arith.constant 0 : i32
          %broadcast_in_dim3A_747 = vector.broadcast %jit3A_745 : i32 to vector<16xi32>
          %broadcast_in_dim3A_748 = vector.broadcast %jit3A_746 : i32 to vector<16xi32>
          %select_n3A_749 = arith.select %gt3A_744, %broadcast_in_dim3A_747, %broadcast_in_dim3A_748 : vector<16xi1>, vector<16xi32>
          %add3A_750 = arith.addi %add3A_742, %select_n3A_749 : vector<16xi32>
          %gt3A_751 = vector.broadcast %squeeze3A_20 : f32 to vector<16xf32>
          %gt3A_752 = arith.cmpf ogt, %get3A_692, %gt3A_751 : vector<16xf32>
          %jit3A_753 = arith.constant 1 : i32
          %jit3A_754 = arith.constant 0 : i32
          %broadcast_in_dim3A_755 = vector.broadcast %jit3A_753 : i32 to vector<16xi32>
          %broadcast_in_dim3A_756 = vector.broadcast %jit3A_754 : i32 to vector<16xi32>
          %select_n3A_757 = arith.select %gt3A_752, %broadcast_in_dim3A_755, %broadcast_in_dim3A_756 : vector<16xi1>, vector<16xi32>
          %add3A_758 = arith.addi %add3A_750, %select_n3A_757 : vector<16xi32>
          %gather3A_759 = tpu.vector_load_idx %arg14[%add3A_758] : memref<16xf32, #tpu.memory_space<vmem>>[vector<16xi32>], vector<16xf32>,
          %max3A_760 = vector.broadcast %reduce_min3A_349 : f32 to vector<16xf32>
          %max3A_761 = arith.maximumf %gather3A_759, %max3A_760 : vector<16xf32>
          %min3A_762 = vector.broadcast %reduce_max3A_352 : f32 to vector<16xf32>
          %min3A_763 = arith.minimumf %max3A_761, %min3A_762 : vector<16xf32>
          %mul3A_764 = arith.constant 16 : i32
          %mul3A_765 = arith.muli %scan3A_441, %mul3A_764 : i32
          %swap3A_766 = arith.constant 3 : i32
          %swap3A_767 = arith.index_cast %swap3A_766 : i32 to index
          %swap3A_768 = arith.index_cast %mul3A_765 : i32 to index
          %swap3A_769 = tpu.vector_load %arg10[%swap3A_767, %swap3A_768] {strides = array<i32>} : memref<8x2048xf32, #tpu.memory_space<vmem>>, vector<16xf32>,
          tpu.vector_store %arg10[%swap3A_767, %swap3A_768], %min3A_763 {strides = array<i32>} : memref<8x2048xf32, #tpu.memory_space<vmem>>, vector<16xf32>,
          %mul3A_770 = arith.constant 16 : i32
          %mul3A_771 = arith.muli %scan3A_441, %mul3A_770 : i32
          %get3A_772 = arith.constant 4 : i32
          %get3A_773 = arith.index_cast %get3A_772 : i32 to index
          %get3A_774 = arith.index_cast %mul3A_771 : i32 to index
          %get3A_775 = tpu.vector_load %arg8[%get3A_773, %get3A_774] {strides = array<i32>} : memref<8x2048xf32, #tpu.memory_space<vmem>>, vector<16xf32>,
          %broadcast_in_dim3A_776 = arith.constant 0 : i32
          %broadcast_in_dim3A_777 = vector.broadcast %broadcast_in_dim3A_776 : i32 to vector<16xi32>
          %gt3A_778 = vector.broadcast %squeeze3A_6 : f32 to vector<16xf32>
          %gt3A_779 = arith.cmpf ogt, %get3A_775, %gt3A_778 : vector<16xf32>
          %jit3A_780 = arith.constant 1 : i32
          %jit3A_781 = arith.constant 0 : i32
          %broadcast_in_dim3A_782 = vector.broadcast %jit3A_780 : i32 to vector<16xi32>
          %broadcast_in_dim3A_783 = vector.broadcast %jit3A_781 : i32 to vector<16xi32>
          %select_n3A_784 = arith.select %gt3A_779, %broadcast_in_dim3A_782, %broadcast_in_dim3A_783 : vector<16xi1>, vector<16xi32>
          %add3A_785 = arith.addi %broadcast_in_dim3A_777, %select_n3A_784 : vector<16xi32>
          %gt3A_786 = vector.broadcast %squeeze3A_8 : f32 to vector<16xf32>
          %gt3A_787 = arith.cmpf ogt, %get3A_775, %gt3A_786 : vector<16xf32>
          %jit3A_788 = arith.constant 1 : i32
          %jit3A_789 = arith.constant 0 : i32
          %broadcast_in_dim3A_790 = vector.broadcast %jit3A_788 : i32 to vector<16xi32>
          %broadcast_in_dim3A_791 = vector.broadcast %jit3A_789 : i32 to vector<16xi32>
          %select_n3A_792 = arith.select %gt3A_787, %broadcast_in_dim3A_790, %broadcast_in_dim3A_791 : vector<16xi1>, vector<16xi32>
          %add3A_793 = arith.addi %add3A_785, %select_n3A_792 : vector<16xi32>
          %gt3A_794 = vector.broadcast %squeeze3A_10 : f32 to vector<16xf32>
          %gt3A_795 = arith.cmpf ogt, %get3A_775, %gt3A_794 : vector<16xf32>
          %jit3A_796 = arith.constant 1 : i32
          %jit3A_797 = arith.constant 0 : i32
          %broadcast_in_dim3A_798 = vector.broadcast %jit3A_796 : i32 to vector<16xi32>
          %broadcast_in_dim3A_799 = vector.broadcast %jit3A_797 : i32 to vector<16xi32>
          %select_n3A_800 = arith.select %gt3A_795, %broadcast_in_dim3A_798, %broadcast_in_dim3A_799 : vector<16xi1>, vector<16xi32>
          %add3A_801 = arith.addi %add3A_793, %select_n3A_800 : vector<16xi32>
          %gt3A_802 = vector.broadcast %squeeze3A_12 : f32 to vector<16xf32>
          %gt3A_803 = arith.cmpf ogt, %get3A_775, %gt3A_802 : vector<16xf32>
          %jit3A_804 = arith.constant 1 : i32
          %jit3A_805 = arith.constant 0 : i32
          %broadcast_in_dim3A_806 = vector.broadcast %jit3A_804 : i32 to vector<16xi32>
          %broadcast_in_dim3A_807 = vector.broadcast %jit3A_805 : i32 to vector<16xi32>
          %select_n3A_808 = arith.select %gt3A_803, %broadcast_in_dim3A_806, %broadcast_in_dim3A_807 : vector<16xi1>, vector<16xi32>
          %add3A_809 = arith.addi %add3A_801, %select_n3A_808 : vector<16xi32>
          %gt3A_810 = vector.broadcast %squeeze3A_14 : f32 to vector<16xf32>
          %gt3A_811 = arith.cmpf ogt, %get3A_775, %gt3A_810 : vector<16xf32>
          %jit3A_812 = arith.constant 1 : i32
          %jit3A_813 = arith.constant 0 : i32
          %broadcast_in_dim3A_814 = vector.broadcast %jit3A_812 : i32 to vector<16xi32>
          %broadcast_in_dim3A_815 = vector.broadcast %jit3A_813 : i32 to vector<16xi32>
          %select_n3A_816 = arith.select %gt3A_811, %broadcast_in_dim3A_814, %broadcast_in_dim3A_815 : vector<16xi1>, vector<16xi32>
          %add3A_817 = arith.addi %add3A_809, %select_n3A_816 : vector<16xi32>
          %gt3A_818 = vector.broadcast %squeeze3A_16 : f32 to vector<16xf32>
          %gt3A_819 = arith.cmpf ogt, %get3A_775, %gt3A_818 : vector<16xf32>
          %jit3A_820 = arith.constant 1 : i32
          %jit3A_821 = arith.constant 0 : i32
          %broadcast_in_dim3A_822 = vector.broadcast %jit3A_820 : i32 to vector<16xi32>
          %broadcast_in_dim3A_823 = vector.broadcast %jit3A_821 : i32 to vector<16xi32>
          %select_n3A_824 = arith.select %gt3A_819, %broadcast_in_dim3A_822, %broadcast_in_dim3A_823 : vector<16xi1>, vector<16xi32>
          %add3A_825 = arith.addi %add3A_817, %select_n3A_824 : vector<16xi32>
          %gt3A_826 = vector.broadcast %squeeze3A_18 : f32 to vector<16xf32>
          %gt3A_827 = arith.cmpf ogt, %get3A_775, %gt3A_826 : vector<16xf32>
          %jit3A_828 = arith.constant 1 : i32
          %jit3A_829 = arith.constant 0 : i32
          %broadcast_in_dim3A_830 = vector.broadcast %jit3A_828 : i32 to vector<16xi32>
          %broadcast_in_dim3A_831 = vector.broadcast %jit3A_829 : i32 to vector<16xi32>
          %select_n3A_832 = arith.select %gt3A_827, %broadcast_in_dim3A_830, %broadcast_in_dim3A_831 : vector<16xi1>, vector<16xi32>
          %add3A_833 = arith.addi %add3A_825, %select_n3A_832 : vector<16xi32>
          %gt3A_834 = vector.broadcast %squeeze3A_20 : f32 to vector<16xf32>
          %gt3A_835 = arith.cmpf ogt, %get3A_775, %gt3A_834 : vector<16xf32>
          %jit3A_836 = arith.constant 1 : i32
          %jit3A_837 = arith.constant 0 : i32
          %broadcast_in_dim3A_838 = vector.broadcast %jit3A_836 : i32 to vector<16xi32>
          %broadcast_in_dim3A_839 = vector.broadcast %jit3A_837 : i32 to vector<16xi32>
          %select_n3A_840 = arith.select %gt3A_835, %broadcast_in_dim3A_838, %broadcast_in_dim3A_839 : vector<16xi1>, vector<16xi32>
          %add3A_841 = arith.addi %add3A_833, %select_n3A_840 : vector<16xi32>
          %gather3A_842 = tpu.vector_load_idx %arg14[%add3A_841] : memref<16xf32, #tpu.memory_space<vmem>>[vector<16xi32>], vector<16xf32>,
          %max3A_843 = vector.broadcast %reduce_min3A_349 : f32 to vector<16xf32>
          %max3A_844 = arith.maximumf %gather3A_842, %max3A_843 : vector<16xf32>
          %min3A_845 = vector.broadcast %reduce_max3A_352 : f32 to vector<16xf32>
          %min3A_846 = arith.minimumf %max3A_844, %min3A_845 : vector<16xf32>
          %mul3A_847 = arith.constant 16 : i32
          %mul3A_848 = arith.muli %scan3A_441, %mul3A_847 : i32
          %swap3A_849 = arith.constant 4 : i32
          %swap3A_850 = arith.index_cast %swap3A_849 : i32 to index
          %swap3A_851 = arith.index_cast %mul3A_848 : i32 to index
          %swap3A_852 = tpu.vector_load %arg10[%swap3A_850, %swap3A_851] {strides = array<i32>} : memref<8x2048xf32, #tpu.memory_space<vmem>>, vector<16xf32>,
          tpu.vector_store %arg10[%swap3A_850, %swap3A_851], %min3A_846 {strides = array<i32>} : memref<8x2048xf32, #tpu.memory_space<vmem>>, vector<16xf32>,
          %mul3A_853 = arith.constant 16 : i32
          %mul3A_854 = arith.muli %scan3A_441, %mul3A_853 : i32
          %get3A_855 = arith.constant 5 : i32
          %get3A_856 = arith.index_cast %get3A_855 : i32 to index
          %get3A_857 = arith.index_cast %mul3A_854 : i32 to index
          %get3A_858 = tpu.vector_load %arg8[%get3A_856, %get3A_857] {strides = array<i32>} : memref<8x2048xf32, #tpu.memory_space<vmem>>, vector<16xf32>,
          %broadcast_in_dim3A_859 = arith.constant 0 : i32
          %broadcast_in_dim3A_860 = vector.broadcast %broadcast_in_dim3A_859 : i32 to vector<16xi32>
          %gt3A_861 = vector.broadcast %squeeze3A_6 : f32 to vector<16xf32>
          %gt3A_862 = arith.cmpf ogt, %get3A_858, %gt3A_861 : vector<16xf32>
          %jit3A_863 = arith.constant 1 : i32
          %jit3A_864 = arith.constant 0 : i32
          %broadcast_in_dim3A_865 = vector.broadcast %jit3A_863 : i32 to vector<16xi32>
          %broadcast_in_dim3A_866 = vector.broadcast %jit3A_864 : i32 to vector<16xi32>
          %select_n3A_867 = arith.select %gt3A_862, %broadcast_in_dim3A_865, %broadcast_in_dim3A_866 : vector<16xi1>, vector<16xi32>
          %add3A_868 = arith.addi %broadcast_in_dim3A_860, %select_n3A_867 : vector<16xi32>
          %gt3A_869 = vector.broadcast %squeeze3A_8 : f32 to vector<16xf32>
          %gt3A_870 = arith.cmpf ogt, %get3A_858, %gt3A_869 : vector<16xf32>
          %jit3A_871 = arith.constant 1 : i32
          %jit3A_872 = arith.constant 0 : i32
          %broadcast_in_dim3A_873 = vector.broadcast %jit3A_871 : i32 to vector<16xi32>
          %broadcast_in_dim3A_874 = vector.broadcast %jit3A_872 : i32 to vector<16xi32>
          %select_n3A_875 = arith.select %gt3A_870, %broadcast_in_dim3A_873, %broadcast_in_dim3A_874 : vector<16xi1>, vector<16xi32>
          %add3A_876 = arith.addi %add3A_868, %select_n3A_875 : vector<16xi32>
          %gt3A_877 = vector.broadcast %squeeze3A_10 : f32 to vector<16xf32>
          %gt3A_878 = arith.cmpf ogt, %get3A_858, %gt3A_877 : vector<16xf32>
          %jit3A_879 = arith.constant 1 : i32
          %jit3A_880 = arith.constant 0 : i32
          %broadcast_in_dim3A_881 = vector.broadcast %jit3A_879 : i32 to vector<16xi32>
          %broadcast_in_dim3A_882 = vector.broadcast %jit3A_880 : i32 to vector<16xi32>
          %select_n3A_883 = arith.select %gt3A_878, %broadcast_in_dim3A_881, %broadcast_in_dim3A_882 : vector<16xi1>, vector<16xi32>
          %add3A_884 = arith.addi %add3A_876, %select_n3A_883 : vector<16xi32>
          %gt3A_885 = vector.broadcast %squeeze3A_12 : f32 to vector<16xf32>
          %gt3A_886 = arith.cmpf ogt, %get3A_858, %gt3A_885 : vector<16xf32>
          %jit3A_887 = arith.constant 1 : i32
          %jit3A_888 = arith.constant 0 : i32
          %broadcast_in_dim3A_889 = vector.broadcast %jit3A_887 : i32 to vector<16xi32>
          %broadcast_in_dim3A_890 = vector.broadcast %jit3A_888 : i32 to vector<16xi32>
          %select_n3A_891 = arith.select %gt3A_886, %broadcast_in_dim3A_889, %broadcast_in_dim3A_890 : vector<16xi1>, vector<16xi32>
          %add3A_892 = arith.addi %add3A_884, %select_n3A_891 : vector<16xi32>
          %gt3A_893 = vector.broadcast %squeeze3A_14 : f32 to vector<16xf32>
          %gt3A_894 = arith.cmpf ogt, %get3A_858, %gt3A_893 : vector<16xf32>
          %jit3A_895 = arith.constant 1 : i32
          %jit3A_896 = arith.constant 0 : i32
          %broadcast_in_dim3A_897 = vector.broadcast %jit3A_895 : i32 to vector<16xi32>
          %broadcast_in_dim3A_898 = vector.broadcast %jit3A_896 : i32 to vector<16xi32>
          %select_n3A_899 = arith.select %gt3A_894, %broadcast_in_dim3A_897, %broadcast_in_dim3A_898 : vector<16xi1>, vector<16xi32>
          %add3A_900 = arith.addi %add3A_892, %select_n3A_899 : vector<16xi32>
          %gt3A_901 = vector.broadcast %squeeze3A_16 : f32 to vector<16xf32>
          %gt3A_902 = arith.cmpf ogt, %get3A_858, %gt3A_901 : vector<16xf32>
          %jit3A_903 = arith.constant 1 : i32
          %jit3A_904 = arith.constant 0 : i32
          %broadcast_in_dim3A_905 = vector.broadcast %jit3A_903 : i32 to vector<16xi32>
          %broadcast_in_dim3A_906 = vector.broadcast %jit3A_904 : i32 to vector<16xi32>
          %select_n3A_907 = arith.select %gt3A_902, %broadcast_in_dim3A_905, %broadcast_in_dim3A_906 : vector<16xi1>, vector<16xi32>
          %add3A_908 = arith.addi %add3A_900, %select_n3A_907 : vector<16xi32>
          %gt3A_909 = vector.broadcast %squeeze3A_18 : f32 to vector<16xf32>
          %gt3A_910 = arith.cmpf ogt, %get3A_858, %gt3A_909 : vector<16xf32>
          %jit3A_911 = arith.constant 1 : i32
          %jit3A_912 = arith.constant 0 : i32
          %broadcast_in_dim3A_913 = vector.broadcast %jit3A_911 : i32 to vector<16xi32>
          %broadcast_in_dim3A_914 = vector.broadcast %jit3A_912 : i32 to vector<16xi32>
          %select_n3A_915 = arith.select %gt3A_910, %broadcast_in_dim3A_913, %broadcast_in_dim3A_914 : vector<16xi1>, vector<16xi32>
          %add3A_916 = arith.addi %add3A_908, %select_n3A_915 : vector<16xi32>
          %gt3A_917 = vector.broadcast %squeeze3A_20 : f32 to vector<16xf32>
          %gt3A_918 = arith.cmpf ogt, %get3A_858, %gt3A_917 : vector<16xf32>
          %jit3A_919 = arith.constant 1 : i32
          %jit3A_920 = arith.constant 0 : i32
          %broadcast_in_dim3A_921 = vector.broadcast %jit3A_919 : i32 to vector<16xi32>
          %broadcast_in_dim3A_922 = vector.broadcast %jit3A_920 : i32 to vector<16xi32>
          %select_n3A_923 = arith.select %gt3A_918, %broadcast_in_dim3A_921, %broadcast_in_dim3A_922 : vector<16xi1>, vector<16xi32>
          %add3A_924 = arith.addi %add3A_916, %select_n3A_923 : vector<16xi32>
          %gather3A_925 = tpu.vector_load_idx %arg14[%add3A_924] : memref<16xf32, #tpu.memory_space<vmem>>[vector<16xi32>], vector<16xf32>,
          %max3A_926 = vector.broadcast %reduce_min3A_349 : f32 to vector<16xf32>
          %max3A_927 = arith.maximumf %gather3A_925, %max3A_926 : vector<16xf32>
          %min3A_928 = vector.broadcast %reduce_max3A_352 : f32 to vector<16xf32>
          %min3A_929 = arith.minimumf %max3A_927, %min3A_928 : vector<16xf32>
          %mul3A_930 = arith.constant 16 : i32
          %mul3A_931 = arith.muli %scan3A_441, %mul3A_930 : i32
          %swap3A_932 = arith.constant 5 : i32
          %swap3A_933 = arith.index_cast %swap3A_932 : i32 to index
          %swap3A_934 = arith.index_cast %mul3A_931 : i32 to index
          %swap3A_935 = tpu.vector_load %arg10[%swap3A_933, %swap3A_934] {strides = array<i32>} : memref<8x2048xf32, #tpu.memory_space<vmem>>, vector<16xf32>,
          tpu.vector_store %arg10[%swap3A_933, %swap3A_934], %min3A_929 {strides = array<i32>} : memref<8x2048xf32, #tpu.memory_space<vmem>>, vector<16xf32>,
          %mul3A_936 = arith.constant 16 : i32
          %mul3A_937 = arith.muli %scan3A_441, %mul3A_936 : i32
          %get3A_938 = arith.constant 6 : i32
          %get3A_939 = arith.index_cast %get3A_938 : i32 to index
          %get3A_940 = arith.index_cast %mul3A_937 : i32 to index
          %get3A_941 = tpu.vector_load %arg8[%get3A_939, %get3A_940] {strides = array<i32>} : memref<8x2048xf32, #tpu.memory_space<vmem>>, vector<16xf32>,
          %broadcast_in_dim3A_942 = arith.constant 0 : i32
          %broadcast_in_dim3A_943 = vector.broadcast %broadcast_in_dim3A_942 : i32 to vector<16xi32>
          %gt3A_944 = vector.broadcast %squeeze3A_6 : f32 to vector<16xf32>
          %gt3A_945 = arith.cmpf ogt, %get3A_941, %gt3A_944 : vector<16xf32>
          %jit3A_946 = arith.constant 1 : i32
          %jit3A_947 = arith.constant 0 : i32
          %broadcast_in_dim3A_948 = vector.broadcast %jit3A_946 : i32 to vector<16xi32>
          %broadcast_in_dim3A_949 = vector.broadcast %jit3A_947 : i32 to vector<16xi32>
          %select_n3A_950 = arith.select %gt3A_945, %broadcast_in_dim3A_948, %broadcast_in_dim3A_949 : vector<16xi1>, vector<16xi32>
          %add3A_951 = arith.addi %broadcast_in_dim3A_943, %select_n3A_950 : vector<16xi32>
          %gt3A_952 = vector.broadcast %squeeze3A_8 : f32 to vector<16xf32>
          %gt3A_953 = arith.cmpf ogt, %get3A_941, %gt3A_952 : vector<16xf32>
          %jit3A_954 = arith.constant 1 : i32
          %jit3A_955 = arith.constant 0 : i32
          %broadcast_in_dim3A_956 = vector.broadcast %jit3A_954 : i32 to vector<16xi32>
          %broadcast_in_dim3A_957 = vector.broadcast %jit3A_955 : i32 to vector<16xi32>
          %select_n3A_958 = arith.select %gt3A_953, %broadcast_in_dim3A_956, %broadcast_in_dim3A_957 : vector<16xi1>, vector<16xi32>
          %add3A_959 = arith.addi %add3A_951, %select_n3A_958 : vector<16xi32>
          %gt3A_960 = vector.broadcast %squeeze3A_10 : f32 to vector<16xf32>
          %gt3A_961 = arith.cmpf ogt, %get3A_941, %gt3A_960 : vector<16xf32>
          %jit3A_962 = arith.constant 1 : i32
          %jit3A_963 = arith.constant 0 : i32
          %broadcast_in_dim3A_964 = vector.broadcast %jit3A_962 : i32 to vector<16xi32>
          %broadcast_in_dim3A_965 = vector.broadcast %jit3A_963 : i32 to vector<16xi32>
          %select_n3A_966 = arith.select %gt3A_961, %broadcast_in_dim3A_964, %broadcast_in_dim3A_965 : vector<16xi1>, vector<16xi32>
          %add3A_967 = arith.addi %add3A_959, %select_n3A_966 : vector<16xi32>
          %gt3A_968 = vector.broadcast %squeeze3A_12 : f32 to vector<16xf32>
          %gt3A_969 = arith.cmpf ogt, %get3A_941, %gt3A_968 : vector<16xf32>
          %jit3A_970 = arith.constant 1 : i32
          %jit3A_971 = arith.constant 0 : i32
          %broadcast_in_dim3A_972 = vector.broadcast %jit3A_970 : i32 to vector<16xi32>
          %broadcast_in_dim3A_973 = vector.broadcast %jit3A_971 : i32 to vector<16xi32>
          %select_n3A_974 = arith.select %gt3A_969, %broadcast_in_dim3A_972, %broadcast_in_dim3A_973 : vector<16xi1>, vector<16xi32>
          %add3A_975 = arith.addi %add3A_967, %select_n3A_974 : vector<16xi32>
          %gt3A_976 = vector.broadcast %squeeze3A_14 : f32 to vector<16xf32>
          %gt3A_977 = arith.cmpf ogt, %get3A_941, %gt3A_976 : vector<16xf32>
          %jit3A_978 = arith.constant 1 : i32
          %jit3A_979 = arith.constant 0 : i32
          %broadcast_in_dim3A_980 = vector.broadcast %jit3A_978 : i32 to vector<16xi32>
          %broadcast_in_dim3A_981 = vector.broadcast %jit3A_979 : i32 to vector<16xi32>
          %select_n3A_982 = arith.select %gt3A_977, %broadcast_in_dim3A_980, %broadcast_in_dim3A_981 : vector<16xi1>, vector<16xi32>
          %add3A_983 = arith.addi %add3A_975, %select_n3A_982 : vector<16xi32>
          %gt3A_984 = vector.broadcast %squeeze3A_16 : f32 to vector<16xf32>
          %gt3A_985 = arith.cmpf ogt, %get3A_941, %gt3A_984 : vector<16xf32>
          %jit3A_986 = arith.constant 1 : i32
          %jit3A_987 = arith.constant 0 : i32
          %broadcast_in_dim3A_988 = vector.broadcast %jit3A_986 : i32 to vector<16xi32>
          %broadcast_in_dim3A_989 = vector.broadcast %jit3A_987 : i32 to vector<16xi32>
          %select_n3A_990 = arith.select %gt3A_985, %broadcast_in_dim3A_988, %broadcast_in_dim3A_989 : vector<16xi1>, vector<16xi32>
          %add3A_991 = arith.addi %add3A_983, %select_n3A_990 : vector<16xi32>
          %gt3A_992 = vector.broadcast %squeeze3A_18 : f32 to vector<16xf32>
          %gt3A_993 = arith.cmpf ogt, %get3A_941, %gt3A_992 : vector<16xf32>
          %jit3A_994 = arith.constant 1 : i32
          %jit3A_995 = arith.constant 0 : i32
          %broadcast_in_dim3A_996 = vector.broadcast %jit3A_994 : i32 to vector<16xi32>
          %broadcast_in_dim3A_997 = vector.broadcast %jit3A_995 : i32 to vector<16xi32>
          %select_n3A_998 = arith.select %gt3A_993, %broadcast_in_dim3A_996, %broadcast_in_dim3A_997 : vector<16xi1>, vector<16xi32>
          %add3A_999 = arith.addi %add3A_991, %select_n3A_998 : vector<16xi32>
          %gt3A_1000 = vector.broadcast %squeeze3A_20 : f32 to vector<16xf32>
          %gt3A_1001 = arith.cmpf ogt, %get3A_941, %gt3A_1000 : vector<16xf32>
          %jit3A_1002 = arith.constant 1 : i32
          %jit3A_1003 = arith.constant 0 : i32
          %broadcast_in_dim3A_1004 = vector.broadcast %jit3A_1002 : i32 to vector<16xi32>
          %broadcast_in_dim3A_1005 = vector.broadcast %jit3A_1003 : i32 to vector<16xi32>
          %select_n3A_1006 = arith.select %gt3A_1001, %broadcast_in_dim3A_1004, %broadcast_in_dim3A_1005 : vector<16xi1>, vector<16xi32>
          %add3A_1007 = arith.addi %add3A_999, %select_n3A_1006 : vector<16xi32>
          %gather3A_1008 = tpu.vector_load_idx %arg14[%add3A_1007] : memref<16xf32, #tpu.memory_space<vmem>>[vector<16xi32>], vector<16xf32>,
          %max3A_1009 = vector.broadcast %reduce_min3A_349 : f32 to vector<16xf32>
          %max3A_1010 = arith.maximumf %gather3A_1008, %max3A_1009 : vector<16xf32>
          %min3A_1011 = vector.broadcast %reduce_max3A_352 : f32 to vector<16xf32>
          %min3A_1012 = arith.minimumf %max3A_1010, %min3A_1011 : vector<16xf32>
          %mul3A_1013 = arith.constant 16 : i32
          %mul3A_1014 = arith.muli %scan3A_441, %mul3A_1013 : i32
          %swap3A_1015 = arith.constant 6 : i32
          %swap3A_1016 = arith.index_cast %swap3A_1015 : i32 to index
          %swap3A_1017 = arith.index_cast %mul3A_1014 : i32 to index
          %swap3A_1018 = tpu.vector_load %arg10[%swap3A_1016, %swap3A_1017] {strides = array<i32>} : memref<8x2048xf32, #tpu.memory_space<vmem>>, vector<16xf32>,
          tpu.vector_store %arg10[%swap3A_1016, %swap3A_1017], %min3A_1012 {strides = array<i32>} : memref<8x2048xf32, #tpu.memory_space<vmem>>, vector<16xf32>,
          %mul3A_1019 = arith.constant 16 : i32
          %mul3A_1020 = arith.muli %scan3A_441, %mul3A_1019 : i32
          %get3A_1021 = arith.constant 7 : i32
          %get3A_1022 = arith.index_cast %get3A_1021 : i32 to index
          %get3A_1023 = arith.index_cast %mul3A_1020 : i32 to index
          %get3A_1024 = tpu.vector_load %arg8[%get3A_1022, %get3A_1023] {strides = array<i32>} : memref<8x2048xf32, #tpu.memory_space<vmem>>, vector<16xf32>,
          %broadcast_in_dim3A_1025 = arith.constant 0 : i32
          %broadcast_in_dim3A_1026 = vector.broadcast %broadcast_in_dim3A_1025 : i32 to vector<16xi32>
          %gt3A_1027 = vector.broadcast %squeeze3A_6 : f32 to vector<16xf32>
          %gt3A_1028 = arith.cmpf ogt, %get3A_1024, %gt3A_1027 : vector<16xf32>
          %jit3A_1029 = arith.constant 1 : i32
          %jit3A_1030 = arith.constant 0 : i32
          %broadcast_in_dim3A_1031 = vector.broadcast %jit3A_1029 : i32 to vector<16xi32>
          %broadcast_in_dim3A_1032 = vector.broadcast %jit3A_1030 : i32 to vector<16xi32>
          %select_n3A_1033 = arith.select %gt3A_1028, %broadcast_in_dim3A_1031, %broadcast_in_dim3A_1032 : vector<16xi1>, vector<16xi32>
          %add3A_1034 = arith.addi %broadcast_in_dim3A_1026, %select_n3A_1033 : vector<16xi32>
          %gt3A_1035 = vector.broadcast %squeeze3A_8 : f32 to vector<16xf32>
          %gt3A_1036 = arith.cmpf ogt, %get3A_1024, %gt3A_1035 : vector<16xf32>
          %jit3A_1037 = arith.constant 1 : i32
          %jit3A_1038 = arith.constant 0 : i32
          %broadcast_in_dim3A_1039 = vector.broadcast %jit3A_1037 : i32 to vector<16xi32>
          %broadcast_in_dim3A_1040 = vector.broadcast %jit3A_1038 : i32 to vector<16xi32>
          %select_n3A_1041 = arith.select %gt3A_1036, %broadcast_in_dim3A_1039, %broadcast_in_dim3A_1040 : vector<16xi1>, vector<16xi32>
          %add3A_1042 = arith.addi %add3A_1034, %select_n3A_1041 : vector<16xi32>
          %gt3A_1043 = vector.broadcast %squeeze3A_10 : f32 to vector<16xf32>
          %gt3A_1044 = arith.cmpf ogt, %get3A_1024, %gt3A_1043 : vector<16xf32>
          %jit3A_1045 = arith.constant 1 : i32
          %jit3A_1046 = arith.constant 0 : i32
          %broadcast_in_dim3A_1047 = vector.broadcast %jit3A_1045 : i32 to vector<16xi32>
          %broadcast_in_dim3A_1048 = vector.broadcast %jit3A_1046 : i32 to vector<16xi32>
          %select_n3A_1049 = arith.select %gt3A_1044, %broadcast_in_dim3A_1047, %broadcast_in_dim3A_1048 : vector<16xi1>, vector<16xi32>
          %add3A_1050 = arith.addi %add3A_1042, %select_n3A_1049 : vector<16xi32>
          %gt3A_1051 = vector.broadcast %squeeze3A_12 : f32 to vector<16xf32>
          %gt3A_1052 = arith.cmpf ogt, %get3A_1024, %gt3A_1051 : vector<16xf32>
          %jit3A_1053 = arith.constant 1 : i32
          %jit3A_1054 = arith.constant 0 : i32
          %broadcast_in_dim3A_1055 = vector.broadcast %jit3A_1053 : i32 to vector<16xi32>
          %broadcast_in_dim3A_1056 = vector.broadcast %jit3A_1054 : i32 to vector<16xi32>
          %select_n3A_1057 = arith.select %gt3A_1052, %broadcast_in_dim3A_1055, %broadcast_in_dim3A_1056 : vector<16xi1>, vector<16xi32>
          %add3A_1058 = arith.addi %add3A_1050, %select_n3A_1057 : vector<16xi32>
          %gt3A_1059 = vector.broadcast %squeeze3A_14 : f32 to vector<16xf32>
          %gt3A_1060 = arith.cmpf ogt, %get3A_1024, %gt3A_1059 : vector<16xf32>
          %jit3A_1061 = arith.constant 1 : i32
          %jit3A_1062 = arith.constant 0 : i32
          %broadcast_in_dim3A_1063 = vector.broadcast %jit3A_1061 : i32 to vector<16xi32>
          %broadcast_in_dim3A_1064 = vector.broadcast %jit3A_1062 : i32 to vector<16xi32>
          %select_n3A_1065 = arith.select %gt3A_1060, %broadcast_in_dim3A_1063, %broadcast_in_dim3A_1064 : vector<16xi1>, vector<16xi32>
          %add3A_1066 = arith.addi %add3A_1058, %select_n3A_1065 : vector<16xi32>
          %gt3A_1067 = vector.broadcast %squeeze3A_16 : f32 to vector<16xf32>
          %gt3A_1068 = arith.cmpf ogt, %get3A_1024, %gt3A_1067 : vector<16xf32>
          %jit3A_1069 = arith.constant 1 : i32
          %jit3A_1070 = arith.constant 0 : i32
          %broadcast_in_dim3A_1071 = vector.broadcast %jit3A_1069 : i32 to vector<16xi32>
          %broadcast_in_dim3A_1072 = vector.broadcast %jit3A_1070 : i32 to vector<16xi32>
          %select_n3A_1073 = arith.select %gt3A_1068, %broadcast_in_dim3A_1071, %broadcast_in_dim3A_1072 : vector<16xi1>, vector<16xi32>
          %add3A_1074 = arith.addi %add3A_1066, %select_n3A_1073 : vector<16xi32>
          %gt3A_1075 = vector.broadcast %squeeze3A_18 : f32 to vector<16xf32>
          %gt3A_1076 = arith.cmpf ogt, %get3A_1024, %gt3A_1075 : vector<16xf32>
          %jit3A_1077 = arith.constant 1 : i32
          %jit3A_1078 = arith.constant 0 : i32
          %broadcast_in_dim3A_1079 = vector.broadcast %jit3A_1077 : i32 to vector<16xi32>
          %broadcast_in_dim3A_1080 = vector.broadcast %jit3A_1078 : i32 to vector<16xi32>
          %select_n3A_1081 = arith.select %gt3A_1076, %broadcast_in_dim3A_1079, %broadcast_in_dim3A_1080 : vector<16xi1>, vector<16xi32>
          %add3A_1082 = arith.addi %add3A_1074, %select_n3A_1081 : vector<16xi32>
          %gt3A_1083 = vector.broadcast %squeeze3A_20 : f32 to vector<16xf32>
          %gt3A_1084 = arith.cmpf ogt, %get3A_1024, %gt3A_1083 : vector<16xf32>
          %jit3A_1085 = arith.constant 1 : i32
          %jit3A_1086 = arith.constant 0 : i32
          %broadcast_in_dim3A_1087 = vector.broadcast %jit3A_1085 : i32 to vector<16xi32>
          %broadcast_in_dim3A_1088 = vector.broadcast %jit3A_1086 : i32 to vector<16xi32>
          %select_n3A_1089 = arith.select %gt3A_1084, %broadcast_in_dim3A_1087, %broadcast_in_dim3A_1088 : vector<16xi1>, vector<16xi32>
          %add3A_1090 = arith.addi %add3A_1082, %select_n3A_1089 : vector<16xi32>
          %gather3A_1091 = tpu.vector_load_idx %arg14[%add3A_1090] : memref<16xf32, #tpu.memory_space<vmem>>[vector<16xi32>], vector<16xf32>,
          %max3A_1092 = vector.broadcast %reduce_min3A_349 : f32 to vector<16xf32>
          %max3A_1093 = arith.maximumf %gather3A_1091, %max3A_1092 : vector<16xf32>
          %min3A_1094 = vector.broadcast %reduce_max3A_352 : f32 to vector<16xf32>
          %min3A_1095 = arith.minimumf %max3A_1093, %min3A_1094 : vector<16xf32>
          %mul3A_1096 = arith.constant 16 : i32
          %mul3A_1097 = arith.muli %scan3A_441, %mul3A_1096 : i32
          %swap3A_1098 = arith.constant 7 : i32
          %swap3A_1099 = arith.index_cast %swap3A_1098 : i32 to index
          %swap3A_1100 = arith.index_cast %mul3A_1097 : i32 to index
          %swap3A_1101 = tpu.vector_load %arg10[%swap3A_1099, %swap3A_1100] {strides = array<i32>} : memref<8x2048xf32, #tpu.memory_space<vmem>>, vector<16xf32>,
          tpu.vector_store %arg10[%swap3A_1099, %swap3A_1100], %min3A_1095 {strides = array<i32>} : memref<8x2048xf32, #tpu.memory_space<vmem>>, vector<16xf32>,
          %scan3A_1102 = arith.constant 0 : i32
          scf.yield %scan3A_1102 : i32
        }
        %scan3A_392 = arith.constant 128 : i32
        %add3A_393 = arith.constant 2 : i32
        %add3A_394 = arith.addi %add3A_377, %add3A_393 : i32
        %lt3A = arith.constant 8 : i32
        %lt3A_395 = arith.cmpi slt, %add3A_394, %lt3A : i32
        %convert_element_type3A_396 = arith.extui %lt3A_395 : i1 to i32
        %cond3A_397 = arith.constant 0 : i32
        %cond3A_398 = arith.cmpi ne, %convert_element_type3A_396, %cond3A_397 : i32
        scf.if %cond3A_398 {
          %add3A_441 = arith.constant 2 : i32
          %add3A_442 = arith.addi %add3A_377, %add3A_441 : i32
          %mul3A_443 = arith.constant 8 : i32
          %mul3A_444 = arith.muli %add3A_442, %mul3A_443 : i32
          %add3A_445 = arith.addi %mul3A_2, %mul3A_444 : i32
          %dma_start3A_446 = arith.constant 0 : i32
          %dma_start3A_447 = tpu.memref_slice %arg2[%add3A_445, %dma_start3A_446] : memref<2048x2048xf32, #tpu.memory_space<hbm>> -> memref<8x2048xf32, #tpu.memory_space<hbm>>
          %dma_start3A_448 = arith.constant 0 : i32
          %dma_start3A_449 = tpu.memref_slice %arg2[%add3A_445, %dma_start3A_448] : memref<2048x2048xf32, #tpu.memory_space<hbm>> -> memref<8x2048xf32, #tpu.memory_space<hbm>>
          tpu.enqueue_dma source(%dma_start3A_449 : memref<8x2048xf32, #tpu.memory_space<hbm>>) target(%arg8 : memref<8x2048xf32, #tpu.memory_space<vmem>>) target_semaphore(%arg17 : memref<!tpu.dma_semaphore, #tpu.memory_space<semaphore_mem>>)
        } else {
        }
        %mul3A_399 = arith.constant 8 : i32
        %mul3A_400 = arith.muli %add3A_377, %mul3A_399 : i32
        %add3A_401 = arith.addi %mul3A_2, %mul3A_400 : i32
        %dma_start3A_402 = arith.constant 0 : i32
        %dma_start3A_403 = tpu.memref_slice %arg7[%add3A_401, %dma_start3A_402] : memref<2048x2048xf32, #tpu.memory_space<hbm>> -> memref<8x2048xf32, #tpu.memory_space<hbm>>
        %dma_start3A_404 = arith.constant 0 : i32
        %dma_start3A_405 = tpu.memref_slice %arg7[%add3A_401, %dma_start3A_404] : memref<2048x2048xf32, #tpu.memory_space<hbm>> -> memref<8x2048xf32, #tpu.memory_space<hbm>>
        tpu.enqueue_dma source(%arg10 : memref<8x2048xf32, #tpu.memory_space<vmem>>) target(%dma_start3A_405 : memref<8x2048xf32, #tpu.memory_space<hbm>>) target_semaphore(%arg19 : memref<!tpu.dma_semaphore, #tpu.memory_space<semaphore_mem>>)
        %mul3A_406 = arith.constant 2 : i32
        %mul3A_407 = arith.muli %mul3A_406, %scan3A_372 : i32
        %add3A_408 = arith.constant 1 : i32
        %add3A_409 = arith.addi %mul3A_407, %add3A_408 : i32
        %dma_wait3A_410 = arith.constant 0 : i32
        %dma_wait3A_411 = tpu.memref_slice %arg2[%mul3A_2, %dma_wait3A_410] : memref<2048x2048xf32, #tpu.memory_space<hbm>> -> memref<8x2048xf32, #tpu.memory_space<hbm>>
        %dma_wait3A_412 = arith.constant 0 : i32
        %dma_wait3A_413 = tpu.memref_slice %arg2[%mul3A_2, %dma_wait3A_412] : memref<2048x2048xf32, #tpu.memory_space<hbm>> -> memref<8x2048xf32, #tpu.memory_space<hbm>>
        tpu.wait_dma2 semaphore(%arg18 : memref<!tpu.dma_semaphore, #tpu.memory_space<semaphore_mem>>) src(%dma_wait3A_413 : memref<8x2048xf32, #tpu.memory_space<hbm>>) dst(%arg9 : memref<8x2048xf32, #tpu.memory_space<vmem>>)
        %ge3A_414 = arith.constant 2 : i32
        %ge3A_415 = arith.cmpi sge, %add3A_409, %ge3A_414 : i32
        %convert_element_type3A_416 = arith.extui %ge3A_415 : i1 to i32
        %cond3A_417 = arith.constant 0 : i32
        %cond3A_418 = arith.cmpi ne, %convert_element_type3A_416, %cond3A_417 : i32
        scf.if %cond3A_418 {
          %dma_wait3A_441 = arith.constant 0 : i32
          %dma_wait3A_442 = tpu.memref_slice %arg7[%mul3A_2, %dma_wait3A_441] : memref<2048x2048xf32, #tpu.memory_space<hbm>> -> memref<8x2048xf32, #tpu.memory_space<hbm>>
          %dma_wait3A_443 = arith.constant 0 : i32
          %dma_wait3A_444 = tpu.memref_slice %arg7[%mul3A_2, %dma_wait3A_443] : memref<2048x2048xf32, #tpu.memory_space<hbm>> -> memref<8x2048xf32, #tpu.memory_space<hbm>>
          tpu.wait_dma2 semaphore(%arg20 : memref<!tpu.dma_semaphore, #tpu.memory_space<semaphore_mem>>) src(%arg11 : memref<8x2048xf32, #tpu.memory_space<vmem>>) dst(%dma_wait3A_444 : memref<8x2048xf32, #tpu.memory_space<hbm>>)
        } else {
        }
        %scan3A_419 = arith.constant 0 : i32
        %scan3A_420 = arith.constant 0 : i32
        %scan3A_421 = arith.constant 128 : i32
        %scan3A_422 = arith.addi %scan3A_420, %scan3A_421 : i32
        %scan3A_423 = arith.constant 1 : i32
        %scan3A_424 = scf.for %scan3A_441 = %scan3A_420 to %scan3A_422 step %scan3A_423 iter_args(%scan3A_442 = %scan3A_419) -> (i32)  : i32 {
          %mul3A_443 = arith.constant 16 : i32
          %mul3A_444 = arith.muli %scan3A_441, %mul3A_443 : i32
          %get3A_445 = arith.constant 0 : i32
          %get3A_446 = arith.index_cast %get3A_445 : i32 to index
          %get3A_447 = arith.index_cast %mul3A_444 : i32 to index
          %get3A_448 = tpu.vector_load %arg9[%get3A_446, %get3A_447] {strides = array<i32>} : memref<8x2048xf32, #tpu.memory_space<vmem>>, vector<16xf32>,
          %broadcast_in_dim3A = arith.constant 0 : i32
          %broadcast_in_dim3A_449 = vector.broadcast %broadcast_in_dim3A : i32 to vector<16xi32>
          %gt3A_450 = vector.broadcast %squeeze3A_6 : f32 to vector<16xf32>
          %gt3A_451 = arith.cmpf ogt, %get3A_448, %gt3A_450 : vector<16xf32>
          %jit3A = arith.constant 1 : i32
          %jit3A_452 = arith.constant 0 : i32
          %broadcast_in_dim3A_453 = vector.broadcast %jit3A : i32 to vector<16xi32>
          %broadcast_in_dim3A_454 = vector.broadcast %jit3A_452 : i32 to vector<16xi32>
          %select_n3A = arith.select %gt3A_451, %broadcast_in_dim3A_453, %broadcast_in_dim3A_454 : vector<16xi1>, vector<16xi32>
          %add3A_455 = arith.addi %broadcast_in_dim3A_449, %select_n3A : vector<16xi32>
          %gt3A_456 = vector.broadcast %squeeze3A_8 : f32 to vector<16xf32>
          %gt3A_457 = arith.cmpf ogt, %get3A_448, %gt3A_456 : vector<16xf32>
          %jit3A_458 = arith.constant 1 : i32
          %jit3A_459 = arith.constant 0 : i32
          %broadcast_in_dim3A_460 = vector.broadcast %jit3A_458 : i32 to vector<16xi32>
          %broadcast_in_dim3A_461 = vector.broadcast %jit3A_459 : i32 to vector<16xi32>
          %select_n3A_462 = arith.select %gt3A_457, %broadcast_in_dim3A_460, %broadcast_in_dim3A_461 : vector<16xi1>, vector<16xi32>
          %add3A_463 = arith.addi %add3A_455, %select_n3A_462 : vector<16xi32>
          %gt3A_464 = vector.broadcast %squeeze3A_10 : f32 to vector<16xf32>
          %gt3A_465 = arith.cmpf ogt, %get3A_448, %gt3A_464 : vector<16xf32>
          %jit3A_466 = arith.constant 1 : i32
          %jit3A_467 = arith.constant 0 : i32
          %broadcast_in_dim3A_468 = vector.broadcast %jit3A_466 : i32 to vector<16xi32>
          %broadcast_in_dim3A_469 = vector.broadcast %jit3A_467 : i32 to vector<16xi32>
          %select_n3A_470 = arith.select %gt3A_465, %broadcast_in_dim3A_468, %broadcast_in_dim3A_469 : vector<16xi1>, vector<16xi32>
          %add3A_471 = arith.addi %add3A_463, %select_n3A_470 : vector<16xi32>
          %gt3A_472 = vector.broadcast %squeeze3A_12 : f32 to vector<16xf32>
          %gt3A_473 = arith.cmpf ogt, %get3A_448, %gt3A_472 : vector<16xf32>
          %jit3A_474 = arith.constant 1 : i32
          %jit3A_475 = arith.constant 0 : i32
          %broadcast_in_dim3A_476 = vector.broadcast %jit3A_474 : i32 to vector<16xi32>
          %broadcast_in_dim3A_477 = vector.broadcast %jit3A_475 : i32 to vector<16xi32>
          %select_n3A_478 = arith.select %gt3A_473, %broadcast_in_dim3A_476, %broadcast_in_dim3A_477 : vector<16xi1>, vector<16xi32>
          %add3A_479 = arith.addi %add3A_471, %select_n3A_478 : vector<16xi32>
          %gt3A_480 = vector.broadcast %squeeze3A_14 : f32 to vector<16xf32>
          %gt3A_481 = arith.cmpf ogt, %get3A_448, %gt3A_480 : vector<16xf32>
          %jit3A_482 = arith.constant 1 : i32
          %jit3A_483 = arith.constant 0 : i32
          %broadcast_in_dim3A_484 = vector.broadcast %jit3A_482 : i32 to vector<16xi32>
          %broadcast_in_dim3A_485 = vector.broadcast %jit3A_483 : i32 to vector<16xi32>
          %select_n3A_486 = arith.select %gt3A_481, %broadcast_in_dim3A_484, %broadcast_in_dim3A_485 : vector<16xi1>, vector<16xi32>
          %add3A_487 = arith.addi %add3A_479, %select_n3A_486 : vector<16xi32>
          %gt3A_488 = vector.broadcast %squeeze3A_16 : f32 to vector<16xf32>
          %gt3A_489 = arith.cmpf ogt, %get3A_448, %gt3A_488 : vector<16xf32>
          %jit3A_490 = arith.constant 1 : i32
          %jit3A_491 = arith.constant 0 : i32
          %broadcast_in_dim3A_492 = vector.broadcast %jit3A_490 : i32 to vector<16xi32>
          %broadcast_in_dim3A_493 = vector.broadcast %jit3A_491 : i32 to vector<16xi32>
          %select_n3A_494 = arith.select %gt3A_489, %broadcast_in_dim3A_492, %broadcast_in_dim3A_493 : vector<16xi1>, vector<16xi32>
          %add3A_495 = arith.addi %add3A_487, %select_n3A_494 : vector<16xi32>
          %gt3A_496 = vector.broadcast %squeeze3A_18 : f32 to vector<16xf32>
          %gt3A_497 = arith.cmpf ogt, %get3A_448, %gt3A_496 : vector<16xf32>
          %jit3A_498 = arith.constant 1 : i32
          %jit3A_499 = arith.constant 0 : i32
          %broadcast_in_dim3A_500 = vector.broadcast %jit3A_498 : i32 to vector<16xi32>
          %broadcast_in_dim3A_501 = vector.broadcast %jit3A_499 : i32 to vector<16xi32>
          %select_n3A_502 = arith.select %gt3A_497, %broadcast_in_dim3A_500, %broadcast_in_dim3A_501 : vector<16xi1>, vector<16xi32>
          %add3A_503 = arith.addi %add3A_495, %select_n3A_502 : vector<16xi32>
          %gt3A_504 = vector.broadcast %squeeze3A_20 : f32 to vector<16xf32>
          %gt3A_505 = arith.cmpf ogt, %get3A_448, %gt3A_504 : vector<16xf32>
          %jit3A_506 = arith.constant 1 : i32
          %jit3A_507 = arith.constant 0 : i32
          %broadcast_in_dim3A_508 = vector.broadcast %jit3A_506 : i32 to vector<16xi32>
          %broadcast_in_dim3A_509 = vector.broadcast %jit3A_507 : i32 to vector<16xi32>
          %select_n3A_510 = arith.select %gt3A_505, %broadcast_in_dim3A_508, %broadcast_in_dim3A_509 : vector<16xi1>, vector<16xi32>
          %add3A_511 = arith.addi %add3A_503, %select_n3A_510 : vector<16xi32>
          %gather3A = tpu.vector_load_idx %arg14[%add3A_511] : memref<16xf32, #tpu.memory_space<vmem>>[vector<16xi32>], vector<16xf32>,
          %max3A_512 = vector.broadcast %reduce_min3A_349 : f32 to vector<16xf32>
          %max3A_513 = arith.maximumf %gather3A, %max3A_512 : vector<16xf32>
          %min3A_514 = vector.broadcast %reduce_max3A_352 : f32 to vector<16xf32>
          %min3A_515 = arith.minimumf %max3A_513, %min3A_514 : vector<16xf32>
          %mul3A_516 = arith.constant 16 : i32
          %mul3A_517 = arith.muli %scan3A_441, %mul3A_516 : i32
          %swap3A = arith.constant 0 : i32
          %swap3A_518 = arith.index_cast %swap3A : i32 to index
          %swap3A_519 = arith.index_cast %mul3A_517 : i32 to index
          %swap3A_520 = tpu.vector_load %arg11[%swap3A_518, %swap3A_519] {strides = array<i32>} : memref<8x2048xf32, #tpu.memory_space<vmem>>, vector<16xf32>,
          tpu.vector_store %arg11[%swap3A_518, %swap3A_519], %min3A_515 {strides = array<i32>} : memref<8x2048xf32, #tpu.memory_space<vmem>>, vector<16xf32>,
          %mul3A_521 = arith.constant 16 : i32
          %mul3A_522 = arith.muli %scan3A_441, %mul3A_521 : i32
          %get3A_523 = arith.constant 1 : i32
          %get3A_524 = arith.index_cast %get3A_523 : i32 to index
          %get3A_525 = arith.index_cast %mul3A_522 : i32 to index
          %get3A_526 = tpu.vector_load %arg9[%get3A_524, %get3A_525] {strides = array<i32>} : memref<8x2048xf32, #tpu.memory_space<vmem>>, vector<16xf32>,
          %broadcast_in_dim3A_527 = arith.constant 0 : i32
          %broadcast_in_dim3A_528 = vector.broadcast %broadcast_in_dim3A_527 : i32 to vector<16xi32>
          %gt3A_529 = vector.broadcast %squeeze3A_6 : f32 to vector<16xf32>
          %gt3A_530 = arith.cmpf ogt, %get3A_526, %gt3A_529 : vector<16xf32>
          %jit3A_531 = arith.constant 1 : i32
          %jit3A_532 = arith.constant 0 : i32
          %broadcast_in_dim3A_533 = vector.broadcast %jit3A_531 : i32 to vector<16xi32>
          %broadcast_in_dim3A_534 = vector.broadcast %jit3A_532 : i32 to vector<16xi32>
          %select_n3A_535 = arith.select %gt3A_530, %broadcast_in_dim3A_533, %broadcast_in_dim3A_534 : vector<16xi1>, vector<16xi32>
          %add3A_536 = arith.addi %broadcast_in_dim3A_528, %select_n3A_535 : vector<16xi32>
          %gt3A_537 = vector.broadcast %squeeze3A_8 : f32 to vector<16xf32>
          %gt3A_538 = arith.cmpf ogt, %get3A_526, %gt3A_537 : vector<16xf32>
          %jit3A_539 = arith.constant 1 : i32
          %jit3A_540 = arith.constant 0 : i32
          %broadcast_in_dim3A_541 = vector.broadcast %jit3A_539 : i32 to vector<16xi32>
          %broadcast_in_dim3A_542 = vector.broadcast %jit3A_540 : i32 to vector<16xi32>
          %select_n3A_543 = arith.select %gt3A_538, %broadcast_in_dim3A_541, %broadcast_in_dim3A_542 : vector<16xi1>, vector<16xi32>
          %add3A_544 = arith.addi %add3A_536, %select_n3A_543 : vector<16xi32>
          %gt3A_545 = vector.broadcast %squeeze3A_10 : f32 to vector<16xf32>
          %gt3A_546 = arith.cmpf ogt, %get3A_526, %gt3A_545 : vector<16xf32>
          %jit3A_547 = arith.constant 1 : i32
          %jit3A_548 = arith.constant 0 : i32
          %broadcast_in_dim3A_549 = vector.broadcast %jit3A_547 : i32 to vector<16xi32>
          %broadcast_in_dim3A_550 = vector.broadcast %jit3A_548 : i32 to vector<16xi32>
          %select_n3A_551 = arith.select %gt3A_546, %broadcast_in_dim3A_549, %broadcast_in_dim3A_550 : vector<16xi1>, vector<16xi32>
          %add3A_552 = arith.addi %add3A_544, %select_n3A_551 : vector<16xi32>
          %gt3A_553 = vector.broadcast %squeeze3A_12 : f32 to vector<16xf32>
          %gt3A_554 = arith.cmpf ogt, %get3A_526, %gt3A_553 : vector<16xf32>
          %jit3A_555 = arith.constant 1 : i32
          %jit3A_556 = arith.constant 0 : i32
          %broadcast_in_dim3A_557 = vector.broadcast %jit3A_555 : i32 to vector<16xi32>
          %broadcast_in_dim3A_558 = vector.broadcast %jit3A_556 : i32 to vector<16xi32>
          %select_n3A_559 = arith.select %gt3A_554, %broadcast_in_dim3A_557, %broadcast_in_dim3A_558 : vector<16xi1>, vector<16xi32>
          %add3A_560 = arith.addi %add3A_552, %select_n3A_559 : vector<16xi32>
          %gt3A_561 = vector.broadcast %squeeze3A_14 : f32 to vector<16xf32>
          %gt3A_562 = arith.cmpf ogt, %get3A_526, %gt3A_561 : vector<16xf32>
          %jit3A_563 = arith.constant 1 : i32
          %jit3A_564 = arith.constant 0 : i32
          %broadcast_in_dim3A_565 = vector.broadcast %jit3A_563 : i32 to vector<16xi32>
          %broadcast_in_dim3A_566 = vector.broadcast %jit3A_564 : i32 to vector<16xi32>
          %select_n3A_567 = arith.select %gt3A_562, %broadcast_in_dim3A_565, %broadcast_in_dim3A_566 : vector<16xi1>, vector<16xi32>
          %add3A_568 = arith.addi %add3A_560, %select_n3A_567 : vector<16xi32>
          %gt3A_569 = vector.broadcast %squeeze3A_16 : f32 to vector<16xf32>
          %gt3A_570 = arith.cmpf ogt, %get3A_526, %gt3A_569 : vector<16xf32>
          %jit3A_571 = arith.constant 1 : i32
          %jit3A_572 = arith.constant 0 : i32
          %broadcast_in_dim3A_573 = vector.broadcast %jit3A_571 : i32 to vector<16xi32>
          %broadcast_in_dim3A_574 = vector.broadcast %jit3A_572 : i32 to vector<16xi32>
          %select_n3A_575 = arith.select %gt3A_570, %broadcast_in_dim3A_573, %broadcast_in_dim3A_574 : vector<16xi1>, vector<16xi32>
          %add3A_576 = arith.addi %add3A_568, %select_n3A_575 : vector<16xi32>
          %gt3A_577 = vector.broadcast %squeeze3A_18 : f32 to vector<16xf32>
          %gt3A_578 = arith.cmpf ogt, %get3A_526, %gt3A_577 : vector<16xf32>
          %jit3A_579 = arith.constant 1 : i32
          %jit3A_580 = arith.constant 0 : i32
          %broadcast_in_dim3A_581 = vector.broadcast %jit3A_579 : i32 to vector<16xi32>
          %broadcast_in_dim3A_582 = vector.broadcast %jit3A_580 : i32 to vector<16xi32>
          %select_n3A_583 = arith.select %gt3A_578, %broadcast_in_dim3A_581, %broadcast_in_dim3A_582 : vector<16xi1>, vector<16xi32>
          %add3A_584 = arith.addi %add3A_576, %select_n3A_583 : vector<16xi32>
          %gt3A_585 = vector.broadcast %squeeze3A_20 : f32 to vector<16xf32>
          %gt3A_586 = arith.cmpf ogt, %get3A_526, %gt3A_585 : vector<16xf32>
          %jit3A_587 = arith.constant 1 : i32
          %jit3A_588 = arith.constant 0 : i32
          %broadcast_in_dim3A_589 = vector.broadcast %jit3A_587 : i32 to vector<16xi32>
          %broadcast_in_dim3A_590 = vector.broadcast %jit3A_588 : i32 to vector<16xi32>
          %select_n3A_591 = arith.select %gt3A_586, %broadcast_in_dim3A_589, %broadcast_in_dim3A_590 : vector<16xi1>, vector<16xi32>
          %add3A_592 = arith.addi %add3A_584, %select_n3A_591 : vector<16xi32>
          %gather3A_593 = tpu.vector_load_idx %arg14[%add3A_592] : memref<16xf32, #tpu.memory_space<vmem>>[vector<16xi32>], vector<16xf32>,
          %max3A_594 = vector.broadcast %reduce_min3A_349 : f32 to vector<16xf32>
          %max3A_595 = arith.maximumf %gather3A_593, %max3A_594 : vector<16xf32>
          %min3A_596 = vector.broadcast %reduce_max3A_352 : f32 to vector<16xf32>
          %min3A_597 = arith.minimumf %max3A_595, %min3A_596 : vector<16xf32>
          %mul3A_598 = arith.constant 16 : i32
          %mul3A_599 = arith.muli %scan3A_441, %mul3A_598 : i32
          %swap3A_600 = arith.constant 1 : i32
          %swap3A_601 = arith.index_cast %swap3A_600 : i32 to index
          %swap3A_602 = arith.index_cast %mul3A_599 : i32 to index
          %swap3A_603 = tpu.vector_load %arg11[%swap3A_601, %swap3A_602] {strides = array<i32>} : memref<8x2048xf32, #tpu.memory_space<vmem>>, vector<16xf32>,
          tpu.vector_store %arg11[%swap3A_601, %swap3A_602], %min3A_597 {strides = array<i32>} : memref<8x2048xf32, #tpu.memory_space<vmem>>, vector<16xf32>,
          %mul3A_604 = arith.constant 16 : i32
          %mul3A_605 = arith.muli %scan3A_441, %mul3A_604 : i32
          %get3A_606 = arith.constant 2 : i32
          %get3A_607 = arith.index_cast %get3A_606 : i32 to index
          %get3A_608 = arith.index_cast %mul3A_605 : i32 to index
          %get3A_609 = tpu.vector_load %arg9[%get3A_607, %get3A_608] {strides = array<i32>} : memref<8x2048xf32, #tpu.memory_space<vmem>>, vector<16xf32>,
          %broadcast_in_dim3A_610 = arith.constant 0 : i32
          %broadcast_in_dim3A_611 = vector.broadcast %broadcast_in_dim3A_610 : i32 to vector<16xi32>
          %gt3A_612 = vector.broadcast %squeeze3A_6 : f32 to vector<16xf32>
          %gt3A_613 = arith.cmpf ogt, %get3A_609, %gt3A_612 : vector<16xf32>
          %jit3A_614 = arith.constant 1 : i32
          %jit3A_615 = arith.constant 0 : i32
          %broadcast_in_dim3A_616 = vector.broadcast %jit3A_614 : i32 to vector<16xi32>
          %broadcast_in_dim3A_617 = vector.broadcast %jit3A_615 : i32 to vector<16xi32>
          %select_n3A_618 = arith.select %gt3A_613, %broadcast_in_dim3A_616, %broadcast_in_dim3A_617 : vector<16xi1>, vector<16xi32>
          %add3A_619 = arith.addi %broadcast_in_dim3A_611, %select_n3A_618 : vector<16xi32>
          %gt3A_620 = vector.broadcast %squeeze3A_8 : f32 to vector<16xf32>
          %gt3A_621 = arith.cmpf ogt, %get3A_609, %gt3A_620 : vector<16xf32>
          %jit3A_622 = arith.constant 1 : i32
          %jit3A_623 = arith.constant 0 : i32
          %broadcast_in_dim3A_624 = vector.broadcast %jit3A_622 : i32 to vector<16xi32>
          %broadcast_in_dim3A_625 = vector.broadcast %jit3A_623 : i32 to vector<16xi32>
          %select_n3A_626 = arith.select %gt3A_621, %broadcast_in_dim3A_624, %broadcast_in_dim3A_625 : vector<16xi1>, vector<16xi32>
          %add3A_627 = arith.addi %add3A_619, %select_n3A_626 : vector<16xi32>
          %gt3A_628 = vector.broadcast %squeeze3A_10 : f32 to vector<16xf32>
          %gt3A_629 = arith.cmpf ogt, %get3A_609, %gt3A_628 : vector<16xf32>
          %jit3A_630 = arith.constant 1 : i32
          %jit3A_631 = arith.constant 0 : i32
          %broadcast_in_dim3A_632 = vector.broadcast %jit3A_630 : i32 to vector<16xi32>
          %broadcast_in_dim3A_633 = vector.broadcast %jit3A_631 : i32 to vector<16xi32>
          %select_n3A_634 = arith.select %gt3A_629, %broadcast_in_dim3A_632, %broadcast_in_dim3A_633 : vector<16xi1>, vector<16xi32>
          %add3A_635 = arith.addi %add3A_627, %select_n3A_634 : vector<16xi32>
          %gt3A_636 = vector.broadcast %squeeze3A_12 : f32 to vector<16xf32>
          %gt3A_637 = arith.cmpf ogt, %get3A_609, %gt3A_636 : vector<16xf32>
          %jit3A_638 = arith.constant 1 : i32
          %jit3A_639 = arith.constant 0 : i32
          %broadcast_in_dim3A_640 = vector.broadcast %jit3A_638 : i32 to vector<16xi32>
          %broadcast_in_dim3A_641 = vector.broadcast %jit3A_639 : i32 to vector<16xi32>
          %select_n3A_642 = arith.select %gt3A_637, %broadcast_in_dim3A_640, %broadcast_in_dim3A_641 : vector<16xi1>, vector<16xi32>
          %add3A_643 = arith.addi %add3A_635, %select_n3A_642 : vector<16xi32>
          %gt3A_644 = vector.broadcast %squeeze3A_14 : f32 to vector<16xf32>
          %gt3A_645 = arith.cmpf ogt, %get3A_609, %gt3A_644 : vector<16xf32>
          %jit3A_646 = arith.constant 1 : i32
          %jit3A_647 = arith.constant 0 : i32
          %broadcast_in_dim3A_648 = vector.broadcast %jit3A_646 : i32 to vector<16xi32>
          %broadcast_in_dim3A_649 = vector.broadcast %jit3A_647 : i32 to vector<16xi32>
          %select_n3A_650 = arith.select %gt3A_645, %broadcast_in_dim3A_648, %broadcast_in_dim3A_649 : vector<16xi1>, vector<16xi32>
          %add3A_651 = arith.addi %add3A_643, %select_n3A_650 : vector<16xi32>
          %gt3A_652 = vector.broadcast %squeeze3A_16 : f32 to vector<16xf32>
          %gt3A_653 = arith.cmpf ogt, %get3A_609, %gt3A_652 : vector<16xf32>
          %jit3A_654 = arith.constant 1 : i32
          %jit3A_655 = arith.constant 0 : i32
          %broadcast_in_dim3A_656 = vector.broadcast %jit3A_654 : i32 to vector<16xi32>
          %broadcast_in_dim3A_657 = vector.broadcast %jit3A_655 : i32 to vector<16xi32>
          %select_n3A_658 = arith.select %gt3A_653, %broadcast_in_dim3A_656, %broadcast_in_dim3A_657 : vector<16xi1>, vector<16xi32>
          %add3A_659 = arith.addi %add3A_651, %select_n3A_658 : vector<16xi32>
          %gt3A_660 = vector.broadcast %squeeze3A_18 : f32 to vector<16xf32>
          %gt3A_661 = arith.cmpf ogt, %get3A_609, %gt3A_660 : vector<16xf32>
          %jit3A_662 = arith.constant 1 : i32
          %jit3A_663 = arith.constant 0 : i32
          %broadcast_in_dim3A_664 = vector.broadcast %jit3A_662 : i32 to vector<16xi32>
          %broadcast_in_dim3A_665 = vector.broadcast %jit3A_663 : i32 to vector<16xi32>
          %select_n3A_666 = arith.select %gt3A_661, %broadcast_in_dim3A_664, %broadcast_in_dim3A_665 : vector<16xi1>, vector<16xi32>
          %add3A_667 = arith.addi %add3A_659, %select_n3A_666 : vector<16xi32>
          %gt3A_668 = vector.broadcast %squeeze3A_20 : f32 to vector<16xf32>
          %gt3A_669 = arith.cmpf ogt, %get3A_609, %gt3A_668 : vector<16xf32>
          %jit3A_670 = arith.constant 1 : i32
          %jit3A_671 = arith.constant 0 : i32
          %broadcast_in_dim3A_672 = vector.broadcast %jit3A_670 : i32 to vector<16xi32>
          %broadcast_in_dim3A_673 = vector.broadcast %jit3A_671 : i32 to vector<16xi32>
          %select_n3A_674 = arith.select %gt3A_669, %broadcast_in_dim3A_672, %broadcast_in_dim3A_673 : vector<16xi1>, vector<16xi32>
          %add3A_675 = arith.addi %add3A_667, %select_n3A_674 : vector<16xi32>
          %gather3A_676 = tpu.vector_load_idx %arg14[%add3A_675] : memref<16xf32, #tpu.memory_space<vmem>>[vector<16xi32>], vector<16xf32>,
          %max3A_677 = vector.broadcast %reduce_min3A_349 : f32 to vector<16xf32>
          %max3A_678 = arith.maximumf %gather3A_676, %max3A_677 : vector<16xf32>
          %min3A_679 = vector.broadcast %reduce_max3A_352 : f32 to vector<16xf32>
          %min3A_680 = arith.minimumf %max3A_678, %min3A_679 : vector<16xf32>
          %mul3A_681 = arith.constant 16 : i32
          %mul3A_682 = arith.muli %scan3A_441, %mul3A_681 : i32
          %swap3A_683 = arith.constant 2 : i32
          %swap3A_684 = arith.index_cast %swap3A_683 : i32 to index
          %swap3A_685 = arith.index_cast %mul3A_682 : i32 to index
          %swap3A_686 = tpu.vector_load %arg11[%swap3A_684, %swap3A_685] {strides = array<i32>} : memref<8x2048xf32, #tpu.memory_space<vmem>>, vector<16xf32>,
          tpu.vector_store %arg11[%swap3A_684, %swap3A_685], %min3A_680 {strides = array<i32>} : memref<8x2048xf32, #tpu.memory_space<vmem>>, vector<16xf32>,
          %mul3A_687 = arith.constant 16 : i32
          %mul3A_688 = arith.muli %scan3A_441, %mul3A_687 : i32
          %get3A_689 = arith.constant 3 : i32
          %get3A_690 = arith.index_cast %get3A_689 : i32 to index
          %get3A_691 = arith.index_cast %mul3A_688 : i32 to index
          %get3A_692 = tpu.vector_load %arg9[%get3A_690, %get3A_691] {strides = array<i32>} : memref<8x2048xf32, #tpu.memory_space<vmem>>, vector<16xf32>,
          %broadcast_in_dim3A_693 = arith.constant 0 : i32
          %broadcast_in_dim3A_694 = vector.broadcast %broadcast_in_dim3A_693 : i32 to vector<16xi32>
          %gt3A_695 = vector.broadcast %squeeze3A_6 : f32 to vector<16xf32>
          %gt3A_696 = arith.cmpf ogt, %get3A_692, %gt3A_695 : vector<16xf32>
          %jit3A_697 = arith.constant 1 : i32
          %jit3A_698 = arith.constant 0 : i32
          %broadcast_in_dim3A_699 = vector.broadcast %jit3A_697 : i32 to vector<16xi32>
          %broadcast_in_dim3A_700 = vector.broadcast %jit3A_698 : i32 to vector<16xi32>
          %select_n3A_701 = arith.select %gt3A_696, %broadcast_in_dim3A_699, %broadcast_in_dim3A_700 : vector<16xi1>, vector<16xi32>
          %add3A_702 = arith.addi %broadcast_in_dim3A_694, %select_n3A_701 : vector<16xi32>
          %gt3A_703 = vector.broadcast %squeeze3A_8 : f32 to vector<16xf32>
          %gt3A_704 = arith.cmpf ogt, %get3A_692, %gt3A_703 : vector<16xf32>
          %jit3A_705 = arith.constant 1 : i32
          %jit3A_706 = arith.constant 0 : i32
          %broadcast_in_dim3A_707 = vector.broadcast %jit3A_705 : i32 to vector<16xi32>
          %broadcast_in_dim3A_708 = vector.broadcast %jit3A_706 : i32 to vector<16xi32>
          %select_n3A_709 = arith.select %gt3A_704, %broadcast_in_dim3A_707, %broadcast_in_dim3A_708 : vector<16xi1>, vector<16xi32>
          %add3A_710 = arith.addi %add3A_702, %select_n3A_709 : vector<16xi32>
          %gt3A_711 = vector.broadcast %squeeze3A_10 : f32 to vector<16xf32>
          %gt3A_712 = arith.cmpf ogt, %get3A_692, %gt3A_711 : vector<16xf32>
          %jit3A_713 = arith.constant 1 : i32
          %jit3A_714 = arith.constant 0 : i32
          %broadcast_in_dim3A_715 = vector.broadcast %jit3A_713 : i32 to vector<16xi32>
          %broadcast_in_dim3A_716 = vector.broadcast %jit3A_714 : i32 to vector<16xi32>
          %select_n3A_717 = arith.select %gt3A_712, %broadcast_in_dim3A_715, %broadcast_in_dim3A_716 : vector<16xi1>, vector<16xi32>
          %add3A_718 = arith.addi %add3A_710, %select_n3A_717 : vector<16xi32>
          %gt3A_719 = vector.broadcast %squeeze3A_12 : f32 to vector<16xf32>
          %gt3A_720 = arith.cmpf ogt, %get3A_692, %gt3A_719 : vector<16xf32>
          %jit3A_721 = arith.constant 1 : i32
          %jit3A_722 = arith.constant 0 : i32
          %broadcast_in_dim3A_723 = vector.broadcast %jit3A_721 : i32 to vector<16xi32>
          %broadcast_in_dim3A_724 = vector.broadcast %jit3A_722 : i32 to vector<16xi32>
          %select_n3A_725 = arith.select %gt3A_720, %broadcast_in_dim3A_723, %broadcast_in_dim3A_724 : vector<16xi1>, vector<16xi32>
          %add3A_726 = arith.addi %add3A_718, %select_n3A_725 : vector<16xi32>
          %gt3A_727 = vector.broadcast %squeeze3A_14 : f32 to vector<16xf32>
          %gt3A_728 = arith.cmpf ogt, %get3A_692, %gt3A_727 : vector<16xf32>
          %jit3A_729 = arith.constant 1 : i32
          %jit3A_730 = arith.constant 0 : i32
          %broadcast_in_dim3A_731 = vector.broadcast %jit3A_729 : i32 to vector<16xi32>
          %broadcast_in_dim3A_732 = vector.broadcast %jit3A_730 : i32 to vector<16xi32>
          %select_n3A_733 = arith.select %gt3A_728, %broadcast_in_dim3A_731, %broadcast_in_dim3A_732 : vector<16xi1>, vector<16xi32>
          %add3A_734 = arith.addi %add3A_726, %select_n3A_733 : vector<16xi32>
          %gt3A_735 = vector.broadcast %squeeze3A_16 : f32 to vector<16xf32>
          %gt3A_736 = arith.cmpf ogt, %get3A_692, %gt3A_735 : vector<16xf32>
          %jit3A_737 = arith.constant 1 : i32
          %jit3A_738 = arith.constant 0 : i32
          %broadcast_in_dim3A_739 = vector.broadcast %jit3A_737 : i32 to vector<16xi32>
          %broadcast_in_dim3A_740 = vector.broadcast %jit3A_738 : i32 to vector<16xi32>
          %select_n3A_741 = arith.select %gt3A_736, %broadcast_in_dim3A_739, %broadcast_in_dim3A_740 : vector<16xi1>, vector<16xi32>
          %add3A_742 = arith.addi %add3A_734, %select_n3A_741 : vector<16xi32>
          %gt3A_743 = vector.broadcast %squeeze3A_18 : f32 to vector<16xf32>
          %gt3A_744 = arith.cmpf ogt, %get3A_692, %gt3A_743 : vector<16xf32>
          %jit3A_745 = arith.constant 1 : i32
          %jit3A_746 = arith.constant 0 : i32
          %broadcast_in_dim3A_747 = vector.broadcast %jit3A_745 : i32 to vector<16xi32>
          %broadcast_in_dim3A_748 = vector.broadcast %jit3A_746 : i32 to vector<16xi32>
          %select_n3A_749 = arith.select %gt3A_744, %broadcast_in_dim3A_747, %broadcast_in_dim3A_748 : vector<16xi1>, vector<16xi32>
          %add3A_750 = arith.addi %add3A_742, %select_n3A_749 : vector<16xi32>
          %gt3A_751 = vector.broadcast %squeeze3A_20 : f32 to vector<16xf32>
          %gt3A_752 = arith.cmpf ogt, %get3A_692, %gt3A_751 : vector<16xf32>
          %jit3A_753 = arith.constant 1 : i32
          %jit3A_754 = arith.constant 0 : i32
          %broadcast_in_dim3A_755 = vector.broadcast %jit3A_753 : i32 to vector<16xi32>
          %broadcast_in_dim3A_756 = vector.broadcast %jit3A_754 : i32 to vector<16xi32>
          %select_n3A_757 = arith.select %gt3A_752, %broadcast_in_dim3A_755, %broadcast_in_dim3A_756 : vector<16xi1>, vector<16xi32>
          %add3A_758 = arith.addi %add3A_750, %select_n3A_757 : vector<16xi32>
          %gather3A_759 = tpu.vector_load_idx %arg14[%add3A_758] : memref<16xf32, #tpu.memory_space<vmem>>[vector<16xi32>], vector<16xf32>,
          %max3A_760 = vector.broadcast %reduce_min3A_349 : f32 to vector<16xf32>
          %max3A_761 = arith.maximumf %gather3A_759, %max3A_760 : vector<16xf32>
          %min3A_762 = vector.broadcast %reduce_max3A_352 : f32 to vector<16xf32>
          %min3A_763 = arith.minimumf %max3A_761, %min3A_762 : vector<16xf32>
          %mul3A_764 = arith.constant 16 : i32
          %mul3A_765 = arith.muli %scan3A_441, %mul3A_764 : i32
          %swap3A_766 = arith.constant 3 : i32
          %swap3A_767 = arith.index_cast %swap3A_766 : i32 to index
          %swap3A_768 = arith.index_cast %mul3A_765 : i32 to index
          %swap3A_769 = tpu.vector_load %arg11[%swap3A_767, %swap3A_768] {strides = array<i32>} : memref<8x2048xf32, #tpu.memory_space<vmem>>, vector<16xf32>,
          tpu.vector_store %arg11[%swap3A_767, %swap3A_768], %min3A_763 {strides = array<i32>} : memref<8x2048xf32, #tpu.memory_space<vmem>>, vector<16xf32>,
          %mul3A_770 = arith.constant 16 : i32
          %mul3A_771 = arith.muli %scan3A_441, %mul3A_770 : i32
          %get3A_772 = arith.constant 4 : i32
          %get3A_773 = arith.index_cast %get3A_772 : i32 to index
          %get3A_774 = arith.index_cast %mul3A_771 : i32 to index
          %get3A_775 = tpu.vector_load %arg9[%get3A_773, %get3A_774] {strides = array<i32>} : memref<8x2048xf32, #tpu.memory_space<vmem>>, vector<16xf32>,
          %broadcast_in_dim3A_776 = arith.constant 0 : i32
          %broadcast_in_dim3A_777 = vector.broadcast %broadcast_in_dim3A_776 : i32 to vector<16xi32>
          %gt3A_778 = vector.broadcast %squeeze3A_6 : f32 to vector<16xf32>
          %gt3A_779 = arith.cmpf ogt, %get3A_775, %gt3A_778 : vector<16xf32>
          %jit3A_780 = arith.constant 1 : i32
          %jit3A_781 = arith.constant 0 : i32
          %broadcast_in_dim3A_782 = vector.broadcast %jit3A_780 : i32 to vector<16xi32>
          %broadcast_in_dim3A_783 = vector.broadcast %jit3A_781 : i32 to vector<16xi32>
          %select_n3A_784 = arith.select %gt3A_779, %broadcast_in_dim3A_782, %broadcast_in_dim3A_783 : vector<16xi1>, vector<16xi32>
          %add3A_785 = arith.addi %broadcast_in_dim3A_777, %select_n3A_784 : vector<16xi32>
          %gt3A_786 = vector.broadcast %squeeze3A_8 : f32 to vector<16xf32>
          %gt3A_787 = arith.cmpf ogt, %get3A_775, %gt3A_786 : vector<16xf32>
          %jit3A_788 = arith.constant 1 : i32
          %jit3A_789 = arith.constant 0 : i32
          %broadcast_in_dim3A_790 = vector.broadcast %jit3A_788 : i32 to vector<16xi32>
          %broadcast_in_dim3A_791 = vector.broadcast %jit3A_789 : i32 to vector<16xi32>
          %select_n3A_792 = arith.select %gt3A_787, %broadcast_in_dim3A_790, %broadcast_in_dim3A_791 : vector<16xi1>, vector<16xi32>
          %add3A_793 = arith.addi %add3A_785, %select_n3A_792 : vector<16xi32>
          %gt3A_794 = vector.broadcast %squeeze3A_10 : f32 to vector<16xf32>
          %gt3A_795 = arith.cmpf ogt, %get3A_775, %gt3A_794 : vector<16xf32>
          %jit3A_796 = arith.constant 1 : i32
          %jit3A_797 = arith.constant 0 : i32
          %broadcast_in_dim3A_798 = vector.broadcast %jit3A_796 : i32 to vector<16xi32>
          %broadcast_in_dim3A_799 = vector.broadcast %jit3A_797 : i32 to vector<16xi32>
          %select_n3A_800 = arith.select %gt3A_795, %broadcast_in_dim3A_798, %broadcast_in_dim3A_799 : vector<16xi1>, vector<16xi32>
          %add3A_801 = arith.addi %add3A_793, %select_n3A_800 : vector<16xi32>
          %gt3A_802 = vector.broadcast %squeeze3A_12 : f32 to vector<16xf32>
          %gt3A_803 = arith.cmpf ogt, %get3A_775, %gt3A_802 : vector<16xf32>
          %jit3A_804 = arith.constant 1 : i32
          %jit3A_805 = arith.constant 0 : i32
          %broadcast_in_dim3A_806 = vector.broadcast %jit3A_804 : i32 to vector<16xi32>
          %broadcast_in_dim3A_807 = vector.broadcast %jit3A_805 : i32 to vector<16xi32>
          %select_n3A_808 = arith.select %gt3A_803, %broadcast_in_dim3A_806, %broadcast_in_dim3A_807 : vector<16xi1>, vector<16xi32>
          %add3A_809 = arith.addi %add3A_801, %select_n3A_808 : vector<16xi32>
          %gt3A_810 = vector.broadcast %squeeze3A_14 : f32 to vector<16xf32>
          %gt3A_811 = arith.cmpf ogt, %get3A_775, %gt3A_810 : vector<16xf32>
          %jit3A_812 = arith.constant 1 : i32
          %jit3A_813 = arith.constant 0 : i32
          %broadcast_in_dim3A_814 = vector.broadcast %jit3A_812 : i32 to vector<16xi32>
          %broadcast_in_dim3A_815 = vector.broadcast %jit3A_813 : i32 to vector<16xi32>
          %select_n3A_816 = arith.select %gt3A_811, %broadcast_in_dim3A_814, %broadcast_in_dim3A_815 : vector<16xi1>, vector<16xi32>
          %add3A_817 = arith.addi %add3A_809, %select_n3A_816 : vector<16xi32>
          %gt3A_818 = vector.broadcast %squeeze3A_16 : f32 to vector<16xf32>
          %gt3A_819 = arith.cmpf ogt, %get3A_775, %gt3A_818 : vector<16xf32>
          %jit3A_820 = arith.constant 1 : i32
          %jit3A_821 = arith.constant 0 : i32
          %broadcast_in_dim3A_822 = vector.broadcast %jit3A_820 : i32 to vector<16xi32>
          %broadcast_in_dim3A_823 = vector.broadcast %jit3A_821 : i32 to vector<16xi32>
          %select_n3A_824 = arith.select %gt3A_819, %broadcast_in_dim3A_822, %broadcast_in_dim3A_823 : vector<16xi1>, vector<16xi32>
          %add3A_825 = arith.addi %add3A_817, %select_n3A_824 : vector<16xi32>
          %gt3A_826 = vector.broadcast %squeeze3A_18 : f32 to vector<16xf32>
          %gt3A_827 = arith.cmpf ogt, %get3A_775, %gt3A_826 : vector<16xf32>
          %jit3A_828 = arith.constant 1 : i32
          %jit3A_829 = arith.constant 0 : i32
          %broadcast_in_dim3A_830 = vector.broadcast %jit3A_828 : i32 to vector<16xi32>
          %broadcast_in_dim3A_831 = vector.broadcast %jit3A_829 : i32 to vector<16xi32>
          %select_n3A_832 = arith.select %gt3A_827, %broadcast_in_dim3A_830, %broadcast_in_dim3A_831 : vector<16xi1>, vector<16xi32>
          %add3A_833 = arith.addi %add3A_825, %select_n3A_832 : vector<16xi32>
          %gt3A_834 = vector.broadcast %squeeze3A_20 : f32 to vector<16xf32>
          %gt3A_835 = arith.cmpf ogt, %get3A_775, %gt3A_834 : vector<16xf32>
          %jit3A_836 = arith.constant 1 : i32
          %jit3A_837 = arith.constant 0 : i32
          %broadcast_in_dim3A_838 = vector.broadcast %jit3A_836 : i32 to vector<16xi32>
          %broadcast_in_dim3A_839 = vector.broadcast %jit3A_837 : i32 to vector<16xi32>
          %select_n3A_840 = arith.select %gt3A_835, %broadcast_in_dim3A_838, %broadcast_in_dim3A_839 : vector<16xi1>, vector<16xi32>
          %add3A_841 = arith.addi %add3A_833, %select_n3A_840 : vector<16xi32>
          %gather3A_842 = tpu.vector_load_idx %arg14[%add3A_841] : memref<16xf32, #tpu.memory_space<vmem>>[vector<16xi32>], vector<16xf32>,
          %max3A_843 = vector.broadcast %reduce_min3A_349 : f32 to vector<16xf32>
          %max3A_844 = arith.maximumf %gather3A_842, %max3A_843 : vector<16xf32>
          %min3A_845 = vector.broadcast %reduce_max3A_352 : f32 to vector<16xf32>
          %min3A_846 = arith.minimumf %max3A_844, %min3A_845 : vector<16xf32>
          %mul3A_847 = arith.constant 16 : i32
          %mul3A_848 = arith.muli %scan3A_441, %mul3A_847 : i32
          %swap3A_849 = arith.constant 4 : i32
          %swap3A_850 = arith.index_cast %swap3A_849 : i32 to index
          %swap3A_851 = arith.index_cast %mul3A_848 : i32 to index
          %swap3A_852 = tpu.vector_load %arg11[%swap3A_850, %swap3A_851] {strides = array<i32>} : memref<8x2048xf32, #tpu.memory_space<vmem>>, vector<16xf32>,
          tpu.vector_store %arg11[%swap3A_850, %swap3A_851], %min3A_846 {strides = array<i32>} : memref<8x2048xf32, #tpu.memory_space<vmem>>, vector<16xf32>,
          %mul3A_853 = arith.constant 16 : i32
          %mul3A_854 = arith.muli %scan3A_441, %mul3A_853 : i32
          %get3A_855 = arith.constant 5 : i32
          %get3A_856 = arith.index_cast %get3A_855 : i32 to index
          %get3A_857 = arith.index_cast %mul3A_854 : i32 to index
          %get3A_858 = tpu.vector_load %arg9[%get3A_856, %get3A_857] {strides = array<i32>} : memref<8x2048xf32, #tpu.memory_space<vmem>>, vector<16xf32>,
          %broadcast_in_dim3A_859 = arith.constant 0 : i32
          %broadcast_in_dim3A_860 = vector.broadcast %broadcast_in_dim3A_859 : i32 to vector<16xi32>
          %gt3A_861 = vector.broadcast %squeeze3A_6 : f32 to vector<16xf32>
          %gt3A_862 = arith.cmpf ogt, %get3A_858, %gt3A_861 : vector<16xf32>
          %jit3A_863 = arith.constant 1 : i32
          %jit3A_864 = arith.constant 0 : i32
          %broadcast_in_dim3A_865 = vector.broadcast %jit3A_863 : i32 to vector<16xi32>
          %broadcast_in_dim3A_866 = vector.broadcast %jit3A_864 : i32 to vector<16xi32>
          %select_n3A_867 = arith.select %gt3A_862, %broadcast_in_dim3A_865, %broadcast_in_dim3A_866 : vector<16xi1>, vector<16xi32>
          %add3A_868 = arith.addi %broadcast_in_dim3A_860, %select_n3A_867 : vector<16xi32>
          %gt3A_869 = vector.broadcast %squeeze3A_8 : f32 to vector<16xf32>
          %gt3A_870 = arith.cmpf ogt, %get3A_858, %gt3A_869 : vector<16xf32>
          %jit3A_871 = arith.constant 1 : i32
          %jit3A_872 = arith.constant 0 : i32
          %broadcast_in_dim3A_873 = vector.broadcast %jit3A_871 : i32 to vector<16xi32>
          %broadcast_in_dim3A_874 = vector.broadcast %jit3A_872 : i32 to vector<16xi32>
          %select_n3A_875 = arith.select %gt3A_870, %broadcast_in_dim3A_873, %broadcast_in_dim3A_874 : vector<16xi1>, vector<16xi32>
          %add3A_876 = arith.addi %add3A_868, %select_n3A_875 : vector<16xi32>
          %gt3A_877 = vector.broadcast %squeeze3A_10 : f32 to vector<16xf32>
          %gt3A_878 = arith.cmpf ogt, %get3A_858, %gt3A_877 : vector<16xf32>
          %jit3A_879 = arith.constant 1 : i32
          %jit3A_880 = arith.constant 0 : i32
          %broadcast_in_dim3A_881 = vector.broadcast %jit3A_879 : i32 to vector<16xi32>
          %broadcast_in_dim3A_882 = vector.broadcast %jit3A_880 : i32 to vector<16xi32>
          %select_n3A_883 = arith.select %gt3A_878, %broadcast_in_dim3A_881, %broadcast_in_dim3A_882 : vector<16xi1>, vector<16xi32>
          %add3A_884 = arith.addi %add3A_876, %select_n3A_883 : vector<16xi32>
          %gt3A_885 = vector.broadcast %squeeze3A_12 : f32 to vector<16xf32>
          %gt3A_886 = arith.cmpf ogt, %get3A_858, %gt3A_885 : vector<16xf32>
          %jit3A_887 = arith.constant 1 : i32
          %jit3A_888 = arith.constant 0 : i32
          %broadcast_in_dim3A_889 = vector.broadcast %jit3A_887 : i32 to vector<16xi32>
          %broadcast_in_dim3A_890 = vector.broadcast %jit3A_888 : i32 to vector<16xi32>
          %select_n3A_891 = arith.select %gt3A_886, %broadcast_in_dim3A_889, %broadcast_in_dim3A_890 : vector<16xi1>, vector<16xi32>
          %add3A_892 = arith.addi %add3A_884, %select_n3A_891 : vector<16xi32>
          %gt3A_893 = vector.broadcast %squeeze3A_14 : f32 to vector<16xf32>
          %gt3A_894 = arith.cmpf ogt, %get3A_858, %gt3A_893 : vector<16xf32>
          %jit3A_895 = arith.constant 1 : i32
          %jit3A_896 = arith.constant 0 : i32
          %broadcast_in_dim3A_897 = vector.broadcast %jit3A_895 : i32 to vector<16xi32>
          %broadcast_in_dim3A_898 = vector.broadcast %jit3A_896 : i32 to vector<16xi32>
          %select_n3A_899 = arith.select %gt3A_894, %broadcast_in_dim3A_897, %broadcast_in_dim3A_898 : vector<16xi1>, vector<16xi32>
          %add3A_900 = arith.addi %add3A_892, %select_n3A_899 : vector<16xi32>
          %gt3A_901 = vector.broadcast %squeeze3A_16 : f32 to vector<16xf32>
          %gt3A_902 = arith.cmpf ogt, %get3A_858, %gt3A_901 : vector<16xf32>
          %jit3A_903 = arith.constant 1 : i32
          %jit3A_904 = arith.constant 0 : i32
          %broadcast_in_dim3A_905 = vector.broadcast %jit3A_903 : i32 to vector<16xi32>
          %broadcast_in_dim3A_906 = vector.broadcast %jit3A_904 : i32 to vector<16xi32>
          %select_n3A_907 = arith.select %gt3A_902, %broadcast_in_dim3A_905, %broadcast_in_dim3A_906 : vector<16xi1>, vector<16xi32>
          %add3A_908 = arith.addi %add3A_900, %select_n3A_907 : vector<16xi32>
          %gt3A_909 = vector.broadcast %squeeze3A_18 : f32 to vector<16xf32>
          %gt3A_910 = arith.cmpf ogt, %get3A_858, %gt3A_909 : vector<16xf32>
          %jit3A_911 = arith.constant 1 : i32
          %jit3A_912 = arith.constant 0 : i32
          %broadcast_in_dim3A_913 = vector.broadcast %jit3A_911 : i32 to vector<16xi32>
          %broadcast_in_dim3A_914 = vector.broadcast %jit3A_912 : i32 to vector<16xi32>
          %select_n3A_915 = arith.select %gt3A_910, %broadcast_in_dim3A_913, %broadcast_in_dim3A_914 : vector<16xi1>, vector<16xi32>
          %add3A_916 = arith.addi %add3A_908, %select_n3A_915 : vector<16xi32>
          %gt3A_917 = vector.broadcast %squeeze3A_20 : f32 to vector<16xf32>
          %gt3A_918 = arith.cmpf ogt, %get3A_858, %gt3A_917 : vector<16xf32>
          %jit3A_919 = arith.constant 1 : i32
          %jit3A_920 = arith.constant 0 : i32
          %broadcast_in_dim3A_921 = vector.broadcast %jit3A_919 : i32 to vector<16xi32>
          %broadcast_in_dim3A_922 = vector.broadcast %jit3A_920 : i32 to vector<16xi32>
          %select_n3A_923 = arith.select %gt3A_918, %broadcast_in_dim3A_921, %broadcast_in_dim3A_922 : vector<16xi1>, vector<16xi32>
          %add3A_924 = arith.addi %add3A_916, %select_n3A_923 : vector<16xi32>
          %gather3A_925 = tpu.vector_load_idx %arg14[%add3A_924] : memref<16xf32, #tpu.memory_space<vmem>>[vector<16xi32>], vector<16xf32>,
          %max3A_926 = vector.broadcast %reduce_min3A_349 : f32 to vector<16xf32>
          %max3A_927 = arith.maximumf %gather3A_925, %max3A_926 : vector<16xf32>
          %min3A_928 = vector.broadcast %reduce_max3A_352 : f32 to vector<16xf32>
          %min3A_929 = arith.minimumf %max3A_927, %min3A_928 : vector<16xf32>
          %mul3A_930 = arith.constant 16 : i32
          %mul3A_931 = arith.muli %scan3A_441, %mul3A_930 : i32
          %swap3A_932 = arith.constant 5 : i32
          %swap3A_933 = arith.index_cast %swap3A_932 : i32 to index
          %swap3A_934 = arith.index_cast %mul3A_931 : i32 to index
          %swap3A_935 = tpu.vector_load %arg11[%swap3A_933, %swap3A_934] {strides = array<i32>} : memref<8x2048xf32, #tpu.memory_space<vmem>>, vector<16xf32>,
          tpu.vector_store %arg11[%swap3A_933, %swap3A_934], %min3A_929 {strides = array<i32>} : memref<8x2048xf32, #tpu.memory_space<vmem>>, vector<16xf32>,
          %mul3A_936 = arith.constant 16 : i32
          %mul3A_937 = arith.muli %scan3A_441, %mul3A_936 : i32
          %get3A_938 = arith.constant 6 : i32
          %get3A_939 = arith.index_cast %get3A_938 : i32 to index
          %get3A_940 = arith.index_cast %mul3A_937 : i32 to index
          %get3A_941 = tpu.vector_load %arg9[%get3A_939, %get3A_940] {strides = array<i32>} : memref<8x2048xf32, #tpu.memory_space<vmem>>, vector<16xf32>,
          %broadcast_in_dim3A_942 = arith.constant 0 : i32
          %broadcast_in_dim3A_943 = vector.broadcast %broadcast_in_dim3A_942 : i32 to vector<16xi32>
          %gt3A_944 = vector.broadcast %squeeze3A_6 : f32 to vector<16xf32>
          %gt3A_945 = arith.cmpf ogt, %get3A_941, %gt3A_944 : vector<16xf32>
          %jit3A_946 = arith.constant 1 : i32
          %jit3A_947 = arith.constant 0 : i32
          %broadcast_in_dim3A_948 = vector.broadcast %jit3A_946 : i32 to vector<16xi32>
          %broadcast_in_dim3A_949 = vector.broadcast %jit3A_947 : i32 to vector<16xi32>
          %select_n3A_950 = arith.select %gt3A_945, %broadcast_in_dim3A_948, %broadcast_in_dim3A_949 : vector<16xi1>, vector<16xi32>
          %add3A_951 = arith.addi %broadcast_in_dim3A_943, %select_n3A_950 : vector<16xi32>
          %gt3A_952 = vector.broadcast %squeeze3A_8 : f32 to vector<16xf32>
          %gt3A_953 = arith.cmpf ogt, %get3A_941, %gt3A_952 : vector<16xf32>
          %jit3A_954 = arith.constant 1 : i32
          %jit3A_955 = arith.constant 0 : i32
          %broadcast_in_dim3A_956 = vector.broadcast %jit3A_954 : i32 to vector<16xi32>
          %broadcast_in_dim3A_957 = vector.broadcast %jit3A_955 : i32 to vector<16xi32>
          %select_n3A_958 = arith.select %gt3A_953, %broadcast_in_dim3A_956, %broadcast_in_dim3A_957 : vector<16xi1>, vector<16xi32>
          %add3A_959 = arith.addi %add3A_951, %select_n3A_958 : vector<16xi32>
          %gt3A_960 = vector.broadcast %squeeze3A_10 : f32 to vector<16xf32>
          %gt3A_961 = arith.cmpf ogt, %get3A_941, %gt3A_960 : vector<16xf32>
          %jit3A_962 = arith.constant 1 : i32
          %jit3A_963 = arith.constant 0 : i32
          %broadcast_in_dim3A_964 = vector.broadcast %jit3A_962 : i32 to vector<16xi32>
          %broadcast_in_dim3A_965 = vector.broadcast %jit3A_963 : i32 to vector<16xi32>
          %select_n3A_966 = arith.select %gt3A_961, %broadcast_in_dim3A_964, %broadcast_in_dim3A_965 : vector<16xi1>, vector<16xi32>
          %add3A_967 = arith.addi %add3A_959, %select_n3A_966 : vector<16xi32>
          %gt3A_968 = vector.broadcast %squeeze3A_12 : f32 to vector<16xf32>
          %gt3A_969 = arith.cmpf ogt, %get3A_941, %gt3A_968 : vector<16xf32>
          %jit3A_970 = arith.constant 1 : i32
          %jit3A_971 = arith.constant 0 : i32
          %broadcast_in_dim3A_972 = vector.broadcast %jit3A_970 : i32 to vector<16xi32>
          %broadcast_in_dim3A_973 = vector.broadcast %jit3A_971 : i32 to vector<16xi32>
          %select_n3A_974 = arith.select %gt3A_969, %broadcast_in_dim3A_972, %broadcast_in_dim3A_973 : vector<16xi1>, vector<16xi32>
          %add3A_975 = arith.addi %add3A_967, %select_n3A_974 : vector<16xi32>
          %gt3A_976 = vector.broadcast %squeeze3A_14 : f32 to vector<16xf32>
          %gt3A_977 = arith.cmpf ogt, %get3A_941, %gt3A_976 : vector<16xf32>
          %jit3A_978 = arith.constant 1 : i32
          %jit3A_979 = arith.constant 0 : i32
          %broadcast_in_dim3A_980 = vector.broadcast %jit3A_978 : i32 to vector<16xi32>
          %broadcast_in_dim3A_981 = vector.broadcast %jit3A_979 : i32 to vector<16xi32>
          %select_n3A_982 = arith.select %gt3A_977, %broadcast_in_dim3A_980, %broadcast_in_dim3A_981 : vector<16xi1>, vector<16xi32>
          %add3A_983 = arith.addi %add3A_975, %select_n3A_982 : vector<16xi32>
          %gt3A_984 = vector.broadcast %squeeze3A_16 : f32 to vector<16xf32>
          %gt3A_985 = arith.cmpf ogt, %get3A_941, %gt3A_984 : vector<16xf32>
          %jit3A_986 = arith.constant 1 : i32
          %jit3A_987 = arith.constant 0 : i32
          %broadcast_in_dim3A_988 = vector.broadcast %jit3A_986 : i32 to vector<16xi32>
          %broadcast_in_dim3A_989 = vector.broadcast %jit3A_987 : i32 to vector<16xi32>
          %select_n3A_990 = arith.select %gt3A_985, %broadcast_in_dim3A_988, %broadcast_in_dim3A_989 : vector<16xi1>, vector<16xi32>
          %add3A_991 = arith.addi %add3A_983, %select_n3A_990 : vector<16xi32>
          %gt3A_992 = vector.broadcast %squeeze3A_18 : f32 to vector<16xf32>
          %gt3A_993 = arith.cmpf ogt, %get3A_941, %gt3A_992 : vector<16xf32>
          %jit3A_994 = arith.constant 1 : i32
          %jit3A_995 = arith.constant 0 : i32
          %broadcast_in_dim3A_996 = vector.broadcast %jit3A_994 : i32 to vector<16xi32>
          %broadcast_in_dim3A_997 = vector.broadcast %jit3A_995 : i32 to vector<16xi32>
          %select_n3A_998 = arith.select %gt3A_993, %broadcast_in_dim3A_996, %broadcast_in_dim3A_997 : vector<16xi1>, vector<16xi32>
          %add3A_999 = arith.addi %add3A_991, %select_n3A_998 : vector<16xi32>
          %gt3A_1000 = vector.broadcast %squeeze3A_20 : f32 to vector<16xf32>
          %gt3A_1001 = arith.cmpf ogt, %get3A_941, %gt3A_1000 : vector<16xf32>
          %jit3A_1002 = arith.constant 1 : i32
          %jit3A_1003 = arith.constant 0 : i32
          %broadcast_in_dim3A_1004 = vector.broadcast %jit3A_1002 : i32 to vector<16xi32>
          %broadcast_in_dim3A_1005 = vector.broadcast %jit3A_1003 : i32 to vector<16xi32>
          %select_n3A_1006 = arith.select %gt3A_1001, %broadcast_in_dim3A_1004, %broadcast_in_dim3A_1005 : vector<16xi1>, vector<16xi32>
          %add3A_1007 = arith.addi %add3A_999, %select_n3A_1006 : vector<16xi32>
          %gather3A_1008 = tpu.vector_load_idx %arg14[%add3A_1007] : memref<16xf32, #tpu.memory_space<vmem>>[vector<16xi32>], vector<16xf32>,
          %max3A_1009 = vector.broadcast %reduce_min3A_349 : f32 to vector<16xf32>
          %max3A_1010 = arith.maximumf %gather3A_1008, %max3A_1009 : vector<16xf32>
          %min3A_1011 = vector.broadcast %reduce_max3A_352 : f32 to vector<16xf32>
          %min3A_1012 = arith.minimumf %max3A_1010, %min3A_1011 : vector<16xf32>
          %mul3A_1013 = arith.constant 16 : i32
          %mul3A_1014 = arith.muli %scan3A_441, %mul3A_1013 : i32
          %swap3A_1015 = arith.constant 6 : i32
          %swap3A_1016 = arith.index_cast %swap3A_1015 : i32 to index
          %swap3A_1017 = arith.index_cast %mul3A_1014 : i32 to index
          %swap3A_1018 = tpu.vector_load %arg11[%swap3A_1016, %swap3A_1017] {strides = array<i32>} : memref<8x2048xf32, #tpu.memory_space<vmem>>, vector<16xf32>,
          tpu.vector_store %arg11[%swap3A_1016, %swap3A_1017], %min3A_1012 {strides = array<i32>} : memref<8x2048xf32, #tpu.memory_space<vmem>>, vector<16xf32>,
          %mul3A_1019 = arith.constant 16 : i32
          %mul3A_1020 = arith.muli %scan3A_441, %mul3A_1019 : i32
          %get3A_1021 = arith.constant 7 : i32
          %get3A_1022 = arith.index_cast %get3A_1021 : i32 to index
          %get3A_1023 = arith.index_cast %mul3A_1020 : i32 to index
          %get3A_1024 = tpu.vector_load %arg9[%get3A_1022, %get3A_1023] {strides = array<i32>} : memref<8x2048xf32, #tpu.memory_space<vmem>>, vector<16xf32>,
          %broadcast_in_dim3A_1025 = arith.constant 0 : i32
          %broadcast_in_dim3A_1026 = vector.broadcast %broadcast_in_dim3A_1025 : i32 to vector<16xi32>
          %gt3A_1027 = vector.broadcast %squeeze3A_6 : f32 to vector<16xf32>
          %gt3A_1028 = arith.cmpf ogt, %get3A_1024, %gt3A_1027 : vector<16xf32>
          %jit3A_1029 = arith.constant 1 : i32
          %jit3A_1030 = arith.constant 0 : i32
          %broadcast_in_dim3A_1031 = vector.broadcast %jit3A_1029 : i32 to vector<16xi32>
          %broadcast_in_dim3A_1032 = vector.broadcast %jit3A_1030 : i32 to vector<16xi32>
          %select_n3A_1033 = arith.select %gt3A_1028, %broadcast_in_dim3A_1031, %broadcast_in_dim3A_1032 : vector<16xi1>, vector<16xi32>
          %add3A_1034 = arith.addi %broadcast_in_dim3A_1026, %select_n3A_1033 : vector<16xi32>
          %gt3A_1035 = vector.broadcast %squeeze3A_8 : f32 to vector<16xf32>
          %gt3A_1036 = arith.cmpf ogt, %get3A_1024, %gt3A_1035 : vector<16xf32>
          %jit3A_1037 = arith.constant 1 : i32
          %jit3A_1038 = arith.constant 0 : i32
          %broadcast_in_dim3A_1039 = vector.broadcast %jit3A_1037 : i32 to vector<16xi32>
          %broadcast_in_dim3A_1040 = vector.broadcast %jit3A_1038 : i32 to vector<16xi32>
          %select_n3A_1041 = arith.select %gt3A_1036, %broadcast_in_dim3A_1039, %broadcast_in_dim3A_1040 : vector<16xi1>, vector<16xi32>
          %add3A_1042 = arith.addi %add3A_1034, %select_n3A_1041 : vector<16xi32>
          %gt3A_1043 = vector.broadcast %squeeze3A_10 : f32 to vector<16xf32>
          %gt3A_1044 = arith.cmpf ogt, %get3A_1024, %gt3A_1043 : vector<16xf32>
          %jit3A_1045 = arith.constant 1 : i32
          %jit3A_1046 = arith.constant 0 : i32
          %broadcast_in_dim3A_1047 = vector.broadcast %jit3A_1045 : i32 to vector<16xi32>
          %broadcast_in_dim3A_1048 = vector.broadcast %jit3A_1046 : i32 to vector<16xi32>
          %select_n3A_1049 = arith.select %gt3A_1044, %broadcast_in_dim3A_1047, %broadcast_in_dim3A_1048 : vector<16xi1>, vector<16xi32>
          %add3A_1050 = arith.addi %add3A_1042, %select_n3A_1049 : vector<16xi32>
          %gt3A_1051 = vector.broadcast %squeeze3A_12 : f32 to vector<16xf32>
          %gt3A_1052 = arith.cmpf ogt, %get3A_1024, %gt3A_1051 : vector<16xf32>
          %jit3A_1053 = arith.constant 1 : i32
          %jit3A_1054 = arith.constant 0 : i32
          %broadcast_in_dim3A_1055 = vector.broadcast %jit3A_1053 : i32 to vector<16xi32>
          %broadcast_in_dim3A_1056 = vector.broadcast %jit3A_1054 : i32 to vector<16xi32>
          %select_n3A_1057 = arith.select %gt3A_1052, %broadcast_in_dim3A_1055, %broadcast_in_dim3A_1056 : vector<16xi1>, vector<16xi32>
          %add3A_1058 = arith.addi %add3A_1050, %select_n3A_1057 : vector<16xi32>
          %gt3A_1059 = vector.broadcast %squeeze3A_14 : f32 to vector<16xf32>
          %gt3A_1060 = arith.cmpf ogt, %get3A_1024, %gt3A_1059 : vector<16xf32>
          %jit3A_1061 = arith.constant 1 : i32
          %jit3A_1062 = arith.constant 0 : i32
          %broadcast_in_dim3A_1063 = vector.broadcast %jit3A_1061 : i32 to vector<16xi32>
          %broadcast_in_dim3A_1064 = vector.broadcast %jit3A_1062 : i32 to vector<16xi32>
          %select_n3A_1065 = arith.select %gt3A_1060, %broadcast_in_dim3A_1063, %broadcast_in_dim3A_1064 : vector<16xi1>, vector<16xi32>
          %add3A_1066 = arith.addi %add3A_1058, %select_n3A_1065 : vector<16xi32>
          %gt3A_1067 = vector.broadcast %squeeze3A_16 : f32 to vector<16xf32>
          %gt3A_1068 = arith.cmpf ogt, %get3A_1024, %gt3A_1067 : vector<16xf32>
          %jit3A_1069 = arith.constant 1 : i32
          %jit3A_1070 = arith.constant 0 : i32
          %broadcast_in_dim3A_1071 = vector.broadcast %jit3A_1069 : i32 to vector<16xi32>
          %broadcast_in_dim3A_1072 = vector.broadcast %jit3A_1070 : i32 to vector<16xi32>
          %select_n3A_1073 = arith.select %gt3A_1068, %broadcast_in_dim3A_1071, %broadcast_in_dim3A_1072 : vector<16xi1>, vector<16xi32>
          %add3A_1074 = arith.addi %add3A_1066, %select_n3A_1073 : vector<16xi32>
          %gt3A_1075 = vector.broadcast %squeeze3A_18 : f32 to vector<16xf32>
          %gt3A_1076 = arith.cmpf ogt, %get3A_1024, %gt3A_1075 : vector<16xf32>
          %jit3A_1077 = arith.constant 1 : i32
          %jit3A_1078 = arith.constant 0 : i32
          %broadcast_in_dim3A_1079 = vector.broadcast %jit3A_1077 : i32 to vector<16xi32>
          %broadcast_in_dim3A_1080 = vector.broadcast %jit3A_1078 : i32 to vector<16xi32>
          %select_n3A_1081 = arith.select %gt3A_1076, %broadcast_in_dim3A_1079, %broadcast_in_dim3A_1080 : vector<16xi1>, vector<16xi32>
          %add3A_1082 = arith.addi %add3A_1074, %select_n3A_1081 : vector<16xi32>
          %gt3A_1083 = vector.broadcast %squeeze3A_20 : f32 to vector<16xf32>
          %gt3A_1084 = arith.cmpf ogt, %get3A_1024, %gt3A_1083 : vector<16xf32>
          %jit3A_1085 = arith.constant 1 : i32
          %jit3A_1086 = arith.constant 0 : i32
          %broadcast_in_dim3A_1087 = vector.broadcast %jit3A_1085 : i32 to vector<16xi32>
          %broadcast_in_dim3A_1088 = vector.broadcast %jit3A_1086 : i32 to vector<16xi32>
          %select_n3A_1089 = arith.select %gt3A_1084, %broadcast_in_dim3A_1087, %broadcast_in_dim3A_1088 : vector<16xi1>, vector<16xi32>
          %add3A_1090 = arith.addi %add3A_1082, %select_n3A_1089 : vector<16xi32>
          %gather3A_1091 = tpu.vector_load_idx %arg14[%add3A_1090] : memref<16xf32, #tpu.memory_space<vmem>>[vector<16xi32>], vector<16xf32>,
          %max3A_1092 = vector.broadcast %reduce_min3A_349 : f32 to vector<16xf32>
          %max3A_1093 = arith.maximumf %gather3A_1091, %max3A_1092 : vector<16xf32>
          %min3A_1094 = vector.broadcast %reduce_max3A_352 : f32 to vector<16xf32>
          %min3A_1095 = arith.minimumf %max3A_1093, %min3A_1094 : vector<16xf32>
          %mul3A_1096 = arith.constant 16 : i32
          %mul3A_1097 = arith.muli %scan3A_441, %mul3A_1096 : i32
          %swap3A_1098 = arith.constant 7 : i32
          %swap3A_1099 = arith.index_cast %swap3A_1098 : i32 to index
          %swap3A_1100 = arith.index_cast %mul3A_1097 : i32 to index
          %swap3A_1101 = tpu.vector_load %arg11[%swap3A_1099, %swap3A_1100] {strides = array<i32>} : memref<8x2048xf32, #tpu.memory_space<vmem>>, vector<16xf32>,
          tpu.vector_store %arg11[%swap3A_1099, %swap3A_1100], %min3A_1095 {strides = array<i32>} : memref<8x2048xf32, #tpu.memory_space<vmem>>, vector<16xf32>,
          %scan3A_1102 = arith.constant 0 : i32
          scf.yield %scan3A_1102 : i32
        }
        %scan3A_425 = arith.constant 128 : i32
        %add3A_426 = arith.constant 2 : i32
        %add3A_427 = arith.addi %add3A_409, %add3A_426 : i32
        %lt3A_428 = arith.constant 8 : i32
        %lt3A_429 = arith.cmpi slt, %add3A_427, %lt3A_428 : i32
        %convert_element_type3A_430 = arith.extui %lt3A_429 : i1 to i32
        %cond3A_431 = arith.constant 0 : i32
        %cond3A_432 = arith.cmpi ne, %convert_element_type3A_430, %cond3A_431 : i32
        scf.if %cond3A_432 {
          %add3A_441 = arith.constant 2 : i32
          %add3A_442 = arith.addi %add3A_409, %add3A_441 : i32
          %mul3A_443 = arith.constant 8 : i32
          %mul3A_444 = arith.muli %add3A_442, %mul3A_443 : i32
          %add3A_445 = arith.addi %mul3A_2, %mul3A_444 : i32
          %dma_start3A_446 = arith.constant 0 : i32
          %dma_start3A_447 = tpu.memref_slice %arg2[%add3A_445, %dma_start3A_446] : memref<2048x2048xf32, #tpu.memory_space<hbm>> -> memref<8x2048xf32, #tpu.memory_space<hbm>>
          %dma_start3A_448 = arith.constant 0 : i32
          %dma_start3A_449 = tpu.memref_slice %arg2[%add3A_445, %dma_start3A_448] : memref<2048x2048xf32, #tpu.memory_space<hbm>> -> memref<8x2048xf32, #tpu.memory_space<hbm>>
          tpu.enqueue_dma source(%dma_start3A_449 : memref<8x2048xf32, #tpu.memory_space<hbm>>) target(%arg9 : memref<8x2048xf32, #tpu.memory_space<vmem>>) target_semaphore(%arg18 : memref<!tpu.dma_semaphore, #tpu.memory_space<semaphore_mem>>)
        } else {
        }
        %mul3A_433 = arith.constant 8 : i32
        %mul3A_434 = arith.muli %add3A_409, %mul3A_433 : i32
        %add3A_435 = arith.addi %mul3A_2, %mul3A_434 : i32
        %dma_start3A_436 = arith.constant 0 : i32
        %dma_start3A_437 = tpu.memref_slice %arg7[%add3A_435, %dma_start3A_436] : memref<2048x2048xf32, #tpu.memory_space<hbm>> -> memref<8x2048xf32, #tpu.memory_space<hbm>>
        %dma_start3A_438 = arith.constant 0 : i32
        %dma_start3A_439 = tpu.memref_slice %arg7[%add3A_435, %dma_start3A_438] : memref<2048x2048xf32, #tpu.memory_space<hbm>> -> memref<8x2048xf32, #tpu.memory_space<hbm>>
        tpu.enqueue_dma source(%arg11 : memref<8x2048xf32, #tpu.memory_space<vmem>>) target(%dma_start3A_439 : memref<8x2048xf32, #tpu.memory_space<hbm>>) target_semaphore(%arg20 : memref<!tpu.dma_semaphore, #tpu.memory_space<semaphore_mem>>)
        %scan3A_440 = arith.constant 0 : i32
        scf.yield %scan3A_440 : i32
      }
      %scan3A_364 = arith.constant 4 : i32
      %dma_wait3A = arith.constant 0 : i32
      %dma_wait3A_365 = tpu.memref_slice %arg7[%mul3A_2, %dma_wait3A] : memref<2048x2048xf32, #tpu.memory_space<hbm>> -> memref<8x2048xf32, #tpu.memory_space<hbm>>
      %dma_wait3A_366 = arith.constant 0 : i32
      %dma_wait3A_367 = tpu.memref_slice %arg7[%mul3A_2, %dma_wait3A_366] : memref<2048x2048xf32, #tpu.memory_space<hbm>> -> memref<8x2048xf32, #tpu.memory_space<hbm>>
      tpu.wait_dma2 semaphore(%arg19 : memref<!tpu.dma_semaphore, #tpu.memory_space<semaphore_mem>>) src(%arg10 : memref<8x2048xf32, #tpu.memory_space<vmem>>) dst(%dma_wait3A_367 : memref<8x2048xf32, #tpu.memory_space<hbm>>)
      %dma_wait3A_368 = arith.constant 0 : i32
      %dma_wait3A_369 = tpu.memref_slice %arg7[%mul3A_2, %dma_wait3A_368] : memref<2048x2048xf32, #tpu.memory_space<hbm>> -> memref<8x2048xf32, #tpu.memory_space<hbm>>
      %dma_wait3A_370 = arith.constant 0 : i32
      %dma_wait3A_371 = tpu.memref_slice %arg7[%mul3A_2, %dma_wait3A_370] : memref<2048x2048xf32, #tpu.memory_space<hbm>> -> memref<8x2048xf32, #tpu.memory_space<hbm>>
      tpu.wait_dma2 semaphore(%arg20 : memref<!tpu.dma_semaphore, #tpu.memory_space<semaphore_mem>>) src(%arg11 : memref<8x2048xf32, #tpu.memory_space<vmem>>) dst(%dma_wait3A_371 : memref<8x2048xf32, #tpu.memory_space<hbm>>)
    } else {
    }
    return
  }
}

</mosaic_0001>

<sc_bundles>
// kernel: kernel.4.cloned.1.call-start
scs
__scs_entry_jumppad:
0x0: {  	(pc) =	sbr.rel $0x88, $3  }
0x1: {  	(tag) =	ssettag $0x0;
	lr =	simm.s32 $0x1  }
0x2: {  	[smem:$0x3F9F] =	sst lr;
	_ =	strace $0xD0000000  }
0x3: {  	_ = 	snop  }
0x4: {  	_ = 	snop  }
0x5: {  	_ = 	snop  }
0x6: {  	_ = 	snop  }
0x7: {  	_ = 	snop  }
__scs_overlays_trampoline_lowered:
0x8: {  	[smem:$0x3FAE] =	sst s0  }
0x9: {  	[smem:$0x3FAF] =	sst s1  }
0xa: {  	[smem:$0x3FB0] =	sst s2  }
0xb: {  	[smem:$0x3FB1] =	sst s3  }
0xc: {  	[smem:$0x3FB2] =	sst s4  }
0xd: {  	[smem:$0x3FB3] =	sst s5  }
0xe: {  	[smem:$0x3FB4] =	sst s6  }
0xf: {  	[smem:$0x3FB5] =	sst s7  }
0x10: {  	[smem:$0x3FB6] =	sst s8  }
0x11: {  	[smem:$0x3FB7] =	sst s9;
	s0 =	simm.s32 @!p0 $0x0  }
0x12: {  	s1 =	sld [smem:$0x3F9D];
	s0 =	simm.s32 @p0 $0x1  }
0x13: {  	[smem:$0x3FB8] =	sst s0;
	s0 =	simm.s32 @!p1 $0x0  }
0x14: {  	s2 =	sld [smem:$0x3F9C];
	s0 =	simm.s32 @p1 $0x1  }
0x15: {  	[smem:$0x3FB9] =	sst s0;
	s0 =	simm.s32 @!p2 $0x0  }
0x16: {  	s3 =	sld [smem:$0x3FDB];
	s0 =	simm.s32 @p2 $0x1  }
0x17: {  	s4 =	simm.s32 $0x1BF5;
	[smem:$0x3FBB] =	sst s0  }
0x18: {  	s0 =	sld [smem:$0x3F9E];
	_ =	swait.ge [sflag:s4], $0x0  }
0x19: {  	s7 =	sld [smem:$0x3F9F]  }
0x1a: {  	s8 =	sadd.s32 $0xFFFFE003, lr  }
0x1b: {  	s9 =	sadd.s32 $0xFFFFFEF7, lr;
	s5 =	simm.s32 $0xFFFFFFFF;
	p2 =	slt.u32 s8, $0xFFFFF086  }
0x1c: {  	p1 =	slt.u32 s9, $0xF7A;
	s5 =	simm.s32 @!p2 $0x0  }
0x1d: {  	s5 =	simm.s32 @p1 $0x1;
	p0 =	seq.s32 s7, s2  }
0x1e: {  	s7 =	smul.u32 @!p0 $0xF7A, s2;
	p2 =	seq.s32 @!p0 s5, $0x0  }
0x1f: {  	s9 =	smul.u32 $0xF7A, s1;
	s8 =	simm.s32 @!p0 $0x1BF5;
	p2 =	por !p2, p0  }
0x20: {  	[sflag:s8] =	ssyncset.s32 @!p0 $0xFFFFF086;
	s6 =	sadd.s32 @!p0 s3, s7;
	s7 =	simm.s32 @!p0 $0x108  }
0x21: {  	s3 =	sadd.s32 s3, s9;
	s6 =	sadd.s32 @!p0 $0x88, s6;
	s7 =	simm.s32 @p2 $0x1082  }
0x22: {  	[simem:s7], [sflag:s8] =	dma.local @!p0 [hbm:s6], $0xF7A  }
0x23: {  	s9 =	sor.u32 $0xD0000000, s2;
	s6 =	simm.s32 $0x108;
	_ =	swait.ge @!p0 [sflag:s8], $0x0  }
0x24: {  	s3 =	sadd.s32 $0x88, s3;
	s6 =	simm.s32 @!p1 $0x1082;
	[sflag:s4] =	ssyncset.s32 $0xFFFFF086  }
0x25: {  	[simem:s6], [sflag:s4] =	dma.local [hbm:s3], $0xF7A  }
0x26: {  	[smem:$0x3F9F] =	sst s1;
	(tag) =	ssettag s2;
	_ =	strace s9  }
0x27: {  	s1 =	sld [smem:$0x3FAF]  }
0x28: {  	s2 =	sld [smem:$0x3FB0]  }
0x29: {  	s4 =	sld [smem:$0x3FB2]  }
0x2a: {  	p0 =	seq.s32 s5, $0x0;
	s5 =	sld [smem:$0x3FB3]  }
0x2b: {  	s6 =	sld [smem:$0x3FB4]  }
0x2c: {  	s7 =	sld [smem:$0x3FB5]  }
0x2d: {  	s3 =	simm.s32 $0x108;
	s8 =	sld [smem:$0x3FB6]  }
0x2e: {  	s3 =	simm.s32 @!p0 $0x1082;
	s9 =	sld [smem:$0x3FB7]  }
0x2f: {  	lr =	sadd.s32 s0, s3;
	s0 =	sld [smem:$0x3FAE]  }
0x30: {  	s3 =	sld [smem:$0x3FB1]  }
0x31: {  	[smem:$0x3FBA] =	sst s10  }
0x32: {  	s10 =	sld [smem:$0x3FB8];
	_ =	sdelay $0x3  }
0x33: {  	p0 =	seq.s32 s10, $0x1;
	s10 =	sld [smem:$0x3FBA];
	_ =	sdelay $0x3  }
0x34: {  	[smem:$0x3FBA] =	sst s10  }
0x35: {  	s10 =	sld [smem:$0x3FB9];
	_ =	sdelay $0x3  }
0x36: {  	p1 =	seq.s32 s10, $0x1;
	s10 =	sld [smem:$0x3FBA];
	_ =	sdelay $0x3  }
0x37: {  	[smem:$0x3FBA] =	sst s10  }
0x38: {  	s10 =	sld [smem:$0x3FBB]  }
0x39: {  	_ = 	snop;
	(pc) =	sbr.ind lr, $3  }
0x3a: {  	_ = 	snop  }
0x3b: {  	_ = 	snop  }
0x3c: {  	p2 =	seq.s32 s10, $0x1;
	s10 =	sld [smem:$0x3FBA]  }
0x3d: {  	_ =	shalt  }
0x3e: {  	_ =	shalt  }
0x3f: {  	_ =	shalt  }
0x40: {  	_ =	shalt  }
0x41: {  	_ =	shalt  }
0x42: {  	_ =	shalt  }
0x43: {  	_ =	shalt  }
0x44: {  	_ =	shalt  }
0x45: {  	_ =	shalt  }
0x46: {  	_ =	shalt  }
0x47: {  	_ =	shalt  }
0x48: {  	_ =	shalt  }
0x49: {  	_ =	shalt  }
0x4a: {  	_ =	shalt  }
0x4b: {  	_ =	shalt  }
0x4c: {  	_ =	shalt  }
0x4d: {  	_ =	shalt  }
0x4e: {  	_ =	shalt  }
0x4f: {  	_ =	shalt  }
0x50: {  	_ =	shalt  }
0x51: {  	_ =	shalt  }
0x52: {  	_ =	shalt  }
0x53: {  	_ =	shalt  }
0x54: {  	_ =	shalt  }
0x55: {  	_ =	shalt  }
0x56: {  	_ =	shalt  }
0x57: {  	_ =	shalt  }
0x58: {  	_ =	shalt  }
0x59: {  	_ =	shalt  }
0x5a: {  	_ =	shalt  }
0x5b: {  	_ =	shalt  }
0x5c: {  	_ =	shalt  }
0x5d: {  	_ =	shalt  }
0x5e: {  	_ =	shalt  }
0x5f: {  	_ =	shalt  }
0x60: {  	_ =	shalt  }
0x61: {  	_ =	shalt  }
0x62: {  	_ =	shalt  }
0x63: {  	_ =	shalt  }
0x64: {  	_ =	shalt  }
0x65: {  	_ =	shalt  }
0x66: {  	_ =	shalt  }
0x67: {  	_ =	shalt  }
0x68: {  	_ =	shalt  }
0x69: {  	_ =	shalt  }
0x6a: {  	_ =	shalt  }
0x6b: {  	_ =	shalt  }
0x6c: {  	_ =	shalt  }
0x6d: {  	_ =	shalt  }
0x6e: {  	_ =	shalt  }
0x6f: {  	_ =	shalt  }
0x70: {  	_ =	shalt  }
0x71: {  	_ =	shalt  }
0x72: {  	_ =	shalt  }
0x73: {  	_ =	shalt  }
0x74: {  	_ =	shalt  }
0x75: {  	_ =	shalt  }
0x76: {  	_ =	shalt  }
0x77: {  	_ =	shalt  }
0x78: {  	_ =	shalt  }
0x79: {  	_ =	shalt  }
0x7a: {  	_ =	shalt  }
0x7b: {  	_ =	shalt  }
0x7c: {  	_ =	shalt  }
0x7d: {  	_ =	shalt  }
0x7e: {  	_ =	shalt  }
0x7f: {  	_ =	shalt  }
0x80: {  	_ =	shalt  }
0x81: {  	_ =	shalt  }
0x82: {  	_ =	shalt  }
0x83: {  	_ =	shalt  }
0x84: {  	_ =	shalt  }
0x85: {  	_ =	shalt  }
0x86: {  	_ =	shalt  }
0x87: {  	_ =	shalt  }
.Lfunc_end0:
.L_simem_size_0:
called_computation_lowered:
.L_overlay_start_0:
0x88: {  	s2 =	sld [smem:$0x3FD9]  }
0x89: {  	s3 =	sld [smem:$0x3FFE];
	_ =	sdelay $0x1  }
0x8a: {  	s1 =	srdreg.scid  }
0x8b: {  	s0 =	sand.u32 $0x1, s1  }
0x8c: {  	s17 =	sshll.u32 s0, $0xA;
	s2 =	sadd.s32 s3, s2  }
0x8d: {  	s2 =	sadd.s32 s2, s17  }
0x8e: {  	[smem:$0x3FC6] =	sst s2  }
0x8f: {  	_ = 	snop  }
0x90: {  	s2 =	sld [smem:$0x3FC9];
	(tm) =	ssettm $0x1  }
0x91: {  	s18 =	sld [smem:$0x3FFB];
	_ =	sdelay $0x3  }
0x92: {  	_ =	strace s18  }
0x93: {  	s3 =	sld [smem:$0x3FFC];
	_ =	sdelay $0x3  }
0x94: {  	_ =	strace s3  }
0x95: {  	s3 =	sld [smem:$0x3FFD];
	_ =	sdelay $0x3  }
0x96: {  	_ =	strace s3  }
0x97: {  	_ =	strace $0x8FFFFFFF  }
0x98: {  	s19 =	sld [smem:$0x3FDB];
	_ =	sdelay $0x1  }
0x99: {  	s4 =	simm.s32 $_scs_section_size  }
0x9a: {  	s5 =	simm.s32 $_size__tile_overlayer_lowered;
	s6 =	simm.s32 $_tile_overlayer_lowered  }
0x9b: {  	s22 =	simm.s32 $0x1BFF;
	s21 =	sshll.u32 s6, $0x1;
	s3 =	sadd.s32 s4, s19  }
0x9c: {  	s7 =	simm.s32 $0x0;
	s20 =	sshll.u32 s5, $0x1;
	s5 =	sadd.s32 s21, s3  }
0x9d: {  	[timem:s7], [sflag:s22] =	dma.local [hbm:s5], s20  }
0x9e: {  	_ =	swait.ge [sflag:s22], s20  }
0x9f: {  	s4 =	ssub.s32 $0x0, s20;
	[sflag:s22] =	ssyncset.done $0x0  }
0xa0: {  	[sflag:s22] =	ssyncadd.s32 s4;
	_ =	sdelay $0x1  }
0xa1: {  	s23 =	simm.s32 $0x1B8B  }
0xa2: {  	_ =	swait.ge [sflag:s23], $0x1  }
0xa3: {  	[sflag:s23] =	ssyncset.done $0x0  }
0xa4: {  	s25 =	simm.s32 $0x1B8E;
	s24 =	sld [smem:$0x3FFE];
	[sflag:s23] =	ssyncadd.s32 $0xFFFFFFFF  }
0xa5: {  	s26 =	simm.s32 $execute0_lowered;
	[smem:$0x3FD2] =	sst s25  }
0xa6: {  	s5 =	sshll.u32 s26, $0x1;
	_ =	strace $0x80000046;
	[dreg:$0x1] =	wrdreg $0xFFFFFFFF  }
0xa7: {  	s28 =	simm.s32 $_size_execute0_lowered;
	s3 =	sadd.s32 s3, s5;
	[dreg:$0x0] =	wrdreg $0x0  }
0xa8: {  	s5 =	sshll.u32 s28, $0x1;
	[dreg:$0x2] =	wrdreg s3  }
0xa9: {  	[dreg:$0x3] =	wrdreg s5  }
0xaa: {  	[dreg:$0x4] =	wrdreg $0xC0  }
0xab: {  	_ =	task [dreg:s7], $0x5FFFF  }
0xac: {  	[dreg:$0x1] =	wrdreg $0xFFFFFFFF  }
0xad: {  	[dreg:$0x0] =	wrdreg $0x60  }
0xae: {  	[dreg:$0x2] =	wrdreg s2  }
0xaf: {  	[dreg:$0x3] =	wrdreg s24  }
0xb0: {  	[dreg:$0x4] =	wrdreg $0x9  }
0xb1: {  	_ =	task.clear_ibuf [dreg:s7], $0x5FFFF;
	_ =	strace $0x90000046  }
0xb2: {  	s29 =	simm.s32 $0x9;
	_ =	strace $0x80000048  }
0xb3: {  	_ =	swait.ge [sflag:s29], $0x1  }
0xb4: {  	[sflag:s29] =	ssyncadd.s32 $0xFFFFFFFF  }
0xb5: {  	_ =	strace $0x90000048  }
0xb6: {  	_ =	sfence  }
0xb7: {  	s30 =	sld [smem:$0x0];
	_ =	sdelay $0x2  }
0xb8: {  	s31 =	sshll.u32 s1, $0xD;
	s1 =	sshrl.u32 s1, $0x2  }
0xb9: {  	s3 =	sand.u32 $0x4000, s31;
	s1 =	sadd.s32 s1, s30  }
0xba: {  	s0 =	sor.u32 s3, s0;
	s1 =	sshll.u32 s1, $0x11  }
0xbb: {  	s0 =	sor.u32 s1, s0  }
0xbc: {  	s0 =	sadd.s32 $0x8F2B, s0  }
0xbd: {  	[sflag:s0] =	ssyncadd.remote.s32 $0x1  }
0xbe: {  	_ =	sfence.sel $0xFFFF  }
0xbf: {  	[dreg:$0x0] =	wrdreg $0xFFFFFFFF;
	(pc) =	sbr.abs _section_cstart, $3  }
0xc0: {  	[dreg:$0x1] =	wrdreg $0xFFFFFFFF  }
0xc1: {  	_ =	task.clear_ibuf [dreg:s7], $0x2FFFF;
	_ =	strace $0x9FFFFFFF  }
0xc2: {  	(tm) =	ssettm $0x7FFFFFFF  }
0xc3: {  	_ =	shalt  }
tec
execute0_lowered:
.L_overlay_start_1:
0x0: {  	(tag) =	ssettag $0x1  }
0x1: {  	s3 =	rddreg [dreg:$0x0]  }
0x2: {  	s7 =	rddreg [dreg:$0x1]  }
0x3: {  	s0 =	rddreg [dreg:$0x2];
	s2 =	simm.s32 $0x0;
	s1 =	srdreg.scid  }
0x4: {  	s11 =	simm.s32 $0x1;
	s12 =	simm.s32 $0x2;
	s13 =	simm.s32 $0x8000  }
0x5: {  	s14 =	simm.s32 $0x3;
	s15 =	simm.s32 $0x8080;
	s16 =	simm.s32 $0x0  }
0x6: {  	[smem:$0x7FF] =	sst s2;
	s4 =	sand.u32 $0x1, s1;
	s1 =	stileid.u32  }
0x7: {  	s5 =	ssub.s32 $0x2, s4;
	s4 =	sshll.u32 s4, $0x4;
	_ =	strace $0x80000047  }
0x8: {  	s9 =	sshll.u32 s1, $0x4;
	s6 =	sshrl.u32 s5, $0x1;
	s4 =	sor.u32 s1, s4  }
.Ltmp0:
0x9: {  	s8 =	sshll.u32 s4, $0xE;
	s4 =	sshll.u32 s4, $0x4;
	(pc) =	sbr.rel .LBB2_1-.Ltmp0, $4  }
0xa: {  	s9 =	sand.u32 $0x70, s9;
	s3 =	sadd.s32 s3, s8;
	s31 =	sand.u32 $0x180, s4  }
0xb: {  	s10 =	ssub.s32 s5, s6;
	s4 =	sadd.s32 $0x800, s3;
	s8 =	sor.u32 s9, s31  }
0xc: {  	s5 =	sadd.s32 $0x1000, s3;
	s6 =	sadd.s32 $0x1800, s3;
	s7 =	sadd.s32 s7, s8  }
0xd: {  	s9 =	smax.u32 s10, $0x1;
	s10 =	simm.s32 $0x4000;
	s8 =	sadd.s32 $0x200, s7  }
.LBB2_8:
0xe: {  	[tilespmem:$0x8000] =	vst v4  }
0xf: {  	[tilespmem:$0x8080] =	vst v3  }
0x10: {  	[hbm4b:s7+s2] =	stream.linear.scatter [tilespmem:s13], [sflag:$0x3], $0x80, $0x38;
	[tilespmem:$0x8100] =	vst v63  }
0x11: {  	s16 =	sadd.s32 $0x1, s16;
	_ =	swait.ge [sflag:s14], $0x80  }
0x12: {  	p0 =	sne.s32 s16, s9;
	[sflag:s14] =	ssyncset.done $0x0  }
.Ltmp1:
0x13: {  	[sflag:s14] =	ssyncadd.s32 $0xFFFFFF80;
	(pc) =	sbr.rel @!p0 .LBB2_9-.Ltmp1, $4  }
0x14: {  	[hbm4b:s8+s2] =	stream.linear.scatter [tilespmem:s15], [sflag:$0x3], $0x80, $0x38;
	[tilespmem:$0x8100] =	vst v63  }
0x15: {  	_ =	swait.ge [sflag:s14], $0x80  }
0x16: {  	[sflag:s14] =	ssyncset.done $0x0  }
0x17: {  	[sflag:s14] =	ssyncadd.s32 $0xFFFFFF80  }
.LBB2_1:
0x18: {  	[tilespmem:s2], [sflag:$0x1] =	stream.linear.gather [hbm4b:s3+s2], $0x4000, $0x38;
	[tilespmem:$0x8100] =	vst v63  }
0x19: {  	s17 =	simm.s32 $0x0  }
0x1a: {  	v4 =	vimm.f32 $+Inf;
	v3 =	vimm.f32 $-Inf;
	[tilespmem:s10], [sflag:$0x2] =	stream.linear.gather [hbm4b:s4+s2], $0x4000, $0x38;
	[tilespmem:$0x8100] =	vst v63  }
.LBB2_2:
0x1b: {  	_ =	swait.ge [sflag:s11], $0x4000;
	s18 =	simm.s32 $0x0  }
0x1c: {  	[sflag:s11] =	ssyncset.done $0x0;
	s19 =	sand.u32 $0x70, s18;
	s20 =	sand.u32 $0x3C00, s18  }
0x1d: {  	[sflag:s11] =	ssyncadd.s32 $0xFFFFC000;
	s23 =	sor.u32 s19, s20  }
0x1e: {  	v5 =	vld [tilespmem:s23+$0x0]  }
0x1f: {  	v6 =	vld [tilespmem:s23+$0x80]  }
0x20: {  	v2 =	vld [tilespmem:s23+$0x100]  }
0x21: {  	s30 =	sand.u32 $0x7, s18;
	v0 =	vld [tilespmem:s23+$0x180]  }
0x22: {  	s31 =	simm.s32 $0x10;
	s19 =	sshll.u32 s30, $0x4;
	v1 =	vld [tilespmem:s23+$0x200]  }
0x23: {  	s21 =	sand.u32 $0x70, s31;
	s24 =	sadd.s32 $0x0, s19;
	s19 =	simm.s32 $0x80;
	v4 =	vmin.f32 v4, v5;
	v7 =	vmax.f32 v3, v5;
	v3 =	vld [tilespmem:s23+$0x280]  }
0x24: {  	s20 =	simm.s32 $0x20;
	s22 =	sand.u32 $0x3C00, s19;
	v5 =	vmin.f32 v4, v6;
	v6 =	vmax.f32 v7, v6;
	v4 =	vld [tilespmem:s23+$0x300];
	s23 =	sor.u32 $0x380, s24  }
.LBB2_3:
0x25: {  	p0 =	sne.s32 s20, $0x7F0;
	s24 =	sor.u32 s21, s22;
	v5 =	vmin.f32 v5, v2;
	v2 =	vmax.f32 v6, v2;
	v6 =	vld [tilespmem:s23+$0x0]  }
0x26: {  	v7 =	vld [tilespmem:s24+$0x0];
	v5 =	vmin.f32 v5, v0;
	v0 =	vmax.f32 v2, v0  }
0x27: {  	v8 =	vld [tilespmem:s24+$0x80];
	v5 =	vmin.f32 v5, v1;
	v0 =	vmax.f32 v0, v1  }
.Ltmp2:
0x28: {  	s18 =	sadd.s32 $0x1, s18;
	v2 =	vld [tilespmem:s24+$0x100];
	v1 =	vmin.f32 v5, v3;
	v3 =	vmax.f32 v0, v3;
	(pc) =	sbr.rel @p0 .LBB2_3-.Ltmp2, $4  }
0x29: {  	s21 =	sand.u32 $0x7, s18;
	v0 =	vld [tilespmem:s24+$0x180];
	v5 =	vmin.f32 v1, v4;
	v3 =	vmax.f32 v3, v4  }
0x2a: {  	s22 =	sshll.u32 s21, $0x4;
	v1 =	vld [tilespmem:s24+$0x200];
	v4 =	vmin.f32 v5, v6;
	v3 =	vmax.f32 v3, v6  }
0x2b: {  	s21 =	sand.u32 $0x70, s20;
	s23 =	sadd.s32 s22, s19;
	s19 =	sadd.s32 $0x80, s19;
	v4 =	vmin.f32 v4, v7;
	v6 =	vmax.f32 v3, v7;
	v3 =	vld [tilespmem:s24+$0x280]  }
0x2c: {  	s20 =	sadd.s32 $0x10, s20;
	s22 =	sand.u32 $0x3C00, s19;
	s23 =	sor.u32 $0x380, s23;
	v5 =	vmin.f32 v4, v8;
	v6 =	vmax.f32 v6, v8;
	v4 =	vld [tilespmem:s24+$0x300]  }
0x2d: {  	s20 =	sor.u32 s21, s22;
	v7 =	vld [tilespmem:s23+$0x0]  }
0x2e: {  	v8 =	vld [tilespmem:s20+$0x0]  }
0x2f: {  	v9 =	vld [tilespmem:s20+$0x80]  }
0x30: {  	s18 =	sadd.s32 $0x1, s18;
	v10 =	vld [tilespmem:s20+$0x100]  }
0x31: {  	v5 =	vmin.f32 v5, v2;
	v2 =	vmax.f32 v6, v2;
	s18 =	sand.u32 $0x7, s18;
	v6 =	vld [tilespmem:s20+$0x180]  }
0x32: {  	v5 =	vmin.f32 v5, v0;
	v0 =	vmax.f32 v2, v0;
	v2 =	vld [tilespmem:s20+$0x200];
	s18 =	sshll.u32 s18, $0x4  }
0x33: {  	v5 =	vmin.f32 v5, v1;
	v0 =	vmax.f32 v0, v1;
	v1 =	vld [tilespmem:s20+$0x280];
	s18 =	sadd.s32 s18, s19  }
0x34: {  	p0 =	seq.s32 s17, $0x3;
	v5 =	vmin.f32 v5, v3;
	v0 =	vmax.f32 v0, v3;
	v3 =	vld [tilespmem:s20+$0x300];
	s19 =	sor.u32 $0x380, s18;
	s18 =	sshll.u32 s17, $0xC  }
0x35: {  	s20 =	simm.s32 @!p0 $0x0;
	v5 =	vmin.f32 v5, v4;
	v0 =	vmax.f32 v0, v4;
	v4 =	vld [tilespmem:s19+$0x0];
	s19 =	sadd.s32 @!p0 s18, s5  }
0x36: {  	v5 =	vmin.f32 v5, v7;
	v0 =	vmax.f32 v0, v7;
	[tilespmem:s20], [sflag:$0x1] =	stream.linear.gather @!p0 [hbm4b:s19+s20], $0x4000, $0x38;
	[tilespmem:$0x8100] =	vst v63  }
0x37: {  	v5 =	vmin.f32 v5, v8;
	v0 =	vmax.f32 v0, v8;
	s19 =	simm.s32 $0x0;
	_ =	swait.ge [sflag:s12], $0x4000  }
0x38: {  	v5 =	vmin.f32 v5, v9;
	v0 =	vmax.f32 v0, v9;
	s28 =	sand.u32 $0x70, s19;
	s29 =	sand.u32 $0x3C00, s19;
	[sflag:s12] =	ssyncset.done $0x0  }
0x39: {  	v5 =	vmin.f32 v5, v10;
	v0 =	vmax.f32 v0, v10;
	s24 =	sor.u32 s28, s29;
	[sflag:s12] =	ssyncadd.s32 $0xFFFFC000  }
0x3a: {  	v5 =	vmin.f32 v5, v6;
	v0 =	vmax.f32 v0, v6;
	v6 =	vld [tilespmem:s24+$0x4000]  }
0x3b: {  	v5 =	vmin.f32 v5, v2;
	v0 =	vmax.f32 v0, v2;
	v7 =	vld [tilespmem:s24+$0x4080]  }
0x3c: {  	v2 =	vmin.f32 v5, v1;
	v1 =	vmax.f32 v0, v1;
	v0 =	vld [tilespmem:s24+$0x4100]  }
0x3d: {  	s30 =	sand.u32 $0x7, s19;
	v2 =	vmin.f32 v2, v3;
	v3 =	vmax.f32 v1, v3;
	v1 =	vld [tilespmem:s24+$0x4180]  }
0x3e: {  	s31 =	simm.s32 $0x10;
	s20 =	sshll.u32 s30, $0x4;
	v5 =	vmin.f32 v2, v4;
	v3 =	vmax.f32 v3, v4;
	v2 =	vld [tilespmem:s24+$0x4200]  }
0x3f: {  	s21 =	simm.s32 $0x20;
	s25 =	sadd.s32 $0x0, s20;
	s20 =	simm.s32 $0x80;
	v4 =	vmin.f32 v5, v6;
	v6 =	vmax.f32 v3, v6;
	v3 =	vld [tilespmem:s24+$0x4280]  }
0x40: {  	s22 =	sand.u32 $0x70, s31;
	s23 =	sand.u32 $0x3C00, s20;
	v5 =	vmin.f32 v4, v7;
	v6 =	vmax.f32 v6, v7;
	v4 =	vld [tilespmem:s24+$0x4300];
	s24 =	sor.u32 $0x380, s25  }
.LBB2_5:
0x41: {  	p1 =	sne.s32 s21, $0x7F0;
	s25 =	sor.u32 s22, s23;
	v5 =	vmin.f32 v5, v0;
	v0 =	vmax.f32 v6, v0;
	v6 =	vld [tilespmem:s24+$0x4000]  }
0x42: {  	v7 =	vld [tilespmem:s25+$0x4000];
	v5 =	vmin.f32 v5, v1;
	v0 =	vmax.f32 v0, v1  }
0x43: {  	v8 =	vld [tilespmem:s25+$0x4080];
	v1 =	vmin.f32 v5, v2;
	v2 =	vmax.f32 v0, v2  }
.Ltmp3:
0x44: {  	s19 =	sadd.s32 $0x1, s19;
	v0 =	vld [tilespmem:s25+$0x4100];
	v5 =	vmin.f32 v1, v3;
	v2 =	vmax.f32 v2, v3;
	(pc) =	sbr.rel @p1 .LBB2_5-.Ltmp3, $4  }
0x45: {  	s22 =	sand.u32 $0x7, s19;
	v1 =	vld [tilespmem:s25+$0x4180];
	v3 =	vmin.f32 v5, v4;
	v4 =	vmax.f32 v2, v4  }
0x46: {  	s23 =	sshll.u32 s22, $0x4;
	v2 =	vld [tilespmem:s25+$0x4200];
	v3 =	vmin.f32 v3, v6;
	v4 =	vmax.f32 v4, v6  }
0x47: {  	s22 =	sand.u32 $0x70, s21;
	s24 =	sadd.s32 s23, s20;
	s20 =	sadd.s32 $0x80, s20;
	v5 =	vmin.f32 v3, v7;
	v4 =	vmax.f32 v4, v7;
	v3 =	vld [tilespmem:s25+$0x4280]  }
0x48: {  	s21 =	sadd.s32 $0x10, s21;
	s23 =	sand.u32 $0x3C00, s20;
	s24 =	sor.u32 $0x380, s24;
	v5 =	vmin.f32 v5, v8;
	v6 =	vmax.f32 v4, v8;
	v4 =	vld [tilespmem:s25+$0x4300]  }
0x49: {  	s21 =	sor.u32 s22, s23;
	v5 =	vmin.f32 v5, v0;
	v0 =	vmax.f32 v6, v0;
	v6 =	vld [tilespmem:s24+$0x4000]  }
0x4a: {  	v7 =	vld [tilespmem:s21+$0x4000];
	v5 =	vmin.f32 v5, v1;
	v0 =	vmax.f32 v0, v1  }
0x4b: {  	v1 =	vld [tilespmem:s21+$0x4080];
	v5 =	vmin.f32 v5, v2;
	v0 =	vmax.f32 v0, v2  }
0x4c: {  	s19 =	sadd.s32 $0x1, s19;
	v2 =	vld [tilespmem:s21+$0x4100];
	v5 =	vmin.f32 v5, v3;
	v0 =	vmax.f32 v0, v3  }
0x4d: {  	s19 =	sand.u32 $0x7, s19;
	v3 =	vld [tilespmem:s21+$0x4180];
	v5 =	vmin.f32 v5, v4;
	v0 =	vmax.f32 v0, v4  }
0x4e: {  	s19 =	sshll.u32 s19, $0x4;
	v4 =	vld [tilespmem:s21+$0x4200];
	v5 =	vmin.f32 v5, v6;
	v0 =	vmax.f32 v0, v6  }
0x4f: {  	s19 =	sadd.s32 s19, s20;
	v6 =	vld [tilespmem:s21+$0x4280];
	v5 =	vmin.f32 v5, v7;
	v0 =	vmax.f32 v0, v7  }
0x50: {  	s19 =	sor.u32 $0x380, s19;
	v5 =	vmin.f32 v5, v1;
	v0 =	vmax.f32 v0, v1;
	v1 =	vld [tilespmem:s21+$0x4300]  }
0x51: {  	v5 =	vmin.f32 v5, v2;
	v0 =	vmax.f32 v0, v2;
	v2 =	vld [tilespmem:s19+$0x4000]  }
.Ltmp4:
0x52: {  	v5 =	vmin.f32 v5, v3;
	v0 =	vmax.f32 v0, v3;
	(pc) =	sbr.rel @p0 .LBB2_8-.Ltmp4, $4  }
0x53: {  	v3 =	vmin.f32 v5, v4;
	v0 =	vmax.f32 v0, v4  }
0x54: {  	v3 =	vmin.f32 v3, v6;
	v0 =	vmax.f32 v0, v6  }
0x55: {  	v3 =	vmin.f32 v3, v1;
	v0 =	vmax.f32 v0, v1  }
0x56: {  	v4 =	vmin.f32 v3, v2;
	v3 =	vmax.f32 v0, v2  }
.Ltmp5:
0x57: {  	(pc) =	sbr.rel .LBB2_2-.Ltmp5, $3  }
0x58: {  	_ =	sdelay $0x1  }
0x59: {  	s18 =	sadd.s32 s18, s6;
	s17 =	sadd.s32 $0x1, s17  }
0x5a: {  	[tilespmem:s10], [sflag:$0x2] =	stream.linear.gather [hbm4b:s18+s2], $0x4000, $0x38;
	[tilespmem:$0x8100] =	vst v63  }
.LBB2_9:
0x5b: {  	_ =	sfence.sel $0x180000  }
0x5c: {  	[bflag:$0x0] =	sbarrier.arrive $0xFFFF  }
0x5d: {  	p0 =	sne.s32 s1, $0x0;
	_ =	strace $0x90000047  }
0x5e: {  	s0 =	sadd.s32 @!p0 $0x100000, s0;
	[bflag:$0x2] =	sbarrier.arrive $0xFFFF  }
0x5f: {  	[sflag:s0] =	ssyncadd.tile.s32 @!p0 $0x1;
	_ =	shalt  }
.Lfunc_end2:
_tile_overlayer_lowered:
.L_overlay_start_2:
0x60: {  	(tag) =	ssettag $0x2  }
0x61: {  	s0 =	rddreg [dreg:$0x0];
	s2 =	stileid.u32  }
0x62: {  	s1 =	rddreg [dreg:$0x1];
	p0 =	sne.s32 s2, $0x0  }
0x63: {  	s3 =	rddreg [dreg:$0x2];
	[bflag:$0x3] =	sbarrier.arrive $0xFFFF;
	s2 =	simm.s32 @!p0 $0x1C03  }
0x64: {  	[timem:s3], [sflag:s2] =	dma.local @!p0 [hbm:s0], s1  }
0x65: {  	s0 =	simm.s32 @!p0 $0x3  }
0x66: {  	_ =	swait.ge @!p0 [sflag:s0], s1  }
0x67: {  	s1 =	ssub.s32 @!p0 $0x0, s1;
	[sflag:s0] =	ssyncset.done @!p0 $0x0  }
0x68: {  	[sflag:s0] =	ssyncadd.s32 @!p0 s1  }
0x69: {  	[bflag:$0x3] =	sbarrier.arrive $0xFFFF  }
0x6a: {  	_ =	shalt  }

// kernel: kernel.7.cloned.1.call-start
scs
__scs_entry_jumppad:
0x0: {  	(pc) =	sbr.rel $0x88, $3  }
0x1: {  	(tag) =	ssettag $0x0;
	lr =	simm.s32 $0x1  }
0x2: {  	[smem:$0x3F9F] =	sst lr;
	_ =	strace $0xD0000000  }
0x3: {  	_ = 	snop  }
0x4: {  	_ = 	snop  }
0x5: {  	_ = 	snop  }
0x6: {  	_ = 	snop  }
0x7: {  	_ = 	snop  }
__scs_overlays_trampoline_lowered:
0x8: {  	[smem:$0x3FAE] =	sst s0  }
0x9: {  	[smem:$0x3FAF] =	sst s1  }
0xa: {  	[smem:$0x3FB0] =	sst s2  }
0xb: {  	[smem:$0x3FB1] =	sst s3  }
0xc: {  	[smem:$0x3FB2] =	sst s4  }
0xd: {  	[smem:$0x3FB3] =	sst s5  }
0xe: {  	[smem:$0x3FB4] =	sst s6  }
0xf: {  	[smem:$0x3FB5] =	sst s7  }
0x10: {  	[smem:$0x3FB6] =	sst s8  }
0x11: {  	[smem:$0x3FB7] =	sst s9;
	s0 =	simm.s32 @!p0 $0x0  }
0x12: {  	s1 =	sld [smem:$0x3F9D];
	s0 =	simm.s32 @p0 $0x1  }
0x13: {  	[smem:$0x3FB8] =	sst s0;
	s0 =	simm.s32 @!p1 $0x0  }
0x14: {  	s2 =	sld [smem:$0x3F9C];
	s0 =	simm.s32 @p1 $0x1  }
0x15: {  	[smem:$0x3FB9] =	sst s0;
	s0 =	simm.s32 @!p2 $0x0  }
0x16: {  	s3 =	sld [smem:$0x3FDB];
	s0 =	simm.s32 @p2 $0x1  }
0x17: {  	s4 =	simm.s32 $0x1BF5;
	[smem:$0x3FBB] =	sst s0  }
0x18: {  	s0 =	sld [smem:$0x3F9E];
	_ =	swait.ge [sflag:s4], $0x0  }
0x19: {  	s7 =	sld [smem:$0x3F9F]  }
0x1a: {  	s8 =	sadd.s32 $0xFFFFE003, lr  }
0x1b: {  	s9 =	sadd.s32 $0xFFFFFEF7, lr;
	s5 =	simm.s32 $0xFFFFFFFF;
	p2 =	slt.u32 s8, $0xFFFFF086  }
0x1c: {  	p1 =	slt.u32 s9, $0xF7A;
	s5 =	simm.s32 @!p2 $0x0  }
0x1d: {  	s5 =	simm.s32 @p1 $0x1;
	p0 =	seq.s32 s7, s2  }
0x1e: {  	s7 =	smul.u32 @!p0 $0xF7A, s2;
	p2 =	seq.s32 @!p0 s5, $0x0  }
0x1f: {  	s9 =	smul.u32 $0xF7A, s1;
	s8 =	simm.s32 @!p0 $0x1BF5;
	p2 =	por !p2, p0  }
0x20: {  	[sflag:s8] =	ssyncset.s32 @!p0 $0xFFFFF086;
	s6 =	sadd.s32 @!p0 s3, s7;
	s7 =	simm.s32 @!p0 $0x108  }
0x21: {  	s3 =	sadd.s32 s3, s9;
	s6 =	sadd.s32 @!p0 $0x88, s6;
	s7 =	simm.s32 @p2 $0x1082  }
0x22: {  	[simem:s7], [sflag:s8] =	dma.local @!p0 [hbm:s6], $0xF7A  }
0x23: {  	s9 =	sor.u32 $0xD0000000, s2;
	s6 =	simm.s32 $0x108;
	_ =	swait.ge @!p0 [sflag:s8], $0x0  }
0x24: {  	s3 =	sadd.s32 $0x88, s3;
	s6 =	simm.s32 @!p1 $0x1082;
	[sflag:s4] =	ssyncset.s32 $0xFFFFF086  }
0x25: {  	[simem:s6], [sflag:s4] =	dma.local [hbm:s3], $0xF7A  }
0x26: {  	[smem:$0x3F9F] =	sst s1;
	(tag) =	ssettag s2;
	_ =	strace s9  }
0x27: {  	s1 =	sld [smem:$0x3FAF]  }
0x28: {  	s2 =	sld [smem:$0x3FB0]  }
0x29: {  	s4 =	sld [smem:$0x3FB2]  }
0x2a: {  	p0 =	seq.s32 s5, $0x0;
	s5 =	sld [smem:$0x3FB3]  }
0x2b: {  	s6 =	sld [smem:$0x3FB4]  }
0x2c: {  	s7 =	sld [smem:$0x3FB5]  }
0x2d: {  	s3 =	simm.s32 $0x108;
	s8 =	sld [smem:$0x3FB6]  }
0x2e: {  	s3 =	simm.s32 @!p0 $0x1082;
	s9 =	sld [smem:$0x3FB7]  }
0x2f: {  	lr =	sadd.s32 s0, s3;
	s0 =	sld [smem:$0x3FAE]  }
0x30: {  	s3 =	sld [smem:$0x3FB1]  }
0x31: {  	[smem:$0x3FBA] =	sst s10  }
0x32: {  	s10 =	sld [smem:$0x3FB8];
	_ =	sdelay $0x3  }
0x33: {  	p0 =	seq.s32 s10, $0x1;
	s10 =	sld [smem:$0x3FBA];
	_ =	sdelay $0x3  }
0x34: {  	[smem:$0x3FBA] =	sst s10  }
0x35: {  	s10 =	sld [smem:$0x3FB9];
	_ =	sdelay $0x3  }
0x36: {  	p1 =	seq.s32 s10, $0x1;
	s10 =	sld [smem:$0x3FBA];
	_ =	sdelay $0x3  }
0x37: {  	[smem:$0x3FBA] =	sst s10  }
0x38: {  	s10 =	sld [smem:$0x3FBB]  }
0x39: {  	_ = 	snop;
	(pc) =	sbr.ind lr, $3  }
0x3a: {  	_ = 	snop  }
0x3b: {  	_ = 	snop  }
0x3c: {  	p2 =	seq.s32 s10, $0x1;
	s10 =	sld [smem:$0x3FBA]  }
0x3d: {  	_ =	shalt  }
0x3e: {  	_ =	shalt  }
0x3f: {  	_ =	shalt  }
0x40: {  	_ =	shalt  }
0x41: {  	_ =	shalt  }
0x42: {  	_ =	shalt  }
0x43: {  	_ =	shalt  }
0x44: {  	_ =	shalt  }
0x45: {  	_ =	shalt  }
0x46: {  	_ =	shalt  }
0x47: {  	_ =	shalt  }
0x48: {  	_ =	shalt  }
0x49: {  	_ =	shalt  }
0x4a: {  	_ =	shalt  }
0x4b: {  	_ =	shalt  }
0x4c: {  	_ =	shalt  }
0x4d: {  	_ =	shalt  }
0x4e: {  	_ =	shalt  }
0x4f: {  	_ =	shalt  }
0x50: {  	_ =	shalt  }
0x51: {  	_ =	shalt  }
0x52: {  	_ =	shalt  }
0x53: {  	_ =	shalt  }
0x54: {  	_ =	shalt  }
0x55: {  	_ =	shalt  }
0x56: {  	_ =	shalt  }
0x57: {  	_ =	shalt  }
0x58: {  	_ =	shalt  }
0x59: {  	_ =	shalt  }
0x5a: {  	_ =	shalt  }
0x5b: {  	_ =	shalt  }
0x5c: {  	_ =	shalt  }
0x5d: {  	_ =	shalt  }
0x5e: {  	_ =	shalt  }
0x5f: {  	_ =	shalt  }
0x60: {  	_ =	shalt  }
0x61: {  	_ =	shalt  }
0x62: {  	_ =	shalt  }
0x63: {  	_ =	shalt  }
0x64: {  	_ =	shalt  }
0x65: {  	_ =	shalt  }
0x66: {  	_ =	shalt  }
0x67: {  	_ =	shalt  }
0x68: {  	_ =	shalt  }
0x69: {  	_ =	shalt  }
0x6a: {  	_ =	shalt  }
0x6b: {  	_ =	shalt  }
0x6c: {  	_ =	shalt  }
0x6d: {  	_ =	shalt  }
0x6e: {  	_ =	shalt  }
0x6f: {  	_ =	shalt  }
0x70: {  	_ =	shalt  }
0x71: {  	_ =	shalt  }
0x72: {  	_ =	shalt  }
0x73: {  	_ =	shalt  }
0x74: {  	_ =	shalt  }
0x75: {  	_ =	shalt  }
0x76: {  	_ =	shalt  }
0x77: {  	_ =	shalt  }
0x78: {  	_ =	shalt  }
0x79: {  	_ =	shalt  }
0x7a: {  	_ =	shalt  }
0x7b: {  	_ =	shalt  }
0x7c: {  	_ =	shalt  }
0x7d: {  	_ =	shalt  }
0x7e: {  	_ =	shalt  }
0x7f: {  	_ =	shalt  }
0x80: {  	_ =	shalt  }
0x81: {  	_ =	shalt  }
0x82: {  	_ =	shalt  }
0x83: {  	_ =	shalt  }
0x84: {  	_ =	shalt  }
0x85: {  	_ =	shalt  }
0x86: {  	_ =	shalt  }
0x87: {  	_ =	shalt  }
.Lfunc_end0:
.L_simem_size_0:
called_computation.1_lowered:
.L_overlay_start_0:
0x88: {  	s2 =	sld [smem:$0x3FD9]  }
0x89: {  	s3 =	sld [smem:$0x3FFE];
	_ =	sdelay $0x1  }
0x8a: {  	s1 =	srdreg.scid  }
0x8b: {  	s0 =	sand.u32 $0x1, s1  }
0x8c: {  	s17 =	sshll.u32 s0, $0xA;
	s2 =	sadd.s32 s3, s2  }
0x8d: {  	s2 =	sadd.s32 s2, s17  }
0x8e: {  	[smem:$0x3FC6] =	sst s2  }
0x8f: {  	_ = 	snop  }
0x90: {  	s2 =	sld [smem:$0x3FC9]  }
0x91: {  	s18 =	sld [smem:$0x3FD0];
	(tm) =	ssettm $0x1  }
0x92: {  	s4 =	sld [smem:$0x3FFB];
	_ =	sdelay $0x3  }
0x93: {  	_ =	strace s4  }
0x94: {  	s4 =	sld [smem:$0x3FFC];
	_ =	sdelay $0x3  }
0x95: {  	_ =	strace s4  }
0x96: {  	s4 =	sld [smem:$0x3FFD];
	_ =	sdelay $0x3  }
0x97: {  	_ =	strace s4  }
0x98: {  	_ =	strace $0x8FFFFFFF  }
0x99: {  	s19 =	sld [smem:$0x3FDB];
	_ =	sdelay $0x1  }
0x9a: {  	s5 =	simm.s32 $_scs_section_size  }
0x9b: {  	s6 =	simm.s32 $_size__tile_overlayer_lowered;
	s7 =	simm.s32 $_tile_overlayer_lowered  }
0x9c: {  	s22 =	simm.s32 $0x1BFF;
	s21 =	sshll.u32 s7, $0x1;
	s4 =	sadd.s32 s5, s19  }
0x9d: {  	s8 =	simm.s32 $0x0;
	s20 =	sshll.u32 s6, $0x1;
	s6 =	sadd.s32 s21, s4  }
0x9e: {  	[timem:s8], [sflag:s22] =	dma.local [hbm:s6], s20  }
0x9f: {  	_ =	swait.ge [sflag:s22], s20  }
0xa0: {  	s5 =	ssub.s32 $0x0, s20;
	[sflag:s22] =	ssyncset.done $0x0  }
0xa1: {  	[sflag:s22] =	ssyncadd.s32 s5;
	_ =	sdelay $0x1  }
0xa2: {  	s23 =	simm.s32 $0x1B8B  }
0xa3: {  	_ =	swait.ge [sflag:s23], $0x1  }
0xa4: {  	[sflag:s23] =	ssyncset.done $0x0  }
0xa5: {  	s25 =	simm.s32 $0x1B8E;
	s24 =	sld [smem:$0x3FFE];
	[sflag:s23] =	ssyncadd.s32 $0xFFFFFFFF  }
0xa6: {  	s26 =	simm.s32 $execute0_lowered;
	[smem:$0x3FD2] =	sst s25  }
0xa7: {  	s6 =	sshll.u32 s26, $0x1;
	_ =	strace $0x80000049;
	[dreg:$0x1] =	wrdreg $0xFFFFFFFF  }
0xa8: {  	s28 =	simm.s32 $_size_execute0_lowered;
	s4 =	sadd.s32 s4, s6;
	[dreg:$0x0] =	wrdreg $0x0  }
0xa9: {  	s6 =	sshll.u32 s28, $0x1;
	[dreg:$0x2] =	wrdreg s4  }
0xaa: {  	[dreg:$0x3] =	wrdreg s6  }
0xab: {  	[dreg:$0x4] =	wrdreg $0xC0  }
0xac: {  	_ =	task [dreg:s8], $0x5FFFF  }
0xad: {  	[dreg:$0x1] =	wrdreg $0xFFFFFFFF  }
0xae: {  	[dreg:$0x0] =	wrdreg $0x60  }
0xaf: {  	[dreg:$0x2] =	wrdreg s2  }
0xb0: {  	[dreg:$0x3] =	wrdreg s24  }
0xb1: {  	[dreg:$0x4] =	wrdreg s18  }
0xb2: {  	[dreg:$0x5] =	wrdreg $0x9  }
0xb3: {  	_ =	task.clear_ibuf [dreg:s8], $0x6FFFF;
	_ =	strace $0x90000049  }
0xb4: {  	s29 =	simm.s32 $0x9;
	_ =	strace $0x8000004B  }
0xb5: {  	_ =	swait.ge [sflag:s29], $0x1  }
0xb6: {  	[sflag:s29] =	ssyncadd.s32 $0xFFFFFFFF  }
0xb7: {  	_ =	strace $0x9000004B  }
0xb8: {  	_ =	sfence  }
0xb9: {  	s30 =	sld [smem:$0x0];
	_ =	sdelay $0x2  }
0xba: {  	s31 =	sshll.u32 s1, $0xD;
	s1 =	sshrl.u32 s1, $0x2  }
0xbb: {  	s3 =	sand.u32 $0x4000, s31;
	s1 =	sadd.s32 s1, s30  }
0xbc: {  	s0 =	sor.u32 s3, s0;
	s1 =	sshll.u32 s1, $0x11  }
0xbd: {  	s0 =	sor.u32 s1, s0  }
0xbe: {  	s0 =	sadd.s32 $0x8F2B, s0  }
0xbf: {  	[sflag:s0] =	ssyncadd.remote.s32 $0x1  }
0xc0: {  	_ =	sfence.sel $0xFFFF  }
0xc1: {  	[dreg:$0x0] =	wrdreg $0xFFFFFFFF;
	(pc) =	sbr.abs _section_cstart, $3  }
0xc2: {  	[dreg:$0x1] =	wrdreg $0xFFFFFFFF  }
0xc3: {  	_ =	task.clear_ibuf [dreg:s8], $0x2FFFF;
	_ =	strace $0x9FFFFFFF  }
0xc4: {  	(tm) =	ssettm $0x7FFFFFFF  }
0xc5: {  	_ =	shalt  }
tec
execute0_lowered:
.L_overlay_start_1:
0x0: {  	(tag) =	ssettag $0x1  }
0x1: {  	s10 =	rddreg [dreg:$0x0]  }
0x2: {  	s5 =	rddreg [dreg:$0x1]  }
0x3: {  	s0 =	rddreg [dreg:$0x2]  }
0x4: {  	s7 =	simm.s32 $0x0;
	s1 =	srdreg.scid;
	s3 =	stileid.u32  }
0x5: {  	s17 =	simm.s32 $0x10880;
	s21 =	simm.s32 $0x1;
	s30 =	simm.s32 $0x8000  }
0x6: {  	s28 =	simm.s32 $0x10000;
	[smem:$0x7FF] =	sst s7;
	s1 =	sand.u32 $0x1, s1  }
0x7: {  	s3 =	sshll.u32 s3, $0x6;
	s6 =	sadd.s32 $0x800, s5;
	s23 =	sadd.s32 $0x400, s5  }
0x8: {  	s24 =	sadd.s32 $0x200, s5;
	_ =	strace $0x8000004A;
	[dreg:$0x4] =	wrdreg s6  }
0x9: {  	s5 =	simm.s32 $0xC000;
	s2 =	sshll.u32 s1, $0xA;
	[dreg:$0x5] =	wrdreg s23  }
0xa: {  	[dreg:$0x6] =	wrdreg s24;
	s1 =	ssub.s32 $0x2, s1;
	s2 =	sor.u32 s3, s2  }
0xb: {  	s23 =	simm.s32 $0x2;
	s26 =	sshrl.u32 s1, $0x1;
	s25 =	sshll.u32 s2, $0x8  }
.Ltmp0:
0xc: {  	s1 =	ssub.s32 s1, s26;
	s29 =	sadd.s32 s10, s25;
	(pc) =	sbr.rel .LBB2_1-.Ltmp0, $4  }
0xd: {  	s2 =	sshrl.u32 s2, $0x3;
	s1 =	smax.u32 s1, $0x1;
	[dreg:$0x7] =	wrdreg s29  }
0xe: {  	s12 =	sor.u32 $0x2, s2;
	s0 =	sadd.s32 s0, s25;
	[dreg:$0xa] =	wrdreg s1  }
0xf: {  	v1 =	vlaneseq.u32;
	s14 =	sor.u32 $0x3, s2;
	s31 =	sadd.s32 $0x800, s29;
	[dreg:$0x9] =	wrdreg s0  }
0x10: {  	v0 =	vimm.s32 $0x0;
	v1 =	vmul.u32 $0x200000, v1;
	s2 =	simm.s32 $0x0;
	s4 =	sadd.s32 $0x800, s0;
	[dreg:$0x8] =	wrdreg s31  }
.LBB2_16:
0x11: {  	s0 =	simm.s32 $0x3  }
0x12: {  	_ =	swait.ge [sflag:s0], $0x4000  }
0x13: {  	[sflag:s0] =	ssyncset.done $0x0  }
0x14: {  	s1 =	simm.s32 $0x4;
	[sflag:s0] =	ssyncadd.s32 $0xFFFFC000  }
0x15: {  	_ =	swait.ge [sflag:s1], $0x4000  }
0x16: {  	s2 =	rddreg [dreg:$0xb]  }
0x17: {  	s31 =	rddreg [dreg:$0xa];
	s2 =	sadd.s32 $0x1, s2  }
0x18: {  	p0 =	sne.s32 s2, s31  }
.Ltmp1:
0x19: {  	_ = 	snop;
	(pc) =	sbr.rel @!p0 .LBB2_17-.Ltmp1, $3  }
0x1a: {  	_ =	sdelay $0x1  }
0x1b: {  	[sflag:s1] =	ssyncset.done $0x0  }
0x1c: {  	[sflag:s1] =	ssyncadd.s32 $0xFFFFC000  }
.LBB2_1:
0x1d: {  	[dreg:$0xb] =	wrdreg s2  }
0x1e: {  	s0 =	rddreg [dreg:$0x4];
	s1 =	simm.s32 $0x10800;
	s20 =	simm.s32 $0x5  }
0x1f: {  	[tilespmem:s1], [sflag:$0x5] =	stream.linear.gather [hbm4b:s0+s7], $0x80, $0x38;
	[tilespmem:$0x12900] =	vst v63  }
0x20: {  	_ =	swait.ge [sflag:s20], $0x80  }
0x21: {  	[sflag:s20] =	ssyncset.done $0x0  }
0x22: {  	s22 =	rddreg [dreg:$0x5];
	[sflag:s20] =	ssyncadd.s32 $0xFFFFFF80  }
0x23: {  	[tilespmem:s17], [sflag:$0x5] =	stream.linear.gather [hbm4b:s22+s7], $0x80, $0x38;
	[tilespmem:$0x12900] =	vst v63  }
0x24: {  	_ =	swait.ge [sflag:s20], $0x80  }
0x25: {  	[sflag:s20] =	ssyncset.done $0x0  }
0x26: {  	[sflag:s20] =	ssyncadd.s32 $0xFFFFFF80  }
0x27: {  	v9 =	vld [tilespmem:$0x10800];
	_ =	sdelay $0x4  }
0x28: {  	(v2sf) =	vpush v9, $0x0;
	_ =	sdelay $0xa  }
0x29: {  	s24 =	rddreg [dreg:$0x7]  }
0x2a: {  	[tilespmem:s7], [sflag:$0x1] =	stream.linear.gather [hbm4b:s24+s7], $0x4000, $0x38;
	[tilespmem:$0x12900] =	vst v63  }
0x2b: {  	s3 =	simm.s32 $0x10900;
	s26 =	rddreg [dreg:$0x1]  }
0x2c: {  	[tilespmem:s3], [sflag:$0x5] =	stream.linear.gather [hbm4b:s26+s7], $0x1000, $0x38;
	[tilespmem:$0x12900] =	vst v63  }
0x2d: {  	s25 =	spop (v2sf)  }
0x2e: {  	_ =	swait.ge [sflag:s20], $0x1000  }
0x2f: {  	[sflag:s20] =	ssyncset.done $0x0  }
0x30: {  	s31 =	simm.s32 $0x11900;
	s29 =	rddreg [dreg:$0x6];
	[sflag:s20] =	ssyncadd.s32 $0xFFFFF000  }
0x31: {  	[tilespmem:s31], [sflag:$0x5] =	stream.linear.gather [hbm4b:s29+s7], $0x1000, $0x38;
	[tilespmem:$0x12900] =	vst v63  }
0x32: {  	_ =	swait.ge [sflag:s20], $0x1000  }
0x33: {  	[sflag:s20] =	ssyncset.done $0x0  }
0x34: {  	[sflag:s20] =	ssyncadd.s32 $0xFFFFF000  }
0x35: {  	v2 =	vld [tilespmem:$0x10900]  }
0x36: {  	v3 =	vld [tilespmem:$0x11900]  }
0x37: {  	v4 =	vld [tilespmem:$0x10980]  }
0x38: {  	v5 =	vld [tilespmem:$0x11980]  }
0x39: {  	v6 =	vld [tilespmem:$0x10A00]  }
0x3a: {  	v7 =	vld [tilespmem:$0x11A00]  }
0x3b: {  	v8 =	vld [tilespmem:$0x10A80]  }
0x3c: {  	v10 =	vld [tilespmem:$0x11A80]  }
0x3d: {  	v11 =	vld [tilespmem:$0x10B00]  }
0x3e: {  	v12 =	vld [tilespmem:$0x11B00]  }
0x3f: {  	v13 =	vld [tilespmem:$0x10B80]  }
0x40: {  	v14 =	vld [tilespmem:$0x11B80]  }
0x41: {  	v15 =	vld [tilespmem:$0x10C00]  }
0x42: {  	v16 =	vld [tilespmem:$0x11C00]  }
0x43: {  	v17 =	vld [tilespmem:$0x10C80]  }
0x44: {  	v18 =	vld [tilespmem:$0x11C80]  }
0x45: {  	v19 =	vld [tilespmem:$0x10D00]  }
0x46: {  	v20 =	vld [tilespmem:$0x11D00]  }
0x47: {  	v21 =	vld [tilespmem:$0x10D80]  }
0x48: {  	v22 =	vld [tilespmem:$0x11D80]  }
0x49: {  	v23 =	vld [tilespmem:$0x10E00]  }
0x4a: {  	v24 =	vld [tilespmem:$0x11E00]  }
0x4b: {  	v25 =	vld [tilespmem:$0x10E80]  }
0x4c: {  	v26 =	vld [tilespmem:$0x11E80]  }
0x4d: {  	v27 =	vld [tilespmem:$0x10F00]  }
0x4e: {  	v28 =	vld [tilespmem:$0x11F00]  }
0x4f: {  	v29 =	vld [tilespmem:$0x10F80]  }
0x50: {  	v30 =	vld [tilespmem:$0x11F80]  }
0x51: {  	v31 =	vld [tilespmem:$0x11000]  }
0x52: {  	v32 =	vld [tilespmem:$0x12000]  }
0x53: {  	v33 =	vld [tilespmem:$0x11080]  }
0x54: {  	v34 =	vld [tilespmem:$0x12080]  }
0x55: {  	v35 =	vld [tilespmem:$0x11100]  }
0x56: {  	v36 =	vld [tilespmem:$0x12100]  }
0x57: {  	v37 =	vld [tilespmem:$0x11180]  }
0x58: {  	v38 =	vld [tilespmem:$0x12180]  }
0x59: {  	v39 =	vld [tilespmem:$0x11200]  }
0x5a: {  	v57 =	vld [tilespmem:$0x11500];
	v2 =	vmin.f32 v2, v4  }
0x5b: {  	v58 =	vld [tilespmem:$0x12500];
	v3 =	vmax.f32 v3, v5;
	v2 =	vmin.f32 v2, v6  }
0x5c: {  	v59 =	vld [tilespmem:$0x11580];
	v3 =	vmax.f32 v3, v7;
	v2 =	vmin.f32 v2, v8  }
0x5d: {  	v60 =	vld [tilespmem:$0x12580];
	v3 =	vmax.f32 v3, v10;
	v2 =	vmin.f32 v2, v11  }
0x5e: {  	v61 =	vld [tilespmem:$0x11600];
	v3 =	vmax.f32 v3, v12;
	v2 =	vmin.f32 v2, v13  }
0x5f: {  	v62 =	vld [tilespmem:$0x12600];
	v3 =	vmax.f32 v3, v14;
	v2 =	vmin.f32 v2, v15  }
0x60: {  	v63 =	vld [tilespmem:$0x11680];
	v3 =	vmax.f32 v3, v16;
	v2 =	vmin.f32 v2, v17  }
0x61: {  	v4 =	vld [tilespmem:$0x12200];
	v3 =	vmax.f32 v3, v18;
	v2 =	vmin.f32 v2, v19  }
0x62: {  	v5 =	vld [tilespmem:$0x11280];
	v3 =	vmax.f32 v3, v20;
	v2 =	vmin.f32 v2, v21  }
0x63: {  	v6 =	vld [tilespmem:$0x12280];
	v3 =	vmax.f32 v3, v22;
	v2 =	vmin.f32 v2, v23  }
0x64: {  	v7 =	vld [tilespmem:$0x11300];
	v3 =	vmax.f32 v3, v24;
	v2 =	vmin.f32 v2, v25  }
0x65: {  	v8 =	vld [tilespmem:$0x12300];
	v3 =	vmax.f32 v3, v26;
	v2 =	vmin.f32 v2, v27  }
0x66: {  	v10 =	vld [tilespmem:$0x11380];
	v3 =	vmax.f32 v3, v28;
	v2 =	vmin.f32 v2, v29  }
0x67: {  	v11 =	vld [tilespmem:$0x12380];
	v3 =	vmax.f32 v3, v30;
	v2 =	vmin.f32 v2, v31  }
0x68: {  	v12 =	vld [tilespmem:$0x11400];
	v3 =	vmax.f32 v3, v32;
	v2 =	vmin.f32 v2, v33  }
0x69: {  	v13 =	vld [tilespmem:$0x12400];
	v3 =	vmax.f32 v3, v34;
	v2 =	vmin.f32 v2, v35  }
0x6a: {  	v14 =	vld [tilespmem:$0x11480];
	v3 =	vmax.f32 v3, v36;
	v2 =	vmin.f32 v2, v37  }
0x6b: {  	v15 =	vld [tilespmem:$0x12480];
	v3 =	vmax.f32 v3, v38;
	v2 =	vmin.f32 v2, v39  }
0x6c: {  	v3 =	vmax.f32 v3, v4;
	v4 =	vld [tilespmem:$0x12680];
	v2 =	vmin.f32 v2, v5  }
0x6d: {  	v3 =	vmax.f32 v3, v6;
	v5 =	vld [tilespmem:$0x11700];
	v2 =	vmin.f32 v2, v7  }
0x6e: {  	v6 =	vld [tilespmem:$0x12700];
	v3 =	vmax.f32 v3, v8;
	v2 =	vmin.f32 v2, v10  }
0x6f: {  	v7 =	vld [tilespmem:$0x11780];
	v3 =	vmax.f32 v3, v11;
	v2 =	vmin.f32 v2, v12  }
0x70: {  	v8 =	vld [tilespmem:$0x12780];
	v3 =	vmax.f32 v3, v13;
	v2 =	vmin.f32 v2, v14  }
0x71: {  	v10 =	vld [tilespmem:$0x11800];
	v3 =	vmax.f32 v3, v15;
	v2 =	vmin.f32 v2, v57  }
0x72: {  	v11 =	vld [tilespmem:$0x12800];
	v3 =	vmax.f32 v3, v58;
	v2 =	vmin.f32 v2, v59  }
0x73: {  	v12 =	vld [tilespmem:$0x11880];
	v3 =	vmax.f32 v3, v60;
	v2 =	vmin.f32 v2, v61  }
0x74: {  	v13 =	vld [tilespmem:$0x12880];
	v3 =	vmax.f32 v3, v62;
	v2 =	vmin.f32 v2, v63  }
0x75: {  	v3 =	vmax.f32 v3, v4;
	v2 =	vmin.f32 v2, v5  }
0x76: {  	v3 =	vmax.f32 v3, v6;
	v2 =	vmin.f32 v2, v7  }
0x77: {  	v3 =	vmax.f32 v3, v8;
	v2 =	vmin.f32 v2, v10  }
0x78: {  	v3 =	vmax.f32 v3, v11;
	v2 =	vmin.f32 v2, v12  }
0x79: {  	v3 =	vmax.f32 v3, v13;
	(xrf0) =	vmin.scan.msk.f32 $0xffff, v2  }
0x7a: {  	(xrf0) =	vmax.scan.msk.f32 $0xffff, v3  }
0x7b: {  	p0 =	sgt.f32 s25, $5.000000000e-01  }
.Ltmp2:
0x7c: {  	_ = 	snop;
	(pc) =	sbr.rel @p0 .LBB2_2-.Ltmp2, $3  }
0x7d: {  	_ =	sdelay $0x1  }
0x7e: {  	v4 =	vbroadcast v9, $0x1;
	v5 =	vbroadcast v9, $0x2;
	v12, _, _ =	vpop (xrf0)  }
0x7f: {  	s0 =	simm.s32 $0x0;
	v2 =	vbroadcast v9, $0x4;
	v3 =	vbroadcast v9, $0x3;
	v11, _, _ =	vpop (xrf0)  }
0x80: {  	v6 =	vbroadcast v9, $0x5;
	v7 =	vbroadcast v9, $0x6  }
0x81: {  	s1 =	rddreg [dreg:$0x8];
	s2 =	simm.s32 $0x4000;
	v8 =	vbroadcast v9, $0x7;
	v9 =	vbroadcast v9, $0x8  }
0x82: {  	v10 =	vbroadcast v12, $0xF;
	v11 =	vbroadcast v11, $0xF;
	[tilespmem:s2], [sflag:$0x2] =	stream.linear.gather [hbm4b:s1+s0], $0x4000, $0x38;
	[tilespmem:$0x12900] =	vst v63  }
.LBB2_11:
0x83: {  	_ =	swait.ge [sflag:s21], $0x4000  }
0x84: {  	p0 =	seq.s32 s0, $0x0;
	[sflag:s21] =	ssyncset.done $0x0  }
0x85: {  	s1 =	simm.s32 @!p0 $0x3;
	[sflag:s21] =	ssyncadd.s32 $0xFFFFC000  }
0x86: {  	_ =	swait.ge @!p0 [sflag:s1], $0x4000  }
0x87: {  	s3 =	sshll.u32 s0, $0x1;
	s15 =	simm.s32 $0x0;
	[sflag:s1] =	ssyncset.done @!p0 $0x0  }
0x88: {  	s18 =	simm.s32 $0x0;
	s19 =	simm.s32 $0x0;
	[sflag:s1] =	ssyncadd.s32 @!p0 $0xFFFFC000  }
.LBB2_12:
0x89: {  	s1 =	sand.u32 $0x70, s19;
	s2 =	sand.u32 $0x3C00, s18  }
0x8a: {  	s2 =	sor.u32 s1, s2  }
0x8b: {  	v12 =	vld [tilespmem:s2+$0x0];
	_ =	sdelay $0x3  }
0x8c: {  	v41 =	vld [tilespmem:s2+$0x80]  }
0x8d: {  	vm0 =	vgt.f32 v12, v4;
	vm1 =	vgt.f32 v12, v5;
	vm14 =	vgt.f32 v12, v3  }
0x8e: {  	vm15 =	vgt.f32 v12, v2;
	vm4 =	vgt.f32 v12, v6;
	vm5 =	vgt.f32 v12, v7  }
0x8f: {  	vm6 =	vgt.f32 v12, v8;
	v13 =	vsel vm0, $0x1, v0;
	v14 =	vsel vm1, $0x1, v0  }
0x90: {  	vm7 =	vgt.f32 v12, v9;
	v34 =	vsel vm14, $0x1, v0;
	v13 =	vadd.s32 v14, v13  }
0x91: {  	vm8 =	vgt.f32 v41, v4;
	v35 =	vsel vm15, $0x1, v0;
	v13 =	vadd.s32 v34, v13  }
0x92: {  	vm9 =	vgt.f32 v41, v5;
	v36 =	vsel vm4, $0x1, v0;
	v13 =	vadd.s32 v35, v13  }
0x93: {  	vm10 =	vgt.f32 v41, v3;
	v37 =	vsel vm5, $0x1, v0;
	v13 =	vadd.s32 v36, v13  }
0x94: {  	vm11 =	vgt.f32 v41, v2;
	v38 =	vsel vm6, $0x1, v0;
	v13 =	vadd.s32 v37, v13  }
0x95: {  	v16 =	vld [tilespmem:s2+$0x100];
	vm12 =	vgt.f32 v41, v6;
	v40 =	vsel vm7, $0x1, v0;
	v39 =	vadd.s32 v38, v13  }
0x96: {  	vm13 =	vgt.f32 v41, v7;
	v42 =	vsel vm8, $0x1, v0;
	v12 =	vadd.s32 v40, v39  }
0x97: {  	v15 =	vsel vm9, $0x1, v0;
	v43 =	vsel vm10, $0x1, v0;
	v44 =	vsel vm11, $0x1, v0  }
0x98: {  	v45 =	vsel vm12, $0x1, v0;
	v46 =	vsel vm13, $0x1, v0;
	v14 =	vadd.s32 v15, v42  }
0x99: {  	vm14 =	vgt.f32 v41, v8;
	vm15 =	vgt.f32 v41, v9;
	v14 =	vadd.s32 v43, v14  }
0x9a: {  	v59 =	vld [tilespmem:s2+$0x180];
	vm4 =	vgt.f32 v16, v4;
	vm5 =	vgt.f32 v16, v5;
	v14 =	vadd.s32 v44, v14  }
0x9b: {  	vm6 =	vgt.f32 v16, v3;
	vm7 =	vgt.f32 v16, v2;
	v14 =	vadd.s32 v45, v14;
	v12 =	vld.idx.msk [tilespmem:v12+s17+$0x0], $0xffff  }
0x9c: {  	vm8 =	vgt.f32 v16, v6;
	v47 =	vsel vm14, $0x1, v0;
	v14 =	vadd.s32 v46, v14  }
0x9d: {  	vm9 =	vgt.f32 v16, v7;
	v49 =	vsel vm15, $0x1, v0;
	v48 =	vadd.s32 v47, v14  }
0x9e: {  	vm10 =	vgt.f32 v16, v8;
	vm11 =	vgt.f32 v16, v9;
	v13 =	vadd.s32 v49, v48  }
0x9f: {  	vm12 =	vgt.f32 v59, v4;
	v50 =	vsel vm4, $0x1, v0;
	v51 =	vsel vm5, $0x1, v0  }
0xa0: {  	v52 =	vsel vm6, $0x1, v0;
	v14 =	vadd.s32 v51, v50;
	v12 =	vmax.f32 v12, v10  }
0xa1: {  	v53 =	vsel vm7, $0x1, v0;
	v14 =	vadd.s32 v52, v14;
	v12 =	vmin.f32 v12, v11  }
0xa2: {  	vm13 =	vgt.f32 v59, v5;
	v55 =	vsel vm8, $0x1, v0;
	v54 =	vadd.s32 v53, v14;
	[tilespmem:s2+$0x8000] =	vst v12  }
0xa3: {  	v56 =	vsel vm9, $0x1, v0;
	v57 =	vsel vm10, $0x1, v0;
	v12 =	vadd.s32 v55, v54;
	v13 =	vld.idx.msk [tilespmem:v13+s17+$0x0], $0xffff  }
0xa4: {  	v58 =	vsel vm11, $0x1, v0;
	v60 =	vsel vm12, $0x1, v0;
	v12 =	vadd.s32 v56, v12  }
0xa5: {  	v20 =	vld [tilespmem:s2+$0x200];
	v61 =	vsel vm13, $0x1, v0;
	vm14 =	vgt.f32 v59, v3;
	v12 =	vadd.s32 v57, v12  }
0xa6: {  	vm15 =	vgt.f32 v59, v2;
	vm4 =	vgt.f32 v59, v6;
	v12 =	vadd.s32 v58, v12  }
0xa7: {  	vm5 =	vgt.f32 v59, v7;
	vm6 =	vgt.f32 v59, v8;
	vm7 =	vgt.f32 v59, v9  }
0xa8: {  	v62 =	vsel vm14, $0x1, v0;
	v14 =	vadd.s32 v61, v60;
	v13 =	vmax.f32 v13, v10  }
0xa9: {  	v63 =	vsel vm15, $0x1, v0;
	v14 =	vadd.s32 v62, v14;
	v13 =	vmin.f32 v13, v11  }
0xaa: {  	vm8 =	vgt.f32 v20, v4;
	v21 =	vsel vm4, $0x1, v0;
	v14 =	vadd.s32 v63, v14;
	[tilespmem:s2+$0x8080] =	vst v13  }
0xab: {  	vm9 =	vgt.f32 v20, v5;
	v22 =	vsel vm5, $0x1, v0;
	v14 =	vadd.s32 v21, v14;
	v12 =	vld.idx.msk [tilespmem:v12+s17+$0x0], $0xffff  }
0xac: {  	vm10 =	vgt.f32 v20, v3;
	v23 =	vsel vm6, $0x1, v0;
	v14 =	vadd.s32 v22, v14  }
0xad: {  	vm11 =	vgt.f32 v20, v2;
	v25 =	vsel vm7, $0x1, v0;
	v24 =	vadd.s32 v23, v14  }
0xae: {  	vm12 =	vgt.f32 v20, v6;
	vm13 =	vgt.f32 v20, v7;
	v13 =	vadd.s32 v25, v24  }
0xaf: {  	v26 =	vsel vm8, $0x1, v0;
	v27 =	vsel vm9, $0x1, v0;
	v28 =	vsel vm10, $0x1, v0;
	v35 =	vld [tilespmem:s2+$0x280]  }
0xb0: {  	v29 =	vsel vm11, $0x1, v0;
	v14 =	vadd.s32 v27, v26;
	v12 =	vmax.f32 v12, v10  }
0xb1: {  	v31 =	vsel vm12, $0x1, v0;
	v14 =	vadd.s32 v28, v14;
	v12 =	vmin.f32 v12, v11  }
0xb2: {  	v32 =	vsel vm13, $0x1, v0;
	vm14 =	vgt.f32 v20, v8;
	v30 =	vadd.s32 v29, v14;
	[tilespmem:s2+$0x8100] =	vst v12  }
0xb3: {  	vm15 =	vgt.f32 v20, v9;
	v33 =	vsel vm14, $0x1, v0;
	v12 =	vadd.s32 v31, v30;
	v13 =	vld.idx.msk [tilespmem:v13+s17+$0x0], $0xffff  }
0xb4: {  	v34 =	vsel vm15, $0x1, v0;
	vm4 =	vgt.f32 v35, v4;
	v12 =	vadd.s32 v32, v12  }
0xb5: {  	vm5 =	vgt.f32 v35, v5;
	vm6 =	vgt.f32 v35, v3;
	v12 =	vadd.s32 v33, v12  }
0xb6: {  	vm7 =	vgt.f32 v35, v2;
	vm8 =	vgt.f32 v35, v6;
	v12 =	vadd.s32 v34, v12  }
0xb7: {  	vm9 =	vgt.f32 v35, v7;
	v36 =	vsel vm4, $0x1, v0;
	v37 =	vsel vm5, $0x1, v0  }
0xb8: {  	v40 =	vld [tilespmem:s2+$0x300];
	v38 =	vsel vm6, $0x1, v0;
	v14 =	vadd.s32 v37, v36;
	v13 =	vmax.f32 v13, v10  }
0xb9: {  	v39 =	vsel vm7, $0x1, v0;
	v14 =	vadd.s32 v38, v14;
	v13 =	vmin.f32 v13, v11  }
0xba: {  	vm10 =	vgt.f32 v35, v8;
	v41 =	vsel vm8, $0x1, v0;
	v14 =	vadd.s32 v39, v14;
	[tilespmem:s2+$0x8180] =	vst v13  }
0xbb: {  	vm11 =	vgt.f32 v35, v9;
	v42 =	vsel vm9, $0x1, v0;
	v14 =	vadd.s32 v41, v14;
	v12 =	vld.idx.msk [tilespmem:v12+s17+$0x0], $0xffff  }
0xbc: {  	v43 =	vsel vm10, $0x1, v0;
	v45 =	vsel vm11, $0x1, v0;
	v14 =	vadd.s32 v42, v14  }
0xbd: {  	vm12 =	vgt.f32 v40, v4;
	vm13 =	vgt.f32 v40, v5;
	v44 =	vadd.s32 v43, v14  }
0xbe: {  	vm14 =	vgt.f32 v40, v3;
	vm15 =	vgt.f32 v40, v2;
	v13 =	vadd.s32 v45, v44  }
0xbf: {  	vm4 =	vgt.f32 v40, v6;
	v46 =	vsel vm12, $0x1, v0;
	v47 =	vsel vm13, $0x1, v0  }
0xc0: {  	v48 =	vsel vm14, $0x1, v0;
	v14 =	vadd.s32 v47, v46;
	v12 =	vmax.f32 v12, v10  }
0xc1: {  	v49 =	vsel vm15, $0x1, v0;
	v14 =	vadd.s32 v48, v14;
	v12 =	vmin.f32 v12, v11  }
0xc2: {  	vm5 =	vgt.f32 v40, v7;
	v51 =	vsel vm4, $0x1, v0;
	v50 =	vadd.s32 v49, v14;
	[tilespmem:s2+$0x8200] =	vst v12  }
0xc3: {  	vm6 =	vgt.f32 v40, v8;
	v52 =	vsel vm5, $0x1, v0;
	v12 =	vadd.s32 v51, v50;
	v13 =	vld.idx.msk [tilespmem:v13+s17+$0x0], $0xffff  }
0xc4: {  	vm7 =	vgt.f32 v40, v9;
	v53 =	vsel vm6, $0x1, v0;
	v12 =	vadd.s32 v52, v12  }
0xc5: {  	v54 =	vsel vm7, $0x1, v0;
	v12 =	vadd.s32 v53, v12  }
0xc6: {  	v12 =	vadd.s32 v54, v12;
	_ =	sdelay $0x1  }
0xc7: {  	v13 =	vmax.f32 v13, v10  }
0xc8: {  	v13 =	vmin.f32 v13, v11  }
0xc9: {  	[tilespmem:s2+$0x8280] =	vst v13  }
0xca: {  	v12 =	vld.idx.msk [tilespmem:v12+s17+$0x0], $0xffff;
	_ =	sdelay $0x3  }
0xcb: {  	s31 =	sand.u32 $0x7, s15  }
0xcc: {  	s1 =	sshll.u32 s31, $0x4;
	v12 =	vmax.f32 v12, v10  }
0xcd: {  	s1 =	sadd.s32 s1, s18;
	v12 =	vmin.f32 v12, v11  }
0xce: {  	s1 =	sor.u32 $0x380, s1;
	[tilespmem:s2+$0x8300] =	vst v12  }
0xcf: {  	v12 =	vld [tilespmem:s1+$0x0];
	_ =	sdelay $0x4  }
0xd0: {  	vm8 =	vgt.f32 v12, v4;
	vm9 =	vgt.f32 v12, v5  }
0xd1: {  	vm10 =	vgt.f32 v12, v3;
	v55 =	vsel vm8, $0x1, v0;
	v56 =	vsel vm9, $0x1, v0  }
0xd2: {  	vm11 =	vgt.f32 v12, v2;
	v57 =	vsel vm10, $0x1, v0;
	v13 =	vadd.s32 v56, v55  }
0xd3: {  	vm12 =	vgt.f32 v12, v6;
	v58 =	vsel vm11, $0x1, v0;
	v13 =	vadd.s32 v57, v13  }
0xd4: {  	vm13 =	vgt.f32 v12, v7;
	v59 =	vsel vm12, $0x1, v0;
	v13 =	vadd.s32 v58, v13  }
0xd5: {  	vm14 =	vgt.f32 v12, v8;
	v60 =	vsel vm13, $0x1, v0;
	v13 =	vadd.s32 v59, v13  }
0xd6: {  	vm15 =	vgt.f32 v12, v9;
	v61 =	vsel vm14, $0x1, v0;
	v13 =	vadd.s32 v60, v13  }
0xd7: {  	v63 =	vsel vm15, $0x1, v0;
	v62 =	vadd.s32 v61, v13  }
0xd8: {  	v12 =	vadd.s32 v63, v62;
	_ =	sdelay $0x4  }
0xd9: {  	v12 =	vld.idx.msk [tilespmem:v12+s17+$0x0], $0xffff;
	_ =	sdelay $0x1  }
0xda: {  	p1 =	sne.s32 s19, $0x7F0  }
.Ltmp3:
0xdb: {  	_ = 	snop;
	(pc) =	sbr.rel @p1 .LBB2_12-.Ltmp3, $4  }
0xdc: {  	_ = 	snop  }
0xdd: {  	v12 =	vmax.f32 v12, v10  }
0xde: {  	v12 =	vmin.f32 v12, v11  }
0xdf: {  	s15 =	sadd.s32 $0x1, s15;
	s19 =	sadd.s32 $0x10, s19;
	s18 =	sadd.s32 $0x80, s18;
	[tilespmem:s1+$0x8000] =	vst v12  }
0xe0: {  	p1 =	seq.s32 s0, $0x3  }
0xe1: {  	s1 =	sadd.s32 @!p1 s3, s12  }
0xe2: {  	s1 =	sshll.u32 @!p1 s1, $0xB  }
0xe3: {  	s15 =	sshll.u32 s0, $0xC;
	s1 =	sand.u32 @!p1 $0x1FFFF000, s1  }
0xe4: {  	s31 =	rddreg [dreg:$0x9];
	s2 =	simm.s32 @!p1 $0x0;
	s1 =	sadd.s32 @!p1 s10, s1  }
0xe5: {  	[tilespmem:s2], [sflag:$0x1] =	stream.linear.gather @!p1 [hbm4b:s1+s2], $0x4000, $0x38;
	[tilespmem:$0x12900] =	vst v63  }
0xe6: {  	s1 =	sadd.s32 s15, s31  }
0xe7: {  	[hbm4b:s1+s7] =	stream.linear.scatter [tilespmem:s30], [sflag:$0x3], $0x4000, $0x38;
	[tilespmem:$0x12900] =	vst v63  }
0xe8: {  	_ =	swait.ge [sflag:s23], $0x4000  }
0xe9: {  	[sflag:s23] =	ssyncset.done $0x0  }
0xea: {  	s1 =	simm.s32 @!p0 $0x4;
	[sflag:s23] =	ssyncadd.s32 $0xFFFFC000  }
0xeb: {  	_ =	swait.ge @!p0 [sflag:s1], $0x4000  }
0xec: {  	s18 =	simm.s32 $0x0;
	[sflag:s1] =	ssyncset.done @!p0 $0x0  }
0xed: {  	s19 =	simm.s32 $0x0;
	s20 =	simm.s32 $0x0;
	[sflag:s1] =	ssyncadd.s32 @!p0 $0xFFFFC000  }
.LBB2_14:
0xee: {  	s1 =	sand.u32 $0x70, s20;
	s2 =	sand.u32 $0x3C00, s19  }
0xef: {  	s2 =	sor.u32 s1, s2  }
0xf0: {  	v12 =	vld [tilespmem:s2+$0x4000];
	_ =	sdelay $0x3  }
0xf1: {  	v41 =	vld [tilespmem:s2+$0x4080]  }
0xf2: {  	vm0 =	vgt.f32 v12, v4;
	vm1 =	vgt.f32 v12, v5;
	vm14 =	vgt.f32 v12, v3  }
0xf3: {  	vm15 =	vgt.f32 v12, v2;
	vm4 =	vgt.f32 v12, v6;
	vm5 =	vgt.f32 v12, v7  }
0xf4: {  	vm6 =	vgt.f32 v12, v8;
	v13 =	vsel vm0, $0x1, v0;
	v14 =	vsel vm1, $0x1, v0  }
0xf5: {  	vm7 =	vgt.f32 v12, v9;
	v34 =	vsel vm14, $0x1, v0;
	v13 =	vadd.s32 v14, v13  }
0xf6: {  	vm8 =	vgt.f32 v41, v4;
	v35 =	vsel vm15, $0x1, v0;
	v13 =	vadd.s32 v34, v13  }
0xf7: {  	vm9 =	vgt.f32 v41, v5;
	v36 =	vsel vm4, $0x1, v0;
	v13 =	vadd.s32 v35, v13  }
0xf8: {  	vm10 =	vgt.f32 v41, v3;
	v37 =	vsel vm5, $0x1, v0;
	v13 =	vadd.s32 v36, v13  }
0xf9: {  	vm11 =	vgt.f32 v41, v2;
	v38 =	vsel vm6, $0x1, v0;
	v13 =	vadd.s32 v37, v13  }
0xfa: {  	v16 =	vld [tilespmem:s2+$0x4100];
	vm12 =	vgt.f32 v41, v6;
	v40 =	vsel vm7, $0x1, v0;
	v39 =	vadd.s32 v38, v13  }
0xfb: {  	vm13 =	vgt.f32 v41, v7;
	v42 =	vsel vm8, $0x1, v0;
	v12 =	vadd.s32 v40, v39  }
0xfc: {  	v15 =	vsel vm9, $0x1, v0;
	v43 =	vsel vm10, $0x1, v0;
	v44 =	vsel vm11, $0x1, v0  }
0xfd: {  	v45 =	vsel vm12, $0x1, v0;
	v46 =	vsel vm13, $0x1, v0;
	v14 =	vadd.s32 v15, v42  }
0xfe: {  	vm14 =	vgt.f32 v41, v8;
	vm15 =	vgt.f32 v41, v9;
	v14 =	vadd.s32 v43, v14  }
0xff: {  	v59 =	vld [tilespmem:s2+$0x4180];
	vm4 =	vgt.f32 v16, v4;
	vm5 =	vgt.f32 v16, v5;
	v14 =	vadd.s32 v44, v14  }
0x100: {  	vm6 =	vgt.f32 v16, v3;
	vm7 =	vgt.f32 v16, v2;
	v14 =	vadd.s32 v45, v14;
	v12 =	vld.idx.msk [tilespmem:v12+s17+$0x0], $0xffff  }
0x101: {  	vm8 =	vgt.f32 v16, v6;
	v47 =	vsel vm14, $0x1, v0;
	v14 =	vadd.s32 v46, v14  }
0x102: {  	vm9 =	vgt.f32 v16, v7;
	v49 =	vsel vm15, $0x1, v0;
	v48 =	vadd.s32 v47, v14  }
0x103: {  	vm10 =	vgt.f32 v16, v8;
	vm11 =	vgt.f32 v16, v9;
	v13 =	vadd.s32 v49, v48  }
0x104: {  	vm12 =	vgt.f32 v59, v4;
	v50 =	vsel vm4, $0x1, v0;
	v51 =	vsel vm5, $0x1, v0  }
0x105: {  	v52 =	vsel vm6, $0x1, v0;
	v14 =	vadd.s32 v51, v50;
	v12 =	vmax.f32 v12, v10  }
0x106: {  	v53 =	vsel vm7, $0x1, v0;
	v14 =	vadd.s32 v52, v14;
	v12 =	vmin.f32 v12, v11  }
0x107: {  	vm13 =	vgt.f32 v59, v5;
	v55 =	vsel vm8, $0x1, v0;
	v54 =	vadd.s32 v53, v14;
	[tilespmem:s2+$0xC000] =	vst v12  }
0x108: {  	v56 =	vsel vm9, $0x1, v0;
	v57 =	vsel vm10, $0x1, v0;
	v12 =	vadd.s32 v55, v54;
	v13 =	vld.idx.msk [tilespmem:v13+s17+$0x0], $0xffff  }
0x109: {  	v58 =	vsel vm11, $0x1, v0;
	v60 =	vsel vm12, $0x1, v0;
	v12 =	vadd.s32 v56, v12  }
0x10a: {  	v20 =	vld [tilespmem:s2+$0x4200];
	v61 =	vsel vm13, $0x1, v0;
	vm14 =	vgt.f32 v59, v3;
	v12 =	vadd.s32 v57, v12  }
0x10b: {  	vm15 =	vgt.f32 v59, v2;
	vm4 =	vgt.f32 v59, v6;
	v12 =	vadd.s32 v58, v12  }
0x10c: {  	vm5 =	vgt.f32 v59, v7;
	vm6 =	vgt.f32 v59, v8;
	vm7 =	vgt.f32 v59, v9  }
0x10d: {  	v62 =	vsel vm14, $0x1, v0;
	v14 =	vadd.s32 v61, v60;
	v13 =	vmax.f32 v13, v10  }
0x10e: {  	v63 =	vsel vm15, $0x1, v0;
	v14 =	vadd.s32 v62, v14;
	v13 =	vmin.f32 v13, v11  }
0x10f: {  	vm8 =	vgt.f32 v20, v4;
	v21 =	vsel vm4, $0x1, v0;
	v14 =	vadd.s32 v63, v14;
	[tilespmem:s2+$0xC080] =	vst v13  }
0x110: {  	vm9 =	vgt.f32 v20, v5;
	v22 =	vsel vm5, $0x1, v0;
	v14 =	vadd.s32 v21, v14;
	v12 =	vld.idx.msk [tilespmem:v12+s17+$0x0], $0xffff  }
0x111: {  	vm10 =	vgt.f32 v20, v3;
	v23 =	vsel vm6, $0x1, v0;
	v14 =	vadd.s32 v22, v14  }
0x112: {  	vm11 =	vgt.f32 v20, v2;
	v25 =	vsel vm7, $0x1, v0;
	v24 =	vadd.s32 v23, v14  }
0x113: {  	vm12 =	vgt.f32 v20, v6;
	vm13 =	vgt.f32 v20, v7;
	v13 =	vadd.s32 v25, v24  }
0x114: {  	v26 =	vsel vm8, $0x1, v0;
	v27 =	vsel vm9, $0x1, v0;
	v28 =	vsel vm10, $0x1, v0;
	v35 =	vld [tilespmem:s2+$0x4280]  }
0x115: {  	v29 =	vsel vm11, $0x1, v0;
	v14 =	vadd.s32 v27, v26;
	v12 =	vmax.f32 v12, v10  }
0x116: {  	v31 =	vsel vm12, $0x1, v0;
	v14 =	vadd.s32 v28, v14;
	v12 =	vmin.f32 v12, v11  }
0x117: {  	v32 =	vsel vm13, $0x1, v0;
	vm14 =	vgt.f32 v20, v8;
	v30 =	vadd.s32 v29, v14;
	[tilespmem:s2+$0xC100] =	vst v12  }
0x118: {  	vm15 =	vgt.f32 v20, v9;
	v33 =	vsel vm14, $0x1, v0;
	v12 =	vadd.s32 v31, v30;
	v13 =	vld.idx.msk [tilespmem:v13+s17+$0x0], $0xffff  }
0x119: {  	v34 =	vsel vm15, $0x1, v0;
	vm4 =	vgt.f32 v35, v4;
	v12 =	vadd.s32 v32, v12  }
0x11a: {  	vm5 =	vgt.f32 v35, v5;
	vm6 =	vgt.f32 v35, v3;
	v12 =	vadd.s32 v33, v12  }
0x11b: {  	vm7 =	vgt.f32 v35, v2;
	vm8 =	vgt.f32 v35, v6;
	v12 =	vadd.s32 v34, v12  }
0x11c: {  	vm9 =	vgt.f32 v35, v7;
	v36 =	vsel vm4, $0x1, v0;
	v37 =	vsel vm5, $0x1, v0  }
0x11d: {  	v40 =	vld [tilespmem:s2+$0x4300];
	v38 =	vsel vm6, $0x1, v0;
	v14 =	vadd.s32 v37, v36;
	v13 =	vmax.f32 v13, v10  }
0x11e: {  	v39 =	vsel vm7, $0x1, v0;
	v14 =	vadd.s32 v38, v14;
	v13 =	vmin.f32 v13, v11  }
0x11f: {  	vm10 =	vgt.f32 v35, v8;
	v41 =	vsel vm8, $0x1, v0;
	v14 =	vadd.s32 v39, v14;
	[tilespmem:s2+$0xC180] =	vst v13  }
0x120: {  	vm11 =	vgt.f32 v35, v9;
	v42 =	vsel vm9, $0x1, v0;
	v14 =	vadd.s32 v41, v14;
	v12 =	vld.idx.msk [tilespmem:v12+s17+$0x0], $0xffff  }
0x121: {  	v43 =	vsel vm10, $0x1, v0;
	v45 =	vsel vm11, $0x1, v0;
	v14 =	vadd.s32 v42, v14  }
0x122: {  	vm12 =	vgt.f32 v40, v4;
	vm13 =	vgt.f32 v40, v5;
	v44 =	vadd.s32 v43, v14  }
0x123: {  	vm14 =	vgt.f32 v40, v3;
	vm15 =	vgt.f32 v40, v2;
	v13 =	vadd.s32 v45, v44  }
0x124: {  	vm4 =	vgt.f32 v40, v6;
	v46 =	vsel vm12, $0x1, v0;
	v47 =	vsel vm13, $0x1, v0  }
0x125: {  	v48 =	vsel vm14, $0x1, v0;
	v14 =	vadd.s32 v47, v46;
	v12 =	vmax.f32 v12, v10  }
0x126: {  	v49 =	vsel vm15, $0x1, v0;
	v14 =	vadd.s32 v48, v14;
	v12 =	vmin.f32 v12, v11  }
0x127: {  	vm5 =	vgt.f32 v40, v7;
	v51 =	vsel vm4, $0x1, v0;
	v50 =	vadd.s32 v49, v14;
	[tilespmem:s2+$0xC200] =	vst v12  }
0x128: {  	vm6 =	vgt.f32 v40, v8;
	v52 =	vsel vm5, $0x1, v0;
	v12 =	vadd.s32 v51, v50;
	v13 =	vld.idx.msk [tilespmem:v13+s17+$0x0], $0xffff  }
0x129: {  	vm7 =	vgt.f32 v40, v9;
	v53 =	vsel vm6, $0x1, v0;
	v12 =	vadd.s32 v52, v12  }
0x12a: {  	v54 =	vsel vm7, $0x1, v0;
	v12 =	vadd.s32 v53, v12  }
0x12b: {  	v12 =	vadd.s32 v54, v12;
	_ =	sdelay $0x1  }
0x12c: {  	v13 =	vmax.f32 v13, v10  }
0x12d: {  	v13 =	vmin.f32 v13, v11  }
0x12e: {  	[tilespmem:s2+$0xC280] =	vst v13  }
0x12f: {  	v12 =	vld.idx.msk [tilespmem:v12+s17+$0x0], $0xffff;
	_ =	sdelay $0x3  }
0x130: {  	s31 =	sand.u32 $0x7, s18  }
0x131: {  	s1 =	sshll.u32 s31, $0x4;
	v12 =	vmax.f32 v12, v10  }
0x132: {  	s1 =	sadd.s32 s1, s19;
	v12 =	vmin.f32 v12, v11  }
0x133: {  	s1 =	sor.u32 $0x380, s1;
	[tilespmem:s2+$0xC300] =	vst v12  }
0x134: {  	v12 =	vld [tilespmem:s1+$0x4000];
	_ =	sdelay $0x4  }
0x135: {  	vm8 =	vgt.f32 v12, v4;
	vm9 =	vgt.f32 v12, v5  }
0x136: {  	vm10 =	vgt.f32 v12, v3;
	v55 =	vsel vm8, $0x1, v0;
	v56 =	vsel vm9, $0x1, v0  }
0x137: {  	vm11 =	vgt.f32 v12, v2;
	v57 =	vsel vm10, $0x1, v0;
	v13 =	vadd.s32 v56, v55  }
0x138: {  	vm12 =	vgt.f32 v12, v6;
	v58 =	vsel vm11, $0x1, v0;
	v13 =	vadd.s32 v57, v13  }
0x139: {  	vm13 =	vgt.f32 v12, v7;
	v59 =	vsel vm12, $0x1, v0;
	v13 =	vadd.s32 v58, v13  }
0x13a: {  	vm14 =	vgt.f32 v12, v8;
	v60 =	vsel vm13, $0x1, v0;
	v13 =	vadd.s32 v59, v13  }
0x13b: {  	vm15 =	vgt.f32 v12, v9;
	v61 =	vsel vm14, $0x1, v0;
	v13 =	vadd.s32 v60, v13  }
0x13c: {  	v63 =	vsel vm15, $0x1, v0;
	v62 =	vadd.s32 v61, v13  }
0x13d: {  	v12 =	vadd.s32 v63, v62;
	_ =	sdelay $0x4  }
0x13e: {  	v12 =	vld.idx.msk [tilespmem:v12+s17+$0x0], $0xffff;
	_ =	sdelay $0x1  }
0x13f: {  	p0 =	sne.s32 s20, $0x7F0  }
.Ltmp4:
0x140: {  	_ = 	snop;
	(pc) =	sbr.rel @p0 .LBB2_14-.Ltmp4, $4  }
0x141: {  	_ = 	snop  }
0x142: {  	v12 =	vmax.f32 v12, v10  }
0x143: {  	v12 =	vmin.f32 v12, v11  }
0x144: {  	s18 =	sadd.s32 $0x1, s18;
	s20 =	sadd.s32 $0x10, s20;
	s19 =	sadd.s32 $0x80, s19;
	[tilespmem:s1+$0xC000] =	vst v12  }
0x145: {  	s0 =	sadd.s32 $0x1, s0  }
0x146: {  	s1 =	sadd.s32 @!p1 s3, s14;
	p0 =	sne.s32 s0, $0x4  }
.Ltmp5:
0x147: {  	s2 =	simm.s32 @!p1 $0x0;
	s1 =	sshll.u32 @!p1 s1, $0xB;
	(pc) =	sbr.rel @p0 .LBB2_11-.Ltmp5, $4  }
.Ltmp6:
0x148: {  	s3 =	simm.s32 @!p1 $0x4000;
	s1 =	sadd.s32 @!p1 s10, s1;
	(pc) =	sbr.rel @!p0 .LBB2_16-.Ltmp6, $4  }
0x149: {  	[tilespmem:s3], [sflag:$0x2] =	stream.linear.gather @!p1 [hbm4b:s1+s2], $0x4000, $0x38;
	[tilespmem:$0x12900] =	vst v63  }
0x14a: {  	s31 =	sadd.s32 s4, s15  }
0x14b: {  	[hbm4b:s31+s7] =	stream.linear.scatter [tilespmem:s5], [sflag:$0x4], $0x4000, $0x38;
	[tilespmem:$0x12900] =	vst v63  }
0x14c: {  	_ = 	snop  }
.LBB2_2:
0x14d: {  	v6 =	vmov s0  }
0x14e: {  	v6 =	vshll.u32 v6, $0x15  }
0x14f: {  	v6 =	vor.u32 v1, v6  }
0x150: {  	v8 =	vbroadcast v9, $0x5;
	v7 =	vbroadcast v9, $0x6;
	v13 =	vor.u32 $0x100000, v6  }
0x151: {  	v6 =	vbroadcast v9, $0x7;
	vm0 =	vlt.f32 v4, v13;
	vm1 =	vlt.f32 v5, v13  }
0x152: {  	v10 =	vsel vm0, $0x1, v0;
	v14 =	vsel vm1, $0x1, v0;
	vm0 =	vlt.f32 v3, v13  }
0x153: {  	v10 =	vadd.s32 v14, v10;
	v14 =	vsel vm0, $0x1, v0;
	vm0 =	vlt.f32 v2, v13  }
0x154: {  	v10 =	vadd.s32 v14, v10;
	v14 =	vsel vm0, $0x1, v0;
	vm0 =	vlt.f32 v8, v13  }
0x155: {  	v14 =	vadd.s32 v14, v10;
	v15 =	vsel vm0, $0x1, v0;
	vm0 =	vlt.f32 v7, v13  }
0x156: {  	s29 =	simm.s32 $0x10;
	v10 =	vbroadcast v9, $0x8;
	v9 =	vadd.s32 v15, v14;
	v14 =	vsel vm0, $0x1, v0  }
0x157: {  	v15 =	vmov s29;
	vm0 =	vlt.f32 v6, v13;
	v9 =	vadd.s32 v14, v9  }
0x158: {  	v14 =	vsel vm0, $0x1, v0;
	vm0 =	vlt.f32 v10, v13;
	v13 =	vshll.u32 v15, $0x15  }
0x159: {  	v14 =	vadd.s32 v14, v9;
	v15 =	vsel vm0, $0x1, v0;
	v13 =	vor.u32 v1, v13  }
0x15a: {  	s30 =	simm.s32 $0x20;
	v9 =	vbroadcast v12, $0xF;
	v12 =	vadd.s32 v15, v14;
	v13 =	vor.u32 $0x100000, v13  }
0x15b: {  	v14 =	vmov s30;
	vm0 =	vlt.f32 v4, v13;
	vm1 =	vlt.f32 v5, v13  }
0x15c: {  	v15 =	vsel vm0, $0x1, v0;
	v16 =	vsel vm1, $0x1, v0;
	vm0 =	vlt.f32 v3, v13  }
0x15d: {  	v15 =	vadd.s32 v16, v15;
	v16 =	vsel vm0, $0x1, v0;
	vm0 =	vlt.f32 v2, v13  }
0x15e: {  	v15 =	vadd.s32 v16, v15;
	v16 =	vsel vm0, $0x1, v0;
	vm0 =	vlt.f32 v8, v13  }
0x15f: {  	v17 =	vld.idx.msk [tilespmem:v12+s17+$0x0], $0xffff;
	v12 =	vadd.s32 v16, v15;
	v15 =	vsel vm0, $0x1, v0;
	vm0 =	vlt.f32 v7, v13  }
0x160: {  	v12 =	vadd.s32 v15, v12;
	v15 =	vsel vm0, $0x1, v0;
	vm0 =	vlt.f32 v6, v13  }
0x161: {  	v12 =	vadd.s32 v15, v12;
	v15 =	vsel vm0, $0x1, v0;
	vm0 =	vlt.f32 v10, v13  }
0x162: {  	v13 =	vshll.u32 v14, $0x15;
	v12 =	vadd.s32 v15, v12;
	v14 =	vsel vm0, $0x1, v0  }
0x163: {  	v11 =	vbroadcast v11, $0xF;
	s31 =	simm.s32 $0x30;
	v13 =	vor.u32 v1, v13;
	v14 =	vadd.s32 v14, v12  }
0x164: {  	v12 =	vmov s31;
	v16 =	vor.u32 $0x100000, v13;
	v13 =	vmax.f32 v17, v9  }
0x165: {  	vm0 =	vlt.f32 v4, v16;
	vm1 =	vlt.f32 v5, v16;
	v13 =	vmin.f32 v13, v11  }
0x166: {  	v15 =	vsel vm0, $0x1, v0;
	v17 =	vsel vm1, $0x1, v0;
	vm0 =	vlt.f32 v3, v16  }
0x167: {  	v15 =	vadd.s32 v17, v15;
	v17 =	vsel vm0, $0x1, v0;
	vm0 =	vlt.f32 v2, v16  }
0x168: {  	s0 =	simm.s32 $0x10000;
	v15 =	vadd.s32 v17, v15;
	v17 =	vsel vm0, $0x1, v0;
	vm0 =	vlt.f32 v8, v16  }
0x169: {  	[tilespmem:s0+$0x0] =	vst v13;
	v15 =	vadd.s32 v17, v15;
	v17 =	vsel vm0, $0x1, v0;
	vm0 =	vlt.f32 v7, v16;
	v13 =	vld.idx.msk [tilespmem:v14+s17+$0x0], $0xffff  }
0x16a: {  	v15 =	vadd.s32 v17, v15;
	v17 =	vsel vm0, $0x1, v0;
	vm0 =	vlt.f32 v6, v16  }
0x16b: {  	s1 =	simm.s32 $0x40;
	v14 =	vadd.s32 v17, v15;
	v15 =	vsel vm0, $0x1, v0;
	vm0 =	vlt.f32 v10, v16  }
.LBB2_3:
0x16c: {  	p0 =	sne.s32 s1, $0x7F0;
	v12 =	vshll.u32 v12, $0x15;
	v14 =	vadd.s32 v15, v14;
	v15 =	vsel vm0, $0x1, v0  }
0x16d: {  	v16 =	vor.u32 v1, v12;
	v14 =	vadd.s32 v15, v14  }
0x16e: {  	v12 =	vmov s1;
	v13 =	vmax.f32 v13, v9;
	v16 =	vor.u32 $0x100000, v16  }
0x16f: {  	s0 =	sadd.s32 $0x10, s0;
	v13 =	vmin.f32 v13, v11;
	vm0 =	vlt.f32 v4, v16;
	vm1 =	vlt.f32 v5, v16  }
0x170: {  	v15 =	vsel vm0, $0x1, v0;
	v17 =	vsel vm1, $0x1, v0;
	vm0 =	vlt.f32 v3, v16;
	[tilespmem:s0+$0x0] =	vst v13  }
.Ltmp7:
0x171: {  	v13 =	vadd.s32 v17, v15;
	v15 =	vsel vm0, $0x1, v0;
	vm0 =	vlt.f32 v2, v16;
	(pc) =	sbr.rel @p0 .LBB2_3-.Ltmp7, $4  }
0x172: {  	v15 =	vadd.s32 v15, v13;
	v17 =	vsel vm0, $0x1, v0;
	vm0 =	vlt.f32 v8, v16;
	v13 =	vld.idx.msk [tilespmem:v14+s17+$0x0], $0xffff  }
0x173: {  	v14 =	vadd.s32 v17, v15;
	v15 =	vsel vm0, $0x1, v0;
	vm0 =	vlt.f32 v7, v16  }
0x174: {  	v14 =	vadd.s32 v15, v14;
	v15 =	vsel vm0, $0x1, v0;
	vm0 =	vlt.f32 v6, v16  }
0x175: {  	s1 =	sadd.s32 $0x10, s1;
	v14 =	vadd.s32 v15, v14;
	v15 =	vsel vm0, $0x1, v0;
	vm0 =	vlt.f32 v10, v16  }
0x176: {  	v12 =	vshll.u32 v12, $0x15  }
0x177: {  	v12 =	vor.u32 v1, v12  }
0x178: {  	v14 =	vadd.s32 v15, v14;
	v12 =	vor.u32 $0x100000, v12  }
0x179: {  	v60 =	vsel vm0, $0x1, v0;
	vm9 =	vlt.f32 v4, v12;
	vm1 =	vlt.f32 v5, v12  }
0x17a: {  	vm10 =	vlt.f32 v3, v12;
	v4 =	vsel vm9, $0x1, v0;
	v5 =	vsel vm1, $0x1, v0  }
0x17b: {  	vm11 =	vlt.f32 v2, v12;
	v61 =	vsel vm10, $0x1, v0;
	v3 =	vadd.s32 v5, v4  }
0x17c: {  	vm12 =	vlt.f32 v8, v12;
	v2 =	vadd.s32 v61, v3;
	v3 =	vsel vm11, $0x1, v0  }
0x17d: {  	vm13 =	vlt.f32 v7, v12;
	v2 =	vadd.s32 v3, v2;
	v3 =	vsel vm12, $0x1, v0  }
0x17e: {  	vm14 =	vlt.f32 v6, v12;
	v2 =	vadd.s32 v3, v2;
	v3 =	vsel vm13, $0x1, v0  }
0x17f: {  	vm15 =	vlt.f32 v10, v12;
	v2 =	vadd.s32 v3, v2;
	v3 =	vsel vm14, $0x1, v0  }
0x180: {  	v62 =	vadd.s32 v60, v14;
	v2 =	vadd.s32 v3, v2;
	v3 =	vsel vm15, $0x1, v0  }
0x181: {  	v2 =	vadd.s32 v3, v2;
	_ =	sdelay $0x3  }
0x182: {  	v3 =	vld.idx.msk [tilespmem:v62+s17+$0x0], $0xffff  }
0x183: {  	v2 =	vld.idx.msk [tilespmem:v2+s17+$0x0], $0xffff;
	_ =	sdelay $0x2  }
0x184: {  	v63 =	vmax.f32 v13, v9  }
0x185: {  	s0 =	sadd.s32 $0x10, s0;
	v4 =	vmin.f32 v63, v11;
	v3 =	vmax.f32 v3, v9  }
0x186: {  	[tilespmem:s0+$0x0] =	vst v4;
	s0 =	sadd.s32 $0x10, s0;
	v3 =	vmin.f32 v3, v11;
	v2 =	vmax.f32 v2, v9  }
0x187: {  	[tilespmem:s0+$0x0] =	vst v3;
	s0 =	sadd.s32 $0x10, s0;
	v2 =	vmin.f32 v2, v11  }
0x188: {  	s2 =	simm.s32 $0x0;
	[tilespmem:s0+$0x0] =	vst v2  }
0x189: {  	s1 =	simm.s32 $0x4000;
	s31 =	simm.s32 $0x0;
	s0 =	rddreg [dreg:$0x8]  }
0x18a: {  	[tilespmem:s1], [sflag:$0x2] =	stream.linear.gather [hbm4b:s0+s2], $0x4000, $0x38;
	[tilespmem:$0x12900] =	vst v63  }
.LBB2_5:
0x18b: {  	_ =	swait.ge [sflag:s21], $0x4000  }
0x18c: {  	p1 =	seq.s32 s31, $0x0;
	[sflag:s21] =	ssyncset.done $0x0  }
0x18d: {  	s0 =	simm.s32 @!p1 $0x3;
	[sflag:s21] =	ssyncadd.s32 $0xFFFFC000  }
0x18e: {  	s3 =	simm.s32 $0x0;
	_ =	swait.ge @!p1 [sflag:s0], $0x4000  }
0x18f: {  	s1 =	sand.u32 $0x60, s3;
	s2 =	sand.u32 $0x3C00, s3;
	[sflag:s0] =	ssyncset.done @!p1 $0x0  }
0x190: {  	s2 =	sor.u32 s1, s2;
	[sflag:s0] =	ssyncadd.s32 @!p1 $0xFFFFC000  }
0x191: {  	v2 =	vld [tilespmem:s2+$0x10];
	_ =	sdelay $0x4  }
0x192: {  	v2 =	vshrl.u32 v2, $0x15  }
0x193: {  	v3 =	vld [tilespmem:s2+$0x90];
	_ =	sdelay $0x3  }
0x194: {  	v2 =	vld.idx.msk [tilespmem:v2+s28+$0x0], $0xffff  }
0x195: {  	v4 =	vld [tilespmem:s2+$0x0];
	v3 =	vshrl.u32 v3, $0x15  }
0x196: {  	v5 =	vld [tilespmem:s2+$0x110];
	_ =	sdelay $0x2  }
0x197: {  	[tilespmem:s2+$0x8010] =	vst v2  }
0x198: {  	v2 =	vshrl.u32 v4, $0x15;
	v3 =	vld.idx.msk [tilespmem:v3+s28+$0x0], $0xffff  }
0x199: {  	v5 =	vshrl.u32 v5, $0x15;
	v4 =	vld [tilespmem:s2+$0x80]  }
0x19a: {  	v6 =	vld [tilespmem:s2+$0x190];
	_ =	sdelay $0x1  }
0x19b: {  	v7 =	vld [tilespmem:s2+$0x100]  }
0x19c: {  	v2 =	vld.idx.msk [tilespmem:v2+s28+$0x0], $0xffff;
	[tilespmem:s2+$0x8090] =	vst v3  }
0x19d: {  	v3 =	vshrl.u32 v4, $0x15;
	v4 =	vld.idx.msk [tilespmem:v5+s28+$0x0], $0xffff  }
0x19e: {  	v8 =	vld [tilespmem:s2+$0x180];
	v5 =	vshrl.u32 v6, $0x15  }
0x19f: {  	v6 =	vld [tilespmem:s2+$0x210]  }
0x1a0: {  	v9 =	vld [tilespmem:s2+$0x200]  }
0x1a1: {  	s11 =	simm.s32 $0x100;
	s13 =	simm.s32 $0x20;
	v10 =	vld [tilespmem:s2+$0x280];
	[tilespmem:s2+$0x8000] =	vst v2  }
0x1a2: {  	s1 =	sand.u32 $0x60, s13;
	s0 =	sand.u32 $0x3C00, s11;
	v2 =	vld.idx.msk [tilespmem:v3+s28+$0x0], $0xffff;
	[tilespmem:s2+$0x8110] =	vst v4  }
0x1a3: {  	s5 =	simm.s32 $0x200;
	s6 =	simm.s32 $0x40;
	s7 =	sor.u32 s1, s0;
	v3 =	vld.idx.msk [tilespmem:v5+s28+$0x0], $0xffff  }
0x1a4: {  	s6 =	sand.u32 $0x60, s6;
	s5 =	sand.u32 $0x3C00, s5;
	v4 =	vld [tilespmem:s7+$0x10];
	v5 =	vshrl.u32 v6, $0x15  }
0x1a5: {  	s6 =	sor.u32 s6, s5;
	v6 =	vld [tilespmem:s2+$0x290]  }
0x1a6: {  	v13 =	vld [tilespmem:s6+$0x80];
	v7 =	vshrl.u32 v7, $0x15  }
0x1a7: {  	v14 =	vld [tilespmem:s6+$0x100]  }
0x1a8: {  	v11 =	vld [tilespmem:s7+$0x0];
	[tilespmem:s2+$0x8190] =	vst v3  }
0x1a9: {  	v3 =	vshrl.u32 v4, $0x15;
	v4 =	vld.idx.msk [tilespmem:v5+s28+$0x0], $0xffff  }
0x1aa: {  	[tilespmem:s2+$0x8080] =	vst v2;
	v2 =	vld [tilespmem:s7+$0x90];
	v5 =	vshrl.u32 v6, $0x15  }
0x1ab: {  	v6 =	vld.idx.msk [tilespmem:v7+s28+$0x0], $0xffff  }
0x1ac: {  	v12 =	vld [tilespmem:s7+$0x100];
	v7 =	vshrl.u32 v8, $0x15  }
0x1ad: {  	v11 =	vshrl.u32 v11, $0x15;
	v8 =	vld [tilespmem:s7+$0x80]  }
0x1ae: {  	v3 =	vld.idx.msk [tilespmem:v3+s28+$0x0], $0xffff;
	[tilespmem:s2+$0x8210] =	vst v4  }
0x1af: {  	v2 =	vshrl.u32 v2, $0x15;
	v4 =	vld.idx.msk [tilespmem:v5+s28+$0x0], $0xffff  }
0x1b0: {  	s15 =	sand.u32 $0x3, s3;
	[tilespmem:s2+$0x8100] =	vst v6;
	v5 =	vld [tilespmem:s7+$0x110]  }
0x1b1: {  	s0 =	sshll.u32 s15, $0x5;
	v6 =	vld.idx.msk [tilespmem:v7+s28+$0x0], $0xffff  }
0x1b2: {  	s16 =	sadd.s32 $0x0, s0;
	v7 =	vshrl.u32 v9, $0x15;
	v9 =	vld.idx.msk [tilespmem:v11+s28+$0x0], $0xffff  }
0x1b3: {  	s0 =	sadd.s32 $0x10, s16;
	v8 =	vshrl.u32 v8, $0x15;
	v11 =	vld [tilespmem:s7+$0x180];
	[tilespmem:s7+$0x8010] =	vst v3  }
0x1b4: {  	s19 =	sor.u32 $0x300, s0;
	v2 =	vld.idx.msk [tilespmem:v2+s28+$0x0], $0xffff;
	[tilespmem:s2+$0x8290] =	vst v4  }
0x1b5: {  	v3 =	vshrl.u32 v5, $0x15;
	v4 =	vld [tilespmem:s19+$0x0]  }
0x1b6: {  	[tilespmem:s2+$0x8180] =	vst v6;
	v5 =	vld [tilespmem:s7+$0x190]  }
0x1b7: {  	[tilespmem:s7+$0x8000] =	vst v9;
	v6 =	vld.idx.msk [tilespmem:v7+s28+$0x0], $0xffff  }
0x1b8: {  	v7 =	vshrl.u32 v10, $0x15;
	v8 =	vld.idx.msk [tilespmem:v8+s28+$0x0], $0xffff  }
0x1b9: {  	v9 =	vshrl.u32 v12, $0x15;
	v12 =	vld [tilespmem:s6+$0x0];
	[tilespmem:s7+$0x8090] =	vst v2  }
0x1ba: {  	v2 =	vld.idx.msk [tilespmem:v3+s28+$0x0], $0xffff;
	v3 =	vshrl.u32 v4, $0x15  }
0x1bb: {  	v10 =	vld [tilespmem:s7+$0x200];
	v5 =	vshrl.u32 v5, $0x15  }
0x1bc: {  	[tilespmem:s2+$0x8200] =	vst v6;
	v6 =	vld [tilespmem:s7+$0x210]  }
0x1bd: {  	[tilespmem:s7+$0x8080] =	vst v8;
	v7 =	vld.idx.msk [tilespmem:v7+s28+$0x0], $0xffff  }
0x1be: {  	v8 =	vld.idx.msk [tilespmem:v9+s28+$0x0], $0xffff  }
0x1bf: {  	[tilespmem:s7+$0x8110] =	vst v2;
	v2 =	vld.idx.msk [tilespmem:v3+s28+$0x0], $0xffff  }
0x1c0: {  	v3 =	vld.idx.msk [tilespmem:v5+s28+$0x0], $0xffff  }
0x1c1: {  	v5 =	vld [tilespmem:s6+$0x10];
	v6 =	vshrl.u32 v6, $0x15  }
0x1c2: {  	v9 =	vld [tilespmem:s7+$0x290]  }
0x1c3: {  	v4 =	vld [tilespmem:s7+$0x280];
	[tilespmem:s7+$0x8100] =	vst v8  }
0x1c4: {  	v8 =	vshrl.u32 v12, $0x15;
	v12 =	vld [tilespmem:s6+$0x180];
	[tilespmem:s19+$0x8000] =	vst v2  }
0x1c5: {  	s24 =	simm.s32 $0x300;
	s8 =	simm.s32 $0x60;
	v2 =	vshrl.u32 v11, $0x15;
	[tilespmem:s7+$0x8190] =	vst v3;
	v11 =	vld [tilespmem:s6+$0x90]  }
0x1c6: {  	s8 =	sand.u32 $0x60, s8;
	s0 =	sor.u32 $0x380, s0;
	[tilespmem:s2+$0x8280] =	vst v7;
	s2 =	sand.u32 $0x3C00, s24;
	v5 =	vshrl.u32 v5, $0x15;
	v6 =	vld.idx.msk [tilespmem:v6+s28+$0x0], $0xffff  }
0x1c7: {  	v9 =	vshrl.u32 v9, $0x15;
	s2 =	sor.u32 s8, s2;
	v3 =	vld [tilespmem:s0+$0x0]  }
0x1c8: {  	v16 =	vld [tilespmem:s2+$0x100]  }
0x1c9: {  	v17 =	vld [tilespmem:s2+$0x200]  }
0x1ca: {  	v15 =	vld.idx.msk [tilespmem:v2+s28+$0x0], $0xffff  }
0x1cb: {  	v5 =	vld.idx.msk [tilespmem:v5+s28+$0x0], $0xffff;
	[tilespmem:s7+$0x8210] =	vst v6  }
0x1cc: {  	s20 =	simm.s32 $0x1;
	v2 =	vshrl.u32 v3, $0x15;
	v3 =	vshrl.u32 v11, $0x15;
	v6 =	vld.idx.msk [tilespmem:v9+s28+$0x0], $0xffff  }
0x1cd: {  	s1 =	sand.u32 $0x3, s20;
	v9 =	vld [tilespmem:s6+$0x110]  }
0x1ce: {  	s1 =	sshll.u32 s1, $0x5;
	v8 =	vld.idx.msk [tilespmem:v8+s28+$0x0], $0xffff  }
0x1cf: {  	s18 =	sadd.s32 $0x100, s1;
	v13 =	vshrl.u32 v13, $0x15;
	v51 =	vld [tilespmem:s2+$0x290]  }
0x1d0: {  	s1 =	sadd.s32 $0x10, s18;
	v11 =	vld [tilespmem:s6+$0x200];
	[tilespmem:s6+$0x8010] =	vst v5  }
0x1d1: {  	s22 =	sor.u32 $0x300, s1;
	v3 =	vld.idx.msk [tilespmem:v3+s28+$0x0], $0xffff;
	[tilespmem:s7+$0x8290] =	vst v6  }
0x1d2: {  	v5 =	vshrl.u32 v9, $0x15;
	v6 =	vld [tilespmem:s22+$0x0]  }
0x1d3: {  	[tilespmem:s6+$0x8000] =	vst v8;
	v9 =	vld [tilespmem:s6+$0x190]  }
0x1d4: {  	v8 =	vld.idx.msk [tilespmem:v13+s28+$0x0], $0xffff  }
0x1d5: {  	v10 =	vshrl.u32 v10, $0x15;
	v13 =	vshrl.u32 v14, $0x15;
	v14 =	vld [tilespmem:s6+$0x280];
	[tilespmem:s7+$0x8180] =	vst v15  }
0x1d6: {  	v15 =	vld [tilespmem:s2+$0x80];
	[tilespmem:s6+$0x8090] =	vst v3  }
0x1d7: {  	v3 =	vld.idx.msk [tilespmem:v5+s28+$0x0], $0xffff;
	v5 =	vshrl.u32 v6, $0x15  }
0x1d8: {  	v2 =	vld.idx.msk [tilespmem:v2+s28+$0x0], $0xffff;
	v7 =	vshrl.u32 v9, $0x15  }
0x1d9: {  	v9 =	vld [tilespmem:s6+$0x210]  }
0x1da: {  	v10 =	vld.idx.msk [tilespmem:v10+s28+$0x0], $0xffff;
	[tilespmem:s6+$0x8080] =	vst v8  }
0x1db: {  	v8 =	vld.idx.msk [tilespmem:v13+s28+$0x0], $0xffff  }
0x1dc: {  	v4 =	vshrl.u32 v4, $0x15;
	[tilespmem:s6+$0x8110] =	vst v3;
	v3 =	vld.idx.msk [tilespmem:v5+s28+$0x0], $0xffff  }
0x1dd: {  	v5 =	vld.idx.msk [tilespmem:v7+s28+$0x0], $0xffff  }
0x1de: {  	v9 =	vshrl.u32 v9, $0x15;
	v7 =	vld [tilespmem:s2+$0x10]  }
0x1df: {  	[tilespmem:s7+$0x8200] =	vst v10;
	v10 =	vld [tilespmem:s2+$0x0]  }
0x1e0: {  	v13 =	vld [tilespmem:s6+$0x290]  }
0x1e1: {  	s19 =	sor.u32 $0x300, s16;
	v12 =	vshrl.u32 v12, $0x15;
	v4 =	vld.idx.msk [tilespmem:v4+s28+$0x0], $0xffff  }
0x1e2: {  	v6 =	vld [tilespmem:s19+$0x0];
	[tilespmem:s6+$0x8190] =	vst v5  }
0x1e3: {  	v5 =	vshrl.u32 v7, $0x15;
	v7 =	vld.idx.msk [tilespmem:v9+s28+$0x0], $0xffff  }
0x1e4: {  	[tilespmem:s22+$0x8000] =	vst v3;
	v3 =	vshrl.u32 v10, $0x15;
	v9 =	vld [tilespmem:s2+$0x90]  }
0x1e5: {  	v13 =	vshrl.u32 v13, $0x15;
	[tilespmem:s6+$0x8100] =	vst v8;
	v8 =	vld [tilespmem:s2+$0x180]  }
0x1e6: {  	v12 =	vld.idx.msk [tilespmem:v12+s28+$0x0], $0xffff  }
0x1e7: {  	[tilespmem:s7+$0x8280] =	vst v4;
	v4 =	vld [tilespmem:s2+$0x280]  }
0x1e8: {  	v11 =	vshrl.u32 v11, $0x15;
	v5 =	vld.idx.msk [tilespmem:v5+s28+$0x0], $0xffff  }
0x1e9: {  	s26 =	simm.s32 $0x400;
	s13 =	simm.s32 $0x80;
	v3 =	vld.idx.msk [tilespmem:v3+s28+$0x0], $0xffff;
	v9 =	vshrl.u32 v9, $0x15;
	[tilespmem:s6+$0x8210] =	vst v7  }
0x1ea: {  	s25 =	simm.s32 $0x2;
	s13 =	sand.u32 $0x60, s13;
	s7 =	sand.u32 $0x3C00, s26;
	v7 =	vshrl.u32 v15, $0x15;
	v13 =	vld.idx.msk [tilespmem:v13+s28+$0x0], $0xffff  }
0x1eb: {  	s5 =	sor.u32 $0x380, s1;
	s1 =	sand.u32 $0x3, s25;
	s13 =	sor.u32 s13, s7;
	v15 =	vld [tilespmem:s2+$0x110]  }
0x1ec: {  	s1 =	sshll.u32 s1, $0x5;
	[tilespmem:s6+$0x8180] =	vst v12;
	v18 =	vld [tilespmem:s13+$0x100]  }
0x1ed: {  	s9 =	sadd.s32 $0x200, s1;
	[tilespmem:s2+$0x8010] =	vst v5;
	v5 =	vld.idx.msk [tilespmem:v11+s28+$0x0], $0xffff  }
0x1ee: {  	s1 =	sadd.s32 $0x10, s9;
	[tilespmem:s2+$0x8000] =	vst v3;
	v9 =	vld.idx.msk [tilespmem:v9+s28+$0x0], $0xffff  }
0x1ef: {  	s15 =	sor.u32 $0x300, s1;
	v6 =	vshrl.u32 v6, $0x15;
	v7 =	vld.idx.msk [tilespmem:v7+s28+$0x0], $0xffff;
	[tilespmem:s6+$0x8290] =	vst v13  }
0x1f0: {  	v11 =	vshrl.u32 v15, $0x15;
	v12 =	vld [tilespmem:s15+$0x0]  }
0x1f1: {  	v13 =	vshrl.u32 v14, $0x15;
	v14 =	vld [tilespmem:s2+$0x190]  }
0x1f2: {  	v19 =	vld [tilespmem:s13+$0x200]  }
0x1f3: {  	v52 =	vld [tilespmem:s13+$0x110]  }
0x1f4: {  	v6 =	vld.idx.msk [tilespmem:v6+s28+$0x0], $0xffff;
	[tilespmem:s2+$0x8090] =	vst v9  }
0x1f5: {  	[tilespmem:s6+$0x8200] =	vst v5;
	v5 =	vld.idx.msk [tilespmem:v11+s28+$0x0], $0xffff;
	v9 =	vshrl.u32 v12, $0x15  }
0x1f6: {  	v10 =	vld [tilespmem:s5+$0x0];
	[tilespmem:s2+$0x8080] =	vst v7;
	v7 =	vshrl.u32 v14, $0x15  }
0x1f7: {  	v11 =	vld.idx.msk [tilespmem:v13+s28+$0x0], $0xffff  }
0x1f8: {  	v13 =	vld [tilespmem:s2+$0x210]  }
0x1f9: {  	v14 =	vld [tilespmem:s13+$0x0]  }
0x1fa: {  	v15 =	vshrl.u32 v16, $0x15;
	[tilespmem:s2+$0x8110] =	vst v5;
	v5 =	vld.idx.msk [tilespmem:v9+s28+$0x0], $0xffff  }
0x1fb: {  	v7 =	vld.idx.msk [tilespmem:v7+s28+$0x0], $0xffff  }
0x1fc: {  	v9 =	vld [tilespmem:s13+$0x10]  }
0x1fd: {  	v53 =	vld [tilespmem:s13+$0x190];
	v13 =	vshrl.u32 v13, $0x15  }
0x1fe: {  	v56 =	vld [tilespmem:s13+$0x290]  }
0x1ff: {  	[tilespmem:s19+$0x8000] =	vst v6;
	v10 =	vshrl.u32 v10, $0x15;
	v12 =	vld.idx.msk [tilespmem:v15+s28+$0x0], $0xffff  }
0x200: {  	v8 =	vshrl.u32 v8, $0x15;
	v6 =	vld [tilespmem:s13+$0x210];
	[tilespmem:s15+$0x8000] =	vst v5  }
0x201: {  	v5 =	vshrl.u32 v9, $0x15;
	[tilespmem:s2+$0x8190] =	vst v7;
	v9 =	vshrl.u32 v14, $0x15;
	v14 =	vld [tilespmem:s13+$0x90]  }
0x202: {  	v13 =	vld.idx.msk [tilespmem:v13+s28+$0x0], $0xffff  }
0x203: {  	v16 =	vshrl.u32 v51, $0x15;
	v15 =	vld [tilespmem:s13+$0x80]  }
0x204: {  	v3 =	vld.idx.msk [tilespmem:v10+s28+$0x0], $0xffff;
	[tilespmem:s2+$0x8100] =	vst v12  }
0x205: {  	v8 =	vld.idx.msk [tilespmem:v8+s28+$0x0], $0xffff  }
0x206: {  	v5 =	vld.idx.msk [tilespmem:v5+s28+$0x0], $0xffff  }
0x207: {  	v9 =	vld.idx.msk [tilespmem:v9+s28+$0x0], $0xffff;
	v14 =	vshrl.u32 v14, $0x15;
	[tilespmem:s2+$0x8210] =	vst v13  }
0x208: {  	s8 =	sor.u32 $0x300, s18;
	s7 =	simm.s32 $0x3;
	v13 =	vshrl.u32 v15, $0x15;
	v15 =	vld.idx.msk [tilespmem:v16+s28+$0x0], $0xffff  }
0x209: {  	s26 =	sor.u32 $0x380, s1;
	s1 =	sand.u32 $0x3, s7;
	v10 =	vld [tilespmem:s8+$0x0];
	[tilespmem:s6+$0x8280] =	vst v11  }
0x20a: {  	s1 =	sshll.u32 s1, $0x5;
	v11 =	vld [tilespmem:s13+$0x280];
	[tilespmem:s2+$0x8180] =	vst v8  }
0x20b: {  	s20 =	simm.s32 $0x500;
	s22 =	sadd.s32 $0x300, s1;
	v12 =	vld [tilespmem:s13+$0x180];
	[tilespmem:s13+$0x8010] =	vst v5  }
0x20c: {  	s3 =	sor.u32 $0x380, s16;
	s24 =	simm.s32 $0xA0;
	s1 =	sadd.s32 $0x10, s22;
	[tilespmem:s13+$0x8000] =	vst v9;
	v8 =	vld.idx.msk [tilespmem:v14+s28+$0x0], $0xffff  }
0x20d: {  	s16 =	sand.u32 $0x3C00, s20;
	s11 =	sor.u32 $0x300, s1;
	s6 =	sand.u32 $0x60, s24;
	v9 =	vld.idx.msk [tilespmem:v13+s28+$0x0], $0xffff;
	[tilespmem:s2+$0x8290] =	vst v15  }
0x20e: {  	s19 =	sor.u32 s6, s16;
	v13 =	vshrl.u32 v52, $0x15;
	v14 =	vld [tilespmem:s11+$0x0]  }
0x20f: {  	v54 =	vld [tilespmem:s19+$0x0]  }
0x210: {  	v55 =	vld [tilespmem:s19+$0x80]  }
0x211: {  	v20 =	vld [tilespmem:s19+$0x100]  }
0x212: {  	v17 =	vshrl.u32 v17, $0x15;
	v7 =	vld [tilespmem:s26+$0x0];
	[tilespmem:s13+$0x8090] =	vst v8  }
0x213: {  	[tilespmem:s13+$0x8080] =	vst v9;
	v8 =	vld.idx.msk [tilespmem:v13+s28+$0x0], $0xffff;
	v9 =	vshrl.u32 v14, $0x15  }
0x214: {  	v57 =	vld [tilespmem:s19+$0x90];
	v14 =	vshrl.u32 v53, $0x15  }
0x215: {  	v21 =	vld [tilespmem:s19+$0x200]  }
0x216: {  	v59 =	vld [tilespmem:s19+$0x110]  }
0x217: {  	v7 =	vshrl.u32 v7, $0x15;
	v5 =	vld.idx.msk [tilespmem:v17+s28+$0x0], $0xffff  }
0x218: {  	v15 =	vshrl.u32 v18, $0x15;
	[tilespmem:s13+$0x8110] =	vst v8;
	v8 =	vld.idx.msk [tilespmem:v9+s28+$0x0], $0xffff  }
0x219: {  	v9 =	vld.idx.msk [tilespmem:v14+s28+$0x0], $0xffff  }
0x21a: {  	v4 =	vshrl.u32 v4, $0x15;
	v14 =	vld [tilespmem:s19+$0x10]  }
0x21b: {  	v61 =	vld [tilespmem:s19+$0x190]  }
0x21c: {  	v6 =	vshrl.u32 v6, $0x15;
	v7 =	vld.idx.msk [tilespmem:v7+s28+$0x0], $0xffff  }
0x21d: {  	v10 =	vshrl.u32 v10, $0x15;
	s15 =	sor.u32 $0x300, s9;
	v13 =	vld.idx.msk [tilespmem:v15+s28+$0x0], $0xffff  }
0x21e: {  	v12 =	vshrl.u32 v12, $0x15;
	[tilespmem:s2+$0x8200] =	vst v5;
	v5 =	vld [tilespmem:s15+$0x0]  }
0x21f: {  	s24 =	sor.u32 $0x380, s1;
	v4 =	vld.idx.msk [tilespmem:v4+s28+$0x0], $0xffff;
	[tilespmem:s11+$0x8000] =	vst v8;
	v8 =	vshrl.u32 v14, $0x15  }
0x220: {  	[tilespmem:s13+$0x8190] =	vst v9;
	v9 =	vld [tilespmem:s24+$0x0]  }
0x221: {  	v14 =	vshrl.u32 v54, $0x15;
	v6 =	vld.idx.msk [tilespmem:v6+s28+$0x0], $0xffff  }
0x222: {  	v18 =	vshrl.u32 v56, $0x15;
	v15 =	vld.idx.msk [tilespmem:v10+s28+$0x0], $0xffff;
	[tilespmem:s13+$0x8100] =	vst v13  }
0x223: {  	v12 =	vld.idx.msk [tilespmem:v12+s28+$0x0], $0xffff  }
0x224: {  	v19 =	vshrl.u32 v19, $0x15;
	v8 =	vld.idx.msk [tilespmem:v8+s28+$0x0], $0xffff  }
0x225: {  	v10 =	vld [tilespmem:s3+$0x0];
	v9 =	vshrl.u32 v9, $0x15  }
0x226: {  	v16 =	vshrl.u32 v57, $0x15;
	v14 =	vld.idx.msk [tilespmem:v14+s28+$0x0], $0xffff;
	[tilespmem:s13+$0x8210] =	vst v6  }
0x227: {  	s7 =	simm.s32 $0x4;
	v6 =	vshrl.u32 v55, $0x15;
	v58 =	vld.idx.msk [tilespmem:v18+s28+$0x0], $0xffff  }
0x228: {  	s25 =	sand.u32 $0x3, s7;
	v13 =	vld [tilespmem:s19+$0x180];
	[tilespmem:s13+$0x8180] =	vst v12  }
0x229: {  	s1 =	sshll.u32 s25, $0x5;
	[tilespmem:s19+$0x8010] =	vst v8;
	v8 =	vld.idx.msk [tilespmem:v19+s28+$0x0], $0xffff  }
0x22a: {  	s1 =	sadd.s32 $0x400, s1;
	v9 =	vld.idx.msk [tilespmem:v9+s28+$0x0], $0xffff  }
0x22b: {  	s25 =	sadd.s32 $0x10, s1;
	v5 =	vshrl.u32 v5, $0x15;
	[tilespmem:s19+$0x8000] =	vst v14;
	v12 =	vld.idx.msk [tilespmem:v16+s28+$0x0], $0xffff  }
0x22c: {  	s16 =	sor.u32 $0x300, s25;
	v11 =	vshrl.u32 v11, $0x15;
	v6 =	vld.idx.msk [tilespmem:v6+s28+$0x0], $0xffff;
	[tilespmem:s13+$0x8290] =	vst v58  }
0x22d: {  	s6 =	sor.u32 $0x300, s22;
	v60 =	vshrl.u32 v59, $0x15;
	[tilespmem:s2+$0x8280] =	vst v4;
	v17 =	vld [tilespmem:s16+$0x0]  }
0x22e: {  	[tilespmem:s0+$0x8000] =	vst v2;
	v2 =	vshrl.u32 v20, $0x15;
	v62 =	vld [tilespmem:s6+$0x0]  }
0x22f: {  	v14 =	vld [tilespmem:s19+$0x280];
	[tilespmem:s13+$0x8200] =	vst v8  }
0x230: {  	v8 =	vld.idx.msk [tilespmem:v5+s28+$0x0], $0xffff;
	[tilespmem:s19+$0x8090] =	vst v12  }
0x231: {  	v22 =	vshrl.u32 v10, $0x15;
	v63 =	vld.idx.msk [tilespmem:v11+s28+$0x0], $0xffff;
	[tilespmem:s19+$0x8080] =	vst v6  }
0x232: {  	[tilespmem:s24+$0x8000] =	vst v9;
	v11 =	vld.idx.msk [tilespmem:v60+s28+$0x0], $0xffff;
	v9 =	vshrl.u32 v17, $0x15  }
0x233: {  	s2 =	sor.u32 $0x380, s18;
	[tilespmem:s8+$0x8000] =	vst v15;
	v5 =	vshrl.u32 v13, $0x15;
	v13 =	vshrl.u32 v61, $0x15;
	v10 =	vld.idx.msk [tilespmem:v2+s28+$0x0], $0xffff  }
0x234: {  	s30 =	simm.s32 $0x0;
	s0 =	sshll.u32 s31, $0x1;
	[tilespmem:s5+$0x8000] =	vst v3;
	s5 =	sor.u32 $0x380, s9;
	v6 =	vld [tilespmem:s2+$0x0]  }
0x235: {  	s29 =	sor.u32 $0x300, s1;
	s9 =	simm.s32 $0xA;
	[tilespmem:s26+$0x8000] =	vst v7;
	s26 =	simm.s32 $0xC0;
	v12 =	vld [tilespmem:s19+$0x210]  }
0x236: {  	s18 =	sor.u32 $0x380, s22;
	v4 =	vshrl.u32 v21, $0x15;
	s22 =	simm.s32 $0x600;
	s8 =	sor.u32 $0x380, s1;
	v7 =	vld.idx.msk [tilespmem:v22+s28+$0x0], $0xffff;
	v3 =	vshrl.u32 v14, $0x15;
	v2 =	vshrl.u32 v62, $0x15;
	[tilespmem:s13+$0x8280] =	vst v63  }
.LBB2_6:
0x237: {  	s1 =	sand.u32 $0x60, s26;
	s13 =	sand.u32 $0x3C00, s22;
	s9 =	sadd.s32 $0x2, s9;
	[tilespmem:s19+$0x8110] =	vst v11;
	v9 =	vld.idx.msk [tilespmem:v9+s28+$0x0], $0xffff  }
0x238: {  	s13 =	sor.u32 s1, s13;
	p0 =	slt.u32 s9, $0x7E;
	[tilespmem:s19+$0x8100] =	vst v10;
	v10 =	vld.idx.msk [tilespmem:v13+s28+$0x0], $0xffff  }
0x239: {  	v11 =	vld [tilespmem:s13+$0x10];
	[tilespmem:s15+$0x8000] =	vst v8;
	v14 =	vshrl.u32 v6, $0x15;
	s15 =	smov.u32 s6;
	s6 =	smov.u32 s29  }
0x23a: {  	v6 =	vld [tilespmem:s13+$0x0];
	v8 =	vshrl.u32 v12, $0x15  }
0x23b: {  	v12 =	vld [tilespmem:s13+$0x80]  }
0x23c: {  	v13 =	vld [tilespmem:s19+$0x290];
	[tilespmem:s3+$0x8000] =	vst v7;
	s3 =	smov.u32 s2;
	s2 =	smov.u32 s5;
	s5 =	smov.u32 s18  }
0x23d: {  	s1 =	sor.u32 $0x380, s25;
	s18 =	smov.u32 s8;
	v7 =	vld [tilespmem:s13+$0x100];
	[tilespmem:s16+$0x8000] =	vst v9  }
0x23e: {  	v9 =	vshrl.u32 v11, $0x15;
	[tilespmem:s19+$0x8190] =	vst v10;
	v10 =	vld [tilespmem:s1+$0x0]  }
0x23f: {  	v6 =	vshrl.u32 v6, $0x15;
	v8 =	vld.idx.msk [tilespmem:v8+s28+$0x0], $0xffff  }
0x240: {  	v11 =	vshrl.u32 v12, $0x15;
	v12 =	vld [tilespmem:s13+$0x90]  }
0x241: {  	v15 =	vld [tilespmem:s13+$0x180];
	v13 =	vshrl.u32 v13, $0x15  }
0x242: {  	v7 =	vshrl.u32 v7, $0x15;
	v16 =	vld.idx.msk [tilespmem:v5+s28+$0x0], $0xffff  }
0x243: {  	v9 =	vld.idx.msk [tilespmem:v9+s28+$0x0], $0xffff;
	v10 =	vshrl.u32 v10, $0x15  }
0x244: {  	v6 =	vld.idx.msk [tilespmem:v6+s28+$0x0], $0xffff  }
0x245: {  	v17 =	vld [tilespmem:s13+$0x200];
	v12 =	vshrl.u32 v12, $0x15;
	[tilespmem:s19+$0x8210] =	vst v8  }
0x246: {  	v5 =	vshrl.u32 v15, $0x15;
	v8 =	vld.idx.msk [tilespmem:v13+s28+$0x0], $0xffff  }
0x247: {  	s7 =	sadd.s32 $0x1, s7;
	v13 =	vld [tilespmem:s13+$0x110]  }
0x248: {  	s8 =	sand.u32 $0x3, s7;
	[tilespmem:s19+$0x8180] =	vst v16;
	v10 =	vld.idx.msk [tilespmem:v10+s28+$0x0], $0xffff  }
0x249: {  	s8 =	sshll.u32 s8, $0x5;
	[tilespmem:s13+$0x8010] =	vst v9;
	v9 =	vld.idx.msk [tilespmem:v4+s28+$0x0], $0xffff  }
0x24a: {  	s16 =	sadd.s32 s8, s20;
	s20 =	smov.u32 s22;
	[tilespmem:s13+$0x8000] =	vst v6;
	v4 =	vshrl.u32 v17, $0x15;
	v6 =	vld.idx.msk [tilespmem:v12+s28+$0x0], $0xffff  }
0x24b: {  	s29 =	sor.u32 $0x300, s16;
	s8 =	sor.u32 $0x380, s16;
	s25 =	sadd.s32 $0x10, s16;
	v11 =	vld.idx.msk [tilespmem:v11+s28+$0x0], $0xffff  }
0x24c: {  	s16 =	sor.u32 $0x300, s25;
	v12 =	vld [tilespmem:s13+$0x280];
	v13 =	vshrl.u32 v13, $0x15;
	[tilespmem:s19+$0x8290] =	vst v8  }
0x24d: {  	v8 =	vld [tilespmem:s16+$0x0]  }
0x24e: {  	v15 =	vld [tilespmem:s13+$0x190];
	[tilespmem:s1+$0x8000] =	vst v10  }
0x24f: {  	[tilespmem:s19+$0x8200] =	vst v9;
	v16 =	vld [tilespmem:s6+$0x0]  }
0x250: {  	[tilespmem:s13+$0x8090] =	vst v6;
	v17 =	vld.idx.msk [tilespmem:v3+s28+$0x0], $0xffff  }
0x251: {  	[tilespmem:s13+$0x8080] =	vst v11;
	v3 =	vshrl.u32 v12, $0x15;
	v11 =	vld.idx.msk [tilespmem:v13+s28+$0x0], $0xffff  }
.Ltmp8:
0x252: {  	v10 =	vld.idx.msk [tilespmem:v7+s28+$0x0], $0xffff;
	v9 =	vshrl.u32 v8, $0x15;
	(pc) =	sbr.rel @p0 .LBB2_6-.Ltmp8, $4  }
0x253: {  	v13 =	vshrl.u32 v15, $0x15;
	v8 =	vld.idx.msk [tilespmem:v2+s28+$0x0], $0xffff  }
0x254: {  	v2 =	vshrl.u32 v16, $0x15;
	v6 =	vld [tilespmem:s2+$0x0]  }
0x255: {  	v12 =	vld [tilespmem:s13+$0x210]  }
0x256: {  	s26 =	sadd.s32 $0x20, s26;
	s22 =	sadd.s32 $0x100, s22;
	[tilespmem:s19+$0x8280] =	vst v17;
	v7 =	vld.idx.msk [tilespmem:v14+s28+$0x0], $0xffff;
	s19 =	smov.u32 s13  }
0x257: {  	_ =	sdelay $0x2  }
0x258: {  	[tilespmem:s19+$0x8100] =	vst v10  }
0x259: {  	[tilespmem:s19+$0x8110] =	vst v11;
	v5 =	vld.idx.msk [tilespmem:v5+s28+$0x0], $0xffff  }
0x25a: {  	v11 =	vld.idx.msk [tilespmem:v13+s28+$0x0], $0xffff  }
0x25b: {  	v12 =	vshrl.u32 v12, $0x15  }
0x25c: {  	v13 =	vld [tilespmem:s19+$0x290];
	_ =	sdelay $0x1  }
0x25d: {  	[tilespmem:s19+$0x8180] =	vst v5  }
0x25e: {  	[tilespmem:s19+$0x8190] =	vst v11;
	v4 =	vld.idx.msk [tilespmem:v4+s28+$0x0], $0xffff  }
0x25f: {  	v10 =	vld.idx.msk [tilespmem:v12+s28+$0x0], $0xffff  }
0x260: {  	v11 =	vshrl.u32 v13, $0x15;
	_ =	sdelay $0x2  }
0x261: {  	[tilespmem:s19+$0x8200] =	vst v4  }
0x262: {  	[tilespmem:s19+$0x8210] =	vst v10;
	v3 =	vld.idx.msk [tilespmem:v3+s28+$0x0], $0xffff  }
0x263: {  	v5 =	vld.idx.msk [tilespmem:v11+s28+$0x0], $0xffff  }
0x264: {  	s1 =	sadd.s32 $0x1, s7  }
0x265: {  	s1 =	sand.u32 $0x3, s1  }
0x266: {  	s1 =	sshll.u32 s1, $0x5  }
0x267: {  	s1 =	sadd.s32 s1, s20;
	[tilespmem:s19+$0x8280] =	vst v3  }
0x268: {  	s26 =	sadd.s32 $0x10, s1;
	s13 =	sor.u32 $0x300, s1;
	[tilespmem:s19+$0x8290] =	vst v5;
	v5 =	vld [tilespmem:s29+$0x0]  }
0x269: {  	s9 =	sor.u32 $0x300, s26;
	v3 =	vld [tilespmem:s13+$0x0]  }
0x26a: {  	v4 =	vld [tilespmem:s9+$0x0]  }
0x26b: {  	v9 =	vld.idx.msk [tilespmem:v9+s28+$0x0], $0xffff;
	_ =	sdelay $0x1  }
0x26c: {  	v5 =	vshrl.u32 v5, $0x15  }
0x26d: {  	v3 =	vshrl.u32 v3, $0x15  }
0x26e: {  	v4 =	vshrl.u32 v4, $0x15  }
0x26f: {  	s11 =	sor.u32 $0x380, s25;
	v2 =	vld.idx.msk [tilespmem:v2+s28+$0x0], $0xffff;
	[tilespmem:s16+$0x8000] =	vst v9  }
0x270: {  	v9 =	vld [tilespmem:s11+$0x0]  }
0x271: {  	v5 =	vld.idx.msk [tilespmem:v5+s28+$0x0], $0xffff  }
0x272: {  	v3 =	vld.idx.msk [tilespmem:v3+s28+$0x0], $0xffff  }
0x273: {  	v4 =	vld.idx.msk [tilespmem:v4+s28+$0x0], $0xffff  }
0x274: {  	[tilespmem:s15+$0x8000] =	vst v8  }
0x275: {  	v8 =	vld [tilespmem:s5+$0x0];
	[tilespmem:s6+$0x8000] =	vst v2  }
0x276: {  	v2 =	vld [tilespmem:s18+$0x0];
	[tilespmem:s29+$0x8000] =	vst v5  }
0x277: {  	s1 =	sor.u32 $0x380, s1;
	v5 =	vshrl.u32 v9, $0x15;
	[tilespmem:s13+$0x8000] =	vst v3;
	v9 =	vld [tilespmem:s8+$0x0]  }
0x278: {  	s7 =	sor.u32 $0x380, s26;
	v3 =	vshrl.u32 v6, $0x15;
	[tilespmem:s9+$0x8000] =	vst v4;
	v6 =	vld [tilespmem:s1+$0x0]  }
0x279: {  	v4 =	vld [tilespmem:s7+$0x0]  }
0x27a: {  	v8 =	vshrl.u32 v8, $0x15  }
0x27b: {  	v2 =	vshrl.u32 v2, $0x15  }
0x27c: {  	v5 =	vld.idx.msk [tilespmem:v5+s28+$0x0], $0xffff;
	v9 =	vshrl.u32 v9, $0x15  }
0x27d: {  	v3 =	vld.idx.msk [tilespmem:v3+s28+$0x0], $0xffff;
	v6 =	vshrl.u32 v6, $0x15  }
0x27e: {  	v4 =	vshrl.u32 v4, $0x15  }
0x27f: {  	v8 =	vld.idx.msk [tilespmem:v8+s28+$0x0], $0xffff  }
0x280: {  	v2 =	vld.idx.msk [tilespmem:v2+s28+$0x0], $0xffff  }
0x281: {  	[tilespmem:s11+$0x8000] =	vst v5;
	v5 =	vld.idx.msk [tilespmem:v9+s28+$0x0], $0xffff  }
0x282: {  	[tilespmem:s2+$0x8000] =	vst v3;
	v3 =	vld.idx.msk [tilespmem:v6+s28+$0x0], $0xffff  }
0x283: {  	[tilespmem:s3+$0x8000] =	vst v7;
	v4 =	vld.idx.msk [tilespmem:v4+s28+$0x0], $0xffff  }
0x284: {  	p0 =	seq.s32 s31, $0x3;
	[tilespmem:s5+$0x8000] =	vst v8  }
0x285: {  	[tilespmem:s18+$0x8000] =	vst v2;
	s2 =	sadd.s32 @!p0 s0, s12  }
0x286: {  	s2 =	sshll.u32 @!p0 s2, $0xB;
	[tilespmem:s8+$0x8000] =	vst v5  }
0x287: {  	s2 =	sand.u32 @!p0 $0x1FFFF000, s2;
	[tilespmem:s1+$0x8000] =	vst v3  }
0x288: {  	s1 =	sadd.s32 @!p0 s10, s2;
	s2 =	simm.s32 @!p0 $0x0;
	[tilespmem:s7+$0x8000] =	vst v4  }
0x289: {  	[tilespmem:s2], [sflag:$0x1] =	stream.linear.gather @!p0 [hbm4b:s1+s2], $0x4000, $0x38;
	[tilespmem:$0x12900] =	vst v63  }
0x28a: {  	s3 =	sshll.u32 s31, $0xC;
	s13 =	rddreg [dreg:$0x9]  }
0x28b: {  	s15 =	simm.s32 $0x8000;
	s1 =	sadd.s32 s3, s13  }
0x28c: {  	[hbm4b:s1+s30] =	stream.linear.scatter [tilespmem:s15], [sflag:$0x3], $0x4000, $0x38;
	[tilespmem:$0x12900] =	vst v63  }
0x28d: {  	_ =	swait.ge [sflag:s23], $0x4000  }
0x28e: {  	[sflag:s23] =	ssyncset.done $0x0  }
0x28f: {  	s1 =	simm.s32 @!p1 $0x4;
	[sflag:s23] =	ssyncadd.s32 $0xFFFFC000  }
0x290: {  	s16 =	simm.s32 $0x0;
	_ =	swait.ge @!p1 [sflag:s1], $0x4000  }
0x291: {  	s19 =	sand.u32 $0x3C00, s16;
	s18 =	sand.u32 $0x60, s16;
	[sflag:s1] =	ssyncset.done @!p1 $0x0  }
0x292: {  	s6 =	sor.u32 s18, s19;
	[sflag:s1] =	ssyncadd.s32 @!p1 $0xFFFFC000  }
0x293: {  	v2 =	vld [tilespmem:s6+$0x4010];
	_ =	sdelay $0x4  }
0x294: {  	v2 =	vshrl.u32 v2, $0x15  }
0x295: {  	v3 =	vld [tilespmem:s6+$0x4090];
	_ =	sdelay $0x3  }
0x296: {  	v2 =	vld.idx.msk [tilespmem:v2+s28+$0x0], $0xffff  }
0x297: {  	v4 =	vld [tilespmem:s6+$0x4000];
	v3 =	vshrl.u32 v3, $0x15  }
0x298: {  	v5 =	vld [tilespmem:s6+$0x4110];
	_ =	sdelay $0x2  }
0x299: {  	[tilespmem:s6+$0xC010] =	vst v2  }
0x29a: {  	v2 =	vshrl.u32 v4, $0x15;
	v3 =	vld.idx.msk [tilespmem:v3+s28+$0x0], $0xffff  }
0x29b: {  	v5 =	vshrl.u32 v5, $0x15;
	v4 =	vld [tilespmem:s6+$0x4080]  }
0x29c: {  	v6 =	vld [tilespmem:s6+$0x4190];
	_ =	sdelay $0x1  }
0x29d: {  	v7 =	vld [tilespmem:s6+$0x4100]  }
0x29e: {  	v2 =	vld.idx.msk [tilespmem:v2+s28+$0x0], $0xffff;
	[tilespmem:s6+$0xC090] =	vst v3  }
0x29f: {  	v3 =	vshrl.u32 v4, $0x15;
	v4 =	vld.idx.msk [tilespmem:v5+s28+$0x0], $0xffff  }
0x2a0: {  	v8 =	vld [tilespmem:s6+$0x4180];
	v5 =	vshrl.u32 v6, $0x15  }
0x2a1: {  	v6 =	vld [tilespmem:s6+$0x4210]  }
0x2a2: {  	v9 =	vld [tilespmem:s6+$0x4200]  }
0x2a3: {  	s22 =	simm.s32 $0x20;
	s20 =	simm.s32 $0x100;
	v10 =	vld [tilespmem:s6+$0x4280];
	[tilespmem:s6+$0xC000] =	vst v2  }
0x2a4: {  	s5 =	sand.u32 $0x60, s22;
	s1 =	sand.u32 $0x3C00, s20;
	v2 =	vld.idx.msk [tilespmem:v3+s28+$0x0], $0xffff;
	[tilespmem:s6+$0xC110] =	vst v4  }
0x2a5: {  	s26 =	simm.s32 $0x200;
	s9 =	simm.s32 $0x40;
	s5 =	sor.u32 s5, s1;
	v3 =	vld.idx.msk [tilespmem:v5+s28+$0x0], $0xffff  }
0x2a6: {  	s8 =	sand.u32 $0x60, s9;
	s2 =	sand.u32 $0x3C00, s26;
	v4 =	vld [tilespmem:s5+$0x4010];
	v5 =	vshrl.u32 v6, $0x15  }
0x2a7: {  	s2 =	sor.u32 s8, s2;
	v6 =	vld [tilespmem:s6+$0x4290]  }
0x2a8: {  	v13 =	vld [tilespmem:s2+$0x4080];
	v7 =	vshrl.u32 v7, $0x15  }
0x2a9: {  	v14 =	vld [tilespmem:s2+$0x4100]  }
0x2aa: {  	v11 =	vld [tilespmem:s5+$0x4000];
	[tilespmem:s6+$0xC190] =	vst v3  }
0x2ab: {  	v3 =	vshrl.u32 v4, $0x15;
	v4 =	vld.idx.msk [tilespmem:v5+s28+$0x0], $0xffff  }
0x2ac: {  	[tilespmem:s6+$0xC080] =	vst v2;
	v2 =	vld [tilespmem:s5+$0x4090];
	v5 =	vshrl.u32 v6, $0x15  }
0x2ad: {  	v6 =	vld.idx.msk [tilespmem:v7+s28+$0x0], $0xffff  }
0x2ae: {  	v12 =	vld [tilespmem:s5+$0x4100];
	v7 =	vshrl.u32 v8, $0x15  }
0x2af: {  	v11 =	vshrl.u32 v11, $0x15;
	v8 =	vld [tilespmem:s5+$0x4080]  }
0x2b0: {  	v3 =	vld.idx.msk [tilespmem:v3+s28+$0x0], $0xffff;
	[tilespmem:s6+$0xC210] =	vst v4  }
0x2b1: {  	v2 =	vshrl.u32 v2, $0x15;
	v4 =	vld.idx.msk [tilespmem:v5+s28+$0x0], $0xffff  }
0x2b2: {  	s24 =	sand.u32 $0x3, s16;
	[tilespmem:s6+$0xC100] =	vst v6;
	v5 =	vld [tilespmem:s5+$0x4110]  }
0x2b3: {  	s1 =	sshll.u32 s24, $0x5;
	v6 =	vld.idx.msk [tilespmem:v7+s28+$0x0], $0xffff  }
0x2b4: {  	s15 =	sadd.s32 $0x0, s1;
	v7 =	vshrl.u32 v9, $0x15;
	v9 =	vld.idx.msk [tilespmem:v11+s28+$0x0], $0xffff  }
0x2b5: {  	s1 =	sadd.s32 $0x10, s15;
	v8 =	vshrl.u32 v8, $0x15;
	v11 =	vld [tilespmem:s5+$0x4180];
	[tilespmem:s5+$0xC010] =	vst v3  }
0x2b6: {  	s25 =	sor.u32 $0x300, s1;
	v2 =	vld.idx.msk [tilespmem:v2+s28+$0x0], $0xffff;
	[tilespmem:s6+$0xC290] =	vst v4  }
0x2b7: {  	v3 =	vshrl.u32 v5, $0x15;
	v4 =	vld [tilespmem:s25+$0x4000]  }
0x2b8: {  	[tilespmem:s6+$0xC180] =	vst v6;
	v5 =	vld [tilespmem:s5+$0x4190]  }
0x2b9: {  	[tilespmem:s5+$0xC000] =	vst v9;
	v6 =	vld.idx.msk [tilespmem:v7+s28+$0x0], $0xffff  }
0x2ba: {  	v7 =	vshrl.u32 v10, $0x15;
	v8 =	vld.idx.msk [tilespmem:v8+s28+$0x0], $0xffff  }
0x2bb: {  	v9 =	vshrl.u32 v12, $0x15;
	v12 =	vld [tilespmem:s2+$0x4000];
	[tilespmem:s5+$0xC090] =	vst v2  }
0x2bc: {  	v2 =	vld.idx.msk [tilespmem:v3+s28+$0x0], $0xffff;
	v3 =	vshrl.u32 v4, $0x15  }
0x2bd: {  	v10 =	vld [tilespmem:s5+$0x4200];
	v5 =	vshrl.u32 v5, $0x15  }
0x2be: {  	[tilespmem:s6+$0xC200] =	vst v6;
	v6 =	vld [tilespmem:s5+$0x4210]  }
0x2bf: {  	[tilespmem:s5+$0xC080] =	vst v8;
	v7 =	vld.idx.msk [tilespmem:v7+s28+$0x0], $0xffff  }
0x2c0: {  	v8 =	vld.idx.msk [tilespmem:v9+s28+$0x0], $0xffff  }
0x2c1: {  	[tilespmem:s5+$0xC110] =	vst v2;
	v2 =	vld.idx.msk [tilespmem:v3+s28+$0x0], $0xffff  }
0x2c2: {  	v3 =	vld.idx.msk [tilespmem:v5+s28+$0x0], $0xffff  }
0x2c3: {  	v5 =	vld [tilespmem:s2+$0x4010];
	v6 =	vshrl.u32 v6, $0x15  }
0x2c4: {  	v9 =	vld [tilespmem:s5+$0x4290]  }
0x2c5: {  	v4 =	vld [tilespmem:s5+$0x4280];
	[tilespmem:s5+$0xC100] =	vst v8  }
0x2c6: {  	v8 =	vshrl.u32 v12, $0x15;
	v12 =	vld [tilespmem:s2+$0x4180];
	[tilespmem:s25+$0xC000] =	vst v2  }
0x2c7: {  	s16 =	simm.s32 $0x300;
	s18 =	simm.s32 $0x60;
	v2 =	vshrl.u32 v11, $0x15;
	[tilespmem:s5+$0xC190] =	vst v3;
	v11 =	vld [tilespmem:s2+$0x4090]  }
0x2c8: {  	s9 =	sand.u32 $0x60, s18;
	s19 =	sor.u32 $0x380, s1;
	[tilespmem:s6+$0xC280] =	vst v7;
	s6 =	sand.u32 $0x3C00, s16;
	v5 =	vshrl.u32 v5, $0x15;
	v6 =	vld.idx.msk [tilespmem:v6+s28+$0x0], $0xffff  }
0x2c9: {  	v9 =	vshrl.u32 v9, $0x15;
	s6 =	sor.u32 s9, s6;
	v3 =	vld [tilespmem:s19+$0x4000]  }
0x2ca: {  	v16 =	vld [tilespmem:s6+$0x4100]  }
0x2cb: {  	v17 =	vld [tilespmem:s6+$0x4200]  }
0x2cc: {  	v15 =	vld.idx.msk [tilespmem:v2+s28+$0x0], $0xffff  }
0x2cd: {  	v5 =	vld.idx.msk [tilespmem:v5+s28+$0x0], $0xffff;
	[tilespmem:s5+$0xC210] =	vst v6  }
0x2ce: {  	s11 =	smov.u32 s12;
	s12 =	smov.u32 s10;
	s10 =	simm.s32 $0x1;
	v2 =	vshrl.u32 v3, $0x15;
	v3 =	vshrl.u32 v11, $0x15;
	v6 =	vld.idx.msk [tilespmem:v9+s28+$0x0], $0xffff  }
0x2cf: {  	s1 =	sand.u32 $0x3, s10;
	v9 =	vld [tilespmem:s2+$0x4110]  }
0x2d0: {  	s1 =	sshll.u32 s1, $0x5;
	v8 =	vld.idx.msk [tilespmem:v8+s28+$0x0], $0xffff  }
0x2d1: {  	s20 =	sadd.s32 $0x100, s1;
	v13 =	vshrl.u32 v13, $0x15;
	v51 =	vld [tilespmem:s6+$0x4290]  }
0x2d2: {  	s1 =	sadd.s32 $0x10, s20;
	v11 =	vld [tilespmem:s2+$0x4200];
	[tilespmem:s2+$0xC010] =	vst v5  }
0x2d3: {  	s13 =	sor.u32 $0x300, s1;
	v3 =	vld.idx.msk [tilespmem:v3+s28+$0x0], $0xffff;
	[tilespmem:s5+$0xC290] =	vst v6  }
0x2d4: {  	v5 =	vshrl.u32 v9, $0x15;
	v6 =	vld [tilespmem:s13+$0x4000]  }
0x2d5: {  	[tilespmem:s2+$0xC000] =	vst v8;
	v9 =	vld [tilespmem:s2+$0x4190]  }
0x2d6: {  	v8 =	vld.idx.msk [tilespmem:v13+s28+$0x0], $0xffff  }
0x2d7: {  	v10 =	vshrl.u32 v10, $0x15;
	v13 =	vshrl.u32 v14, $0x15;
	v14 =	vld [tilespmem:s2+$0x4280];
	[tilespmem:s5+$0xC180] =	vst v15  }
0x2d8: {  	v15 =	vld [tilespmem:s6+$0x4080];
	[tilespmem:s2+$0xC090] =	vst v3  }
0x2d9: {  	v3 =	vld.idx.msk [tilespmem:v5+s28+$0x0], $0xffff;
	v5 =	vshrl.u32 v6, $0x15  }
0x2da: {  	v2 =	vld.idx.msk [tilespmem:v2+s28+$0x0], $0xffff;
	v7 =	vshrl.u32 v9, $0x15  }
0x2db: {  	v9 =	vld [tilespmem:s2+$0x4210]  }
0x2dc: {  	v10 =	vld.idx.msk [tilespmem:v10+s28+$0x0], $0xffff;
	[tilespmem:s2+$0xC080] =	vst v8  }
0x2dd: {  	v8 =	vld.idx.msk [tilespmem:v13+s28+$0x0], $0xffff  }
0x2de: {  	v4 =	vshrl.u32 v4, $0x15;
	[tilespmem:s2+$0xC110] =	vst v3;
	v3 =	vld.idx.msk [tilespmem:v5+s28+$0x0], $0xffff  }
0x2df: {  	v5 =	vld.idx.msk [tilespmem:v7+s28+$0x0], $0xffff  }
0x2e0: {  	v9 =	vshrl.u32 v9, $0x15;
	v7 =	vld [tilespmem:s6+$0x4010]  }
0x2e1: {  	[tilespmem:s5+$0xC200] =	vst v10;
	v10 =	vld [tilespmem:s6+$0x4000]  }
0x2e2: {  	v13 =	vld [tilespmem:s2+$0x4290]  }
0x2e3: {  	s7 =	sor.u32 $0x300, s15;
	v12 =	vshrl.u32 v12, $0x15;
	v4 =	vld.idx.msk [tilespmem:v4+s28+$0x0], $0xffff  }
0x2e4: {  	v6 =	vld [tilespmem:s7+$0x4000];
	[tilespmem:s2+$0xC190] =	vst v5  }
0x2e5: {  	v5 =	vshrl.u32 v7, $0x15;
	v7 =	vld.idx.msk [tilespmem:v9+s28+$0x0], $0xffff  }
0x2e6: {  	[tilespmem:s13+$0xC000] =	vst v3;
	v3 =	vshrl.u32 v10, $0x15;
	v9 =	vld [tilespmem:s6+$0x4090]  }
0x2e7: {  	v13 =	vshrl.u32 v13, $0x15;
	[tilespmem:s2+$0xC100] =	vst v8;
	v8 =	vld [tilespmem:s6+$0x4180]  }
0x2e8: {  	v12 =	vld.idx.msk [tilespmem:v12+s28+$0x0], $0xffff  }
0x2e9: {  	[tilespmem:s5+$0xC280] =	vst v4;
	v4 =	vld [tilespmem:s6+$0x4280]  }
0x2ea: {  	v11 =	vshrl.u32 v11, $0x15;
	v5 =	vld.idx.msk [tilespmem:v5+s28+$0x0], $0xffff  }
0x2eb: {  	s26 =	simm.s32 $0x400;
	s10 =	simm.s32 $0x80;
	v3 =	vld.idx.msk [tilespmem:v3+s28+$0x0], $0xffff;
	v9 =	vshrl.u32 v9, $0x15;
	[tilespmem:s2+$0xC210] =	vst v7  }
0x2ec: {  	s22 =	simm.s32 $0x2;
	s16 =	sand.u32 $0x60, s10;
	s5 =	sand.u32 $0x3C00, s26;
	v7 =	vshrl.u32 v15, $0x15;
	v13 =	vld.idx.msk [tilespmem:v13+s28+$0x0], $0xffff  }
0x2ed: {  	s9 =	sor.u32 $0x380, s1;
	s1 =	sand.u32 $0x3, s22;
	s26 =	sor.u32 s16, s5;
	v15 =	vld [tilespmem:s6+$0x4110]  }
0x2ee: {  	s1 =	sshll.u32 s1, $0x5;
	[tilespmem:s2+$0xC180] =	vst v12;
	v18 =	vld [tilespmem:s26+$0x4100]  }
0x2ef: {  	s8 =	sadd.s32 $0x200, s1;
	[tilespmem:s6+$0xC010] =	vst v5;
	v5 =	vld.idx.msk [tilespmem:v11+s28+$0x0], $0xffff  }
0x2f0: {  	s1 =	sadd.s32 $0x10, s8;
	[tilespmem:s6+$0xC000] =	vst v3;
	v9 =	vld.idx.msk [tilespmem:v9+s28+$0x0], $0xffff  }
0x2f1: {  	s24 =	sor.u32 $0x300, s1;
	v6 =	vshrl.u32 v6, $0x15;
	v7 =	vld.idx.msk [tilespmem:v7+s28+$0x0], $0xffff;
	[tilespmem:s2+$0xC290] =	vst v13  }
0x2f2: {  	v11 =	vshrl.u32 v15, $0x15;
	v12 =	vld [tilespmem:s24+$0x4000]  }
0x2f3: {  	v13 =	vshrl.u32 v14, $0x15;
	v14 =	vld [tilespmem:s6+$0x4190]  }
0x2f4: {  	v19 =	vld [tilespmem:s26+$0x4200]  }
0x2f5: {  	v52 =	vld [tilespmem:s26+$0x4110]  }
0x2f6: {  	v6 =	vld.idx.msk [tilespmem:v6+s28+$0x0], $0xffff;
	[tilespmem:s6+$0xC090] =	vst v9  }
0x2f7: {  	[tilespmem:s2+$0xC200] =	vst v5;
	v5 =	vld.idx.msk [tilespmem:v11+s28+$0x0], $0xffff;
	v9 =	vshrl.u32 v12, $0x15  }
0x2f8: {  	v10 =	vld [tilespmem:s9+$0x4000];
	[tilespmem:s6+$0xC080] =	vst v7;
	v7 =	vshrl.u32 v14, $0x15  }
0x2f9: {  	v11 =	vld.idx.msk [tilespmem:v13+s28+$0x0], $0xffff  }
0x2fa: {  	v13 =	vld [tilespmem:s6+$0x4210]  }
0x2fb: {  	v14 =	vld [tilespmem:s26+$0x4000]  }
0x2fc: {  	v15 =	vshrl.u32 v16, $0x15;
	[tilespmem:s6+$0xC110] =	vst v5;
	v5 =	vld.idx.msk [tilespmem:v9+s28+$0x0], $0xffff  }
0x2fd: {  	v7 =	vld.idx.msk [tilespmem:v7+s28+$0x0], $0xffff  }
0x2fe: {  	v9 =	vld [tilespmem:s26+$0x4010]  }
0x2ff: {  	v53 =	vld [tilespmem:s26+$0x4190];
	v13 =	vshrl.u32 v13, $0x15  }
0x300: {  	v56 =	vld [tilespmem:s26+$0x4290]  }
0x301: {  	[tilespmem:s7+$0xC000] =	vst v6;
	v10 =	vshrl.u32 v10, $0x15;
	v12 =	vld.idx.msk [tilespmem:v15+s28+$0x0], $0xffff  }
0x302: {  	v8 =	vshrl.u32 v8, $0x15;
	v6 =	vld [tilespmem:s26+$0x4210];
	[tilespmem:s24+$0xC000] =	vst v5  }
0x303: {  	v5 =	vshrl.u32 v9, $0x15;
	[tilespmem:s6+$0xC190] =	vst v7;
	v9 =	vshrl.u32 v14, $0x15;
	v14 =	vld [tilespmem:s26+$0x4090]  }
0x304: {  	v13 =	vld.idx.msk [tilespmem:v13+s28+$0x0], $0xffff  }
0x305: {  	v16 =	vshrl.u32 v51, $0x15;
	v15 =	vld [tilespmem:s26+$0x4080]  }
0x306: {  	v3 =	vld.idx.msk [tilespmem:v10+s28+$0x0], $0xffff;
	[tilespmem:s6+$0xC100] =	vst v12  }
0x307: {  	v8 =	vld.idx.msk [tilespmem:v8+s28+$0x0], $0xffff  }
0x308: {  	v5 =	vld.idx.msk [tilespmem:v5+s28+$0x0], $0xffff  }
0x309: {  	v9 =	vld.idx.msk [tilespmem:v9+s28+$0x0], $0xffff;
	v14 =	vshrl.u32 v14, $0x15;
	[tilespmem:s6+$0xC210] =	vst v13  }
0x30a: {  	s25 =	sor.u32 $0x300, s20;
	s13 =	simm.s32 $0x3;
	v13 =	vshrl.u32 v15, $0x15;
	v15 =	vld.idx.msk [tilespmem:v16+s28+$0x0], $0xffff  }
0x30b: {  	s22 =	sor.u32 $0x380, s1;
	s1 =	sand.u32 $0x3, s13;
	v10 =	vld [tilespmem:s25+$0x4000];
	[tilespmem:s2+$0xC280] =	vst v11  }
0x30c: {  	s1 =	sshll.u32 s1, $0x5;
	v11 =	vld [tilespmem:s26+$0x4280];
	[tilespmem:s6+$0xC180] =	vst v8  }
0x30d: {  	v12 =	vld [tilespmem:s26+$0x4180];
	s24 =	sadd.s32 $0x300, s1;
	[tilespmem:s26+$0xC010] =	vst v5  }
0x30e: {  	s5 =	simm.s32 $0x500;
	s7 =	simm.s32 $0xA0;
	s1 =	sadd.s32 $0x10, s24;
	[tilespmem:s26+$0xC000] =	vst v9;
	v8 =	vld.idx.msk [tilespmem:v14+s28+$0x0], $0xffff  }
0x30f: {  	s10 =	sand.u32 $0x3C00, s5;
	s2 =	sand.u32 $0x60, s7;
	s16 =	sor.u32 $0x300, s1;
	v9 =	vld.idx.msk [tilespmem:v13+s28+$0x0], $0xffff;
	[tilespmem:s6+$0xC290] =	vst v15  }
0x310: {  	s2 =	sor.u32 s2, s10;
	v13 =	vshrl.u32 v52, $0x15;
	v14 =	vld [tilespmem:s16+$0x4000]  }
0x311: {  	v54 =	vld [tilespmem:s2+$0x4000]  }
0x312: {  	v55 =	vld [tilespmem:s2+$0x4080]  }
0x313: {  	v20 =	vld [tilespmem:s2+$0x4100]  }
0x314: {  	v17 =	vshrl.u32 v17, $0x15;
	v7 =	vld [tilespmem:s22+$0x4000];
	[tilespmem:s26+$0xC090] =	vst v8  }
0x315: {  	[tilespmem:s26+$0xC080] =	vst v9;
	v8 =	vld.idx.msk [tilespmem:v13+s28+$0x0], $0xffff;
	v9 =	vshrl.u32 v14, $0x15  }
0x316: {  	v57 =	vld [tilespmem:s2+$0x4090];
	v14 =	vshrl.u32 v53, $0x15  }
0x317: {  	v21 =	vld [tilespmem:s2+$0x4200]  }
0x318: {  	v59 =	vld [tilespmem:s2+$0x4110]  }
0x319: {  	v7 =	vshrl.u32 v7, $0x15;
	v5 =	vld.idx.msk [tilespmem:v17+s28+$0x0], $0xffff  }
0x31a: {  	v15 =	vshrl.u32 v18, $0x15;
	[tilespmem:s26+$0xC110] =	vst v8;
	v8 =	vld.idx.msk [tilespmem:v9+s28+$0x0], $0xffff  }
0x31b: {  	v9 =	vld.idx.msk [tilespmem:v14+s28+$0x0], $0xffff  }
0x31c: {  	v4 =	vshrl.u32 v4, $0x15;
	v14 =	vld [tilespmem:s2+$0x4010]  }
0x31d: {  	v61 =	vld [tilespmem:s2+$0x4190]  }
0x31e: {  	v6 =	vshrl.u32 v6, $0x15;
	v7 =	vld.idx.msk [tilespmem:v7+s28+$0x0], $0xffff  }
0x31f: {  	s18 =	sor.u32 $0x300, s8;
	v10 =	vshrl.u32 v10, $0x15;
	v13 =	vld.idx.msk [tilespmem:v15+s28+$0x0], $0xffff  }
0x320: {  	v12 =	vshrl.u32 v12, $0x15;
	[tilespmem:s6+$0xC200] =	vst v5;
	v5 =	vld [tilespmem:s18+$0x4000]  }
0x321: {  	s1 =	sor.u32 $0x380, s1;
	v4 =	vld.idx.msk [tilespmem:v4+s28+$0x0], $0xffff;
	[tilespmem:s16+$0xC000] =	vst v8;
	v8 =	vshrl.u32 v14, $0x15  }
0x322: {  	[tilespmem:s26+$0xC190] =	vst v9;
	v9 =	vld [tilespmem:s1+$0x4000]  }
0x323: {  	v14 =	vshrl.u32 v54, $0x15;
	v6 =	vld.idx.msk [tilespmem:v6+s28+$0x0], $0xffff  }
0x324: {  	v18 =	vshrl.u32 v56, $0x15;
	v15 =	vld.idx.msk [tilespmem:v10+s28+$0x0], $0xffff;
	[tilespmem:s26+$0xC100] =	vst v13  }
0x325: {  	v12 =	vld.idx.msk [tilespmem:v12+s28+$0x0], $0xffff  }
0x326: {  	s15 =	sor.u32 $0x380, s15;
	v19 =	vshrl.u32 v19, $0x15;
	v8 =	vld.idx.msk [tilespmem:v8+s28+$0x0], $0xffff  }
0x327: {  	v10 =	vld [tilespmem:s15+$0x4000];
	v9 =	vshrl.u32 v9, $0x15  }
0x328: {  	v16 =	vshrl.u32 v57, $0x15;
	v14 =	vld.idx.msk [tilespmem:v14+s28+$0x0], $0xffff;
	[tilespmem:s26+$0xC210] =	vst v6  }
0x329: {  	s13 =	simm.s32 $0x4;
	v6 =	vshrl.u32 v55, $0x15;
	v58 =	vld.idx.msk [tilespmem:v18+s28+$0x0], $0xffff  }
0x32a: {  	v13 =	vld [tilespmem:s2+$0x4180];
	[tilespmem:s26+$0xC180] =	vst v12;
	s16 =	sand.u32 $0x3, s13  }
0x32b: {  	s7 =	sshll.u32 s16, $0x5;
	[tilespmem:s2+$0xC010] =	vst v8;
	v8 =	vld.idx.msk [tilespmem:v19+s28+$0x0], $0xffff  }
0x32c: {  	[tilespmem:s6+$0xC280] =	vst v4;
	s10 =	sadd.s32 $0x400, s7;
	v9 =	vld.idx.msk [tilespmem:v9+s28+$0x0], $0xffff  }
0x32d: {  	v4 =	vshrl.u32 v5, $0x15;
	s16 =	sadd.s32 $0x10, s10;
	[tilespmem:s2+$0xC000] =	vst v14;
	v12 =	vld.idx.msk [tilespmem:v16+s28+$0x0], $0xffff  }
0x32e: {  	v11 =	vshrl.u32 v11, $0x15;
	s29 =	sor.u32 $0x300, s16;
	v6 =	vld.idx.msk [tilespmem:v6+s28+$0x0], $0xffff;
	[tilespmem:s26+$0xC290] =	vst v58  }
0x32f: {  	v60 =	vshrl.u32 v59, $0x15;
	s7 =	sor.u32 $0x300, s24;
	v17 =	vld [tilespmem:s29+$0x4000]  }
0x330: {  	[tilespmem:s19+$0xC000] =	vst v2;
	v2 =	vshrl.u32 v20, $0x15;
	v62 =	vld [tilespmem:s7+$0x4000]  }
0x331: {  	v14 =	vld [tilespmem:s2+$0x4280];
	[tilespmem:s26+$0xC200] =	vst v8  }
0x332: {  	v8 =	vld.idx.msk [tilespmem:v4+s28+$0x0], $0xffff;
	[tilespmem:s2+$0xC090] =	vst v12  }
0x333: {  	v22 =	vshrl.u32 v10, $0x15;
	v63 =	vld.idx.msk [tilespmem:v11+s28+$0x0], $0xffff;
	[tilespmem:s2+$0xC080] =	vst v6  }
0x334: {  	[tilespmem:s1+$0xC000] =	vst v9;
	v11 =	vld.idx.msk [tilespmem:v60+s28+$0x0], $0xffff;
	v9 =	vshrl.u32 v17, $0x15  }
0x335: {  	s19 =	sor.u32 $0x380, s20;
	[tilespmem:s25+$0xC000] =	vst v15;
	v5 =	vshrl.u32 v13, $0x15;
	v13 =	vshrl.u32 v61, $0x15;
	v10 =	vld.idx.msk [tilespmem:v2+s28+$0x0], $0xffff  }
0x336: {  	s30 =	simm.s32 $0x8000;
	s20 =	sor.u32 $0x380, s8;
	[tilespmem:s9+$0xC000] =	vst v3;
	v6 =	vld [tilespmem:s19+$0x4000]  }
0x337: {  	s9 =	simm.s32 $0xA;
	[tilespmem:s22+$0xC000] =	vst v7;
	s22 =	simm.s32 $0x600;
	s6 =	sor.u32 $0x380, s24;
	v12 =	vld [tilespmem:s2+$0x4210]  }
0x338: {  	s25 =	simm.s32 $0xC0;
	v7 =	vld.idx.msk [tilespmem:v22+s28+$0x0], $0xffff;
	s24 =	sor.u32 $0x300, s10;
	s8 =	sor.u32 $0x380, s10;
	v4 =	vshrl.u32 v21, $0x15;
	v3 =	vshrl.u32 v14, $0x15;
	v2 =	vshrl.u32 v62, $0x15;
	[tilespmem:s26+$0xC280] =	vst v63  }
.LBB2_8:
0x339: {  	s1 =	sand.u32 $0x60, s25;
	s10 =	sand.u32 $0x3C00, s22;
	s9 =	sadd.s32 $0x2, s9;
	[tilespmem:s2+$0xC110] =	vst v11;
	v9 =	vld.idx.msk [tilespmem:v9+s28+$0x0], $0xffff  }
0x33a: {  	s26 =	sor.u32 s1, s10;
	p1 =	slt.u32 s9, $0x7E;
	[tilespmem:s2+$0xC100] =	vst v10;
	v10 =	vld.idx.msk [tilespmem:v13+s28+$0x0], $0xffff  }
0x33b: {  	v11 =	vld [tilespmem:s26+$0x4010];
	[tilespmem:s18+$0xC000] =	vst v8;
	v14 =	vshrl.u32 v6, $0x15;
	s18 =	smov.u32 s7;
	s7 =	smov.u32 s24  }
0x33c: {  	v6 =	vld [tilespmem:s26+$0x4000];
	v8 =	vshrl.u32 v12, $0x15  }
0x33d: {  	v12 =	vld [tilespmem:s26+$0x4080]  }
0x33e: {  	v13 =	vld [tilespmem:s2+$0x4290];
	[tilespmem:s15+$0xC000] =	vst v7;
	s15 =	smov.u32 s19;
	s19 =	smov.u32 s20;
	s20 =	smov.u32 s6  }
0x33f: {  	s1 =	sor.u32 $0x380, s16;
	s6 =	smov.u32 s8;
	v7 =	vld [tilespmem:s26+$0x4100];
	[tilespmem:s29+$0xC000] =	vst v9  }
0x340: {  	v9 =	vshrl.u32 v11, $0x15;
	[tilespmem:s2+$0xC190] =	vst v10;
	v10 =	vld [tilespmem:s1+$0x4000]  }
0x341: {  	v6 =	vshrl.u32 v6, $0x15;
	v8 =	vld.idx.msk [tilespmem:v8+s28+$0x0], $0xffff  }
0x342: {  	v11 =	vshrl.u32 v12, $0x15;
	v12 =	vld [tilespmem:s26+$0x4090]  }
0x343: {  	v15 =	vld [tilespmem:s26+$0x4180];
	v13 =	vshrl.u32 v13, $0x15  }
0x344: {  	v7 =	vshrl.u32 v7, $0x15;
	v16 =	vld.idx.msk [tilespmem:v5+s28+$0x0], $0xffff  }
0x345: {  	v9 =	vld.idx.msk [tilespmem:v9+s28+$0x0], $0xffff;
	v10 =	vshrl.u32 v10, $0x15  }
0x346: {  	v6 =	vld.idx.msk [tilespmem:v6+s28+$0x0], $0xffff  }
0x347: {  	v17 =	vld [tilespmem:s26+$0x4200];
	v12 =	vshrl.u32 v12, $0x15;
	[tilespmem:s2+$0xC210] =	vst v8  }
0x348: {  	v5 =	vshrl.u32 v15, $0x15;
	v8 =	vld.idx.msk [tilespmem:v13+s28+$0x0], $0xffff  }
0x349: {  	s13 =	sadd.s32 $0x1, s13;
	v13 =	vld [tilespmem:s26+$0x4110]  }
0x34a: {  	s8 =	sand.u32 $0x3, s13;
	[tilespmem:s2+$0xC180] =	vst v16;
	v10 =	vld.idx.msk [tilespmem:v10+s28+$0x0], $0xffff  }
0x34b: {  	s8 =	sshll.u32 s8, $0x5;
	[tilespmem:s26+$0xC010] =	vst v9;
	v9 =	vld.idx.msk [tilespmem:v4+s28+$0x0], $0xffff  }
0x34c: {  	s10 =	sadd.s32 s8, s5;
	s5 =	smov.u32 s22;
	[tilespmem:s26+$0xC000] =	vst v6;
	v4 =	vshrl.u32 v17, $0x15;
	v6 =	vld.idx.msk [tilespmem:v12+s28+$0x0], $0xffff  }
0x34d: {  	s24 =	sor.u32 $0x300, s10;
	s8 =	sor.u32 $0x380, s10;
	s16 =	sadd.s32 $0x10, s10;
	v11 =	vld.idx.msk [tilespmem:v11+s28+$0x0], $0xffff  }
0x34e: {  	s29 =	sor.u32 $0x300, s16;
	v12 =	vld [tilespmem:s26+$0x4280];
	v13 =	vshrl.u32 v13, $0x15;
	[tilespmem:s2+$0xC290] =	vst v8  }
0x34f: {  	v8 =	vld [tilespmem:s29+$0x4000]  }
0x350: {  	v15 =	vld [tilespmem:s26+$0x4190];
	[tilespmem:s1+$0xC000] =	vst v10  }
0x351: {  	[tilespmem:s2+$0xC200] =	vst v9;
	v16 =	vld [tilespmem:s7+$0x4000]  }
0x352: {  	[tilespmem:s26+$0xC090] =	vst v6;
	v17 =	vld.idx.msk [tilespmem:v3+s28+$0x0], $0xffff  }
0x353: {  	[tilespmem:s26+$0xC080] =	vst v11;
	v3 =	vshrl.u32 v12, $0x15;
	v11 =	vld.idx.msk [tilespmem:v13+s28+$0x0], $0xffff  }
.Ltmp9:
0x354: {  	v10 =	vld.idx.msk [tilespmem:v7+s28+$0x0], $0xffff;
	v9 =	vshrl.u32 v8, $0x15;
	(pc) =	sbr.rel @p1 .LBB2_8-.Ltmp9, $4  }
0x355: {  	v13 =	vshrl.u32 v15, $0x15;
	v8 =	vld.idx.msk [tilespmem:v2+s28+$0x0], $0xffff  }
0x356: {  	v2 =	vshrl.u32 v16, $0x15;
	v6 =	vld [tilespmem:s19+$0x4000]  }
0x357: {  	v12 =	vld [tilespmem:s26+$0x4210]  }
0x358: {  	s25 =	sadd.s32 $0x20, s25;
	s22 =	sadd.s32 $0x100, s22;
	[tilespmem:s2+$0xC280] =	vst v17;
	v7 =	vld.idx.msk [tilespmem:v14+s28+$0x0], $0xffff;
	s2 =	smov.u32 s26  }
0x359: {  	_ =	sdelay $0x2  }
0x35a: {  	[tilespmem:s2+$0xC100] =	vst v10  }
0x35b: {  	[tilespmem:s2+$0xC110] =	vst v11;
	v5 =	vld.idx.msk [tilespmem:v5+s28+$0x0], $0xffff  }
0x35c: {  	v11 =	vld.idx.msk [tilespmem:v13+s28+$0x0], $0xffff  }
0x35d: {  	v12 =	vshrl.u32 v12, $0x15  }
0x35e: {  	v54 =	vld [tilespmem:s2+$0x4290];
	_ =	sdelay $0x1  }
0x35f: {  	[tilespmem:s2+$0xC180] =	vst v5  }
0x360: {  	[tilespmem:s2+$0xC190] =	vst v11;
	v4 =	vld.idx.msk [tilespmem:v4+s28+$0x0], $0xffff  }
0x361: {  	v55 =	vld.idx.msk [tilespmem:v12+s28+$0x0], $0xffff  }
0x362: {  	v56 =	vshrl.u32 v54, $0x15;
	_ =	sdelay $0x2  }
0x363: {  	[tilespmem:s2+$0xC200] =	vst v4  }
0x364: {  	[tilespmem:s2+$0xC210] =	vst v55;
	v3 =	vld.idx.msk [tilespmem:v3+s28+$0x0], $0xffff  }
0x365: {  	s1 =	sadd.s32 $0x1, s13;
	v57 =	vld.idx.msk [tilespmem:v56+s28+$0x0], $0xffff  }
0x366: {  	s1 =	sand.u32 $0x3, s1  }
0x367: {  	s1 =	sshll.u32 s1, $0x5  }
0x368: {  	s1 =	sadd.s32 s1, s5  }
0x369: {  	s5 =	sadd.s32 $0x10, s1;
	s26 =	sor.u32 $0x300, s1;
	[tilespmem:s2+$0xC280] =	vst v3;
	v3 =	vld [tilespmem:s24+$0x4000]  }
0x36a: {  	s9 =	sor.u32 $0x300, s5;
	[tilespmem:s2+$0xC290] =	vst v57;
	v59 =	vld [tilespmem:s26+$0x4000]  }
0x36b: {  	v58 =	vld [tilespmem:s9+$0x4000]  }
0x36c: {  	v9 =	vld.idx.msk [tilespmem:v9+s28+$0x0], $0xffff;
	_ =	sdelay $0x1  }
0x36d: {  	v3 =	vshrl.u32 v3, $0x15  }
0x36e: {  	v5 =	vshrl.u32 v59, $0x15  }
0x36f: {  	v4 =	vshrl.u32 v58, $0x15  }
0x370: {  	s10 =	sor.u32 $0x380, s16;
	v2 =	vld.idx.msk [tilespmem:v2+s28+$0x0], $0xffff;
	[tilespmem:s29+$0xC000] =	vst v9  }
0x371: {  	v9 =	vld [tilespmem:s10+$0x4000]  }
0x372: {  	v3 =	vld.idx.msk [tilespmem:v3+s28+$0x0], $0xffff  }
0x373: {  	v5 =	vld.idx.msk [tilespmem:v5+s28+$0x0], $0xffff  }
0x374: {  	[tilespmem:s18+$0xC000] =	vst v8;
	v4 =	vld.idx.msk [tilespmem:v4+s28+$0x0], $0xffff  }
0x375: {  	v8 =	vld [tilespmem:s20+$0x4000];
	[tilespmem:s7+$0xC000] =	vst v2  }
0x376: {  	v2 =	vld [tilespmem:s6+$0x4000]  }
0x377: {  	[tilespmem:s24+$0xC000] =	vst v3  }
0x378: {  	s1 =	sor.u32 $0x380, s1;
	v3 =	vshrl.u32 v9, $0x15;
	v60 =	vld [tilespmem:s8+$0x4000];
	[tilespmem:s26+$0xC000] =	vst v5  }
0x379: {  	s5 =	sor.u32 $0x380, s5;
	[tilespmem:s9+$0xC000] =	vst v4;
	v62 =	vld [tilespmem:s1+$0x4000]  }
0x37a: {  	v8 =	vshrl.u32 v8, $0x15;
	v4 =	vld [tilespmem:s5+$0x4000]  }
0x37b: {  	v2 =	vshrl.u32 v2, $0x15  }
0x37c: {  	v61 =	vshrl.u32 v6, $0x15  }
0x37d: {  	v3 =	vld.idx.msk [tilespmem:v3+s28+$0x0], $0xffff;
	v9 =	vshrl.u32 v60, $0x15  }
0x37e: {  	v6 =	vshrl.u32 v62, $0x15  }
0x37f: {  	v8 =	vld.idx.msk [tilespmem:v8+s28+$0x0], $0xffff;
	v4 =	vshrl.u32 v4, $0x15  }
0x380: {  	v2 =	vld.idx.msk [tilespmem:v2+s28+$0x0], $0xffff  }
0x381: {  	v5 =	vld.idx.msk [tilespmem:v61+s28+$0x0], $0xffff  }
0x382: {  	[tilespmem:s10+$0xC000] =	vst v3;
	v3 =	vld.idx.msk [tilespmem:v9+s28+$0x0], $0xffff  }
0x383: {  	[tilespmem:s15+$0xC000] =	vst v7;
	v63 =	vld.idx.msk [tilespmem:v6+s28+$0x0], $0xffff  }
0x384: {  	[tilespmem:s20+$0xC000] =	vst v8;
	v4 =	vld.idx.msk [tilespmem:v4+s28+$0x0], $0xffff  }
0x385: {  	[tilespmem:s6+$0xC000] =	vst v2  }
0x386: {  	[tilespmem:s19+$0xC000] =	vst v5  }
0x387: {  	s0 =	sadd.s32 @!p0 s0, s14;
	[tilespmem:s8+$0xC000] =	vst v3  }
0x388: {  	s31 =	sadd.s32 $0x1, s31;
	s0 =	sshll.u32 @!p0 s0, $0xB;
	[tilespmem:s1+$0xC000] =	vst v63  }
0x389: {  	s0 =	sadd.s32 @!p0 s12, s0;
	s2 =	simm.s32 @!p0 $0x4000;
	s1 =	simm.s32 @!p0 $0x0;
	[tilespmem:s5+$0xC000] =	vst v4  }
0x38a: {  	[tilespmem:s2], [sflag:$0x2] =	stream.linear.gather @!p0 [hbm4b:s0+s1], $0x4000, $0x38;
	[tilespmem:$0x12900] =	vst v63  }
0x38b: {  	p0 =	seq.s32 s31, $0x4  }
.Ltmp10:
0x38c: {  	_ = 	snop;
	(pc) =	sbr.rel @!p0 .LBB2_5-.Ltmp10, $4  }
.Ltmp11:
0x38d: {  	_ = 	snop;
	(pc) =	sbr.rel @p0 .LBB2_16-.Ltmp11, $4  }
0x38e: {  	s29 =	sadd.s32 s4, s3;
	s7 =	simm.s32 $0x0  }
0x38f: {  	s10 =	smov.u32 s12;
	s12 =	smov.u32 s11;
	s5 =	simm.s32 $0xC000  }
0x390: {  	[hbm4b:s29+s7] =	stream.linear.scatter [tilespmem:s5], [sflag:$0x4], $0x4000, $0x38;
	[tilespmem:$0x12900] =	vst v63  }
0x391: {  	_ = 	snop  }
.LBB2_17:
0x392: {  	_ =	sfence.sel $0x180000  }
0x393: {  	[bflag:$0x0] =	sbarrier.arrive $0xFFFF  }
0x394: {  	_ =	strace $0x9000004A  }
0x395: {  	s0 =	stileid.u32;
	[bflag:$0x2] =	sbarrier.arrive $0xFFFF  }
0x396: {  	p0 =	sne.s32 s0, $0x0;
	s0 =	rddreg [dreg:$0x3]  }
0x397: {  	s0 =	sadd.s32 @!p0 $0x100000, s0  }
0x398: {  	[sflag:s0] =	ssyncadd.tile.s32 @!p0 $0x1;
	_ =	shalt  }
.Lfunc_end2:
_tile_overlayer_lowered:
.L_overlay_start_2:
0x399: {  	(tag) =	ssettag $0x2  }
0x39a: {  	s0 =	rddreg [dreg:$0x0];
	s2 =	stileid.u32  }
0x39b: {  	s1 =	rddreg [dreg:$0x1];
	p0 =	sne.s32 s2, $0x0  }
0x39c: {  	s3 =	rddreg [dreg:$0x2];
	[bflag:$0x3] =	sbarrier.arrive $0xFFFF;
	s2 =	simm.s32 @!p0 $0x1C05  }
0x39d: {  	[timem:s3], [sflag:s2] =	dma.local @!p0 [hbm:s0], s1  }
0x39e: {  	s0 =	simm.s32 @!p0 $0x5  }
0x39f: {  	_ =	swait.ge @!p0 [sflag:s0], s1  }
0x3a0: {  	s1 =	ssub.s32 @!p0 $0x0, s1;
	[sflag:s0] =	ssyncset.done @!p0 $0x0  }
0x3a1: {  	[sflag:s0] =	ssyncadd.s32 @!p0 s1  }
0x3a2: {  	[bflag:$0x3] =	sbarrier.arrive $0xFFFF  }
0x3a3: {  	_ =	shalt  }

</sc_bundles>
